<compile_context>
chip_gen: v7x
topology: tpu7x:2x2x1
jax: 0.10.2.dev20260603
libtpu: 0.0.44.dev20260713+nightly
codegen_flags: <defaults>
</compile_context>

<pallas_src>
import functools

import jax
import jax.numpy as jnp
from jax import lax
from jax.experimental import pallas as pl
from jax.experimental.pallas import tpu as pltpu
from jax.experimental.pallas import tpu_sc as plsc

NN = 10000
NP = 10240
EE = 320000
F = 128
NCLS = 40
NC = 2
NT = 16
W = 80
RPT = NP // NT
CCH = NP // NT


def _mesh():
    return plsc.VectorSubcoreMesh(core_axis_name="c", subcore_axis_name="s")



def _make_edge_pass(split_edges: bool):
    epw = EE // (NC * NT) if split_edges else EE // NT
    nwin = epw // W
    SB = RPT // 5

    @functools.partial(
        pl.kernel,
        out_type=(jax.ShapeDtypeStruct((NP, F), jnp.float32),
                  jax.ShapeDtypeStruct((NP, F), jnp.float32)),
        mesh=_mesh(),
        scratch_types=[
            pltpu.VMEM((W,), jnp.int32),
            pltpu.VMEM((W,), jnp.int32),
            pltpu.VMEM((W, F), jnp.float32),
            pltpu.VMEM((SB, F), jnp.float32),
            pltpu.VMEM_SHARED((NP, F), jnp.float32),
        ],
    )
    def ep(t0, t1, gidx, sidx, o0, o1, gi_v, si_v, rows_v, stage_v, acc):
        c = lax.axis_index("c")
        s = lax.axis_index("s")

        def zrow(i, carry):
            for j in range(F // 16):
                stage_v[i, pl.ds(j * 16, 16)] = jnp.zeros((16,), jnp.float32)
            return carry

        lax.fori_loop(0, SB, zrow, 0)
        for j in range(RPT // SB):
            pltpu.sync_copy(stage_v, acc.at[pl.ds(s * RPT + j * SB, SB)])
        plsc.subcore_barrier()

        if split_edges:
            ebase = (c * NT + s) * epw
        else:
            ebase = s * epw

        def body(i, carry):
            e0 = ebase + i * W
            pltpu.sync_copy(gidx.at[pl.ds(e0, W)], gi_v)
            pltpu.sync_copy(sidx.at[pl.ds(e0, W)], si_v)

            @pl.when(c == 0)
            def _():
                pltpu.sync_copy(t0.at[gi_v], rows_v)

            @pl.when(c == 1)
            def _():
                pltpu.sync_copy(t1.at[gi_v], rows_v)

            pltpu.sync_copy(rows_v, acc.at[si_v], add=True)
            return carry

        lax.fori_loop(0, nwin, body, 0)
        plsc.subcore_barrier()

        for j in range(RPT // SB):
            r0 = s * RPT + j * SB
            pltpu.sync_copy(acc.at[pl.ds(r0, SB)], stage_v)

            @pl.when(c == 0)
            def _():
                pltpu.sync_copy(stage_v, o0.at[pl.ds(r0, SB)])

            @pl.when(c == 1)
            def _():
                pltpu.sync_copy(stage_v, o1.at[pl.ds(r0, SB)])

    return ep


_edge_pass_split = _make_edge_pass(True)
_edge_pass_dual = _make_edge_pass(False)


@functools.partial(
    pl.kernel,
    out_type=(jax.ShapeDtypeStruct((NP,), jnp.float32),
              jax.ShapeDtypeStruct((NP,), jnp.float32)),
    mesh=_mesh(),
    scratch_types=[
        pltpu.VMEM((W,), jnp.int32),
        pltpu.VMEM((W,), jnp.float32),
        pltpu.VMEM((CCH,), jnp.float32),
        pltpu.VMEM_SHARED((NP,), jnp.float32),
    ],
)
def _counts(src, dst, o_cs, o_cd, idx_v, ones_v, stage_v, acc):
    c = lax.axis_index("c")
    s = lax.axis_index("s")
    for j in range(W // 16):
        ones_v[pl.ds(j * 16, 16)] = jnp.ones((16,), jnp.float32)

    def zchunk(i, carry):
        stage_v[pl.ds(i * 16, 16)] = jnp.zeros((16,), jnp.float32)
        return carry

    lax.fori_loop(0, CCH // 16, zchunk, 0)
    pltpu.sync_copy(stage_v, acc.at[pl.ds(s * CCH, CCH)])
    plsc.subcore_barrier()

    epw = EE // NT

    def body(i, carry):
        e0 = s * epw + i * W

        @pl.when(c == 0)
        def _():
            pltpu.sync_copy(src.at[pl.ds(e0, W)], idx_v)

        @pl.when(c == 1)
        def _():
            pltpu.sync_copy(dst.at[pl.ds(e0, W)], idx_v)

        pltpu.sync_copy(ones_v, acc.at[idx_v], add=True)
        return carry

    lax.fori_loop(0, epw // W, body, 0)
    plsc.subcore_barrier()

    pltpu.sync_copy(acc.at[pl.ds(s * CCH, CCH)], stage_v)

    @pl.when(c == 0)
    def _():
        pltpu.sync_copy(stage_v, o_cs.at[pl.ds(s * CCH, CCH)])

    @pl.when(c == 1)
    def _():
        pltpu.sync_copy(stage_v, o_cd.at[pl.ds(s * CCH, CCH)])



R = 2048


def _rows_spec(width=F):
    return pl.BlockSpec((R, width), lambda i: (i, 0))


def _full_spec(shape):
    return pl.BlockSpec(shape, lambda i: tuple(0 for _ in shape))


def _dot(a, b):
    return jnp.dot(a, b, preferred_element_type=jnp.float32)


def _encode_body(x, wt, b, o):
    o[...] = jnp.maximum(_dot(x[...], wt[...]) + b[...], 0.0)


def _encode(x, enc_wt, enc_b1):
    return pl.pallas_call(
        _encode_body,
        grid=(NP // R,),
        in_specs=[_rows_spec(), _full_spec((F, F)), _full_spec((1, F))],
        out_specs=_rows_spec(),
        out_shape=jax.ShapeDtypeStruct((NP, F), jnp.float32),
    )(x, enc_wt, enc_b1)


def _dense_body(p0, p1, cd1, h, clwt, clb, crwt, glwt, glb, grwt,
                qw1t, qw2t, qb, hn, a_o, b_o, b2_o):
    rcd = 1.0 / jnp.maximum(cd1[...], 1.0)
    agg = (p0[...] + p1[...]) * rcd
    hh = h[...]
    hn[...] = jnp.maximum(_dot(agg, clwt[...]) + clb[...] + _dot(hh, crwt[...]), 0.0)
    xg = jnp.maximum(_dot(agg, glwt[...]) + glb[...] + _dot(hh, grwt[...]), 0.0)
    a_o[...] = _dot(xg, qw1t[...]) + qb[...]
    bb = _dot(xg, qw2t[...])
    b_o[...] = bb
    b2_o[...] = bb * bb


def _dense(p0, p1, cd1, h, clwt, clb, crwt, glwt, glb, grwt, qw1t, qw2t, qb):
    spec = _rows_spec()
    wspec = _full_spec((F, F))
    bspec = _full_spec((1, F))
    return pl.pallas_call(
        _dense_body,
        grid=(NP // R,),
        in_specs=[spec, spec, pl.BlockSpec((R, 1), lambda i: (i, 0)), spec,
                  wspec, bspec, wspec, wspec, bspec, wspec,
                  wspec, wspec, bspec],
        out_specs=[spec, spec, spec, spec],
        out_shape=[jax.ShapeDtypeStruct((NP, F), jnp.float32)] * 4,
    )(p0, p1, cd1, h, clwt, clb, crwt, glwt, glb, grwt, qw1t, qw2t, qb)


def _gate_body(a, s1, s2, cs1, h, hn, o):
    csv = cs1[...]
    rcs = 1.0 / jnp.maximum(csv, 1.0)
    av = a[...]
    m = (csv * av * av + 2.0 * av * s1[...] + s2[...]) * rcs
    tau = jnp.tanh(m)
    o[...] = h[...] + tau * (hn[...] - h[...])


def _gate(a, s1, s2, cs1, h, hn):
    spec = _rows_spec()
    return pl.pallas_call(
        _gate_body,
        grid=(NP // R,),
        in_specs=[spec, spec, spec, pl.BlockSpec((R, 1), lambda i: (i, 0)),
                  spec, spec],
        out_specs=spec,
        out_shape=jax.ShapeDtypeStruct((NP, F), jnp.float32),
    )(a, s1, s2, cs1, h, hn)


def _decode_body(h, wt, b, o):
    o[...] = _dot(h[...], wt[...]) + b[...]


def _decode(h, dec_wt, dec_b1):
    return pl.pallas_call(
        _decode_body,
        grid=(NP // R,),
        in_specs=[_rows_spec(), _full_spec((F, NCLS)), _full_spec((1, NCLS))],
        out_specs=pl.BlockSpec((R, NCLS), lambda i: (i, 0)),
        out_shape=jax.ShapeDtypeStruct((NP, NCLS), jnp.float32),
    )(h, dec_wt, dec_b1)



def kernel(x, edge_index, enc_w, enc_b, dec_w, dec_b, conv_lw, conv_lb,
           conv_rw, gg_lw, gg_lb, gg_rw, q_w, q_b):
    src = edge_index[0]
    dst = edge_index[1]
    xp = jnp.pad(x, ((0, NP - NN), (0, 0)))

    cs, cd = _counts(src, dst)
    cs1 = cs.reshape(NP, 1)
    cd1 = cd.reshape(NP, 1)

    clwt = conv_lw.T
    crwt = conv_rw.T
    glwt = gg_lw.T
    grwt = gg_rw.T
    qw1t = q_w[:, :F].T
    qw2t = q_w[:, F:].T
    clb = conv_lb.reshape(1, F)
    glb = gg_lb.reshape(1, F)
    qb = q_b.reshape(1, F)

    h = _encode(xp, enc_w.T, enc_b.reshape(1, F))
    for _ in range(2):
        p0, p1 = _edge_pass_split(h, h, src, dst)
        hn, a, b, b2 = _dense(p0, p1, cd1, h, clwt, clb, crwt,
                              glwt, glb, grwt, qw1t, qw2t, qb)
        s1, s2 = _edge_pass_dual(b, b2, dst, src)
        h = _gate(a, s1, s2, cs1, h, hn)

    return _decode(h, dec_w.T, dec_b.reshape(1, NCLS))[:NN]

# --- scband reference (transcript-rebuilt; emitter-appended) ---
"""Pipeline reference for scband-g2-gnn-53712861003962 (READ-ONLY COPY).

The authoritative reference and input builder live on the scoring server;
editing this copy changes nothing except your own understanding.
"""

import jax, jax.numpy as jnp
import numpy as np

N = 10000
E = 320000
NFEAT = 128
NHID = 128
NCLASS = 40
NLAYERS = 2
P = 2.0


def _seg_mean(vals, idx, n):
    s = jax.ops.segment_sum(vals, idx, num_segments=n)
    c = jax.ops.segment_sum(jnp.ones((vals.shape[0],), dtype=vals.dtype), idx, num_segments=n)
    return s / jnp.maximum(c, 1.0)[:, None]


def _sage(x, src, dst, lw, lb, rw, n):
    # PyG SAGEConv: out = lin_l(mean_{j->i} x_j) + lin_r(x_i)
    agg = _seg_mean(x[src], dst, n)
    return agg @ lw.T + lb + x @ rw.T


def _g2(x, src, dst, g_lw, g_lb, g_rw, q_w, q_b, n):
    xg = jax.nn.relu(_sage(x, src, dst, g_lw, g_lb, g_rw, n))
    e = jnp.concatenate([xg[src], xg[dst]], axis=1)
    h = jnp.abs(e @ q_w.T + q_b) ** P
    return jnp.tanh(_seg_mean(h, src, n))


def setup_inputs(seed: int = 0) -> dict:
    key = jax.random.key(seed)
    ks = jax.random.split(key, 12)
    s = 0.05
    return {
        "x": jax.random.normal(ks[0], (N, NFEAT), dtype=jnp.float32),
        "edge_index": jax.random.randint(ks[1], (2, E), 0, N, dtype=jnp.int32),
        "enc_w": jax.random.normal(ks[2], (NHID, NFEAT), dtype=jnp.float32) * s,
        "enc_b": jnp.zeros((NHID,), dtype=jnp.float32),
        "dec_w": jax.random.normal(ks[3], (NCLASS, NHID), dtype=jnp.float32) * s,
        "dec_b": jnp.zeros((NCLASS,), dtype=jnp.float32),
        "conv_lw": jax.random.normal(ks[4], (NHID, NHID), dtype=jnp.float32) * s,
        "conv_lb": jnp.zeros((NHID,), dtype=jnp.float32),
        "conv_rw": jax.random.normal(ks[5], (NHID, NHID), dtype=jnp.float32) * s,
        "gg_lw": jax.random.normal(ks[6], (NHID, NHID), dtype=jnp.float32) * s,
        "gg_lb": jnp.zeros((NHID,), dtype=jnp.float32),
        "gg_rw": jax.random.normal(ks[7], (NHID, NHID), dtype=jnp.float32) * s,
        "q_w": jax.random.normal(ks[8], (NHID, 2 * NHID), dtype=jnp.float32) * s,
        "q_b": jnp.zeros((NHID,), dtype=jnp.float32),
    }


def reference(x, edge_index, enc_w, enc_b, dec_w, dec_b, conv_lw, conv_lb, conv_rw, gg_lw, gg_lb, gg_rw, q_w, q_b):
    src = edge_index[0]
    dst = edge_index[1]
    n = x.shape[0]
    h = jax.nn.relu(x @ enc_w.T + enc_b)
    for _ in range(NLAYERS):
        h_new = jax.nn.relu(_sage(h, src, dst, conv_lw, conv_lb, conv_rw, n))
        tau = _g2(h, src, dst, gg_lw, gg_lb, gg_rw, q_w, q_b, n)
        h = (1.0 - tau) * h + tau * h_new
    return h @ dec_w.T + dec_b

if __name__ == "__main__":
    import jax
    _d = setup_inputs()
    print(jax.jit(kernel)(*tuple(_d.values())))

</pallas_src>

<mosaic_0001>
#map = affine_map<(d0, d1) -> (0, 0)>
#map1 = affine_map<(d0, d1) -> (0)>
module attributes {stable_mosaic.version = 14 : i64} {
  func.func @ep(%arg0: i32, %arg1: i32, %arg2: memref<10240x128xf32, #tpu.memory_space<hbm>>, %arg3: memref<10240x128xf32, #tpu.memory_space<hbm>>, %arg4: memref<320000xi32, #tpu.memory_space<hbm>>, %arg5: memref<320000xi32, #tpu.memory_space<hbm>>, %arg6: memref<10240x128xf32, #tpu.memory_space<hbm>>, %arg7: memref<10240x128xf32, #tpu.memory_space<hbm>>, %arg8: memref<80xi32, #tpu.memory_space<vmem>>, %arg9: memref<80xi32, #tpu.memory_space<vmem>>, %arg10: memref<80x128xf32, #tpu.memory_space<vmem>>, %arg11: memref<128x128xf32, #tpu.memory_space<vmem>>, %arg12: memref<10240x128xf32, #tpu.memory_space<vmem_shared>>) attributes {dimension_semantics = [#tpu.dimension_semantics<core_parallel>, #tpu.dimension_semantics<subcore_parallel>], iteration_bounds = array<i64: 2, 16>, scalar_prefetch = 0 : i64, scratch_operands = 5 : i64, tpu.core_type = #tpu.core_type<sc_vector_subcore>, window_params = [{transform_indices = #map}, {transform_indices = #map}, {transform_indices = #map1}, {transform_indices = #map1}, {transform_indices = #map}, {transform_indices = #map}]} {
    %scan3A = arith.constant 0 : i32
    %scan3A_0 = arith.constant 0 : i32
    %scan3A_1 = arith.constant 128 : i32
    %scan3A_2 = arith.addi %scan3A_0, %scan3A_1 : i32
    %scan3A_3 = arith.constant 1 : i32
    scf.for %scan3A_102 = %scan3A_0 to %scan3A_2 step %scan3A_3  : i32 {
      %broadcast_in_dim3A = arith.constant 0.000000e+00 : f32
      %broadcast_in_dim3A_103 = vector.broadcast %broadcast_in_dim3A : f32 to vector<16xf32>
      %swap3A = arith.index_cast %scan3A_102 : i32 to index
      %swap3A_104 = arith.constant 0 : index
      %swap3A_105 = tpu.vector_load %arg11[%swap3A, %swap3A_104] {strides = array<i32>} : memref<128x128xf32, #tpu.memory_space<vmem>>, vector<1x16xf32>,
      %swap3A_106 = vector.shape_cast %swap3A_105 : vector<1x16xf32> to vector<16xf32>
      %swap3A_107 = vector.shape_cast %broadcast_in_dim3A_103 : vector<16xf32> to vector<1x16xf32>
      tpu.vector_store %arg11[%swap3A, %swap3A_104], %swap3A_107 {strides = array<i32>} : memref<128x128xf32, #tpu.memory_space<vmem>>, vector<1x16xf32>,
      %broadcast_in_dim3A_108 = arith.constant 0.000000e+00 : f32
      %broadcast_in_dim3A_109 = vector.broadcast %broadcast_in_dim3A_108 : f32 to vector<16xf32>
      %swap3A_110 = arith.index_cast %scan3A_102 : i32 to index
      %swap3A_111 = arith.constant 16 : index
      %swap3A_112 = tpu.vector_load %arg11[%swap3A_110, %swap3A_111] {strides = array<i32>} : memref<128x128xf32, #tpu.memory_space<vmem>>, vector<1x16xf32>,
      %swap3A_113 = vector.shape_cast %swap3A_112 : vector<1x16xf32> to vector<16xf32>
      %swap3A_114 = vector.shape_cast %broadcast_in_dim3A_109 : vector<16xf32> to vector<1x16xf32>
      tpu.vector_store %arg11[%swap3A_110, %swap3A_111], %swap3A_114 {strides = array<i32>} : memref<128x128xf32, #tpu.memory_space<vmem>>, vector<1x16xf32>,
      %broadcast_in_dim3A_115 = arith.constant 0.000000e+00 : f32
      %broadcast_in_dim3A_116 = vector.broadcast %broadcast_in_dim3A_115 : f32 to vector<16xf32>
      %swap3A_117 = arith.index_cast %scan3A_102 : i32 to index
      %swap3A_118 = arith.constant 32 : index
      %swap3A_119 = tpu.vector_load %arg11[%swap3A_117, %swap3A_118] {strides = array<i32>} : memref<128x128xf32, #tpu.memory_space<vmem>>, vector<1x16xf32>,
      %swap3A_120 = vector.shape_cast %swap3A_119 : vector<1x16xf32> to vector<16xf32>
      %swap3A_121 = vector.shape_cast %broadcast_in_dim3A_116 : vector<16xf32> to vector<1x16xf32>
      tpu.vector_store %arg11[%swap3A_117, %swap3A_118], %swap3A_121 {strides = array<i32>} : memref<128x128xf32, #tpu.memory_space<vmem>>, vector<1x16xf32>,
      %broadcast_in_dim3A_122 = arith.constant 0.000000e+00 : f32
      %broadcast_in_dim3A_123 = vector.broadcast %broadcast_in_dim3A_122 : f32 to vector<16xf32>
      %swap3A_124 = arith.index_cast %scan3A_102 : i32 to index
      %swap3A_125 = arith.constant 48 : index
      %swap3A_126 = tpu.vector_load %arg11[%swap3A_124, %swap3A_125] {strides = array<i32>} : memref<128x128xf32, #tpu.memory_space<vmem>>, vector<1x16xf32>,
      %swap3A_127 = vector.shape_cast %swap3A_126 : vector<1x16xf32> to vector<16xf32>
      %swap3A_128 = vector.shape_cast %broadcast_in_dim3A_123 : vector<16xf32> to vector<1x16xf32>
      tpu.vector_store %arg11[%swap3A_124, %swap3A_125], %swap3A_128 {strides = array<i32>} : memref<128x128xf32, #tpu.memory_space<vmem>>, vector<1x16xf32>,
      %broadcast_in_dim3A_129 = arith.constant 0.000000e+00 : f32
      %broadcast_in_dim3A_130 = vector.broadcast %broadcast_in_dim3A_129 : f32 to vector<16xf32>
      %swap3A_131 = arith.index_cast %scan3A_102 : i32 to index
      %swap3A_132 = arith.constant 64 : index
      %swap3A_133 = tpu.vector_load %arg11[%swap3A_131, %swap3A_132] {strides = array<i32>} : memref<128x128xf32, #tpu.memory_space<vmem>>, vector<1x16xf32>,
      %swap3A_134 = vector.shape_cast %swap3A_133 : vector<1x16xf32> to vector<16xf32>
      %swap3A_135 = vector.shape_cast %broadcast_in_dim3A_130 : vector<16xf32> to vector<1x16xf32>
      tpu.vector_store %arg11[%swap3A_131, %swap3A_132], %swap3A_135 {strides = array<i32>} : memref<128x128xf32, #tpu.memory_space<vmem>>, vector<1x16xf32>,
      %broadcast_in_dim3A_136 = arith.constant 0.000000e+00 : f32
      %broadcast_in_dim3A_137 = vector.broadcast %broadcast_in_dim3A_136 : f32 to vector<16xf32>
      %swap3A_138 = arith.index_cast %scan3A_102 : i32 to index
      %swap3A_139 = arith.constant 80 : index
      %swap3A_140 = tpu.vector_load %arg11[%swap3A_138, %swap3A_139] {strides = array<i32>} : memref<128x128xf32, #tpu.memory_space<vmem>>, vector<1x16xf32>,
      %swap3A_141 = vector.shape_cast %swap3A_140 : vector<1x16xf32> to vector<16xf32>
      %swap3A_142 = vector.shape_cast %broadcast_in_dim3A_137 : vector<16xf32> to vector<1x16xf32>
      tpu.vector_store %arg11[%swap3A_138, %swap3A_139], %swap3A_142 {strides = array<i32>} : memref<128x128xf32, #tpu.memory_space<vmem>>, vector<1x16xf32>,
      %broadcast_in_dim3A_143 = arith.constant 0.000000e+00 : f32
      %broadcast_in_dim3A_144 = vector.broadcast %broadcast_in_dim3A_143 : f32 to vector<16xf32>
      %swap3A_145 = arith.index_cast %scan3A_102 : i32 to index
      %swap3A_146 = arith.constant 96 : index
      %swap3A_147 = tpu.vector_load %arg11[%swap3A_145, %swap3A_146] {strides = array<i32>} : memref<128x128xf32, #tpu.memory_space<vmem>>, vector<1x16xf32>,
      %swap3A_148 = vector.shape_cast %swap3A_147 : vector<1x16xf32> to vector<16xf32>
      %swap3A_149 = vector.shape_cast %broadcast_in_dim3A_144 : vector<16xf32> to vector<1x16xf32>
      tpu.vector_store %arg11[%swap3A_145, %swap3A_146], %swap3A_149 {strides = array<i32>} : memref<128x128xf32, #tpu.memory_space<vmem>>, vector<1x16xf32>,
      %broadcast_in_dim3A_150 = arith.constant 0.000000e+00 : f32
      %broadcast_in_dim3A_151 = vector.broadcast %broadcast_in_dim3A_150 : f32 to vector<16xf32>
      %swap3A_152 = arith.index_cast %scan3A_102 : i32 to index
      %swap3A_153 = arith.constant 112 : index
      %swap3A_154 = tpu.vector_load %arg11[%swap3A_152, %swap3A_153] {strides = array<i32>} : memref<128x128xf32, #tpu.memory_space<vmem>>, vector<1x16xf32>,
      %swap3A_155 = vector.shape_cast %swap3A_154 : vector<1x16xf32> to vector<16xf32>
      %swap3A_156 = vector.shape_cast %broadcast_in_dim3A_151 : vector<16xf32> to vector<1x16xf32>
      tpu.vector_store %arg11[%swap3A_152, %swap3A_153], %swap3A_156 {strides = array<i32>} : memref<128x128xf32, #tpu.memory_space<vmem>>, vector<1x16xf32>,
    }
    %scan3A_4 = arith.constant 128 : i32
    %mul3A = arith.constant 640 : i32
    %mul3A_5 = arith.muli %arg1, %mul3A : i32
    %add3A = arith.constant 0 : i32
    %add3A_6 = arith.addi %mul3A_5, %add3A : i32
    "tpu.region"() ({
      %run_scoped3A = tpu.sem_alloc : memref<!tpu.dma_semaphore, #tpu.memory_space<semaphore_mem>>
      %dma_start3A = arith.constant 0 : i32
      %dma_start3A_102 = tpu.memref_slice %arg12[%add3A_6, %dma_start3A] : memref<10240x128xf32, #tpu.memory_space<vmem_shared>> -> memref<128x128xf32, #tpu.memory_space<vmem_shared>>
      %dma_start3A_103 = arith.constant 0 : i32
      %dma_start3A_104 = tpu.memref_slice %arg12[%add3A_6, %dma_start3A_103] : memref<10240x128xf32, #tpu.memory_space<vmem_shared>> -> memref<128x128xf32, #tpu.memory_space<vmem_shared>>
      tpu.enqueue_dma source(%arg11 : memref<128x128xf32, #tpu.memory_space<vmem>>) target(%dma_start3A_104 : memref<128x128xf32, #tpu.memory_space<vmem_shared>>) target_semaphore(%run_scoped3A : memref<!tpu.dma_semaphore, #tpu.memory_space<semaphore_mem>>)
      %dma_wait3A = arith.constant 0 : i32
      %dma_wait3A_105 = tpu.memref_slice %arg12[%add3A_6, %dma_wait3A] : memref<10240x128xf32, #tpu.memory_space<vmem_shared>> -> memref<128x128xf32, #tpu.memory_space<vmem_shared>>
      %dma_wait3A_106 = arith.constant 0 : i32
      %dma_wait3A_107 = tpu.memref_slice %arg12[%add3A_6, %dma_wait3A_106] : memref<10240x128xf32, #tpu.memory_space<vmem_shared>> -> memref<128x128xf32, #tpu.memory_space<vmem_shared>>
      tpu.wait_dma2 semaphore(%run_scoped3A : memref<!tpu.dma_semaphore, #tpu.memory_space<semaphore_mem>>) src(%arg11 : memref<128x128xf32, #tpu.memory_space<vmem>>) dst(%dma_wait3A_107 : memref<128x128xf32, #tpu.memory_space<vmem_shared>>)
      tpu.yield
    }) : () -> ()
    %mul3A_7 = arith.constant 640 : i32
    %mul3A_8 = arith.muli %arg1, %mul3A_7 : i32
    %add3A_9 = arith.constant 128 : i32
    %add3A_10 = arith.addi %mul3A_8, %add3A_9 : i32
    "tpu.region"() ({
      %run_scoped3A = tpu.sem_alloc : memref<!tpu.dma_semaphore, #tpu.memory_space<semaphore_mem>>
      %dma_start3A = arith.constant 0 : i32
      %dma_start3A_102 = tpu.memref_slice %arg12[%add3A_10, %dma_start3A] : memref<10240x128xf32, #tpu.memory_space<vmem_shared>> -> memref<128x128xf32, #tpu.memory_space<vmem_shared>>
      %dma_start3A_103 = arith.constant 0 : i32
      %dma_start3A_104 = tpu.memref_slice %arg12[%add3A_10, %dma_start3A_103] : memref<10240x128xf32, #tpu.memory_space<vmem_shared>> -> memref<128x128xf32, #tpu.memory_space<vmem_shared>>
      tpu.enqueue_dma source(%arg11 : memref<128x128xf32, #tpu.memory_space<vmem>>) target(%dma_start3A_104 : memref<128x128xf32, #tpu.memory_space<vmem_shared>>) target_semaphore(%run_scoped3A : memref<!tpu.dma_semaphore, #tpu.memory_space<semaphore_mem>>)
      %dma_wait3A = arith.constant 0 : i32
      %dma_wait3A_105 = tpu.memref_slice %arg12[%add3A_10, %dma_wait3A] : memref<10240x128xf32, #tpu.memory_space<vmem_shared>> -> memref<128x128xf32, #tpu.memory_space<vmem_shared>>
      %dma_wait3A_106 = arith.constant 0 : i32
      %dma_wait3A_107 = tpu.memref_slice %arg12[%add3A_10, %dma_wait3A_106] : memref<10240x128xf32, #tpu.memory_space<vmem_shared>> -> memref<128x128xf32, #tpu.memory_space<vmem_shared>>
      tpu.wait_dma2 semaphore(%run_scoped3A : memref<!tpu.dma_semaphore, #tpu.memory_space<semaphore_mem>>) src(%arg11 : memref<128x128xf32, #tpu.memory_space<vmem>>) dst(%dma_wait3A_107 : memref<128x128xf32, #tpu.memory_space<vmem_shared>>)
      tpu.yield
    }) : () -> ()
    %mul3A_11 = arith.constant 640 : i32
    %mul3A_12 = arith.muli %arg1, %mul3A_11 : i32
    %add3A_13 = arith.constant 256 : i32
    %add3A_14 = arith.addi %mul3A_12, %add3A_13 : i32
    "tpu.region"() ({
      %run_scoped3A = tpu.sem_alloc : memref<!tpu.dma_semaphore, #tpu.memory_space<semaphore_mem>>
      %dma_start3A = arith.constant 0 : i32
      %dma_start3A_102 = tpu.memref_slice %arg12[%add3A_14, %dma_start3A] : memref<10240x128xf32, #tpu.memory_space<vmem_shared>> -> memref<128x128xf32, #tpu.memory_space<vmem_shared>>
      %dma_start3A_103 = arith.constant 0 : i32
      %dma_start3A_104 = tpu.memref_slice %arg12[%add3A_14, %dma_start3A_103] : memref<10240x128xf32, #tpu.memory_space<vmem_shared>> -> memref<128x128xf32, #tpu.memory_space<vmem_shared>>
      tpu.enqueue_dma source(%arg11 : memref<128x128xf32, #tpu.memory_space<vmem>>) target(%dma_start3A_104 : memref<128x128xf32, #tpu.memory_space<vmem_shared>>) target_semaphore(%run_scoped3A : memref<!tpu.dma_semaphore, #tpu.memory_space<semaphore_mem>>)
      %dma_wait3A = arith.constant 0 : i32
      %dma_wait3A_105 = tpu.memref_slice %arg12[%add3A_14, %dma_wait3A] : memref<10240x128xf32, #tpu.memory_space<vmem_shared>> -> memref<128x128xf32, #tpu.memory_space<vmem_shared>>
      %dma_wait3A_106 = arith.constant 0 : i32
      %dma_wait3A_107 = tpu.memref_slice %arg12[%add3A_14, %dma_wait3A_106] : memref<10240x128xf32, #tpu.memory_space<vmem_shared>> -> memref<128x128xf32, #tpu.memory_space<vmem_shared>>
      tpu.wait_dma2 semaphore(%run_scoped3A : memref<!tpu.dma_semaphore, #tpu.memory_space<semaphore_mem>>) src(%arg11 : memref<128x128xf32, #tpu.memory_space<vmem>>) dst(%dma_wait3A_107 : memref<128x128xf32, #tpu.memory_space<vmem_shared>>)
      tpu.yield
    }) : () -> ()
    %mul3A_15 = arith.constant 640 : i32
    %mul3A_16 = arith.muli %arg1, %mul3A_15 : i32
    %add3A_17 = arith.constant 384 : i32
    %add3A_18 = arith.addi %mul3A_16, %add3A_17 : i32
    "tpu.region"() ({
      %run_scoped3A = tpu.sem_alloc : memref<!tpu.dma_semaphore, #tpu.memory_space<semaphore_mem>>
      %dma_start3A = arith.constant 0 : i32
      %dma_start3A_102 = tpu.memref_slice %arg12[%add3A_18, %dma_start3A] : memref<10240x128xf32, #tpu.memory_space<vmem_shared>> -> memref<128x128xf32, #tpu.memory_space<vmem_shared>>
      %dma_start3A_103 = arith.constant 0 : i32
      %dma_start3A_104 = tpu.memref_slice %arg12[%add3A_18, %dma_start3A_103] : memref<10240x128xf32, #tpu.memory_space<vmem_shared>> -> memref<128x128xf32, #tpu.memory_space<vmem_shared>>
      tpu.enqueue_dma source(%arg11 : memref<128x128xf32, #tpu.memory_space<vmem>>) target(%dma_start3A_104 : memref<128x128xf32, #tpu.memory_space<vmem_shared>>) target_semaphore(%run_scoped3A : memref<!tpu.dma_semaphore, #tpu.memory_space<semaphore_mem>>)
      %dma_wait3A = arith.constant 0 : i32
      %dma_wait3A_105 = tpu.memref_slice %arg12[%add3A_18, %dma_wait3A] : memref<10240x128xf32, #tpu.memory_space<vmem_shared>> -> memref<128x128xf32, #tpu.memory_space<vmem_shared>>
      %dma_wait3A_106 = arith.constant 0 : i32
      %dma_wait3A_107 = tpu.memref_slice %arg12[%add3A_18, %dma_wait3A_106] : memref<10240x128xf32, #tpu.memory_space<vmem_shared>> -> memref<128x128xf32, #tpu.memory_space<vmem_shared>>
      tpu.wait_dma2 semaphore(%run_scoped3A : memref<!tpu.dma_semaphore, #tpu.memory_space<semaphore_mem>>) src(%arg11 : memref<128x128xf32, #tpu.memory_space<vmem>>) dst(%dma_wait3A_107 : memref<128x128xf32, #tpu.memory_space<vmem_shared>>)
      tpu.yield
    }) : () -> ()
    %mul3A_19 = arith.constant 640 : i32
    %mul3A_20 = arith.muli %arg1, %mul3A_19 : i32
    %add3A_21 = arith.constant 512 : i32
    %add3A_22 = arith.addi %mul3A_20, %add3A_21 : i32
    "tpu.region"() ({
      %run_scoped3A = tpu.sem_alloc : memref<!tpu.dma_semaphore, #tpu.memory_space<semaphore_mem>>
      %dma_start3A = arith.constant 0 : i32
      %dma_start3A_102 = tpu.memref_slice %arg12[%add3A_22, %dma_start3A] : memref<10240x128xf32, #tpu.memory_space<vmem_shared>> -> memref<128x128xf32, #tpu.memory_space<vmem_shared>>
      %dma_start3A_103 = arith.constant 0 : i32
      %dma_start3A_104 = tpu.memref_slice %arg12[%add3A_22, %dma_start3A_103] : memref<10240x128xf32, #tpu.memory_space<vmem_shared>> -> memref<128x128xf32, #tpu.memory_space<vmem_shared>>
      tpu.enqueue_dma source(%arg11 : memref<128x128xf32, #tpu.memory_space<vmem>>) target(%dma_start3A_104 : memref<128x128xf32, #tpu.memory_space<vmem_shared>>) target_semaphore(%run_scoped3A : memref<!tpu.dma_semaphore, #tpu.memory_space<semaphore_mem>>)
      %dma_wait3A = arith.constant 0 : i32
      %dma_wait3A_105 = tpu.memref_slice %arg12[%add3A_22, %dma_wait3A] : memref<10240x128xf32, #tpu.memory_space<vmem_shared>> -> memref<128x128xf32, #tpu.memory_space<vmem_shared>>
      %dma_wait3A_106 = arith.constant 0 : i32
      %dma_wait3A_107 = tpu.memref_slice %arg12[%add3A_22, %dma_wait3A_106] : memref<10240x128xf32, #tpu.memory_space<vmem_shared>> -> memref<128x128xf32, #tpu.memory_space<vmem_shared>>
      tpu.wait_dma2 semaphore(%run_scoped3A : memref<!tpu.dma_semaphore, #tpu.memory_space<semaphore_mem>>) src(%arg11 : memref<128x128xf32, #tpu.memory_space<vmem>>) dst(%dma_wait3A_107 : memref<128x128xf32, #tpu.memory_space<vmem_shared>>)
      tpu.yield
    }) : () -> ()
    %barrier3A = arith.constant 0 : index
    tpu.barrier barrier_id(%barrier3A)
    %mul3A_23 = arith.constant 16 : i32
    %mul3A_24 = arith.muli %arg0, %mul3A_23 : i32
    %add3A_25 = arith.addi %mul3A_24, %arg1 : i32
    %mul3A_26 = arith.constant 10000 : i32
    %mul3A_27 = arith.muli %add3A_25, %mul3A_26 : i32
    %scan3A_28 = arith.constant 0 : i32
    %scan3A_29 = arith.constant 0 : i32
    %scan3A_30 = arith.constant 125 : i32
    %scan3A_31 = arith.addi %scan3A_29, %scan3A_30 : i32
    %scan3A_32 = arith.constant 1 : i32
    scf.for %scan3A_102 = %scan3A_29 to %scan3A_31 step %scan3A_32  : i32 {
      %mul3A_103 = arith.constant 80 : i32
      %mul3A_104 = arith.muli %scan3A_102, %mul3A_103 : i32
      %add3A_105 = arith.addi %mul3A_27, %mul3A_104 : i32
      "tpu.region"() ({
        %run_scoped3A = tpu.sem_alloc : memref<!tpu.dma_semaphore, #tpu.memory_space<semaphore_mem>>
        %dma_start3A = tpu.memref_slice %arg4[%add3A_105] : memref<320000xi32, #tpu.memory_space<hbm>> -> memref<80xi32, #tpu.memory_space<hbm>>
        %dma_start3A_116 = tpu.memref_slice %arg4[%add3A_105] : memref<320000xi32, #tpu.memory_space<hbm>> -> memref<80xi32, #tpu.memory_space<hbm>>
        tpu.enqueue_dma source(%dma_start3A_116 : memref<80xi32, #tpu.memory_space<hbm>>) target(%arg8 : memref<80xi32, #tpu.memory_space<vmem>>) target_semaphore(%run_scoped3A : memref<!tpu.dma_semaphore, #tpu.memory_space<semaphore_mem>>)
        %dma_wait3A = tpu.memref_slice %arg4[%add3A_105] : memref<320000xi32, #tpu.memory_space<hbm>> -> memref<80xi32, #tpu.memory_space<hbm>>
        %dma_wait3A_117 = tpu.memref_slice %arg4[%add3A_105] : memref<320000xi32, #tpu.memory_space<hbm>> -> memref<80xi32, #tpu.memory_space<hbm>>
        tpu.wait_dma2 semaphore(%run_scoped3A : memref<!tpu.dma_semaphore, #tpu.memory_space<semaphore_mem>>) src(%dma_wait3A_117 : memref<80xi32, #tpu.memory_space<hbm>>) dst(%arg8 : memref<80xi32, #tpu.memory_space<vmem>>)
        tpu.yield
      }) : () -> ()
      "tpu.region"() ({
        %run_scoped3A = tpu.sem_alloc : memref<!tpu.dma_semaphore, #tpu.memory_space<semaphore_mem>>
        %dma_start3A = tpu.memref_slice %arg5[%add3A_105] : memref<320000xi32, #tpu.memory_space<hbm>> -> memref<80xi32, #tpu.memory_space<hbm>>
        %dma_start3A_116 = tpu.memref_slice %arg5[%add3A_105] : memref<320000xi32, #tpu.memory_space<hbm>> -> memref<80xi32, #tpu.memory_space<hbm>>
        tpu.enqueue_dma source(%dma_start3A_116 : memref<80xi32, #tpu.memory_space<hbm>>) target(%arg9 : memref<80xi32, #tpu.memory_space<vmem>>) target_semaphore(%run_scoped3A : memref<!tpu.dma_semaphore, #tpu.memory_space<semaphore_mem>>)
        %dma_wait3A = tpu.memref_slice %arg5[%add3A_105] : memref<320000xi32, #tpu.memory_space<hbm>> -> memref<80xi32, #tpu.memory_space<hbm>>
        %dma_wait3A_117 = tpu.memref_slice %arg5[%add3A_105] : memref<320000xi32, #tpu.memory_space<hbm>> -> memref<80xi32, #tpu.memory_space<hbm>>
        tpu.wait_dma2 semaphore(%run_scoped3A : memref<!tpu.dma_semaphore, #tpu.memory_space<semaphore_mem>>) src(%dma_wait3A_117 : memref<80xi32, #tpu.memory_space<hbm>>) dst(%arg9 : memref<80xi32, #tpu.memory_space<vmem>>)
        tpu.yield
      }) : () -> ()
      %eq3A_106 = arith.constant 0 : i32
      %eq3A_107 = arith.cmpi eq, %arg0, %eq3A_106 : i32
      %convert_element_type3A_108 = arith.extui %eq3A_107 : i1 to i32
      %cond3A_109 = arith.constant 0 : i32
      %cond3A_110 = arith.cmpi ne, %convert_element_type3A_108, %cond3A_109 : i32
      scf.if %cond3A_110 {
        "tpu.region"() ({
          %run_scoped3A = tpu.sem_alloc : memref<!tpu.dma_semaphore, #tpu.memory_space<semaphore_mem>>
          %dma_start3A = arith.constant 0 : i32
          %dma_start3A_116 = arith.constant 0 : i32
          %dma_start3A_117 = tpu.memref_slice %arg2[%dma_start3A, %dma_start3A_116] : memref<10240x128xf32, #tpu.memory_space<hbm>> -> memref<10240x128xf32, #tpu.memory_space<hbm>>
          tpu.enqueue_indirect_dma source(%dma_start3A_117 : memref<10240x128xf32, #tpu.memory_space<hbm>>) target(%arg10 : memref<80x128xf32, #tpu.memory_space<vmem>>) offsets(%arg8 : memref<80xi32, #tpu.memory_space<vmem>>) semaphore(%run_scoped3A : memref<!tpu.dma_semaphore, #tpu.memory_space<semaphore_mem>>)
          %dma_wait3A = arith.constant 0 : i32
          %dma_wait3A_118 = arith.constant 0 : i32
          %dma_wait3A_119 = tpu.memref_slice %arg2[%dma_wait3A, %dma_wait3A_118] : memref<10240x128xf32, #tpu.memory_space<hbm>> -> memref<10240x128xf32, #tpu.memory_space<hbm>>
          tpu.wait_indirect_dma semaphore(%run_scoped3A : memref<!tpu.dma_semaphore, #tpu.memory_space<semaphore_mem>>) src(%dma_wait3A_119 : memref<10240x128xf32, #tpu.memory_space<hbm>>) dst(%arg10 : memref<80x128xf32, #tpu.memory_space<vmem>>)
          tpu.yield
        }) : () -> ()
      } else {
      }
      %eq3A_111 = arith.constant 1 : i32
      %eq3A_112 = arith.cmpi eq, %arg0, %eq3A_111 : i32
      %convert_element_type3A_113 = arith.extui %eq3A_112 : i1 to i32
      %cond3A_114 = arith.constant 0 : i32
      %cond3A_115 = arith.cmpi ne, %convert_element_type3A_113, %cond3A_114 : i32
      scf.if %cond3A_115 {
        "tpu.region"() ({
          %run_scoped3A = tpu.sem_alloc : memref<!tpu.dma_semaphore, #tpu.memory_space<semaphore_mem>>
          %dma_start3A = arith.constant 0 : i32
          %dma_start3A_116 = arith.constant 0 : i32
          %dma_start3A_117 = tpu.memref_slice %arg3[%dma_start3A, %dma_start3A_116] : memref<10240x128xf32, #tpu.memory_space<hbm>> -> memref<10240x128xf32, #tpu.memory_space<hbm>>
          tpu.enqueue_indirect_dma source(%dma_start3A_117 : memref<10240x128xf32, #tpu.memory_space<hbm>>) target(%arg10 : memref<80x128xf32, #tpu.memory_space<vmem>>) offsets(%arg8 : memref<80xi32, #tpu.memory_space<vmem>>) semaphore(%run_scoped3A : memref<!tpu.dma_semaphore, #tpu.memory_space<semaphore_mem>>)
          %dma_wait3A = arith.constant 0 : i32
          %dma_wait3A_118 = arith.constant 0 : i32
          %dma_wait3A_119 = tpu.memref_slice %arg3[%dma_wait3A, %dma_wait3A_118] : memref<10240x128xf32, #tpu.memory_space<hbm>> -> memref<10240x128xf32, #tpu.memory_space<hbm>>
          tpu.wait_indirect_dma semaphore(%run_scoped3A : memref<!tpu.dma_semaphore, #tpu.memory_space<semaphore_mem>>) src(%dma_wait3A_119 : memref<10240x128xf32, #tpu.memory_space<hbm>>) dst(%arg10 : memref<80x128xf32, #tpu.memory_space<vmem>>)
          tpu.yield
        }) : () -> ()
      } else {
      }
      "tpu.region"() ({
        %run_scoped3A = tpu.sem_alloc : memref<!tpu.dma_semaphore, #tpu.memory_space<semaphore_mem>>
        %dma_start3A = arith.constant 0 : i32
        %dma_start3A_116 = arith.constant 0 : i32
        %dma_start3A_117 = tpu.memref_slice %arg12[%dma_start3A, %dma_start3A_116] : memref<10240x128xf32, #tpu.memory_space<vmem_shared>> -> memref<10240x128xf32, #tpu.memory_space<vmem_shared>>
        tpu.enqueue_indirect_dma source(%arg10 : memref<80x128xf32, #tpu.memory_space<vmem>>) target(%dma_start3A_117 : memref<10240x128xf32, #tpu.memory_space<vmem_shared>>) offsets(%arg9 : memref<80xi32, #tpu.memory_space<vmem>>) semaphore(%run_scoped3A : memref<!tpu.dma_semaphore, #tpu.memory_space<semaphore_mem>>) {add = true}
        %dma_wait3A = arith.constant 0 : i32
        %dma_wait3A_118 = arith.constant 0 : i32
        %dma_wait3A_119 = tpu.memref_slice %arg12[%dma_wait3A, %dma_wait3A_118] : memref<10240x128xf32, #tpu.memory_space<vmem_shared>> -> memref<10240x128xf32, #tpu.memory_space<vmem_shared>>
        tpu.wait_indirect_dma semaphore(%run_scoped3A : memref<!tpu.dma_semaphore, #tpu.memory_space<semaphore_mem>>) src(%arg10 : memref<80x128xf32, #tpu.memory_space<vmem>>) dst(%dma_wait3A_119 : memref<10240x128xf32, #tpu.memory_space<vmem_shared>>)
        tpu.yield
      }) : () -> ()
    }
    %scan3A_33 = arith.constant 125 : i32
    %barrier3A_34 = arith.constant 0 : index
    tpu.barrier barrier_id(%barrier3A_34)
    %mul3A_35 = arith.constant 640 : i32
    %mul3A_36 = arith.muli %arg1, %mul3A_35 : i32
    %add3A_37 = arith.constant 0 : i32
    %add3A_38 = arith.addi %mul3A_36, %add3A_37 : i32
    "tpu.region"() ({
      %run_scoped3A = tpu.sem_alloc : memref<!tpu.dma_semaphore, #tpu.memory_space<semaphore_mem>>
      %dma_start3A = arith.constant 0 : i32
      %dma_start3A_102 = tpu.memref_slice %arg12[%add3A_38, %dma_start3A] : memref<10240x128xf32, #tpu.memory_space<vmem_shared>> -> memref<128x128xf32, #tpu.memory_space<vmem_shared>>
      %dma_start3A_103 = arith.constant 0 : i32
      %dma_start3A_104 = tpu.memref_slice %arg12[%add3A_38, %dma_start3A_103] : memref<10240x128xf32, #tpu.memory_space<vmem_shared>> -> memref<128x128xf32, #tpu.memory_space<vmem_shared>>
      tpu.enqueue_dma source(%dma_start3A_104 : memref<128x128xf32, #tpu.memory_space<vmem_shared>>) target(%arg11 : memref<128x128xf32, #tpu.memory_space<vmem>>) target_semaphore(%run_scoped3A : memref<!tpu.dma_semaphore, #tpu.memory_space<semaphore_mem>>)
      %dma_wait3A = arith.constant 0 : i32
      %dma_wait3A_105 = tpu.memref_slice %arg12[%add3A_38, %dma_wait3A] : memref<10240x128xf32, #tpu.memory_space<vmem_shared>> -> memref<128x128xf32, #tpu.memory_space<vmem_shared>>
      %dma_wait3A_106 = arith.constant 0 : i32
      %dma_wait3A_107 = tpu.memref_slice %arg12[%add3A_38, %dma_wait3A_106] : memref<10240x128xf32, #tpu.memory_space<vmem_shared>> -> memref<128x128xf32, #tpu.memory_space<vmem_shared>>
      tpu.wait_dma2 semaphore(%run_scoped3A : memref<!tpu.dma_semaphore, #tpu.memory_space<semaphore_mem>>) src(%dma_wait3A_107 : memref<128x128xf32, #tpu.memory_space<vmem_shared>>) dst(%arg11 : memref<128x128xf32, #tpu.memory_space<vmem>>)
      tpu.yield
    }) : () -> ()
    %eq3A = arith.constant 0 : i32
    %eq3A_39 = arith.cmpi eq, %arg0, %eq3A : i32
    %convert_element_type3A = arith.extui %eq3A_39 : i1 to i32
    %cond3A = arith.constant 0 : i32
    %cond3A_40 = arith.cmpi ne, %convert_element_type3A, %cond3A : i32
    scf.if %cond3A_40 {
      "tpu.region"() ({
        %run_scoped3A = tpu.sem_alloc : memref<!tpu.dma_semaphore, #tpu.memory_space<semaphore_mem>>
        %dma_start3A = arith.constant 0 : i32
        %dma_start3A_102 = tpu.memref_slice %arg6[%add3A_38, %dma_start3A] : memref<10240x128xf32, #tpu.memory_space<hbm>> -> memref<128x128xf32, #tpu.memory_space<hbm>>
        %dma_start3A_103 = arith.constant 0 : i32
        %dma_start3A_104 = tpu.memref_slice %arg6[%add3A_38, %dma_start3A_103] : memref<10240x128xf32, #tpu.memory_space<hbm>> -> memref<128x128xf32, #tpu.memory_space<hbm>>
        tpu.enqueue_dma source(%arg11 : memref<128x128xf32, #tpu.memory_space<vmem>>) target(%dma_start3A_104 : memref<128x128xf32, #tpu.memory_space<hbm>>) target_semaphore(%run_scoped3A : memref<!tpu.dma_semaphore, #tpu.memory_space<semaphore_mem>>)
        %dma_wait3A = arith.constant 0 : i32
        %dma_wait3A_105 = tpu.memref_slice %arg6[%add3A_38, %dma_wait3A] : memref<10240x128xf32, #tpu.memory_space<hbm>> -> memref<128x128xf32, #tpu.memory_space<hbm>>
        %dma_wait3A_106 = arith.constant 0 : i32
        %dma_wait3A_107 = tpu.memref_slice %arg6[%add3A_38, %dma_wait3A_106] : memref<10240x128xf32, #tpu.memory_space<hbm>> -> memref<128x128xf32, #tpu.memory_space<hbm>>
        tpu.wait_dma2 semaphore(%run_scoped3A : memref<!tpu.dma_semaphore, #tpu.memory_space<semaphore_mem>>) src(%arg11 : memref<128x128xf32, #tpu.memory_space<vmem>>) dst(%dma_wait3A_107 : memref<128x128xf32, #tpu.memory_space<hbm>>)
        tpu.yield
      }) : () -> ()
    } else {
    }
    %eq3A_41 = arith.constant 1 : i32
    %eq3A_42 = arith.cmpi eq, %arg0, %eq3A_41 : i32
    %convert_element_type3A_43 = arith.extui %eq3A_42 : i1 to i32
    %cond3A_44 = arith.constant 0 : i32
    %cond3A_45 = arith.cmpi ne, %convert_element_type3A_43, %cond3A_44 : i32
    scf.if %cond3A_45 {
      "tpu.region"() ({
        %run_scoped3A = tpu.sem_alloc : memref<!tpu.dma_semaphore, #tpu.memory_space<semaphore_mem>>
        %dma_start3A = arith.constant 0 : i32
        %dma_start3A_102 = tpu.memref_slice %arg7[%add3A_38, %dma_start3A] : memref<10240x128xf32, #tpu.memory_space<hbm>> -> memref<128x128xf32, #tpu.memory_space<hbm>>
        %dma_start3A_103 = arith.constant 0 : i32
        %dma_start3A_104 = tpu.memref_slice %arg7[%add3A_38, %dma_start3A_103] : memref<10240x128xf32, #tpu.memory_space<hbm>> -> memref<128x128xf32, #tpu.memory_space<hbm>>
        tpu.enqueue_dma source(%arg11 : memref<128x128xf32, #tpu.memory_space<vmem>>) target(%dma_start3A_104 : memref<128x128xf32, #tpu.memory_space<hbm>>) target_semaphore(%run_scoped3A : memref<!tpu.dma_semaphore, #tpu.memory_space<semaphore_mem>>)
        %dma_wait3A = arith.constant 0 : i32
        %dma_wait3A_105 = tpu.memref_slice %arg7[%add3A_38, %dma_wait3A] : memref<10240x128xf32, #tpu.memory_space<hbm>> -> memref<128x128xf32, #tpu.memory_space<hbm>>
        %dma_wait3A_106 = arith.constant 0 : i32
        %dma_wait3A_107 = tpu.memref_slice %arg7[%add3A_38, %dma_wait3A_106] : memref<10240x128xf32, #tpu.memory_space<hbm>> -> memref<128x128xf32, #tpu.memory_space<hbm>>
        tpu.wait_dma2 semaphore(%run_scoped3A : memref<!tpu.dma_semaphore, #tpu.memory_space<semaphore_mem>>) src(%arg11 : memref<128x128xf32, #tpu.memory_space<vmem>>) dst(%dma_wait3A_107 : memref<128x128xf32, #tpu.memory_space<hbm>>)
        tpu.yield
      }) : () -> ()
    } else {
    }
    %mul3A_46 = arith.constant 640 : i32
    %mul3A_47 = arith.muli %arg1, %mul3A_46 : i32
    %add3A_48 = arith.constant 128 : i32
    %add3A_49 = arith.addi %mul3A_47, %add3A_48 : i32
    "tpu.region"() ({
      %run_scoped3A = tpu.sem_alloc : memref<!tpu.dma_semaphore, #tpu.memory_space<semaphore_mem>>
      %dma_start3A = arith.constant 0 : i32
      %dma_start3A_102 = tpu.memref_slice %arg12[%add3A_49, %dma_start3A] : memref<10240x128xf32, #tpu.memory_space<vmem_shared>> -> memref<128x128xf32, #tpu.memory_space<vmem_shared>>
      %dma_start3A_103 = arith.constant 0 : i32
      %dma_start3A_104 = tpu.memref_slice %arg12[%add3A_49, %dma_start3A_103] : memref<10240x128xf32, #tpu.memory_space<vmem_shared>> -> memref<128x128xf32, #tpu.memory_space<vmem_shared>>
      tpu.enqueue_dma source(%dma_start3A_104 : memref<128x128xf32, #tpu.memory_space<vmem_shared>>) target(%arg11 : memref<128x128xf32, #tpu.memory_space<vmem>>) target_semaphore(%run_scoped3A : memref<!tpu.dma_semaphore, #tpu.memory_space<semaphore_mem>>)
      %dma_wait3A = arith.constant 0 : i32
      %dma_wait3A_105 = tpu.memref_slice %arg12[%add3A_49, %dma_wait3A] : memref<10240x128xf32, #tpu.memory_space<vmem_shared>> -> memref<128x128xf32, #tpu.memory_space<vmem_shared>>
      %dma_wait3A_106 = arith.constant 0 : i32
      %dma_wait3A_107 = tpu.memref_slice %arg12[%add3A_49, %dma_wait3A_106] : memref<10240x128xf32, #tpu.memory_space<vmem_shared>> -> memref<128x128xf32, #tpu.memory_space<vmem_shared>>
      tpu.wait_dma2 semaphore(%run_scoped3A : memref<!tpu.dma_semaphore, #tpu.memory_space<semaphore_mem>>) src(%dma_wait3A_107 : memref<128x128xf32, #tpu.memory_space<vmem_shared>>) dst(%arg11 : memref<128x128xf32, #tpu.memory_space<vmem>>)
      tpu.yield
    }) : () -> ()
    %eq3A_50 = arith.constant 0 : i32
    %eq3A_51 = arith.cmpi eq, %arg0, %eq3A_50 : i32
    %convert_element_type3A_52 = arith.extui %eq3A_51 : i1 to i32
    %cond3A_53 = arith.constant 0 : i32
    %cond3A_54 = arith.cmpi ne, %convert_element_type3A_52, %cond3A_53 : i32
    scf.if %cond3A_54 {
      "tpu.region"() ({
        %run_scoped3A = tpu.sem_alloc : memref<!tpu.dma_semaphore, #tpu.memory_space<semaphore_mem>>
        %dma_start3A = arith.constant 0 : i32
        %dma_start3A_102 = tpu.memref_slice %arg6[%add3A_49, %dma_start3A] : memref<10240x128xf32, #tpu.memory_space<hbm>> -> memref<128x128xf32, #tpu.memory_space<hbm>>
        %dma_start3A_103 = arith.constant 0 : i32
        %dma_start3A_104 = tpu.memref_slice %arg6[%add3A_49, %dma_start3A_103] : memref<10240x128xf32, #tpu.memory_space<hbm>> -> memref<128x128xf32, #tpu.memory_space<hbm>>
        tpu.enqueue_dma source(%arg11 : memref<128x128xf32, #tpu.memory_space<vmem>>) target(%dma_start3A_104 : memref<128x128xf32, #tpu.memory_space<hbm>>) target_semaphore(%run_scoped3A : memref<!tpu.dma_semaphore, #tpu.memory_space<semaphore_mem>>)
        %dma_wait3A = arith.constant 0 : i32
        %dma_wait3A_105 = tpu.memref_slice %arg6[%add3A_49, %dma_wait3A] : memref<10240x128xf32, #tpu.memory_space<hbm>> -> memref<128x128xf32, #tpu.memory_space<hbm>>
        %dma_wait3A_106 = arith.constant 0 : i32
        %dma_wait3A_107 = tpu.memref_slice %arg6[%add3A_49, %dma_wait3A_106] : memref<10240x128xf32, #tpu.memory_space<hbm>> -> memref<128x128xf32, #tpu.memory_space<hbm>>
        tpu.wait_dma2 semaphore(%run_scoped3A : memref<!tpu.dma_semaphore, #tpu.memory_space<semaphore_mem>>) src(%arg11 : memref<128x128xf32, #tpu.memory_space<vmem>>) dst(%dma_wait3A_107 : memref<128x128xf32, #tpu.memory_space<hbm>>)
        tpu.yield
      }) : () -> ()
    } else {
    }
    %eq3A_55 = arith.constant 1 : i32
    %eq3A_56 = arith.cmpi eq, %arg0, %eq3A_55 : i32
    %convert_element_type3A_57 = arith.extui %eq3A_56 : i1 to i32
    %cond3A_58 = arith.constant 0 : i32
    %cond3A_59 = arith.cmpi ne, %convert_element_type3A_57, %cond3A_58 : i32
    scf.if %cond3A_59 {
      "tpu.region"() ({
        %run_scoped3A = tpu.sem_alloc : memref<!tpu.dma_semaphore, #tpu.memory_space<semaphore_mem>>
        %dma_start3A = arith.constant 0 : i32
        %dma_start3A_102 = tpu.memref_slice %arg7[%add3A_49, %dma_start3A] : memref<10240x128xf32, #tpu.memory_space<hbm>> -> memref<128x128xf32, #tpu.memory_space<hbm>>
        %dma_start3A_103 = arith.constant 0 : i32
        %dma_start3A_104 = tpu.memref_slice %arg7[%add3A_49, %dma_start3A_103] : memref<10240x128xf32, #tpu.memory_space<hbm>> -> memref<128x128xf32, #tpu.memory_space<hbm>>
        tpu.enqueue_dma source(%arg11 : memref<128x128xf32, #tpu.memory_space<vmem>>) target(%dma_start3A_104 : memref<128x128xf32, #tpu.memory_space<hbm>>) target_semaphore(%run_scoped3A : memref<!tpu.dma_semaphore, #tpu.memory_space<semaphore_mem>>)
        %dma_wait3A = arith.constant 0 : i32
        %dma_wait3A_105 = tpu.memref_slice %arg7[%add3A_49, %dma_wait3A] : memref<10240x128xf32, #tpu.memory_space<hbm>> -> memref<128x128xf32, #tpu.memory_space<hbm>>
        %dma_wait3A_106 = arith.constant 0 : i32
        %dma_wait3A_107 = tpu.memref_slice %arg7[%add3A_49, %dma_wait3A_106] : memref<10240x128xf32, #tpu.memory_space<hbm>> -> memref<128x128xf32, #tpu.memory_space<hbm>>
        tpu.wait_dma2 semaphore(%run_scoped3A : memref<!tpu.dma_semaphore, #tpu.memory_space<semaphore_mem>>) src(%arg11 : memref<128x128xf32, #tpu.memory_space<vmem>>) dst(%dma_wait3A_107 : memref<128x128xf32, #tpu.memory_space<hbm>>)
        tpu.yield
      }) : () -> ()
    } else {
    }
    %mul3A_60 = arith.constant 640 : i32
    %mul3A_61 = arith.muli %arg1, %mul3A_60 : i32
    %add3A_62 = arith.constant 256 : i32
    %add3A_63 = arith.addi %mul3A_61, %add3A_62 : i32
    "tpu.region"() ({
      %run_scoped3A = tpu.sem_alloc : memref<!tpu.dma_semaphore, #tpu.memory_space<semaphore_mem>>
      %dma_start3A = arith.constant 0 : i32
      %dma_start3A_102 = tpu.memref_slice %arg12[%add3A_63, %dma_start3A] : memref<10240x128xf32, #tpu.memory_space<vmem_shared>> -> memref<128x128xf32, #tpu.memory_space<vmem_shared>>
      %dma_start3A_103 = arith.constant 0 : i32
      %dma_start3A_104 = tpu.memref_slice %arg12[%add3A_63, %dma_start3A_103] : memref<10240x128xf32, #tpu.memory_space<vmem_shared>> -> memref<128x128xf32, #tpu.memory_space<vmem_shared>>
      tpu.enqueue_dma source(%dma_start3A_104 : memref<128x128xf32, #tpu.memory_space<vmem_shared>>) target(%arg11 : memref<128x128xf32, #tpu.memory_space<vmem>>) target_semaphore(%run_scoped3A : memref<!tpu.dma_semaphore, #tpu.memory_space<semaphore_mem>>)
      %dma_wait3A = arith.constant 0 : i32
      %dma_wait3A_105 = tpu.memref_slice %arg12[%add3A_63, %dma_wait3A] : memref<10240x128xf32, #tpu.memory_space<vmem_shared>> -> memref<128x128xf32, #tpu.memory_space<vmem_shared>>
      %dma_wait3A_106 = arith.constant 0 : i32
      %dma_wait3A_107 = tpu.memref_slice %arg12[%add3A_63, %dma_wait3A_106] : memref<10240x128xf32, #tpu.memory_space<vmem_shared>> -> memref<128x128xf32, #tpu.memory_space<vmem_shared>>
      tpu.wait_dma2 semaphore(%run_scoped3A : memref<!tpu.dma_semaphore, #tpu.memory_space<semaphore_mem>>) src(%dma_wait3A_107 : memref<128x128xf32, #tpu.memory_space<vmem_shared>>) dst(%arg11 : memref<128x128xf32, #tpu.memory_space<vmem>>)
      tpu.yield
    }) : () -> ()
    %eq3A_64 = arith.constant 0 : i32
    %eq3A_65 = arith.cmpi eq, %arg0, %eq3A_64 : i32
    %convert_element_type3A_66 = arith.extui %eq3A_65 : i1 to i32
    %cond3A_67 = arith.constant 0 : i32
    %cond3A_68 = arith.cmpi ne, %convert_element_type3A_66, %cond3A_67 : i32
    scf.if %cond3A_68 {
      "tpu.region"() ({
        %run_scoped3A = tpu.sem_alloc : memref<!tpu.dma_semaphore, #tpu.memory_space<semaphore_mem>>
        %dma_start3A = arith.constant 0 : i32
        %dma_start3A_102 = tpu.memref_slice %arg6[%add3A_63, %dma_start3A] : memref<10240x128xf32, #tpu.memory_space<hbm>> -> memref<128x128xf32, #tpu.memory_space<hbm>>
        %dma_start3A_103 = arith.constant 0 : i32
        %dma_start3A_104 = tpu.memref_slice %arg6[%add3A_63, %dma_start3A_103] : memref<10240x128xf32, #tpu.memory_space<hbm>> -> memref<128x128xf32, #tpu.memory_space<hbm>>
        tpu.enqueue_dma source(%arg11 : memref<128x128xf32, #tpu.memory_space<vmem>>) target(%dma_start3A_104 : memref<128x128xf32, #tpu.memory_space<hbm>>) target_semaphore(%run_scoped3A : memref<!tpu.dma_semaphore, #tpu.memory_space<semaphore_mem>>)
        %dma_wait3A = arith.constant 0 : i32
        %dma_wait3A_105 = tpu.memref_slice %arg6[%add3A_63, %dma_wait3A] : memref<10240x128xf32, #tpu.memory_space<hbm>> -> memref<128x128xf32, #tpu.memory_space<hbm>>
        %dma_wait3A_106 = arith.constant 0 : i32
        %dma_wait3A_107 = tpu.memref_slice %arg6[%add3A_63, %dma_wait3A_106] : memref<10240x128xf32, #tpu.memory_space<hbm>> -> memref<128x128xf32, #tpu.memory_space<hbm>>
        tpu.wait_dma2 semaphore(%run_scoped3A : memref<!tpu.dma_semaphore, #tpu.memory_space<semaphore_mem>>) src(%arg11 : memref<128x128xf32, #tpu.memory_space<vmem>>) dst(%dma_wait3A_107 : memref<128x128xf32, #tpu.memory_space<hbm>>)
        tpu.yield
      }) : () -> ()
    } else {
    }
    %eq3A_69 = arith.constant 1 : i32
    %eq3A_70 = arith.cmpi eq, %arg0, %eq3A_69 : i32
    %convert_element_type3A_71 = arith.extui %eq3A_70 : i1 to i32
    %cond3A_72 = arith.constant 0 : i32
    %cond3A_73 = arith.cmpi ne, %convert_element_type3A_71, %cond3A_72 : i32
    scf.if %cond3A_73 {
      "tpu.region"() ({
        %run_scoped3A = tpu.sem_alloc : memref<!tpu.dma_semaphore, #tpu.memory_space<semaphore_mem>>
        %dma_start3A = arith.constant 0 : i32
        %dma_start3A_102 = tpu.memref_slice %arg7[%add3A_63, %dma_start3A] : memref<10240x128xf32, #tpu.memory_space<hbm>> -> memref<128x128xf32, #tpu.memory_space<hbm>>
        %dma_start3A_103 = arith.constant 0 : i32
        %dma_start3A_104 = tpu.memref_slice %arg7[%add3A_63, %dma_start3A_103] : memref<10240x128xf32, #tpu.memory_space<hbm>> -> memref<128x128xf32, #tpu.memory_space<hbm>>
        tpu.enqueue_dma source(%arg11 : memref<128x128xf32, #tpu.memory_space<vmem>>) target(%dma_start3A_104 : memref<128x128xf32, #tpu.memory_space<hbm>>) target_semaphore(%run_scoped3A : memref<!tpu.dma_semaphore, #tpu.memory_space<semaphore_mem>>)
        %dma_wait3A = arith.constant 0 : i32
        %dma_wait3A_105 = tpu.memref_slice %arg7[%add3A_63, %dma_wait3A] : memref<10240x128xf32, #tpu.memory_space<hbm>> -> memref<128x128xf32, #tpu.memory_space<hbm>>
        %dma_wait3A_106 = arith.constant 0 : i32
        %dma_wait3A_107 = tpu.memref_slice %arg7[%add3A_63, %dma_wait3A_106] : memref<10240x128xf32, #tpu.memory_space<hbm>> -> memref<128x128xf32, #tpu.memory_space<hbm>>
        tpu.wait_dma2 semaphore(%run_scoped3A : memref<!tpu.dma_semaphore, #tpu.memory_space<semaphore_mem>>) src(%arg11 : memref<128x128xf32, #tpu.memory_space<vmem>>) dst(%dma_wait3A_107 : memref<128x128xf32, #tpu.memory_space<hbm>>)
        tpu.yield
      }) : () -> ()
    } else {
    }
    %mul3A_74 = arith.constant 640 : i32
    %mul3A_75 = arith.muli %arg1, %mul3A_74 : i32
    %add3A_76 = arith.constant 384 : i32
    %add3A_77 = arith.addi %mul3A_75, %add3A_76 : i32
    "tpu.region"() ({
      %run_scoped3A = tpu.sem_alloc : memref<!tpu.dma_semaphore, #tpu.memory_space<semaphore_mem>>
      %dma_start3A = arith.constant 0 : i32
      %dma_start3A_102 = tpu.memref_slice %arg12[%add3A_77, %dma_start3A] : memref<10240x128xf32, #tpu.memory_space<vmem_shared>> -> memref<128x128xf32, #tpu.memory_space<vmem_shared>>
      %dma_start3A_103 = arith.constant 0 : i32
      %dma_start3A_104 = tpu.memref_slice %arg12[%add3A_77, %dma_start3A_103] : memref<10240x128xf32, #tpu.memory_space<vmem_shared>> -> memref<128x128xf32, #tpu.memory_space<vmem_shared>>
      tpu.enqueue_dma source(%dma_start3A_104 : memref<128x128xf32, #tpu.memory_space<vmem_shared>>) target(%arg11 : memref<128x128xf32, #tpu.memory_space<vmem>>) target_semaphore(%run_scoped3A : memref<!tpu.dma_semaphore, #tpu.memory_space<semaphore_mem>>)
      %dma_wait3A = arith.constant 0 : i32
      %dma_wait3A_105 = tpu.memref_slice %arg12[%add3A_77, %dma_wait3A] : memref<10240x128xf32, #tpu.memory_space<vmem_shared>> -> memref<128x128xf32, #tpu.memory_space<vmem_shared>>
      %dma_wait3A_106 = arith.constant 0 : i32
      %dma_wait3A_107 = tpu.memref_slice %arg12[%add3A_77, %dma_wait3A_106] : memref<10240x128xf32, #tpu.memory_space<vmem_shared>> -> memref<128x128xf32, #tpu.memory_space<vmem_shared>>
      tpu.wait_dma2 semaphore(%run_scoped3A : memref<!tpu.dma_semaphore, #tpu.memory_space<semaphore_mem>>) src(%dma_wait3A_107 : memref<128x128xf32, #tpu.memory_space<vmem_shared>>) dst(%arg11 : memref<128x128xf32, #tpu.memory_space<vmem>>)
      tpu.yield
    }) : () -> ()
    %eq3A_78 = arith.constant 0 : i32
    %eq3A_79 = arith.cmpi eq, %arg0, %eq3A_78 : i32
    %convert_element_type3A_80 = arith.extui %eq3A_79 : i1 to i32
    %cond3A_81 = arith.constant 0 : i32
    %cond3A_82 = arith.cmpi ne, %convert_element_type3A_80, %cond3A_81 : i32
    scf.if %cond3A_82 {
      "tpu.region"() ({
        %run_scoped3A = tpu.sem_alloc : memref<!tpu.dma_semaphore, #tpu.memory_space<semaphore_mem>>
        %dma_start3A = arith.constant 0 : i32
        %dma_start3A_102 = tpu.memref_slice %arg6[%add3A_77, %dma_start3A] : memref<10240x128xf32, #tpu.memory_space<hbm>> -> memref<128x128xf32, #tpu.memory_space<hbm>>
        %dma_start3A_103 = arith.constant 0 : i32
        %dma_start3A_104 = tpu.memref_slice %arg6[%add3A_77, %dma_start3A_103] : memref<10240x128xf32, #tpu.memory_space<hbm>> -> memref<128x128xf32, #tpu.memory_space<hbm>>
        tpu.enqueue_dma source(%arg11 : memref<128x128xf32, #tpu.memory_space<vmem>>) target(%dma_start3A_104 : memref<128x128xf32, #tpu.memory_space<hbm>>) target_semaphore(%run_scoped3A : memref<!tpu.dma_semaphore, #tpu.memory_space<semaphore_mem>>)
        %dma_wait3A = arith.constant 0 : i32
        %dma_wait3A_105 = tpu.memref_slice %arg6[%add3A_77, %dma_wait3A] : memref<10240x128xf32, #tpu.memory_space<hbm>> -> memref<128x128xf32, #tpu.memory_space<hbm>>
        %dma_wait3A_106 = arith.constant 0 : i32
        %dma_wait3A_107 = tpu.memref_slice %arg6[%add3A_77, %dma_wait3A_106] : memref<10240x128xf32, #tpu.memory_space<hbm>> -> memref<128x128xf32, #tpu.memory_space<hbm>>
        tpu.wait_dma2 semaphore(%run_scoped3A : memref<!tpu.dma_semaphore, #tpu.memory_space<semaphore_mem>>) src(%arg11 : memref<128x128xf32, #tpu.memory_space<vmem>>) dst(%dma_wait3A_107 : memref<128x128xf32, #tpu.memory_space<hbm>>)
        tpu.yield
      }) : () -> ()
    } else {
    }
    %eq3A_83 = arith.constant 1 : i32
    %eq3A_84 = arith.cmpi eq, %arg0, %eq3A_83 : i32
    %convert_element_type3A_85 = arith.extui %eq3A_84 : i1 to i32
    %cond3A_86 = arith.constant 0 : i32
    %cond3A_87 = arith.cmpi ne, %convert_element_type3A_85, %cond3A_86 : i32
    scf.if %cond3A_87 {
      "tpu.region"() ({
        %run_scoped3A = tpu.sem_alloc : memref<!tpu.dma_semaphore, #tpu.memory_space<semaphore_mem>>
        %dma_start3A = arith.constant 0 : i32
        %dma_start3A_102 = tpu.memref_slice %arg7[%add3A_77, %dma_start3A] : memref<10240x128xf32, #tpu.memory_space<hbm>> -> memref<128x128xf32, #tpu.memory_space<hbm>>
        %dma_start3A_103 = arith.constant 0 : i32
        %dma_start3A_104 = tpu.memref_slice %arg7[%add3A_77, %dma_start3A_103] : memref<10240x128xf32, #tpu.memory_space<hbm>> -> memref<128x128xf32, #tpu.memory_space<hbm>>
        tpu.enqueue_dma source(%arg11 : memref<128x128xf32, #tpu.memory_space<vmem>>) target(%dma_start3A_104 : memref<128x128xf32, #tpu.memory_space<hbm>>) target_semaphore(%run_scoped3A : memref<!tpu.dma_semaphore, #tpu.memory_space<semaphore_mem>>)
        %dma_wait3A = arith.constant 0 : i32
        %dma_wait3A_105 = tpu.memref_slice %arg7[%add3A_77, %dma_wait3A] : memref<10240x128xf32, #tpu.memory_space<hbm>> -> memref<128x128xf32, #tpu.memory_space<hbm>>
        %dma_wait3A_106 = arith.constant 0 : i32
        %dma_wait3A_107 = tpu.memref_slice %arg7[%add3A_77, %dma_wait3A_106] : memref<10240x128xf32, #tpu.memory_space<hbm>> -> memref<128x128xf32, #tpu.memory_space<hbm>>
        tpu.wait_dma2 semaphore(%run_scoped3A : memref<!tpu.dma_semaphore, #tpu.memory_space<semaphore_mem>>) src(%arg11 : memref<128x128xf32, #tpu.memory_space<vmem>>) dst(%dma_wait3A_107 : memref<128x128xf32, #tpu.memory_space<hbm>>)
        tpu.yield
      }) : () -> ()
    } else {
    }
    %mul3A_88 = arith.constant 640 : i32
    %mul3A_89 = arith.muli %arg1, %mul3A_88 : i32
    %add3A_90 = arith.constant 512 : i32
    %add3A_91 = arith.addi %mul3A_89, %add3A_90 : i32
    "tpu.region"() ({
      %run_scoped3A = tpu.sem_alloc : memref<!tpu.dma_semaphore, #tpu.memory_space<semaphore_mem>>
      %dma_start3A = arith.constant 0 : i32
      %dma_start3A_102 = tpu.memref_slice %arg12[%add3A_91, %dma_start3A] : memref<10240x128xf32, #tpu.memory_space<vmem_shared>> -> memref<128x128xf32, #tpu.memory_space<vmem_shared>>
      %dma_start3A_103 = arith.constant 0 : i32
      %dma_start3A_104 = tpu.memref_slice %arg12[%add3A_91, %dma_start3A_103] : memref<10240x128xf32, #tpu.memory_space<vmem_shared>> -> memref<128x128xf32, #tpu.memory_space<vmem_shared>>
      tpu.enqueue_dma source(%dma_start3A_104 : memref<128x128xf32, #tpu.memory_space<vmem_shared>>) target(%arg11 : memref<128x128xf32, #tpu.memory_space<vmem>>) target_semaphore(%run_scoped3A : memref<!tpu.dma_semaphore, #tpu.memory_space<semaphore_mem>>)
      %dma_wait3A = arith.constant 0 : i32
      %dma_wait3A_105 = tpu.memref_slice %arg12[%add3A_91, %dma_wait3A] : memref<10240x128xf32, #tpu.memory_space<vmem_shared>> -> memref<128x128xf32, #tpu.memory_space<vmem_shared>>
      %dma_wait3A_106 = arith.constant 0 : i32
      %dma_wait3A_107 = tpu.memref_slice %arg12[%add3A_91, %dma_wait3A_106] : memref<10240x128xf32, #tpu.memory_space<vmem_shared>> -> memref<128x128xf32, #tpu.memory_space<vmem_shared>>
      tpu.wait_dma2 semaphore(%run_scoped3A : memref<!tpu.dma_semaphore, #tpu.memory_space<semaphore_mem>>) src(%dma_wait3A_107 : memref<128x128xf32, #tpu.memory_space<vmem_shared>>) dst(%arg11 : memref<128x128xf32, #tpu.memory_space<vmem>>)
      tpu.yield
    }) : () -> ()
    %eq3A_92 = arith.constant 0 : i32
    %eq3A_93 = arith.cmpi eq, %arg0, %eq3A_92 : i32
    %convert_element_type3A_94 = arith.extui %eq3A_93 : i1 to i32
    %cond3A_95 = arith.constant 0 : i32
    %cond3A_96 = arith.cmpi ne, %convert_element_type3A_94, %cond3A_95 : i32
    scf.if %cond3A_96 {
      "tpu.region"() ({
        %run_scoped3A = tpu.sem_alloc : memref<!tpu.dma_semaphore, #tpu.memory_space<semaphore_mem>>
        %dma_start3A = arith.constant 0 : i32
        %dma_start3A_102 = tpu.memref_slice %arg6[%add3A_91, %dma_start3A] : memref<10240x128xf32, #tpu.memory_space<hbm>> -> memref<128x128xf32, #tpu.memory_space<hbm>>
        %dma_start3A_103 = arith.constant 0 : i32
        %dma_start3A_104 = tpu.memref_slice %arg6[%add3A_91, %dma_start3A_103] : memref<10240x128xf32, #tpu.memory_space<hbm>> -> memref<128x128xf32, #tpu.memory_space<hbm>>
        tpu.enqueue_dma source(%arg11 : memref<128x128xf32, #tpu.memory_space<vmem>>) target(%dma_start3A_104 : memref<128x128xf32, #tpu.memory_space<hbm>>) target_semaphore(%run_scoped3A : memref<!tpu.dma_semaphore, #tpu.memory_space<semaphore_mem>>)
        %dma_wait3A = arith.constant 0 : i32
        %dma_wait3A_105 = tpu.memref_slice %arg6[%add3A_91, %dma_wait3A] : memref<10240x128xf32, #tpu.memory_space<hbm>> -> memref<128x128xf32, #tpu.memory_space<hbm>>
        %dma_wait3A_106 = arith.constant 0 : i32
        %dma_wait3A_107 = tpu.memref_slice %arg6[%add3A_91, %dma_wait3A_106] : memref<10240x128xf32, #tpu.memory_space<hbm>> -> memref<128x128xf32, #tpu.memory_space<hbm>>
        tpu.wait_dma2 semaphore(%run_scoped3A : memref<!tpu.dma_semaphore, #tpu.memory_space<semaphore_mem>>) src(%arg11 : memref<128x128xf32, #tpu.memory_space<vmem>>) dst(%dma_wait3A_107 : memref<128x128xf32, #tpu.memory_space<hbm>>)
        tpu.yield
      }) : () -> ()
    } else {
    }
    %eq3A_97 = arith.constant 1 : i32
    %eq3A_98 = arith.cmpi eq, %arg0, %eq3A_97 : i32
    %convert_element_type3A_99 = arith.extui %eq3A_98 : i1 to i32
    %cond3A_100 = arith.constant 0 : i32
    %cond3A_101 = arith.cmpi ne, %convert_element_type3A_99, %cond3A_100 : i32
    scf.if %cond3A_101 {
      "tpu.region"() ({
        %run_scoped3A = tpu.sem_alloc : memref<!tpu.dma_semaphore, #tpu.memory_space<semaphore_mem>>
        %dma_start3A = arith.constant 0 : i32
        %dma_start3A_102 = tpu.memref_slice %arg7[%add3A_91, %dma_start3A] : memref<10240x128xf32, #tpu.memory_space<hbm>> -> memref<128x128xf32, #tpu.memory_space<hbm>>
        %dma_start3A_103 = arith.constant 0 : i32
        %dma_start3A_104 = tpu.memref_slice %arg7[%add3A_91, %dma_start3A_103] : memref<10240x128xf32, #tpu.memory_space<hbm>> -> memref<128x128xf32, #tpu.memory_space<hbm>>
        tpu.enqueue_dma source(%arg11 : memref<128x128xf32, #tpu.memory_space<vmem>>) target(%dma_start3A_104 : memref<128x128xf32, #tpu.memory_space<hbm>>) target_semaphore(%run_scoped3A : memref<!tpu.dma_semaphore, #tpu.memory_space<semaphore_mem>>)
        %dma_wait3A = arith.constant 0 : i32
        %dma_wait3A_105 = tpu.memref_slice %arg7[%add3A_91, %dma_wait3A] : memref<10240x128xf32, #tpu.memory_space<hbm>> -> memref<128x128xf32, #tpu.memory_space<hbm>>
        %dma_wait3A_106 = arith.constant 0 : i32
        %dma_wait3A_107 = tpu.memref_slice %arg7[%add3A_91, %dma_wait3A_106] : memref<10240x128xf32, #tpu.memory_space<hbm>> -> memref<128x128xf32, #tpu.memory_space<hbm>>
        tpu.wait_dma2 semaphore(%run_scoped3A : memref<!tpu.dma_semaphore, #tpu.memory_space<semaphore_mem>>) src(%arg11 : memref<128x128xf32, #tpu.memory_space<vmem>>) dst(%dma_wait3A_107 : memref<128x128xf32, #tpu.memory_space<hbm>>)
        tpu.yield
      }) : () -> ()
    } else {
    }
    return
  }
}

#map = affine_map<(d0, d1) -> (0, 0)>
#map1 = affine_map<(d0, d1) -> (0)>
module attributes {stable_mosaic.version = 14 : i64} {
  func.func @ep(%arg0: i32, %arg1: i32, %arg2: memref<10240x128xf32, #tpu.memory_space<hbm>>, %arg3: memref<10240x128xf32, #tpu.memory_space<hbm>>, %arg4: memref<320000xi32, #tpu.memory_space<hbm>>, %arg5: memref<320000xi32, #tpu.memory_space<hbm>>, %arg6: memref<10240x128xf32, #tpu.memory_space<hbm>>, %arg7: memref<10240x128xf32, #tpu.memory_space<hbm>>, %arg8: memref<80xi32, #tpu.memory_space<vmem>>, %arg9: memref<80xi32, #tpu.memory_space<vmem>>, %arg10: memref<80x128xf32, #tpu.memory_space<vmem>>, %arg11: memref<128x128xf32, #tpu.memory_space<vmem>>, %arg12: memref<10240x128xf32, #tpu.memory_space<vmem_shared>>) attributes {dimension_semantics = [#tpu.dimension_semantics<core_parallel>, #tpu.dimension_semantics<subcore_parallel>], iteration_bounds = array<i64: 2, 16>, scalar_prefetch = 0 : i64, scratch_operands = 5 : i64, tpu.core_type = #tpu.core_type<sc_vector_subcore>, window_params = [{transform_indices = #map}, {transform_indices = #map}, {transform_indices = #map1}, {transform_indices = #map1}, {transform_indices = #map}, {transform_indices = #map}]} {
    %scan3A = arith.constant 0 : i32
    %scan3A_0 = arith.constant 0 : i32
    %scan3A_1 = arith.constant 128 : i32
    %scan3A_2 = arith.addi %scan3A_0, %scan3A_1 : i32
    %scan3A_3 = arith.constant 1 : i32
    scf.for %scan3A_99 = %scan3A_0 to %scan3A_2 step %scan3A_3  : i32 {
      %broadcast_in_dim3A = arith.constant 0.000000e+00 : f32
      %broadcast_in_dim3A_100 = vector.broadcast %broadcast_in_dim3A : f32 to vector<16xf32>
      %swap3A = arith.index_cast %scan3A_99 : i32 to index
      %swap3A_101 = arith.constant 0 : index
      %swap3A_102 = tpu.vector_load %arg11[%swap3A, %swap3A_101] {strides = array<i32>} : memref<128x128xf32, #tpu.memory_space<vmem>>, vector<1x16xf32>,
      %swap3A_103 = vector.shape_cast %swap3A_102 : vector<1x16xf32> to vector<16xf32>
      %swap3A_104 = vector.shape_cast %broadcast_in_dim3A_100 : vector<16xf32> to vector<1x16xf32>
      tpu.vector_store %arg11[%swap3A, %swap3A_101], %swap3A_104 {strides = array<i32>} : memref<128x128xf32, #tpu.memory_space<vmem>>, vector<1x16xf32>,
      %broadcast_in_dim3A_105 = arith.constant 0.000000e+00 : f32
      %broadcast_in_dim3A_106 = vector.broadcast %broadcast_in_dim3A_105 : f32 to vector<16xf32>
      %swap3A_107 = arith.index_cast %scan3A_99 : i32 to index
      %swap3A_108 = arith.constant 16 : index
      %swap3A_109 = tpu.vector_load %arg11[%swap3A_107, %swap3A_108] {strides = array<i32>} : memref<128x128xf32, #tpu.memory_space<vmem>>, vector<1x16xf32>,
      %swap3A_110 = vector.shape_cast %swap3A_109 : vector<1x16xf32> to vector<16xf32>
      %swap3A_111 = vector.shape_cast %broadcast_in_dim3A_106 : vector<16xf32> to vector<1x16xf32>
      tpu.vector_store %arg11[%swap3A_107, %swap3A_108], %swap3A_111 {strides = array<i32>} : memref<128x128xf32, #tpu.memory_space<vmem>>, vector<1x16xf32>,
      %broadcast_in_dim3A_112 = arith.constant 0.000000e+00 : f32
      %broadcast_in_dim3A_113 = vector.broadcast %broadcast_in_dim3A_112 : f32 to vector<16xf32>
      %swap3A_114 = arith.index_cast %scan3A_99 : i32 to index
      %swap3A_115 = arith.constant 32 : index
      %swap3A_116 = tpu.vector_load %arg11[%swap3A_114, %swap3A_115] {strides = array<i32>} : memref<128x128xf32, #tpu.memory_space<vmem>>, vector<1x16xf32>,
      %swap3A_117 = vector.shape_cast %swap3A_116 : vector<1x16xf32> to vector<16xf32>
      %swap3A_118 = vector.shape_cast %broadcast_in_dim3A_113 : vector<16xf32> to vector<1x16xf32>
      tpu.vector_store %arg11[%swap3A_114, %swap3A_115], %swap3A_118 {strides = array<i32>} : memref<128x128xf32, #tpu.memory_space<vmem>>, vector<1x16xf32>,
      %broadcast_in_dim3A_119 = arith.constant 0.000000e+00 : f32
      %broadcast_in_dim3A_120 = vector.broadcast %broadcast_in_dim3A_119 : f32 to vector<16xf32>
      %swap3A_121 = arith.index_cast %scan3A_99 : i32 to index
      %swap3A_122 = arith.constant 48 : index
      %swap3A_123 = tpu.vector_load %arg11[%swap3A_121, %swap3A_122] {strides = array<i32>} : memref<128x128xf32, #tpu.memory_space<vmem>>, vector<1x16xf32>,
      %swap3A_124 = vector.shape_cast %swap3A_123 : vector<1x16xf32> to vector<16xf32>
      %swap3A_125 = vector.shape_cast %broadcast_in_dim3A_120 : vector<16xf32> to vector<1x16xf32>
      tpu.vector_store %arg11[%swap3A_121, %swap3A_122], %swap3A_125 {strides = array<i32>} : memref<128x128xf32, #tpu.memory_space<vmem>>, vector<1x16xf32>,
      %broadcast_in_dim3A_126 = arith.constant 0.000000e+00 : f32
      %broadcast_in_dim3A_127 = vector.broadcast %broadcast_in_dim3A_126 : f32 to vector<16xf32>
      %swap3A_128 = arith.index_cast %scan3A_99 : i32 to index
      %swap3A_129 = arith.constant 64 : index
      %swap3A_130 = tpu.vector_load %arg11[%swap3A_128, %swap3A_129] {strides = array<i32>} : memref<128x128xf32, #tpu.memory_space<vmem>>, vector<1x16xf32>,
      %swap3A_131 = vector.shape_cast %swap3A_130 : vector<1x16xf32> to vector<16xf32>
      %swap3A_132 = vector.shape_cast %broadcast_in_dim3A_127 : vector<16xf32> to vector<1x16xf32>
      tpu.vector_store %arg11[%swap3A_128, %swap3A_129], %swap3A_132 {strides = array<i32>} : memref<128x128xf32, #tpu.memory_space<vmem>>, vector<1x16xf32>,
      %broadcast_in_dim3A_133 = arith.constant 0.000000e+00 : f32
      %broadcast_in_dim3A_134 = vector.broadcast %broadcast_in_dim3A_133 : f32 to vector<16xf32>
      %swap3A_135 = arith.index_cast %scan3A_99 : i32 to index
      %swap3A_136 = arith.constant 80 : index
      %swap3A_137 = tpu.vector_load %arg11[%swap3A_135, %swap3A_136] {strides = array<i32>} : memref<128x128xf32, #tpu.memory_space<vmem>>, vector<1x16xf32>,
      %swap3A_138 = vector.shape_cast %swap3A_137 : vector<1x16xf32> to vector<16xf32>
      %swap3A_139 = vector.shape_cast %broadcast_in_dim3A_134 : vector<16xf32> to vector<1x16xf32>
      tpu.vector_store %arg11[%swap3A_135, %swap3A_136], %swap3A_139 {strides = array<i32>} : memref<128x128xf32, #tpu.memory_space<vmem>>, vector<1x16xf32>,
      %broadcast_in_dim3A_140 = arith.constant 0.000000e+00 : f32
      %broadcast_in_dim3A_141 = vector.broadcast %broadcast_in_dim3A_140 : f32 to vector<16xf32>
      %swap3A_142 = arith.index_cast %scan3A_99 : i32 to index
      %swap3A_143 = arith.constant 96 : index
      %swap3A_144 = tpu.vector_load %arg11[%swap3A_142, %swap3A_143] {strides = array<i32>} : memref<128x128xf32, #tpu.memory_space<vmem>>, vector<1x16xf32>,
      %swap3A_145 = vector.shape_cast %swap3A_144 : vector<1x16xf32> to vector<16xf32>
      %swap3A_146 = vector.shape_cast %broadcast_in_dim3A_141 : vector<16xf32> to vector<1x16xf32>
      tpu.vector_store %arg11[%swap3A_142, %swap3A_143], %swap3A_146 {strides = array<i32>} : memref<128x128xf32, #tpu.memory_space<vmem>>, vector<1x16xf32>,
      %broadcast_in_dim3A_147 = arith.constant 0.000000e+00 : f32
      %broadcast_in_dim3A_148 = vector.broadcast %broadcast_in_dim3A_147 : f32 to vector<16xf32>
      %swap3A_149 = arith.index_cast %scan3A_99 : i32 to index
      %swap3A_150 = arith.constant 112 : index
      %swap3A_151 = tpu.vector_load %arg11[%swap3A_149, %swap3A_150] {strides = array<i32>} : memref<128x128xf32, #tpu.memory_space<vmem>>, vector<1x16xf32>,
      %swap3A_152 = vector.shape_cast %swap3A_151 : vector<1x16xf32> to vector<16xf32>
      %swap3A_153 = vector.shape_cast %broadcast_in_dim3A_148 : vector<16xf32> to vector<1x16xf32>
      tpu.vector_store %arg11[%swap3A_149, %swap3A_150], %swap3A_153 {strides = array<i32>} : memref<128x128xf32, #tpu.memory_space<vmem>>, vector<1x16xf32>,
    }
    %scan3A_4 = arith.constant 128 : i32
    %mul3A = arith.constant 640 : i32
    %mul3A_5 = arith.muli %arg1, %mul3A : i32
    %add3A = arith.constant 0 : i32
    %add3A_6 = arith.addi %mul3A_5, %add3A : i32
    "tpu.region"() ({
      %run_scoped3A = tpu.sem_alloc : memref<!tpu.dma_semaphore, #tpu.memory_space<semaphore_mem>>
      %dma_start3A = arith.constant 0 : i32
      %dma_start3A_99 = tpu.memref_slice %arg12[%add3A_6, %dma_start3A] : memref<10240x128xf32, #tpu.memory_space<vmem_shared>> -> memref<128x128xf32, #tpu.memory_space<vmem_shared>>
      %dma_start3A_100 = arith.constant 0 : i32
      %dma_start3A_101 = tpu.memref_slice %arg12[%add3A_6, %dma_start3A_100] : memref<10240x128xf32, #tpu.memory_space<vmem_shared>> -> memref<128x128xf32, #tpu.memory_space<vmem_shared>>
      tpu.enqueue_dma source(%arg11 : memref<128x128xf32, #tpu.memory_space<vmem>>) target(%dma_start3A_101 : memref<128x128xf32, #tpu.memory_space<vmem_shared>>) target_semaphore(%run_scoped3A : memref<!tpu.dma_semaphore, #tpu.memory_space<semaphore_mem>>)
      %dma_wait3A = arith.constant 0 : i32
      %dma_wait3A_102 = tpu.memref_slice %arg12[%add3A_6, %dma_wait3A] : memref<10240x128xf32, #tpu.memory_space<vmem_shared>> -> memref<128x128xf32, #tpu.memory_space<vmem_shared>>
      %dma_wait3A_103 = arith.constant 0 : i32
      %dma_wait3A_104 = tpu.memref_slice %arg12[%add3A_6, %dma_wait3A_103] : memref<10240x128xf32, #tpu.memory_space<vmem_shared>> -> memref<128x128xf32, #tpu.memory_space<vmem_shared>>
      tpu.wait_dma2 semaphore(%run_scoped3A : memref<!tpu.dma_semaphore, #tpu.memory_space<semaphore_mem>>) src(%arg11 : memref<128x128xf32, #tpu.memory_space<vmem>>) dst(%dma_wait3A_104 : memref<128x128xf32, #tpu.memory_space<vmem_shared>>)
      tpu.yield
    }) : () -> ()
    %mul3A_7 = arith.constant 640 : i32
    %mul3A_8 = arith.muli %arg1, %mul3A_7 : i32
    %add3A_9 = arith.constant 128 : i32
    %add3A_10 = arith.addi %mul3A_8, %add3A_9 : i32
    "tpu.region"() ({
      %run_scoped3A = tpu.sem_alloc : memref<!tpu.dma_semaphore, #tpu.memory_space<semaphore_mem>>
      %dma_start3A = arith.constant 0 : i32
      %dma_start3A_99 = tpu.memref_slice %arg12[%add3A_10, %dma_start3A] : memref<10240x128xf32, #tpu.memory_space<vmem_shared>> -> memref<128x128xf32, #tpu.memory_space<vmem_shared>>
      %dma_start3A_100 = arith.constant 0 : i32
      %dma_start3A_101 = tpu.memref_slice %arg12[%add3A_10, %dma_start3A_100] : memref<10240x128xf32, #tpu.memory_space<vmem_shared>> -> memref<128x128xf32, #tpu.memory_space<vmem_shared>>
      tpu.enqueue_dma source(%arg11 : memref<128x128xf32, #tpu.memory_space<vmem>>) target(%dma_start3A_101 : memref<128x128xf32, #tpu.memory_space<vmem_shared>>) target_semaphore(%run_scoped3A : memref<!tpu.dma_semaphore, #tpu.memory_space<semaphore_mem>>)
      %dma_wait3A = arith.constant 0 : i32
      %dma_wait3A_102 = tpu.memref_slice %arg12[%add3A_10, %dma_wait3A] : memref<10240x128xf32, #tpu.memory_space<vmem_shared>> -> memref<128x128xf32, #tpu.memory_space<vmem_shared>>
      %dma_wait3A_103 = arith.constant 0 : i32
      %dma_wait3A_104 = tpu.memref_slice %arg12[%add3A_10, %dma_wait3A_103] : memref<10240x128xf32, #tpu.memory_space<vmem_shared>> -> memref<128x128xf32, #tpu.memory_space<vmem_shared>>
      tpu.wait_dma2 semaphore(%run_scoped3A : memref<!tpu.dma_semaphore, #tpu.memory_space<semaphore_mem>>) src(%arg11 : memref<128x128xf32, #tpu.memory_space<vmem>>) dst(%dma_wait3A_104 : memref<128x128xf32, #tpu.memory_space<vmem_shared>>)
      tpu.yield
    }) : () -> ()
    %mul3A_11 = arith.constant 640 : i32
    %mul3A_12 = arith.muli %arg1, %mul3A_11 : i32
    %add3A_13 = arith.constant 256 : i32
    %add3A_14 = arith.addi %mul3A_12, %add3A_13 : i32
    "tpu.region"() ({
      %run_scoped3A = tpu.sem_alloc : memref<!tpu.dma_semaphore, #tpu.memory_space<semaphore_mem>>
      %dma_start3A = arith.constant 0 : i32
      %dma_start3A_99 = tpu.memref_slice %arg12[%add3A_14, %dma_start3A] : memref<10240x128xf32, #tpu.memory_space<vmem_shared>> -> memref<128x128xf32, #tpu.memory_space<vmem_shared>>
      %dma_start3A_100 = arith.constant 0 : i32
      %dma_start3A_101 = tpu.memref_slice %arg12[%add3A_14, %dma_start3A_100] : memref<10240x128xf32, #tpu.memory_space<vmem_shared>> -> memref<128x128xf32, #tpu.memory_space<vmem_shared>>
      tpu.enqueue_dma source(%arg11 : memref<128x128xf32, #tpu.memory_space<vmem>>) target(%dma_start3A_101 : memref<128x128xf32, #tpu.memory_space<vmem_shared>>) target_semaphore(%run_scoped3A : memref<!tpu.dma_semaphore, #tpu.memory_space<semaphore_mem>>)
      %dma_wait3A = arith.constant 0 : i32
      %dma_wait3A_102 = tpu.memref_slice %arg12[%add3A_14, %dma_wait3A] : memref<10240x128xf32, #tpu.memory_space<vmem_shared>> -> memref<128x128xf32, #tpu.memory_space<vmem_shared>>
      %dma_wait3A_103 = arith.constant 0 : i32
      %dma_wait3A_104 = tpu.memref_slice %arg12[%add3A_14, %dma_wait3A_103] : memref<10240x128xf32, #tpu.memory_space<vmem_shared>> -> memref<128x128xf32, #tpu.memory_space<vmem_shared>>
      tpu.wait_dma2 semaphore(%run_scoped3A : memref<!tpu.dma_semaphore, #tpu.memory_space<semaphore_mem>>) src(%arg11 : memref<128x128xf32, #tpu.memory_space<vmem>>) dst(%dma_wait3A_104 : memref<128x128xf32, #tpu.memory_space<vmem_shared>>)
      tpu.yield
    }) : () -> ()
    %mul3A_15 = arith.constant 640 : i32
    %mul3A_16 = arith.muli %arg1, %mul3A_15 : i32
    %add3A_17 = arith.constant 384 : i32
    %add3A_18 = arith.addi %mul3A_16, %add3A_17 : i32
    "tpu.region"() ({
      %run_scoped3A = tpu.sem_alloc : memref<!tpu.dma_semaphore, #tpu.memory_space<semaphore_mem>>
      %dma_start3A = arith.constant 0 : i32
      %dma_start3A_99 = tpu.memref_slice %arg12[%add3A_18, %dma_start3A] : memref<10240x128xf32, #tpu.memory_space<vmem_shared>> -> memref<128x128xf32, #tpu.memory_space<vmem_shared>>
      %dma_start3A_100 = arith.constant 0 : i32
      %dma_start3A_101 = tpu.memref_slice %arg12[%add3A_18, %dma_start3A_100] : memref<10240x128xf32, #tpu.memory_space<vmem_shared>> -> memref<128x128xf32, #tpu.memory_space<vmem_shared>>
      tpu.enqueue_dma source(%arg11 : memref<128x128xf32, #tpu.memory_space<vmem>>) target(%dma_start3A_101 : memref<128x128xf32, #tpu.memory_space<vmem_shared>>) target_semaphore(%run_scoped3A : memref<!tpu.dma_semaphore, #tpu.memory_space<semaphore_mem>>)
      %dma_wait3A = arith.constant 0 : i32
      %dma_wait3A_102 = tpu.memref_slice %arg12[%add3A_18, %dma_wait3A] : memref<10240x128xf32, #tpu.memory_space<vmem_shared>> -> memref<128x128xf32, #tpu.memory_space<vmem_shared>>
      %dma_wait3A_103 = arith.constant 0 : i32
      %dma_wait3A_104 = tpu.memref_slice %arg12[%add3A_18, %dma_wait3A_103] : memref<10240x128xf32, #tpu.memory_space<vmem_shared>> -> memref<128x128xf32, #tpu.memory_space<vmem_shared>>
      tpu.wait_dma2 semaphore(%run_scoped3A : memref<!tpu.dma_semaphore, #tpu.memory_space<semaphore_mem>>) src(%arg11 : memref<128x128xf32, #tpu.memory_space<vmem>>) dst(%dma_wait3A_104 : memref<128x128xf32, #tpu.memory_space<vmem_shared>>)
      tpu.yield
    }) : () -> ()
    %mul3A_19 = arith.constant 640 : i32
    %mul3A_20 = arith.muli %arg1, %mul3A_19 : i32
    %add3A_21 = arith.constant 512 : i32
    %add3A_22 = arith.addi %mul3A_20, %add3A_21 : i32
    "tpu.region"() ({
      %run_scoped3A = tpu.sem_alloc : memref<!tpu.dma_semaphore, #tpu.memory_space<semaphore_mem>>
      %dma_start3A = arith.constant 0 : i32
      %dma_start3A_99 = tpu.memref_slice %arg12[%add3A_22, %dma_start3A] : memref<10240x128xf32, #tpu.memory_space<vmem_shared>> -> memref<128x128xf32, #tpu.memory_space<vmem_shared>>
      %dma_start3A_100 = arith.constant 0 : i32
      %dma_start3A_101 = tpu.memref_slice %arg12[%add3A_22, %dma_start3A_100] : memref<10240x128xf32, #tpu.memory_space<vmem_shared>> -> memref<128x128xf32, #tpu.memory_space<vmem_shared>>
      tpu.enqueue_dma source(%arg11 : memref<128x128xf32, #tpu.memory_space<vmem>>) target(%dma_start3A_101 : memref<128x128xf32, #tpu.memory_space<vmem_shared>>) target_semaphore(%run_scoped3A : memref<!tpu.dma_semaphore, #tpu.memory_space<semaphore_mem>>)
      %dma_wait3A = arith.constant 0 : i32
      %dma_wait3A_102 = tpu.memref_slice %arg12[%add3A_22, %dma_wait3A] : memref<10240x128xf32, #tpu.memory_space<vmem_shared>> -> memref<128x128xf32, #tpu.memory_space<vmem_shared>>
      %dma_wait3A_103 = arith.constant 0 : i32
      %dma_wait3A_104 = tpu.memref_slice %arg12[%add3A_22, %dma_wait3A_103] : memref<10240x128xf32, #tpu.memory_space<vmem_shared>> -> memref<128x128xf32, #tpu.memory_space<vmem_shared>>
      tpu.wait_dma2 semaphore(%run_scoped3A : memref<!tpu.dma_semaphore, #tpu.memory_space<semaphore_mem>>) src(%arg11 : memref<128x128xf32, #tpu.memory_space<vmem>>) dst(%dma_wait3A_104 : memref<128x128xf32, #tpu.memory_space<vmem_shared>>)
      tpu.yield
    }) : () -> ()
    %barrier3A = arith.constant 0 : index
    tpu.barrier barrier_id(%barrier3A)
    %mul3A_23 = arith.constant 20000 : i32
    %mul3A_24 = arith.muli %arg1, %mul3A_23 : i32
    %scan3A_25 = arith.constant 0 : i32
    %scan3A_26 = arith.constant 0 : i32
    %scan3A_27 = arith.constant 250 : i32
    %scan3A_28 = arith.addi %scan3A_26, %scan3A_27 : i32
    %scan3A_29 = arith.constant 1 : i32
    scf.for %scan3A_99 = %scan3A_26 to %scan3A_28 step %scan3A_29  : i32 {
      %mul3A_100 = arith.constant 80 : i32
      %mul3A_101 = arith.muli %scan3A_99, %mul3A_100 : i32
      %add3A_102 = arith.addi %mul3A_24, %mul3A_101 : i32
      "tpu.region"() ({
        %run_scoped3A = tpu.sem_alloc : memref<!tpu.dma_semaphore, #tpu.memory_space<semaphore_mem>>
        %dma_start3A = tpu.memref_slice %arg4[%add3A_102] : memref<320000xi32, #tpu.memory_space<hbm>> -> memref<80xi32, #tpu.memory_space<hbm>>
        %dma_start3A_113 = tpu.memref_slice %arg4[%add3A_102] : memref<320000xi32, #tpu.memory_space<hbm>> -> memref<80xi32, #tpu.memory_space<hbm>>
        tpu.enqueue_dma source(%dma_start3A_113 : memref<80xi32, #tpu.memory_space<hbm>>) target(%arg8 : memref<80xi32, #tpu.memory_space<vmem>>) target_semaphore(%run_scoped3A : memref<!tpu.dma_semaphore, #tpu.memory_space<semaphore_mem>>)
        %dma_wait3A = tpu.memref_slice %arg4[%add3A_102] : memref<320000xi32, #tpu.memory_space<hbm>> -> memref<80xi32, #tpu.memory_space<hbm>>
        %dma_wait3A_114 = tpu.memref_slice %arg4[%add3A_102] : memref<320000xi32, #tpu.memory_space<hbm>> -> memref<80xi32, #tpu.memory_space<hbm>>
        tpu.wait_dma2 semaphore(%run_scoped3A : memref<!tpu.dma_semaphore, #tpu.memory_space<semaphore_mem>>) src(%dma_wait3A_114 : memref<80xi32, #tpu.memory_space<hbm>>) dst(%arg8 : memref<80xi32, #tpu.memory_space<vmem>>)
        tpu.yield
      }) : () -> ()
      "tpu.region"() ({
        %run_scoped3A = tpu.sem_alloc : memref<!tpu.dma_semaphore, #tpu.memory_space<semaphore_mem>>
        %dma_start3A = tpu.memref_slice %arg5[%add3A_102] : memref<320000xi32, #tpu.memory_space<hbm>> -> memref<80xi32, #tpu.memory_space<hbm>>
        %dma_start3A_113 = tpu.memref_slice %arg5[%add3A_102] : memref<320000xi32, #tpu.memory_space<hbm>> -> memref<80xi32, #tpu.memory_space<hbm>>
        tpu.enqueue_dma source(%dma_start3A_113 : memref<80xi32, #tpu.memory_space<hbm>>) target(%arg9 : memref<80xi32, #tpu.memory_space<vmem>>) target_semaphore(%run_scoped3A : memref<!tpu.dma_semaphore, #tpu.memory_space<semaphore_mem>>)
        %dma_wait3A = tpu.memref_slice %arg5[%add3A_102] : memref<320000xi32, #tpu.memory_space<hbm>> -> memref<80xi32, #tpu.memory_space<hbm>>
        %dma_wait3A_114 = tpu.memref_slice %arg5[%add3A_102] : memref<320000xi32, #tpu.memory_space<hbm>> -> memref<80xi32, #tpu.memory_space<hbm>>
        tpu.wait_dma2 semaphore(%run_scoped3A : memref<!tpu.dma_semaphore, #tpu.memory_space<semaphore_mem>>) src(%dma_wait3A_114 : memref<80xi32, #tpu.memory_space<hbm>>) dst(%arg9 : memref<80xi32, #tpu.memory_space<vmem>>)
        tpu.yield
      }) : () -> ()
      %eq3A_103 = arith.constant 0 : i32
      %eq3A_104 = arith.cmpi eq, %arg0, %eq3A_103 : i32
      %convert_element_type3A_105 = arith.extui %eq3A_104 : i1 to i32
      %cond3A_106 = arith.constant 0 : i32
      %cond3A_107 = arith.cmpi ne, %convert_element_type3A_105, %cond3A_106 : i32
      scf.if %cond3A_107 {
        "tpu.region"() ({
          %run_scoped3A = tpu.sem_alloc : memref<!tpu.dma_semaphore, #tpu.memory_space<semaphore_mem>>
          %dma_start3A = arith.constant 0 : i32
          %dma_start3A_113 = arith.constant 0 : i32
          %dma_start3A_114 = tpu.memref_slice %arg2[%dma_start3A, %dma_start3A_113] : memref<10240x128xf32, #tpu.memory_space<hbm>> -> memref<10240x128xf32, #tpu.memory_space<hbm>>
          tpu.enqueue_indirect_dma source(%dma_start3A_114 : memref<10240x128xf32, #tpu.memory_space<hbm>>) target(%arg10 : memref<80x128xf32, #tpu.memory_space<vmem>>) offsets(%arg8 : memref<80xi32, #tpu.memory_space<vmem>>) semaphore(%run_scoped3A : memref<!tpu.dma_semaphore, #tpu.memory_space<semaphore_mem>>)
          %dma_wait3A = arith.constant 0 : i32
          %dma_wait3A_115 = arith.constant 0 : i32
          %dma_wait3A_116 = tpu.memref_slice %arg2[%dma_wait3A, %dma_wait3A_115] : memref<10240x128xf32, #tpu.memory_space<hbm>> -> memref<10240x128xf32, #tpu.memory_space<hbm>>
          tpu.wait_indirect_dma semaphore(%run_scoped3A : memref<!tpu.dma_semaphore, #tpu.memory_space<semaphore_mem>>) src(%dma_wait3A_116 : memref<10240x128xf32, #tpu.memory_space<hbm>>) dst(%arg10 : memref<80x128xf32, #tpu.memory_space<vmem>>)
          tpu.yield
        }) : () -> ()
      } else {
      }
      %eq3A_108 = arith.constant 1 : i32
      %eq3A_109 = arith.cmpi eq, %arg0, %eq3A_108 : i32
      %convert_element_type3A_110 = arith.extui %eq3A_109 : i1 to i32
      %cond3A_111 = arith.constant 0 : i32
      %cond3A_112 = arith.cmpi ne, %convert_element_type3A_110, %cond3A_111 : i32
      scf.if %cond3A_112 {
        "tpu.region"() ({
          %run_scoped3A = tpu.sem_alloc : memref<!tpu.dma_semaphore, #tpu.memory_space<semaphore_mem>>
          %dma_start3A = arith.constant 0 : i32
          %dma_start3A_113 = arith.constant 0 : i32
          %dma_start3A_114 = tpu.memref_slice %arg3[%dma_start3A, %dma_start3A_113] : memref<10240x128xf32, #tpu.memory_space<hbm>> -> memref<10240x128xf32, #tpu.memory_space<hbm>>
          tpu.enqueue_indirect_dma source(%dma_start3A_114 : memref<10240x128xf32, #tpu.memory_space<hbm>>) target(%arg10 : memref<80x128xf32, #tpu.memory_space<vmem>>) offsets(%arg8 : memref<80xi32, #tpu.memory_space<vmem>>) semaphore(%run_scoped3A : memref<!tpu.dma_semaphore, #tpu.memory_space<semaphore_mem>>)
          %dma_wait3A = arith.constant 0 : i32
          %dma_wait3A_115 = arith.constant 0 : i32
          %dma_wait3A_116 = tpu.memref_slice %arg3[%dma_wait3A, %dma_wait3A_115] : memref<10240x128xf32, #tpu.memory_space<hbm>> -> memref<10240x128xf32, #tpu.memory_space<hbm>>
          tpu.wait_indirect_dma semaphore(%run_scoped3A : memref<!tpu.dma_semaphore, #tpu.memory_space<semaphore_mem>>) src(%dma_wait3A_116 : memref<10240x128xf32, #tpu.memory_space<hbm>>) dst(%arg10 : memref<80x128xf32, #tpu.memory_space<vmem>>)
          tpu.yield
        }) : () -> ()
      } else {
      }
      "tpu.region"() ({
        %run_scoped3A = tpu.sem_alloc : memref<!tpu.dma_semaphore, #tpu.memory_space<semaphore_mem>>
        %dma_start3A = arith.constant 0 : i32
        %dma_start3A_113 = arith.constant 0 : i32
        %dma_start3A_114 = tpu.memref_slice %arg12[%dma_start3A, %dma_start3A_113] : memref<10240x128xf32, #tpu.memory_space<vmem_shared>> -> memref<10240x128xf32, #tpu.memory_space<vmem_shared>>
        tpu.enqueue_indirect_dma source(%arg10 : memref<80x128xf32, #tpu.memory_space<vmem>>) target(%dma_start3A_114 : memref<10240x128xf32, #tpu.memory_space<vmem_shared>>) offsets(%arg9 : memref<80xi32, #tpu.memory_space<vmem>>) semaphore(%run_scoped3A : memref<!tpu.dma_semaphore, #tpu.memory_space<semaphore_mem>>) {add = true}
        %dma_wait3A = arith.constant 0 : i32
        %dma_wait3A_115 = arith.constant 0 : i32
        %dma_wait3A_116 = tpu.memref_slice %arg12[%dma_wait3A, %dma_wait3A_115] : memref<10240x128xf32, #tpu.memory_space<vmem_shared>> -> memref<10240x128xf32, #tpu.memory_space<vmem_shared>>
        tpu.wait_indirect_dma semaphore(%run_scoped3A : memref<!tpu.dma_semaphore, #tpu.memory_space<semaphore_mem>>) src(%arg10 : memref<80x128xf32, #tpu.memory_space<vmem>>) dst(%dma_wait3A_116 : memref<10240x128xf32, #tpu.memory_space<vmem_shared>>)
        tpu.yield
      }) : () -> ()
    }
    %scan3A_30 = arith.constant 250 : i32
    %barrier3A_31 = arith.constant 0 : index
    tpu.barrier barrier_id(%barrier3A_31)
    %mul3A_32 = arith.constant 640 : i32
    %mul3A_33 = arith.muli %arg1, %mul3A_32 : i32
    %add3A_34 = arith.constant 0 : i32
    %add3A_35 = arith.addi %mul3A_33, %add3A_34 : i32
    "tpu.region"() ({
      %run_scoped3A = tpu.sem_alloc : memref<!tpu.dma_semaphore, #tpu.memory_space<semaphore_mem>>
      %dma_start3A = arith.constant 0 : i32
      %dma_start3A_99 = tpu.memref_slice %arg12[%add3A_35, %dma_start3A] : memref<10240x128xf32, #tpu.memory_space<vmem_shared>> -> memref<128x128xf32, #tpu.memory_space<vmem_shared>>
      %dma_start3A_100 = arith.constant 0 : i32
      %dma_start3A_101 = tpu.memref_slice %arg12[%add3A_35, %dma_start3A_100] : memref<10240x128xf32, #tpu.memory_space<vmem_shared>> -> memref<128x128xf32, #tpu.memory_space<vmem_shared>>
      tpu.enqueue_dma source(%dma_start3A_101 : memref<128x128xf32, #tpu.memory_space<vmem_shared>>) target(%arg11 : memref<128x128xf32, #tpu.memory_space<vmem>>) target_semaphore(%run_scoped3A : memref<!tpu.dma_semaphore, #tpu.memory_space<semaphore_mem>>)
      %dma_wait3A = arith.constant 0 : i32
      %dma_wait3A_102 = tpu.memref_slice %arg12[%add3A_35, %dma_wait3A] : memref<10240x128xf32, #tpu.memory_space<vmem_shared>> -> memref<128x128xf32, #tpu.memory_space<vmem_shared>>
      %dma_wait3A_103 = arith.constant 0 : i32
      %dma_wait3A_104 = tpu.memref_slice %arg12[%add3A_35, %dma_wait3A_103] : memref<10240x128xf32, #tpu.memory_space<vmem_shared>> -> memref<128x128xf32, #tpu.memory_space<vmem_shared>>
      tpu.wait_dma2 semaphore(%run_scoped3A : memref<!tpu.dma_semaphore, #tpu.memory_space<semaphore_mem>>) src(%dma_wait3A_104 : memref<128x128xf32, #tpu.memory_space<vmem_shared>>) dst(%arg11 : memref<128x128xf32, #tpu.memory_space<vmem>>)
      tpu.yield
    }) : () -> ()
    %eq3A = arith.constant 0 : i32
    %eq3A_36 = arith.cmpi eq, %arg0, %eq3A : i32
    %convert_element_type3A = arith.extui %eq3A_36 : i1 to i32
    %cond3A = arith.constant 0 : i32
    %cond3A_37 = arith.cmpi ne, %convert_element_type3A, %cond3A : i32
    scf.if %cond3A_37 {
      "tpu.region"() ({
        %run_scoped3A = tpu.sem_alloc : memref<!tpu.dma_semaphore, #tpu.memory_space<semaphore_mem>>
        %dma_start3A = arith.constant 0 : i32
        %dma_start3A_99 = tpu.memref_slice %arg6[%add3A_35, %dma_start3A] : memref<10240x128xf32, #tpu.memory_space<hbm>> -> memref<128x128xf32, #tpu.memory_space<hbm>>
        %dma_start3A_100 = arith.constant 0 : i32
        %dma_start3A_101 = tpu.memref_slice %arg6[%add3A_35, %dma_start3A_100] : memref<10240x128xf32, #tpu.memory_space<hbm>> -> memref<128x128xf32, #tpu.memory_space<hbm>>
        tpu.enqueue_dma source(%arg11 : memref<128x128xf32, #tpu.memory_space<vmem>>) target(%dma_start3A_101 : memref<128x128xf32, #tpu.memory_space<hbm>>) target_semaphore(%run_scoped3A : memref<!tpu.dma_semaphore, #tpu.memory_space<semaphore_mem>>)
        %dma_wait3A = arith.constant 0 : i32
        %dma_wait3A_102 = tpu.memref_slice %arg6[%add3A_35, %dma_wait3A] : memref<10240x128xf32, #tpu.memory_space<hbm>> -> memref<128x128xf32, #tpu.memory_space<hbm>>
        %dma_wait3A_103 = arith.constant 0 : i32
        %dma_wait3A_104 = tpu.memref_slice %arg6[%add3A_35, %dma_wait3A_103] : memref<10240x128xf32, #tpu.memory_space<hbm>> -> memref<128x128xf32, #tpu.memory_space<hbm>>
        tpu.wait_dma2 semaphore(%run_scoped3A : memref<!tpu.dma_semaphore, #tpu.memory_space<semaphore_mem>>) src(%arg11 : memref<128x128xf32, #tpu.memory_space<vmem>>) dst(%dma_wait3A_104 : memref<128x128xf32, #tpu.memory_space<hbm>>)
        tpu.yield
      }) : () -> ()
    } else {
    }
    %eq3A_38 = arith.constant 1 : i32
    %eq3A_39 = arith.cmpi eq, %arg0, %eq3A_38 : i32
    %convert_element_type3A_40 = arith.extui %eq3A_39 : i1 to i32
    %cond3A_41 = arith.constant 0 : i32
    %cond3A_42 = arith.cmpi ne, %convert_element_type3A_40, %cond3A_41 : i32
    scf.if %cond3A_42 {
      "tpu.region"() ({
        %run_scoped3A = tpu.sem_alloc : memref<!tpu.dma_semaphore, #tpu.memory_space<semaphore_mem>>
        %dma_start3A = arith.constant 0 : i32
        %dma_start3A_99 = tpu.memref_slice %arg7[%add3A_35, %dma_start3A] : memref<10240x128xf32, #tpu.memory_space<hbm>> -> memref<128x128xf32, #tpu.memory_space<hbm>>
        %dma_start3A_100 = arith.constant 0 : i32
        %dma_start3A_101 = tpu.memref_slice %arg7[%add3A_35, %dma_start3A_100] : memref<10240x128xf32, #tpu.memory_space<hbm>> -> memref<128x128xf32, #tpu.memory_space<hbm>>
        tpu.enqueue_dma source(%arg11 : memref<128x128xf32, #tpu.memory_space<vmem>>) target(%dma_start3A_101 : memref<128x128xf32, #tpu.memory_space<hbm>>) target_semaphore(%run_scoped3A : memref<!tpu.dma_semaphore, #tpu.memory_space<semaphore_mem>>)
        %dma_wait3A = arith.constant 0 : i32
        %dma_wait3A_102 = tpu.memref_slice %arg7[%add3A_35, %dma_wait3A] : memref<10240x128xf32, #tpu.memory_space<hbm>> -> memref<128x128xf32, #tpu.memory_space<hbm>>
        %dma_wait3A_103 = arith.constant 0 : i32
        %dma_wait3A_104 = tpu.memref_slice %arg7[%add3A_35, %dma_wait3A_103] : memref<10240x128xf32, #tpu.memory_space<hbm>> -> memref<128x128xf32, #tpu.memory_space<hbm>>
        tpu.wait_dma2 semaphore(%run_scoped3A : memref<!tpu.dma_semaphore, #tpu.memory_space<semaphore_mem>>) src(%arg11 : memref<128x128xf32, #tpu.memory_space<vmem>>) dst(%dma_wait3A_104 : memref<128x128xf32, #tpu.memory_space<hbm>>)
        tpu.yield
      }) : () -> ()
    } else {
    }
    %mul3A_43 = arith.constant 640 : i32
    %mul3A_44 = arith.muli %arg1, %mul3A_43 : i32
    %add3A_45 = arith.constant 128 : i32
    %add3A_46 = arith.addi %mul3A_44, %add3A_45 : i32
    "tpu.region"() ({
      %run_scoped3A = tpu.sem_alloc : memref<!tpu.dma_semaphore, #tpu.memory_space<semaphore_mem>>
      %dma_start3A = arith.constant 0 : i32
      %dma_start3A_99 = tpu.memref_slice %arg12[%add3A_46, %dma_start3A] : memref<10240x128xf32, #tpu.memory_space<vmem_shared>> -> memref<128x128xf32, #tpu.memory_space<vmem_shared>>
      %dma_start3A_100 = arith.constant 0 : i32
      %dma_start3A_101 = tpu.memref_slice %arg12[%add3A_46, %dma_start3A_100] : memref<10240x128xf32, #tpu.memory_space<vmem_shared>> -> memref<128x128xf32, #tpu.memory_space<vmem_shared>>
      tpu.enqueue_dma source(%dma_start3A_101 : memref<128x128xf32, #tpu.memory_space<vmem_shared>>) target(%arg11 : memref<128x128xf32, #tpu.memory_space<vmem>>) target_semaphore(%run_scoped3A : memref<!tpu.dma_semaphore, #tpu.memory_space<semaphore_mem>>)
      %dma_wait3A = arith.constant 0 : i32
      %dma_wait3A_102 = tpu.memref_slice %arg12[%add3A_46, %dma_wait3A] : memref<10240x128xf32, #tpu.memory_space<vmem_shared>> -> memref<128x128xf32, #tpu.memory_space<vmem_shared>>
      %dma_wait3A_103 = arith.constant 0 : i32
      %dma_wait3A_104 = tpu.memref_slice %arg12[%add3A_46, %dma_wait3A_103] : memref<10240x128xf32, #tpu.memory_space<vmem_shared>> -> memref<128x128xf32, #tpu.memory_space<vmem_shared>>
      tpu.wait_dma2 semaphore(%run_scoped3A : memref<!tpu.dma_semaphore, #tpu.memory_space<semaphore_mem>>) src(%dma_wait3A_104 : memref<128x128xf32, #tpu.memory_space<vmem_shared>>) dst(%arg11 : memref<128x128xf32, #tpu.memory_space<vmem>>)
      tpu.yield
    }) : () -> ()
    %eq3A_47 = arith.constant 0 : i32
    %eq3A_48 = arith.cmpi eq, %arg0, %eq3A_47 : i32
    %convert_element_type3A_49 = arith.extui %eq3A_48 : i1 to i32
    %cond3A_50 = arith.constant 0 : i32
    %cond3A_51 = arith.cmpi ne, %convert_element_type3A_49, %cond3A_50 : i32
    scf.if %cond3A_51 {
      "tpu.region"() ({
        %run_scoped3A = tpu.sem_alloc : memref<!tpu.dma_semaphore, #tpu.memory_space<semaphore_mem>>
        %dma_start3A = arith.constant 0 : i32
        %dma_start3A_99 = tpu.memref_slice %arg6[%add3A_46, %dma_start3A] : memref<10240x128xf32, #tpu.memory_space<hbm>> -> memref<128x128xf32, #tpu.memory_space<hbm>>
        %dma_start3A_100 = arith.constant 0 : i32
        %dma_start3A_101 = tpu.memref_slice %arg6[%add3A_46, %dma_start3A_100] : memref<10240x128xf32, #tpu.memory_space<hbm>> -> memref<128x128xf32, #tpu.memory_space<hbm>>
        tpu.enqueue_dma source(%arg11 : memref<128x128xf32, #tpu.memory_space<vmem>>) target(%dma_start3A_101 : memref<128x128xf32, #tpu.memory_space<hbm>>) target_semaphore(%run_scoped3A : memref<!tpu.dma_semaphore, #tpu.memory_space<semaphore_mem>>)
        %dma_wait3A = arith.constant 0 : i32
        %dma_wait3A_102 = tpu.memref_slice %arg6[%add3A_46, %dma_wait3A] : memref<10240x128xf32, #tpu.memory_space<hbm>> -> memref<128x128xf32, #tpu.memory_space<hbm>>
        %dma_wait3A_103 = arith.constant 0 : i32
        %dma_wait3A_104 = tpu.memref_slice %arg6[%add3A_46, %dma_wait3A_103] : memref<10240x128xf32, #tpu.memory_space<hbm>> -> memref<128x128xf32, #tpu.memory_space<hbm>>
        tpu.wait_dma2 semaphore(%run_scoped3A : memref<!tpu.dma_semaphore, #tpu.memory_space<semaphore_mem>>) src(%arg11 : memref<128x128xf32, #tpu.memory_space<vmem>>) dst(%dma_wait3A_104 : memref<128x128xf32, #tpu.memory_space<hbm>>)
        tpu.yield
      }) : () -> ()
    } else {
    }
    %eq3A_52 = arith.constant 1 : i32
    %eq3A_53 = arith.cmpi eq, %arg0, %eq3A_52 : i32
    %convert_element_type3A_54 = arith.extui %eq3A_53 : i1 to i32
    %cond3A_55 = arith.constant 0 : i32
    %cond3A_56 = arith.cmpi ne, %convert_element_type3A_54, %cond3A_55 : i32
    scf.if %cond3A_56 {
      "tpu.region"() ({
        %run_scoped3A = tpu.sem_alloc : memref<!tpu.dma_semaphore, #tpu.memory_space<semaphore_mem>>
        %dma_start3A = arith.constant 0 : i32
        %dma_start3A_99 = tpu.memref_slice %arg7[%add3A_46, %dma_start3A] : memref<10240x128xf32, #tpu.memory_space<hbm>> -> memref<128x128xf32, #tpu.memory_space<hbm>>
        %dma_start3A_100 = arith.constant 0 : i32
        %dma_start3A_101 = tpu.memref_slice %arg7[%add3A_46, %dma_start3A_100] : memref<10240x128xf32, #tpu.memory_space<hbm>> -> memref<128x128xf32, #tpu.memory_space<hbm>>
        tpu.enqueue_dma source(%arg11 : memref<128x128xf32, #tpu.memory_space<vmem>>) target(%dma_start3A_101 : memref<128x128xf32, #tpu.memory_space<hbm>>) target_semaphore(%run_scoped3A : memref<!tpu.dma_semaphore, #tpu.memory_space<semaphore_mem>>)
        %dma_wait3A = arith.constant 0 : i32
        %dma_wait3A_102 = tpu.memref_slice %arg7[%add3A_46, %dma_wait3A] : memref<10240x128xf32, #tpu.memory_space<hbm>> -> memref<128x128xf32, #tpu.memory_space<hbm>>
        %dma_wait3A_103 = arith.constant 0 : i32
        %dma_wait3A_104 = tpu.memref_slice %arg7[%add3A_46, %dma_wait3A_103] : memref<10240x128xf32, #tpu.memory_space<hbm>> -> memref<128x128xf32, #tpu.memory_space<hbm>>
        tpu.wait_dma2 semaphore(%run_scoped3A : memref<!tpu.dma_semaphore, #tpu.memory_space<semaphore_mem>>) src(%arg11 : memref<128x128xf32, #tpu.memory_space<vmem>>) dst(%dma_wait3A_104 : memref<128x128xf32, #tpu.memory_space<hbm>>)
        tpu.yield
      }) : () -> ()
    } else {
    }
    %mul3A_57 = arith.constant 640 : i32
    %mul3A_58 = arith.muli %arg1, %mul3A_57 : i32
    %add3A_59 = arith.constant 256 : i32
    %add3A_60 = arith.addi %mul3A_58, %add3A_59 : i32
    "tpu.region"() ({
      %run_scoped3A = tpu.sem_alloc : memref<!tpu.dma_semaphore, #tpu.memory_space<semaphore_mem>>
      %dma_start3A = arith.constant 0 : i32
      %dma_start3A_99 = tpu.memref_slice %arg12[%add3A_60, %dma_start3A] : memref<10240x128xf32, #tpu.memory_space<vmem_shared>> -> memref<128x128xf32, #tpu.memory_space<vmem_shared>>
      %dma_start3A_100 = arith.constant 0 : i32
      %dma_start3A_101 = tpu.memref_slice %arg12[%add3A_60, %dma_start3A_100] : memref<10240x128xf32, #tpu.memory_space<vmem_shared>> -> memref<128x128xf32, #tpu.memory_space<vmem_shared>>
      tpu.enqueue_dma source(%dma_start3A_101 : memref<128x128xf32, #tpu.memory_space<vmem_shared>>) target(%arg11 : memref<128x128xf32, #tpu.memory_space<vmem>>) target_semaphore(%run_scoped3A : memref<!tpu.dma_semaphore, #tpu.memory_space<semaphore_mem>>)
      %dma_wait3A = arith.constant 0 : i32
      %dma_wait3A_102 = tpu.memref_slice %arg12[%add3A_60, %dma_wait3A] : memref<10240x128xf32, #tpu.memory_space<vmem_shared>> -> memref<128x128xf32, #tpu.memory_space<vmem_shared>>
      %dma_wait3A_103 = arith.constant 0 : i32
      %dma_wait3A_104 = tpu.memref_slice %arg12[%add3A_60, %dma_wait3A_103] : memref<10240x128xf32, #tpu.memory_space<vmem_shared>> -> memref<128x128xf32, #tpu.memory_space<vmem_shared>>
      tpu.wait_dma2 semaphore(%run_scoped3A : memref<!tpu.dma_semaphore, #tpu.memory_space<semaphore_mem>>) src(%dma_wait3A_104 : memref<128x128xf32, #tpu.memory_space<vmem_shared>>) dst(%arg11 : memref<128x128xf32, #tpu.memory_space<vmem>>)
      tpu.yield
    }) : () -> ()
    %eq3A_61 = arith.constant 0 : i32
    %eq3A_62 = arith.cmpi eq, %arg0, %eq3A_61 : i32
    %convert_element_type3A_63 = arith.extui %eq3A_62 : i1 to i32
    %cond3A_64 = arith.constant 0 : i32
    %cond3A_65 = arith.cmpi ne, %convert_element_type3A_63, %cond3A_64 : i32
    scf.if %cond3A_65 {
      "tpu.region"() ({
        %run_scoped3A = tpu.sem_alloc : memref<!tpu.dma_semaphore, #tpu.memory_space<semaphore_mem>>
        %dma_start3A = arith.constant 0 : i32
        %dma_start3A_99 = tpu.memref_slice %arg6[%add3A_60, %dma_start3A] : memref<10240x128xf32, #tpu.memory_space<hbm>> -> memref<128x128xf32, #tpu.memory_space<hbm>>
        %dma_start3A_100 = arith.constant 0 : i32
        %dma_start3A_101 = tpu.memref_slice %arg6[%add3A_60, %dma_start3A_100] : memref<10240x128xf32, #tpu.memory_space<hbm>> -> memref<128x128xf32, #tpu.memory_space<hbm>>
        tpu.enqueue_dma source(%arg11 : memref<128x128xf32, #tpu.memory_space<vmem>>) target(%dma_start3A_101 : memref<128x128xf32, #tpu.memory_space<hbm>>) target_semaphore(%run_scoped3A : memref<!tpu.dma_semaphore, #tpu.memory_space<semaphore_mem>>)
        %dma_wait3A = arith.constant 0 : i32
        %dma_wait3A_102 = tpu.memref_slice %arg6[%add3A_60, %dma_wait3A] : memref<10240x128xf32, #tpu.memory_space<hbm>> -> memref<128x128xf32, #tpu.memory_space<hbm>>
        %dma_wait3A_103 = arith.constant 0 : i32
        %dma_wait3A_104 = tpu.memref_slice %arg6[%add3A_60, %dma_wait3A_103] : memref<10240x128xf32, #tpu.memory_space<hbm>> -> memref<128x128xf32, #tpu.memory_space<hbm>>
        tpu.wait_dma2 semaphore(%run_scoped3A : memref<!tpu.dma_semaphore, #tpu.memory_space<semaphore_mem>>) src(%arg11 : memref<128x128xf32, #tpu.memory_space<vmem>>) dst(%dma_wait3A_104 : memref<128x128xf32, #tpu.memory_space<hbm>>)
        tpu.yield
      }) : () -> ()
    } else {
    }
    %eq3A_66 = arith.constant 1 : i32
    %eq3A_67 = arith.cmpi eq, %arg0, %eq3A_66 : i32
    %convert_element_type3A_68 = arith.extui %eq3A_67 : i1 to i32
    %cond3A_69 = arith.constant 0 : i32
    %cond3A_70 = arith.cmpi ne, %convert_element_type3A_68, %cond3A_69 : i32
    scf.if %cond3A_70 {
      "tpu.region"() ({
        %run_scoped3A = tpu.sem_alloc : memref<!tpu.dma_semaphore, #tpu.memory_space<semaphore_mem>>
        %dma_start3A = arith.constant 0 : i32
        %dma_start3A_99 = tpu.memref_slice %arg7[%add3A_60, %dma_start3A] : memref<10240x128xf32, #tpu.memory_space<hbm>> -> memref<128x128xf32, #tpu.memory_space<hbm>>
        %dma_start3A_100 = arith.constant 0 : i32
        %dma_start3A_101 = tpu.memref_slice %arg7[%add3A_60, %dma_start3A_100] : memref<10240x128xf32, #tpu.memory_space<hbm>> -> memref<128x128xf32, #tpu.memory_space<hbm>>
        tpu.enqueue_dma source(%arg11 : memref<128x128xf32, #tpu.memory_space<vmem>>) target(%dma_start3A_101 : memref<128x128xf32, #tpu.memory_space<hbm>>) target_semaphore(%run_scoped3A : memref<!tpu.dma_semaphore, #tpu.memory_space<semaphore_mem>>)
        %dma_wait3A = arith.constant 0 : i32
        %dma_wait3A_102 = tpu.memref_slice %arg7[%add3A_60, %dma_wait3A] : memref<10240x128xf32, #tpu.memory_space<hbm>> -> memref<128x128xf32, #tpu.memory_space<hbm>>
        %dma_wait3A_103 = arith.constant 0 : i32
        %dma_wait3A_104 = tpu.memref_slice %arg7[%add3A_60, %dma_wait3A_103] : memref<10240x128xf32, #tpu.memory_space<hbm>> -> memref<128x128xf32, #tpu.memory_space<hbm>>
        tpu.wait_dma2 semaphore(%run_scoped3A : memref<!tpu.dma_semaphore, #tpu.memory_space<semaphore_mem>>) src(%arg11 : memref<128x128xf32, #tpu.memory_space<vmem>>) dst(%dma_wait3A_104 : memref<128x128xf32, #tpu.memory_space<hbm>>)
        tpu.yield
      }) : () -> ()
    } else {
    }
    %mul3A_71 = arith.constant 640 : i32
    %mul3A_72 = arith.muli %arg1, %mul3A_71 : i32
    %add3A_73 = arith.constant 384 : i32
    %add3A_74 = arith.addi %mul3A_72, %add3A_73 : i32
    "tpu.region"() ({
      %run_scoped3A = tpu.sem_alloc : memref<!tpu.dma_semaphore, #tpu.memory_space<semaphore_mem>>
      %dma_start3A = arith.constant 0 : i32
      %dma_start3A_99 = tpu.memref_slice %arg12[%add3A_74, %dma_start3A] : memref<10240x128xf32, #tpu.memory_space<vmem_shared>> -> memref<128x128xf32, #tpu.memory_space<vmem_shared>>
      %dma_start3A_100 = arith.constant 0 : i32
      %dma_start3A_101 = tpu.memref_slice %arg12[%add3A_74, %dma_start3A_100] : memref<10240x128xf32, #tpu.memory_space<vmem_shared>> -> memref<128x128xf32, #tpu.memory_space<vmem_shared>>
      tpu.enqueue_dma source(%dma_start3A_101 : memref<128x128xf32, #tpu.memory_space<vmem_shared>>) target(%arg11 : memref<128x128xf32, #tpu.memory_space<vmem>>) target_semaphore(%run_scoped3A : memref<!tpu.dma_semaphore, #tpu.memory_space<semaphore_mem>>)
      %dma_wait3A = arith.constant 0 : i32
      %dma_wait3A_102 = tpu.memref_slice %arg12[%add3A_74, %dma_wait3A] : memref<10240x128xf32, #tpu.memory_space<vmem_shared>> -> memref<128x128xf32, #tpu.memory_space<vmem_shared>>
      %dma_wait3A_103 = arith.constant 0 : i32
      %dma_wait3A_104 = tpu.memref_slice %arg12[%add3A_74, %dma_wait3A_103] : memref<10240x128xf32, #tpu.memory_space<vmem_shared>> -> memref<128x128xf32, #tpu.memory_space<vmem_shared>>
      tpu.wait_dma2 semaphore(%run_scoped3A : memref<!tpu.dma_semaphore, #tpu.memory_space<semaphore_mem>>) src(%dma_wait3A_104 : memref<128x128xf32, #tpu.memory_space<vmem_shared>>) dst(%arg11 : memref<128x128xf32, #tpu.memory_space<vmem>>)
      tpu.yield
    }) : () -> ()
    %eq3A_75 = arith.constant 0 : i32
    %eq3A_76 = arith.cmpi eq, %arg0, %eq3A_75 : i32
    %convert_element_type3A_77 = arith.extui %eq3A_76 : i1 to i32
    %cond3A_78 = arith.constant 0 : i32
    %cond3A_79 = arith.cmpi ne, %convert_element_type3A_77, %cond3A_78 : i32
    scf.if %cond3A_79 {
      "tpu.region"() ({
        %run_scoped3A = tpu.sem_alloc : memref<!tpu.dma_semaphore, #tpu.memory_space<semaphore_mem>>
        %dma_start3A = arith.constant 0 : i32
        %dma_start3A_99 = tpu.memref_slice %arg6[%add3A_74, %dma_start3A] : memref<10240x128xf32, #tpu.memory_space<hbm>> -> memref<128x128xf32, #tpu.memory_space<hbm>>
        %dma_start3A_100 = arith.constant 0 : i32
        %dma_start3A_101 = tpu.memref_slice %arg6[%add3A_74, %dma_start3A_100] : memref<10240x128xf32, #tpu.memory_space<hbm>> -> memref<128x128xf32, #tpu.memory_space<hbm>>
        tpu.enqueue_dma source(%arg11 : memref<128x128xf32, #tpu.memory_space<vmem>>) target(%dma_start3A_101 : memref<128x128xf32, #tpu.memory_space<hbm>>) target_semaphore(%run_scoped3A : memref<!tpu.dma_semaphore, #tpu.memory_space<semaphore_mem>>)
        %dma_wait3A = arith.constant 0 : i32
        %dma_wait3A_102 = tpu.memref_slice %arg6[%add3A_74, %dma_wait3A] : memref<10240x128xf32, #tpu.memory_space<hbm>> -> memref<128x128xf32, #tpu.memory_space<hbm>>
        %dma_wait3A_103 = arith.constant 0 : i32
        %dma_wait3A_104 = tpu.memref_slice %arg6[%add3A_74, %dma_wait3A_103] : memref<10240x128xf32, #tpu.memory_space<hbm>> -> memref<128x128xf32, #tpu.memory_space<hbm>>
        tpu.wait_dma2 semaphore(%run_scoped3A : memref<!tpu.dma_semaphore, #tpu.memory_space<semaphore_mem>>) src(%arg11 : memref<128x128xf32, #tpu.memory_space<vmem>>) dst(%dma_wait3A_104 : memref<128x128xf32, #tpu.memory_space<hbm>>)
        tpu.yield
      }) : () -> ()
    } else {
    }
    %eq3A_80 = arith.constant 1 : i32
    %eq3A_81 = arith.cmpi eq, %arg0, %eq3A_80 : i32
    %convert_element_type3A_82 = arith.extui %eq3A_81 : i1 to i32
    %cond3A_83 = arith.constant 0 : i32
    %cond3A_84 = arith.cmpi ne, %convert_element_type3A_82, %cond3A_83 : i32
    scf.if %cond3A_84 {
      "tpu.region"() ({
        %run_scoped3A = tpu.sem_alloc : memref<!tpu.dma_semaphore, #tpu.memory_space<semaphore_mem>>
        %dma_start3A = arith.constant 0 : i32
        %dma_start3A_99 = tpu.memref_slice %arg7[%add3A_74, %dma_start3A] : memref<10240x128xf32, #tpu.memory_space<hbm>> -> memref<128x128xf32, #tpu.memory_space<hbm>>
        %dma_start3A_100 = arith.constant 0 : i32
        %dma_start3A_101 = tpu.memref_slice %arg7[%add3A_74, %dma_start3A_100] : memref<10240x128xf32, #tpu.memory_space<hbm>> -> memref<128x128xf32, #tpu.memory_space<hbm>>
        tpu.enqueue_dma source(%arg11 : memref<128x128xf32, #tpu.memory_space<vmem>>) target(%dma_start3A_101 : memref<128x128xf32, #tpu.memory_space<hbm>>) target_semaphore(%run_scoped3A : memref<!tpu.dma_semaphore, #tpu.memory_space<semaphore_mem>>)
        %dma_wait3A = arith.constant 0 : i32
        %dma_wait3A_102 = tpu.memref_slice %arg7[%add3A_74, %dma_wait3A] : memref<10240x128xf32, #tpu.memory_space<hbm>> -> memref<128x128xf32, #tpu.memory_space<hbm>>
        %dma_wait3A_103 = arith.constant 0 : i32
        %dma_wait3A_104 = tpu.memref_slice %arg7[%add3A_74, %dma_wait3A_103] : memref<10240x128xf32, #tpu.memory_space<hbm>> -> memref<128x128xf32, #tpu.memory_space<hbm>>
        tpu.wait_dma2 semaphore(%run_scoped3A : memref<!tpu.dma_semaphore, #tpu.memory_space<semaphore_mem>>) src(%arg11 : memref<128x128xf32, #tpu.memory_space<vmem>>) dst(%dma_wait3A_104 : memref<128x128xf32, #tpu.memory_space<hbm>>)
        tpu.yield
      }) : () -> ()
    } else {
    }
    %mul3A_85 = arith.constant 640 : i32
    %mul3A_86 = arith.muli %arg1, %mul3A_85 : i32
    %add3A_87 = arith.constant 512 : i32
    %add3A_88 = arith.addi %mul3A_86, %add3A_87 : i32
    "tpu.region"() ({
      %run_scoped3A = tpu.sem_alloc : memref<!tpu.dma_semaphore, #tpu.memory_space<semaphore_mem>>
      %dma_start3A = arith.constant 0 : i32
      %dma_start3A_99 = tpu.memref_slice %arg12[%add3A_88, %dma_start3A] : memref<10240x128xf32, #tpu.memory_space<vmem_shared>> -> memref<128x128xf32, #tpu.memory_space<vmem_shared>>
      %dma_start3A_100 = arith.constant 0 : i32
      %dma_start3A_101 = tpu.memref_slice %arg12[%add3A_88, %dma_start3A_100] : memref<10240x128xf32, #tpu.memory_space<vmem_shared>> -> memref<128x128xf32, #tpu.memory_space<vmem_shared>>
      tpu.enqueue_dma source(%dma_start3A_101 : memref<128x128xf32, #tpu.memory_space<vmem_shared>>) target(%arg11 : memref<128x128xf32, #tpu.memory_space<vmem>>) target_semaphore(%run_scoped3A : memref<!tpu.dma_semaphore, #tpu.memory_space<semaphore_mem>>)
      %dma_wait3A = arith.constant 0 : i32
      %dma_wait3A_102 = tpu.memref_slice %arg12[%add3A_88, %dma_wait3A] : memref<10240x128xf32, #tpu.memory_space<vmem_shared>> -> memref<128x128xf32, #tpu.memory_space<vmem_shared>>
      %dma_wait3A_103 = arith.constant 0 : i32
      %dma_wait3A_104 = tpu.memref_slice %arg12[%add3A_88, %dma_wait3A_103] : memref<10240x128xf32, #tpu.memory_space<vmem_shared>> -> memref<128x128xf32, #tpu.memory_space<vmem_shared>>
      tpu.wait_dma2 semaphore(%run_scoped3A : memref<!tpu.dma_semaphore, #tpu.memory_space<semaphore_mem>>) src(%dma_wait3A_104 : memref<128x128xf32, #tpu.memory_space<vmem_shared>>) dst(%arg11 : memref<128x128xf32, #tpu.memory_space<vmem>>)
      tpu.yield
    }) : () -> ()
    %eq3A_89 = arith.constant 0 : i32
    %eq3A_90 = arith.cmpi eq, %arg0, %eq3A_89 : i32
    %convert_element_type3A_91 = arith.extui %eq3A_90 : i1 to i32
    %cond3A_92 = arith.constant 0 : i32
    %cond3A_93 = arith.cmpi ne, %convert_element_type3A_91, %cond3A_92 : i32
    scf.if %cond3A_93 {
      "tpu.region"() ({
        %run_scoped3A = tpu.sem_alloc : memref<!tpu.dma_semaphore, #tpu.memory_space<semaphore_mem>>
        %dma_start3A = arith.constant 0 : i32
        %dma_start3A_99 = tpu.memref_slice %arg6[%add3A_88, %dma_start3A] : memref<10240x128xf32, #tpu.memory_space<hbm>> -> memref<128x128xf32, #tpu.memory_space<hbm>>
        %dma_start3A_100 = arith.constant 0 : i32
        %dma_start3A_101 = tpu.memref_slice %arg6[%add3A_88, %dma_start3A_100] : memref<10240x128xf32, #tpu.memory_space<hbm>> -> memref<128x128xf32, #tpu.memory_space<hbm>>
        tpu.enqueue_dma source(%arg11 : memref<128x128xf32, #tpu.memory_space<vmem>>) target(%dma_start3A_101 : memref<128x128xf32, #tpu.memory_space<hbm>>) target_semaphore(%run_scoped3A : memref<!tpu.dma_semaphore, #tpu.memory_space<semaphore_mem>>)
        %dma_wait3A = arith.constant 0 : i32
        %dma_wait3A_102 = tpu.memref_slice %arg6[%add3A_88, %dma_wait3A] : memref<10240x128xf32, #tpu.memory_space<hbm>> -> memref<128x128xf32, #tpu.memory_space<hbm>>
        %dma_wait3A_103 = arith.constant 0 : i32
        %dma_wait3A_104 = tpu.memref_slice %arg6[%add3A_88, %dma_wait3A_103] : memref<10240x128xf32, #tpu.memory_space<hbm>> -> memref<128x128xf32, #tpu.memory_space<hbm>>
        tpu.wait_dma2 semaphore(%run_scoped3A : memref<!tpu.dma_semaphore, #tpu.memory_space<semaphore_mem>>) src(%arg11 : memref<128x128xf32, #tpu.memory_space<vmem>>) dst(%dma_wait3A_104 : memref<128x128xf32, #tpu.memory_space<hbm>>)
        tpu.yield
      }) : () -> ()
    } else {
    }
    %eq3A_94 = arith.constant 1 : i32
    %eq3A_95 = arith.cmpi eq, %arg0, %eq3A_94 : i32
    %convert_element_type3A_96 = arith.extui %eq3A_95 : i1 to i32
    %cond3A_97 = arith.constant 0 : i32
    %cond3A_98 = arith.cmpi ne, %convert_element_type3A_96, %cond3A_97 : i32
    scf.if %cond3A_98 {
      "tpu.region"() ({
        %run_scoped3A = tpu.sem_alloc : memref<!tpu.dma_semaphore, #tpu.memory_space<semaphore_mem>>
        %dma_start3A = arith.constant 0 : i32
        %dma_start3A_99 = tpu.memref_slice %arg7[%add3A_88, %dma_start3A] : memref<10240x128xf32, #tpu.memory_space<hbm>> -> memref<128x128xf32, #tpu.memory_space<hbm>>
        %dma_start3A_100 = arith.constant 0 : i32
        %dma_start3A_101 = tpu.memref_slice %arg7[%add3A_88, %dma_start3A_100] : memref<10240x128xf32, #tpu.memory_space<hbm>> -> memref<128x128xf32, #tpu.memory_space<hbm>>
        tpu.enqueue_dma source(%arg11 : memref<128x128xf32, #tpu.memory_space<vmem>>) target(%dma_start3A_101 : memref<128x128xf32, #tpu.memory_space<hbm>>) target_semaphore(%run_scoped3A : memref<!tpu.dma_semaphore, #tpu.memory_space<semaphore_mem>>)
        %dma_wait3A = arith.constant 0 : i32
        %dma_wait3A_102 = tpu.memref_slice %arg7[%add3A_88, %dma_wait3A] : memref<10240x128xf32, #tpu.memory_space<hbm>> -> memref<128x128xf32, #tpu.memory_space<hbm>>
        %dma_wait3A_103 = arith.constant 0 : i32
        %dma_wait3A_104 = tpu.memref_slice %arg7[%add3A_88, %dma_wait3A_103] : memref<10240x128xf32, #tpu.memory_space<hbm>> -> memref<128x128xf32, #tpu.memory_space<hbm>>
        tpu.wait_dma2 semaphore(%run_scoped3A : memref<!tpu.dma_semaphore, #tpu.memory_space<semaphore_mem>>) src(%arg11 : memref<128x128xf32, #tpu.memory_space<vmem>>) dst(%dma_wait3A_104 : memref<128x128xf32, #tpu.memory_space<hbm>>)
        tpu.yield
      }) : () -> ()
    } else {
    }
    return
  }
}

#map = affine_map<(d0, d1) -> (0)>
module attributes {stable_mosaic.version = 14 : i64} {
  func.func @_counts(%arg0: i32, %arg1: i32, %arg2: memref<320000xi32, #tpu.memory_space<hbm>>, %arg3: memref<320000xi32, #tpu.memory_space<hbm>>, %arg4: memref<10240xf32, #tpu.memory_space<hbm>>, %arg5: memref<10240xf32, #tpu.memory_space<hbm>>, %arg6: memref<80xi32, #tpu.memory_space<vmem>>, %arg7: memref<80xf32, #tpu.memory_space<vmem>>, %arg8: memref<640xf32, #tpu.memory_space<vmem>>, %arg9: memref<10240xf32, #tpu.memory_space<vmem_shared>>) attributes {dimension_semantics = [#tpu.dimension_semantics<core_parallel>, #tpu.dimension_semantics<subcore_parallel>], iteration_bounds = array<i64: 2, 16>, scalar_prefetch = 0 : i64, scratch_operands = 4 : i64, tpu.core_type = #tpu.core_type<sc_vector_subcore>, window_params = [{transform_indices = #map}, {transform_indices = #map}, {transform_indices = #map}, {transform_indices = #map}]} {
    %broadcast_in_dim3A = arith.constant 1.000000e+00 : f32
    %broadcast_in_dim3A_0 = vector.broadcast %broadcast_in_dim3A : f32 to vector<16xf32>
    %swap3A = arith.constant 0 : index
    %swap3A_1 = tpu.vector_load %arg7[%swap3A] {strides = array<i32>} : memref<80xf32, #tpu.memory_space<vmem>>, vector<16xf32>,
    %swap3A_2 = vector.shape_cast %swap3A_1 : vector<16xf32> to vector<16xf32>
    %swap3A_3 = vector.shape_cast %broadcast_in_dim3A_0 : vector<16xf32> to vector<16xf32>
    tpu.vector_store %arg7[%swap3A], %swap3A_3 {strides = array<i32>} : memref<80xf32, #tpu.memory_space<vmem>>, vector<16xf32>,
    %broadcast_in_dim3A_4 = arith.constant 1.000000e+00 : f32
    %broadcast_in_dim3A_5 = vector.broadcast %broadcast_in_dim3A_4 : f32 to vector<16xf32>
    %swap3A_6 = arith.constant 16 : index
    %swap3A_7 = tpu.vector_load %arg7[%swap3A_6] {strides = array<i32>} : memref<80xf32, #tpu.memory_space<vmem>>, vector<16xf32>,
    %swap3A_8 = vector.shape_cast %swap3A_7 : vector<16xf32> to vector<16xf32>
    %swap3A_9 = vector.shape_cast %broadcast_in_dim3A_5 : vector<16xf32> to vector<16xf32>
    tpu.vector_store %arg7[%swap3A_6], %swap3A_9 {strides = array<i32>} : memref<80xf32, #tpu.memory_space<vmem>>, vector<16xf32>,
    %broadcast_in_dim3A_10 = arith.constant 1.000000e+00 : f32
    %broadcast_in_dim3A_11 = vector.broadcast %broadcast_in_dim3A_10 : f32 to vector<16xf32>
    %swap3A_12 = arith.constant 32 : index
    %swap3A_13 = tpu.vector_load %arg7[%swap3A_12] {strides = array<i32>} : memref<80xf32, #tpu.memory_space<vmem>>, vector<16xf32>,
    %swap3A_14 = vector.shape_cast %swap3A_13 : vector<16xf32> to vector<16xf32>
    %swap3A_15 = vector.shape_cast %broadcast_in_dim3A_11 : vector<16xf32> to vector<16xf32>
    tpu.vector_store %arg7[%swap3A_12], %swap3A_15 {strides = array<i32>} : memref<80xf32, #tpu.memory_space<vmem>>, vector<16xf32>,
    %broadcast_in_dim3A_16 = arith.constant 1.000000e+00 : f32
    %broadcast_in_dim3A_17 = vector.broadcast %broadcast_in_dim3A_16 : f32 to vector<16xf32>
    %swap3A_18 = arith.constant 48 : index
    %swap3A_19 = tpu.vector_load %arg7[%swap3A_18] {strides = array<i32>} : memref<80xf32, #tpu.memory_space<vmem>>, vector<16xf32>,
    %swap3A_20 = vector.shape_cast %swap3A_19 : vector<16xf32> to vector<16xf32>
    %swap3A_21 = vector.shape_cast %broadcast_in_dim3A_17 : vector<16xf32> to vector<16xf32>
    tpu.vector_store %arg7[%swap3A_18], %swap3A_21 {strides = array<i32>} : memref<80xf32, #tpu.memory_space<vmem>>, vector<16xf32>,
    %broadcast_in_dim3A_22 = arith.constant 1.000000e+00 : f32
    %broadcast_in_dim3A_23 = vector.broadcast %broadcast_in_dim3A_22 : f32 to vector<16xf32>
    %swap3A_24 = arith.constant 64 : index
    %swap3A_25 = tpu.vector_load %arg7[%swap3A_24] {strides = array<i32>} : memref<80xf32, #tpu.memory_space<vmem>>, vector<16xf32>,
    %swap3A_26 = vector.shape_cast %swap3A_25 : vector<16xf32> to vector<16xf32>
    %swap3A_27 = vector.shape_cast %broadcast_in_dim3A_23 : vector<16xf32> to vector<16xf32>
    tpu.vector_store %arg7[%swap3A_24], %swap3A_27 {strides = array<i32>} : memref<80xf32, #tpu.memory_space<vmem>>, vector<16xf32>,
    %scan3A = arith.constant 0 : i32
    %scan3A_28 = arith.constant 0 : i32
    %scan3A_29 = arith.constant 40 : i32
    %scan3A_30 = arith.addi %scan3A_28, %scan3A_29 : i32
    %scan3A_31 = arith.constant 1 : i32
    scf.for %scan3A_50 = %scan3A_28 to %scan3A_30 step %scan3A_31  : i32 {
      %broadcast_in_dim3A_51 = arith.constant 0.000000e+00 : f32
      %broadcast_in_dim3A_52 = vector.broadcast %broadcast_in_dim3A_51 : f32 to vector<16xf32>
      %mul3A_53 = arith.constant 16 : i32
      %mul3A_54 = arith.muli %scan3A_50, %mul3A_53 : i32
      %swap3A_55 = arith.index_cast %mul3A_54 : i32 to index
      %swap3A_56 = tpu.vector_load %arg8[%swap3A_55] {strides = array<i32>} : memref<640xf32, #tpu.memory_space<vmem>>, vector<16xf32>,
      %swap3A_57 = vector.shape_cast %swap3A_56 : vector<16xf32> to vector<16xf32>
      %swap3A_58 = vector.shape_cast %broadcast_in_dim3A_52 : vector<16xf32> to vector<16xf32>
      tpu.vector_store %arg8[%swap3A_55], %swap3A_58 {strides = array<i32>} : memref<640xf32, #tpu.memory_space<vmem>>, vector<16xf32>,
    }
    %scan3A_32 = arith.constant 40 : i32
    %mul3A = arith.constant 640 : i32
    %mul3A_33 = arith.muli %arg1, %mul3A : i32
    "tpu.region"() ({
      %run_scoped3A = tpu.sem_alloc : memref<!tpu.dma_semaphore, #tpu.memory_space<semaphore_mem>>
      %dma_start3A = tpu.memref_slice %arg9[%mul3A_33] : memref<10240xf32, #tpu.memory_space<vmem_shared>> -> memref<640xf32, #tpu.memory_space<vmem_shared>>
      %dma_start3A_50 = tpu.memref_slice %arg9[%mul3A_33] : memref<10240xf32, #tpu.memory_space<vmem_shared>> -> memref<640xf32, #tpu.memory_space<vmem_shared>>
      tpu.enqueue_dma source(%arg8 : memref<640xf32, #tpu.memory_space<vmem>>) target(%dma_start3A_50 : memref<640xf32, #tpu.memory_space<vmem_shared>>) target_semaphore(%run_scoped3A : memref<!tpu.dma_semaphore, #tpu.memory_space<semaphore_mem>>)
      %dma_wait3A = tpu.memref_slice %arg9[%mul3A_33] : memref<10240xf32, #tpu.memory_space<vmem_shared>> -> memref<640xf32, #tpu.memory_space<vmem_shared>>
      %dma_wait3A_51 = tpu.memref_slice %arg9[%mul3A_33] : memref<10240xf32, #tpu.memory_space<vmem_shared>> -> memref<640xf32, #tpu.memory_space<vmem_shared>>
      tpu.wait_dma2 semaphore(%run_scoped3A : memref<!tpu.dma_semaphore, #tpu.memory_space<semaphore_mem>>) src(%arg8 : memref<640xf32, #tpu.memory_space<vmem>>) dst(%dma_wait3A_51 : memref<640xf32, #tpu.memory_space<vmem_shared>>)
      tpu.yield
    }) : () -> ()
    %barrier3A = arith.constant 0 : index
    tpu.barrier barrier_id(%barrier3A)
    %scan3A_34 = arith.constant 0 : i32
    %scan3A_35 = arith.constant 0 : i32
    %scan3A_36 = arith.constant 250 : i32
    %scan3A_37 = arith.addi %scan3A_35, %scan3A_36 : i32
    %scan3A_38 = arith.constant 1 : i32
    scf.for %scan3A_50 = %scan3A_35 to %scan3A_37 step %scan3A_38  : i32 {
      %mul3A_51 = arith.constant 20000 : i32
      %mul3A_52 = arith.muli %arg1, %mul3A_51 : i32
      %mul3A_53 = arith.constant 80 : i32
      %mul3A_54 = arith.muli %scan3A_50, %mul3A_53 : i32
      %add3A = arith.addi %mul3A_52, %mul3A_54 : i32
      %eq3A_55 = arith.constant 0 : i32
      %eq3A_56 = arith.cmpi eq, %arg0, %eq3A_55 : i32
      %convert_element_type3A_57 = arith.extui %eq3A_56 : i1 to i32
      %cond3A_58 = arith.constant 0 : i32
      %cond3A_59 = arith.cmpi ne, %convert_element_type3A_57, %cond3A_58 : i32
      scf.if %cond3A_59 {
        "tpu.region"() ({
          %run_scoped3A = tpu.sem_alloc : memref<!tpu.dma_semaphore, #tpu.memory_space<semaphore_mem>>
          %dma_start3A = tpu.memref_slice %arg2[%add3A] : memref<320000xi32, #tpu.memory_space<hbm>> -> memref<80xi32, #tpu.memory_space<hbm>>
          %dma_start3A_65 = tpu.memref_slice %arg2[%add3A] : memref<320000xi32, #tpu.memory_space<hbm>> -> memref<80xi32, #tpu.memory_space<hbm>>
          tpu.enqueue_dma source(%dma_start3A_65 : memref<80xi32, #tpu.memory_space<hbm>>) target(%arg6 : memref<80xi32, #tpu.memory_space<vmem>>) target_semaphore(%run_scoped3A : memref<!tpu.dma_semaphore, #tpu.memory_space<semaphore_mem>>)
          %dma_wait3A = tpu.memref_slice %arg2[%add3A] : memref<320000xi32, #tpu.memory_space<hbm>> -> memref<80xi32, #tpu.memory_space<hbm>>
          %dma_wait3A_66 = tpu.memref_slice %arg2[%add3A] : memref<320000xi32, #tpu.memory_space<hbm>> -> memref<80xi32, #tpu.memory_space<hbm>>
          tpu.wait_dma2 semaphore(%run_scoped3A : memref<!tpu.dma_semaphore, #tpu.memory_space<semaphore_mem>>) src(%dma_wait3A_66 : memref<80xi32, #tpu.memory_space<hbm>>) dst(%arg6 : memref<80xi32, #tpu.memory_space<vmem>>)
          tpu.yield
        }) : () -> ()
      } else {
      }
      %eq3A_60 = arith.constant 1 : i32
      %eq3A_61 = arith.cmpi eq, %arg0, %eq3A_60 : i32
      %convert_element_type3A_62 = arith.extui %eq3A_61 : i1 to i32
      %cond3A_63 = arith.constant 0 : i32
      %cond3A_64 = arith.cmpi ne, %convert_element_type3A_62, %cond3A_63 : i32
      scf.if %cond3A_64 {
        "tpu.region"() ({
          %run_scoped3A = tpu.sem_alloc : memref<!tpu.dma_semaphore, #tpu.memory_space<semaphore_mem>>
          %dma_start3A = tpu.memref_slice %arg3[%add3A] : memref<320000xi32, #tpu.memory_space<hbm>> -> memref<80xi32, #tpu.memory_space<hbm>>
          %dma_start3A_65 = tpu.memref_slice %arg3[%add3A] : memref<320000xi32, #tpu.memory_space<hbm>> -> memref<80xi32, #tpu.memory_space<hbm>>
          tpu.enqueue_dma source(%dma_start3A_65 : memref<80xi32, #tpu.memory_space<hbm>>) target(%arg6 : memref<80xi32, #tpu.memory_space<vmem>>) target_semaphore(%run_scoped3A : memref<!tpu.dma_semaphore, #tpu.memory_space<semaphore_mem>>)
          %dma_wait3A = tpu.memref_slice %arg3[%add3A] : memref<320000xi32, #tpu.memory_space<hbm>> -> memref<80xi32, #tpu.memory_space<hbm>>
          %dma_wait3A_66 = tpu.memref_slice %arg3[%add3A] : memref<320000xi32, #tpu.memory_space<hbm>> -> memref<80xi32, #tpu.memory_space<hbm>>
          tpu.wait_dma2 semaphore(%run_scoped3A : memref<!tpu.dma_semaphore, #tpu.memory_space<semaphore_mem>>) src(%dma_wait3A_66 : memref<80xi32, #tpu.memory_space<hbm>>) dst(%arg6 : memref<80xi32, #tpu.memory_space<vmem>>)
          tpu.yield
        }) : () -> ()
      } else {
      }
      "tpu.region"() ({
        %run_scoped3A = tpu.sem_alloc : memref<!tpu.dma_semaphore, #tpu.memory_space<semaphore_mem>>
        %dma_start3A = arith.constant 0 : i32
        %dma_start3A_65 = tpu.memref_slice %arg9[%dma_start3A] : memref<10240xf32, #tpu.memory_space<vmem_shared>> -> memref<10240xf32, #tpu.memory_space<vmem_shared>>
        tpu.enqueue_indirect_dma source(%arg7 : memref<80xf32, #tpu.memory_space<vmem>>) target(%dma_start3A_65 : memref<10240xf32, #tpu.memory_space<vmem_shared>>) offsets(%arg6 : memref<80xi32, #tpu.memory_space<vmem>>) semaphore(%run_scoped3A : memref<!tpu.dma_semaphore, #tpu.memory_space<semaphore_mem>>) {add = true}
        %dma_wait3A = arith.constant 0 : i32
        %dma_wait3A_66 = tpu.memref_slice %arg9[%dma_wait3A] : memref<10240xf32, #tpu.memory_space<vmem_shared>> -> memref<10240xf32, #tpu.memory_space<vmem_shared>>
        tpu.wait_indirect_dma semaphore(%run_scoped3A : memref<!tpu.dma_semaphore, #tpu.memory_space<semaphore_mem>>) src(%arg7 : memref<80xf32, #tpu.memory_space<vmem>>) dst(%dma_wait3A_66 : memref<10240xf32, #tpu.memory_space<vmem_shared>>)
        tpu.yield
      }) : () -> ()
    }
    %scan3A_39 = arith.constant 250 : i32
    %barrier3A_40 = arith.constant 0 : index
    tpu.barrier barrier_id(%barrier3A_40)
    %mul3A_41 = arith.constant 640 : i32
    %mul3A_42 = arith.muli %arg1, %mul3A_41 : i32
    "tpu.region"() ({
      %run_scoped3A = tpu.sem_alloc : memref<!tpu.dma_semaphore, #tpu.memory_space<semaphore_mem>>
      %dma_start3A = tpu.memref_slice %arg9[%mul3A_42] : memref<10240xf32, #tpu.memory_space<vmem_shared>> -> memref<640xf32, #tpu.memory_space<vmem_shared>>
      %dma_start3A_50 = tpu.memref_slice %arg9[%mul3A_42] : memref<10240xf32, #tpu.memory_space<vmem_shared>> -> memref<640xf32, #tpu.memory_space<vmem_shared>>
      tpu.enqueue_dma source(%dma_start3A_50 : memref<640xf32, #tpu.memory_space<vmem_shared>>) target(%arg8 : memref<640xf32, #tpu.memory_space<vmem>>) target_semaphore(%run_scoped3A : memref<!tpu.dma_semaphore, #tpu.memory_space<semaphore_mem>>)
      %dma_wait3A = tpu.memref_slice %arg9[%mul3A_42] : memref<10240xf32, #tpu.memory_space<vmem_shared>> -> memref<640xf32, #tpu.memory_space<vmem_shared>>
      %dma_wait3A_51 = tpu.memref_slice %arg9[%mul3A_42] : memref<10240xf32, #tpu.memory_space<vmem_shared>> -> memref<640xf32, #tpu.memory_space<vmem_shared>>
      tpu.wait_dma2 semaphore(%run_scoped3A : memref<!tpu.dma_semaphore, #tpu.memory_space<semaphore_mem>>) src(%dma_wait3A_51 : memref<640xf32, #tpu.memory_space<vmem_shared>>) dst(%arg8 : memref<640xf32, #tpu.memory_space<vmem>>)
      tpu.yield
    }) : () -> ()
    %eq3A = arith.constant 0 : i32
    %eq3A_43 = arith.cmpi eq, %arg0, %eq3A : i32
    %convert_element_type3A = arith.extui %eq3A_43 : i1 to i32
    %cond3A = arith.constant 0 : i32
    %cond3A_44 = arith.cmpi ne, %convert_element_type3A, %cond3A : i32
    scf.if %cond3A_44 {
      %mul3A_50 = arith.constant 640 : i32
      %mul3A_51 = arith.muli %arg1, %mul3A_50 : i32
      "tpu.region"() ({
        %run_scoped3A = tpu.sem_alloc : memref<!tpu.dma_semaphore, #tpu.memory_space<semaphore_mem>>
        %dma_start3A = tpu.memref_slice %arg4[%mul3A_51] : memref<10240xf32, #tpu.memory_space<hbm>> -> memref<640xf32, #tpu.memory_space<hbm>>
        %dma_start3A_52 = tpu.memref_slice %arg4[%mul3A_51] : memref<10240xf32, #tpu.memory_space<hbm>> -> memref<640xf32, #tpu.memory_space<hbm>>
        tpu.enqueue_dma source(%arg8 : memref<640xf32, #tpu.memory_space<vmem>>) target(%dma_start3A_52 : memref<640xf32, #tpu.memory_space<hbm>>) target_semaphore(%run_scoped3A : memref<!tpu.dma_semaphore, #tpu.memory_space<semaphore_mem>>)
        %dma_wait3A = tpu.memref_slice %arg4[%mul3A_51] : memref<10240xf32, #tpu.memory_space<hbm>> -> memref<640xf32, #tpu.memory_space<hbm>>
        %dma_wait3A_53 = tpu.memref_slice %arg4[%mul3A_51] : memref<10240xf32, #tpu.memory_space<hbm>> -> memref<640xf32, #tpu.memory_space<hbm>>
        tpu.wait_dma2 semaphore(%run_scoped3A : memref<!tpu.dma_semaphore, #tpu.memory_space<semaphore_mem>>) src(%arg8 : memref<640xf32, #tpu.memory_space<vmem>>) dst(%dma_wait3A_53 : memref<640xf32, #tpu.memory_space<hbm>>)
        tpu.yield
      }) : () -> ()
    } else {
    }
    %eq3A_45 = arith.constant 1 : i32
    %eq3A_46 = arith.cmpi eq, %arg0, %eq3A_45 : i32
    %convert_element_type3A_47 = arith.extui %eq3A_46 : i1 to i32
    %cond3A_48 = arith.constant 0 : i32
    %cond3A_49 = arith.cmpi ne, %convert_element_type3A_47, %cond3A_48 : i32
    scf.if %cond3A_49 {
      %mul3A_50 = arith.constant 640 : i32
      %mul3A_51 = arith.muli %arg1, %mul3A_50 : i32
      "tpu.region"() ({
        %run_scoped3A = tpu.sem_alloc : memref<!tpu.dma_semaphore, #tpu.memory_space<semaphore_mem>>
        %dma_start3A = tpu.memref_slice %arg5[%mul3A_51] : memref<10240xf32, #tpu.memory_space<hbm>> -> memref<640xf32, #tpu.memory_space<hbm>>
        %dma_start3A_52 = tpu.memref_slice %arg5[%mul3A_51] : memref<10240xf32, #tpu.memory_space<hbm>> -> memref<640xf32, #tpu.memory_space<hbm>>
        tpu.enqueue_dma source(%arg8 : memref<640xf32, #tpu.memory_space<vmem>>) target(%dma_start3A_52 : memref<640xf32, #tpu.memory_space<hbm>>) target_semaphore(%run_scoped3A : memref<!tpu.dma_semaphore, #tpu.memory_space<semaphore_mem>>)
        %dma_wait3A = tpu.memref_slice %arg5[%mul3A_51] : memref<10240xf32, #tpu.memory_space<hbm>> -> memref<640xf32, #tpu.memory_space<hbm>>
        %dma_wait3A_53 = tpu.memref_slice %arg5[%mul3A_51] : memref<10240xf32, #tpu.memory_space<hbm>> -> memref<640xf32, #tpu.memory_space<hbm>>
        tpu.wait_dma2 semaphore(%run_scoped3A : memref<!tpu.dma_semaphore, #tpu.memory_space<semaphore_mem>>) src(%arg8 : memref<640xf32, #tpu.memory_space<vmem>>) dst(%dma_wait3A_53 : memref<640xf32, #tpu.memory_space<hbm>>)
        tpu.yield
      }) : () -> ()
    } else {
    }
    return
  }
}

#map = affine_map<(d0, d1) -> (0, 0)>
#map1 = affine_map<(d0, d1) -> (0)>
module attributes {stable_mosaic.version = 14 : i64} {
  func.func @ep(%arg0: i32, %arg1: i32, %arg2: memref<10240x128xf32, #tpu.memory_space<hbm>>, %arg3: memref<10240x128xf32, #tpu.memory_space<hbm>>, %arg4: memref<320000xi32, #tpu.memory_space<hbm>>, %arg5: memref<320000xi32, #tpu.memory_space<hbm>>, %arg6: memref<10240x128xf32, #tpu.memory_space<hbm>>, %arg7: memref<10240x128xf32, #tpu.memory_space<hbm>>, %arg8: memref<80xi32, #tpu.memory_space<vmem>>, %arg9: memref<80xi32, #tpu.memory_space<vmem>>, %arg10: memref<80x128xf32, #tpu.memory_space<vmem>>, %arg11: memref<128x128xf32, #tpu.memory_space<vmem>>, %arg12: memref<10240x128xf32, #tpu.memory_space<vmem_shared>>) attributes {dimension_semantics = [#tpu.dimension_semantics<core_parallel>, #tpu.dimension_semantics<subcore_parallel>], iteration_bounds = array<i64: 2, 16>, scalar_prefetch = 0 : i64, scratch_operands = 5 : i64, tpu.core_type = #tpu.core_type<sc_vector_subcore>, window_params = [{transform_indices = #map}, {transform_indices = #map}, {transform_indices = #map1}, {transform_indices = #map1}, {transform_indices = #map}, {transform_indices = #map}]} {
    %scan3A = arith.constant 0 : i32
    %scan3A_0 = arith.constant 0 : i32
    %scan3A_1 = arith.constant 128 : i32
    %scan3A_2 = arith.addi %scan3A_0, %scan3A_1 : i32
    %scan3A_3 = arith.constant 1 : i32
    scf.for %scan3A_102 = %scan3A_0 to %scan3A_2 step %scan3A_3  : i32 {
      %broadcast_in_dim3A = arith.constant 0.000000e+00 : f32
      %broadcast_in_dim3A_103 = vector.broadcast %broadcast_in_dim3A : f32 to vector<16xf32>
      %swap3A = arith.index_cast %scan3A_102 : i32 to index
      %swap3A_104 = arith.constant 0 : index
      %swap3A_105 = tpu.vector_load %arg11[%swap3A, %swap3A_104] {strides = array<i32>} : memref<128x128xf32, #tpu.memory_space<vmem>>, vector<1x16xf32>,
      %swap3A_106 = vector.shape_cast %swap3A_105 : vector<1x16xf32> to vector<16xf32>
      %swap3A_107 = vector.shape_cast %broadcast_in_dim3A_103 : vector<16xf32> to vector<1x16xf32>
      tpu.vector_store %arg11[%swap3A, %swap3A_104], %swap3A_107 {strides = array<i32>} : memref<128x128xf32, #tpu.memory_space<vmem>>, vector<1x16xf32>,
      %broadcast_in_dim3A_108 = arith.constant 0.000000e+00 : f32
      %broadcast_in_dim3A_109 = vector.broadcast %broadcast_in_dim3A_108 : f32 to vector<16xf32>
      %swap3A_110 = arith.index_cast %scan3A_102 : i32 to index
      %swap3A_111 = arith.constant 16 : index
      %swap3A_112 = tpu.vector_load %arg11[%swap3A_110, %swap3A_111] {strides = array<i32>} : memref<128x128xf32, #tpu.memory_space<vmem>>, vector<1x16xf32>,
      %swap3A_113 = vector.shape_cast %swap3A_112 : vector<1x16xf32> to vector<16xf32>
      %swap3A_114 = vector.shape_cast %broadcast_in_dim3A_109 : vector<16xf32> to vector<1x16xf32>
      tpu.vector_store %arg11[%swap3A_110, %swap3A_111], %swap3A_114 {strides = array<i32>} : memref<128x128xf32, #tpu.memory_space<vmem>>, vector<1x16xf32>,
      %broadcast_in_dim3A_115 = arith.constant 0.000000e+00 : f32
      %broadcast_in_dim3A_116 = vector.broadcast %broadcast_in_dim3A_115 : f32 to vector<16xf32>
      %swap3A_117 = arith.index_cast %scan3A_102 : i32 to index
      %swap3A_118 = arith.constant 32 : index
      %swap3A_119 = tpu.vector_load %arg11[%swap3A_117, %swap3A_118] {strides = array<i32>} : memref<128x128xf32, #tpu.memory_space<vmem>>, vector<1x16xf32>,
      %swap3A_120 = vector.shape_cast %swap3A_119 : vector<1x16xf32> to vector<16xf32>
      %swap3A_121 = vector.shape_cast %broadcast_in_dim3A_116 : vector<16xf32> to vector<1x16xf32>
      tpu.vector_store %arg11[%swap3A_117, %swap3A_118], %swap3A_121 {strides = array<i32>} : memref<128x128xf32, #tpu.memory_space<vmem>>, vector<1x16xf32>,
      %broadcast_in_dim3A_122 = arith.constant 0.000000e+00 : f32
      %broadcast_in_dim3A_123 = vector.broadcast %broadcast_in_dim3A_122 : f32 to vector<16xf32>
      %swap3A_124 = arith.index_cast %scan3A_102 : i32 to index
      %swap3A_125 = arith.constant 48 : index
      %swap3A_126 = tpu.vector_load %arg11[%swap3A_124, %swap3A_125] {strides = array<i32>} : memref<128x128xf32, #tpu.memory_space<vmem>>, vector<1x16xf32>,
      %swap3A_127 = vector.shape_cast %swap3A_126 : vector<1x16xf32> to vector<16xf32>
      %swap3A_128 = vector.shape_cast %broadcast_in_dim3A_123 : vector<16xf32> to vector<1x16xf32>
      tpu.vector_store %arg11[%swap3A_124, %swap3A_125], %swap3A_128 {strides = array<i32>} : memref<128x128xf32, #tpu.memory_space<vmem>>, vector<1x16xf32>,
      %broadcast_in_dim3A_129 = arith.constant 0.000000e+00 : f32
      %broadcast_in_dim3A_130 = vector.broadcast %broadcast_in_dim3A_129 : f32 to vector<16xf32>
      %swap3A_131 = arith.index_cast %scan3A_102 : i32 to index
      %swap3A_132 = arith.constant 64 : index
      %swap3A_133 = tpu.vector_load %arg11[%swap3A_131, %swap3A_132] {strides = array<i32>} : memref<128x128xf32, #tpu.memory_space<vmem>>, vector<1x16xf32>,
      %swap3A_134 = vector.shape_cast %swap3A_133 : vector<1x16xf32> to vector<16xf32>
      %swap3A_135 = vector.shape_cast %broadcast_in_dim3A_130 : vector<16xf32> to vector<1x16xf32>
      tpu.vector_store %arg11[%swap3A_131, %swap3A_132], %swap3A_135 {strides = array<i32>} : memref<128x128xf32, #tpu.memory_space<vmem>>, vector<1x16xf32>,
      %broadcast_in_dim3A_136 = arith.constant 0.000000e+00 : f32
      %broadcast_in_dim3A_137 = vector.broadcast %broadcast_in_dim3A_136 : f32 to vector<16xf32>
      %swap3A_138 = arith.index_cast %scan3A_102 : i32 to index
      %swap3A_139 = arith.constant 80 : index
      %swap3A_140 = tpu.vector_load %arg11[%swap3A_138, %swap3A_139] {strides = array<i32>} : memref<128x128xf32, #tpu.memory_space<vmem>>, vector<1x16xf32>,
      %swap3A_141 = vector.shape_cast %swap3A_140 : vector<1x16xf32> to vector<16xf32>
      %swap3A_142 = vector.shape_cast %broadcast_in_dim3A_137 : vector<16xf32> to vector<1x16xf32>
      tpu.vector_store %arg11[%swap3A_138, %swap3A_139], %swap3A_142 {strides = array<i32>} : memref<128x128xf32, #tpu.memory_space<vmem>>, vector<1x16xf32>,
      %broadcast_in_dim3A_143 = arith.constant 0.000000e+00 : f32
      %broadcast_in_dim3A_144 = vector.broadcast %broadcast_in_dim3A_143 : f32 to vector<16xf32>
      %swap3A_145 = arith.index_cast %scan3A_102 : i32 to index
      %swap3A_146 = arith.constant 96 : index
      %swap3A_147 = tpu.vector_load %arg11[%swap3A_145, %swap3A_146] {strides = array<i32>} : memref<128x128xf32, #tpu.memory_space<vmem>>, vector<1x16xf32>,
      %swap3A_148 = vector.shape_cast %swap3A_147 : vector<1x16xf32> to vector<16xf32>
      %swap3A_149 = vector.shape_cast %broadcast_in_dim3A_144 : vector<16xf32> to vector<1x16xf32>
      tpu.vector_store %arg11[%swap3A_145, %swap3A_146], %swap3A_149 {strides = array<i32>} : memref<128x128xf32, #tpu.memory_space<vmem>>, vector<1x16xf32>,
      %broadcast_in_dim3A_150 = arith.constant 0.000000e+00 : f32
      %broadcast_in_dim3A_151 = vector.broadcast %broadcast_in_dim3A_150 : f32 to vector<16xf32>
      %swap3A_152 = arith.index_cast %scan3A_102 : i32 to index
      %swap3A_153 = arith.constant 112 : index
      %swap3A_154 = tpu.vector_load %arg11[%swap3A_152, %swap3A_153] {strides = array<i32>} : memref<128x128xf32, #tpu.memory_space<vmem>>, vector<1x16xf32>,
      %swap3A_155 = vector.shape_cast %swap3A_154 : vector<1x16xf32> to vector<16xf32>
      %swap3A_156 = vector.shape_cast %broadcast_in_dim3A_151 : vector<16xf32> to vector<1x16xf32>
      tpu.vector_store %arg11[%swap3A_152, %swap3A_153], %swap3A_156 {strides = array<i32>} : memref<128x128xf32, #tpu.memory_space<vmem>>, vector<1x16xf32>,
    }
    %scan3A_4 = arith.constant 128 : i32
    %mul3A = arith.constant 640 : i32
    %mul3A_5 = arith.muli %arg1, %mul3A : i32
    %add3A = arith.constant 0 : i32
    %add3A_6 = arith.addi %mul3A_5, %add3A : i32
    "tpu.region"() ({
      %run_scoped3A = tpu.sem_alloc : memref<!tpu.dma_semaphore, #tpu.memory_space<semaphore_mem>>
      %dma_start3A = arith.constant 0 : i32
      %dma_start3A_102 = tpu.memref_slice %arg12[%add3A_6, %dma_start3A] : memref<10240x128xf32, #tpu.memory_space<vmem_shared>> -> memref<128x128xf32, #tpu.memory_space<vmem_shared>>
      %dma_start3A_103 = arith.constant 0 : i32
      %dma_start3A_104 = tpu.memref_slice %arg12[%add3A_6, %dma_start3A_103] : memref<10240x128xf32, #tpu.memory_space<vmem_shared>> -> memref<128x128xf32, #tpu.memory_space<vmem_shared>>
      tpu.enqueue_dma source(%arg11 : memref<128x128xf32, #tpu.memory_space<vmem>>) target(%dma_start3A_104 : memref<128x128xf32, #tpu.memory_space<vmem_shared>>) target_semaphore(%run_scoped3A : memref<!tpu.dma_semaphore, #tpu.memory_space<semaphore_mem>>)
      %dma_wait3A = arith.constant 0 : i32
      %dma_wait3A_105 = tpu.memref_slice %arg12[%add3A_6, %dma_wait3A] : memref<10240x128xf32, #tpu.memory_space<vmem_shared>> -> memref<128x128xf32, #tpu.memory_space<vmem_shared>>
      %dma_wait3A_106 = arith.constant 0 : i32
      %dma_wait3A_107 = tpu.memref_slice %arg12[%add3A_6, %dma_wait3A_106] : memref<10240x128xf32, #tpu.memory_space<vmem_shared>> -> memref<128x128xf32, #tpu.memory_space<vmem_shared>>
      tpu.wait_dma2 semaphore(%run_scoped3A : memref<!tpu.dma_semaphore, #tpu.memory_space<semaphore_mem>>) src(%arg11 : memref<128x128xf32, #tpu.memory_space<vmem>>) dst(%dma_wait3A_107 : memref<128x128xf32, #tpu.memory_space<vmem_shared>>)
      tpu.yield
    }) : () -> ()
    %mul3A_7 = arith.constant 640 : i32
    %mul3A_8 = arith.muli %arg1, %mul3A_7 : i32
    %add3A_9 = arith.constant 128 : i32
    %add3A_10 = arith.addi %mul3A_8, %add3A_9 : i32
    "tpu.region"() ({
      %run_scoped3A = tpu.sem_alloc : memref<!tpu.dma_semaphore, #tpu.memory_space<semaphore_mem>>
      %dma_start3A = arith.constant 0 : i32
      %dma_start3A_102 = tpu.memref_slice %arg12[%add3A_10, %dma_start3A] : memref<10240x128xf32, #tpu.memory_space<vmem_shared>> -> memref<128x128xf32, #tpu.memory_space<vmem_shared>>
      %dma_start3A_103 = arith.constant 0 : i32
      %dma_start3A_104 = tpu.memref_slice %arg12[%add3A_10, %dma_start3A_103] : memref<10240x128xf32, #tpu.memory_space<vmem_shared>> -> memref<128x128xf32, #tpu.memory_space<vmem_shared>>
      tpu.enqueue_dma source(%arg11 : memref<128x128xf32, #tpu.memory_space<vmem>>) target(%dma_start3A_104 : memref<128x128xf32, #tpu.memory_space<vmem_shared>>) target_semaphore(%run_scoped3A : memref<!tpu.dma_semaphore, #tpu.memory_space<semaphore_mem>>)
      %dma_wait3A = arith.constant 0 : i32
      %dma_wait3A_105 = tpu.memref_slice %arg12[%add3A_10, %dma_wait3A] : memref<10240x128xf32, #tpu.memory_space<vmem_shared>> -> memref<128x128xf32, #tpu.memory_space<vmem_shared>>
      %dma_wait3A_106 = arith.constant 0 : i32
      %dma_wait3A_107 = tpu.memref_slice %arg12[%add3A_10, %dma_wait3A_106] : memref<10240x128xf32, #tpu.memory_space<vmem_shared>> -> memref<128x128xf32, #tpu.memory_space<vmem_shared>>
      tpu.wait_dma2 semaphore(%run_scoped3A : memref<!tpu.dma_semaphore, #tpu.memory_space<semaphore_mem>>) src(%arg11 : memref<128x128xf32, #tpu.memory_space<vmem>>) dst(%dma_wait3A_107 : memref<128x128xf32, #tpu.memory_space<vmem_shared>>)
      tpu.yield
    }) : () -> ()
    %mul3A_11 = arith.constant 640 : i32
    %mul3A_12 = arith.muli %arg1, %mul3A_11 : i32
    %add3A_13 = arith.constant 256 : i32
    %add3A_14 = arith.addi %mul3A_12, %add3A_13 : i32
    "tpu.region"() ({
      %run_scoped3A = tpu.sem_alloc : memref<!tpu.dma_semaphore, #tpu.memory_space<semaphore_mem>>
      %dma_start3A = arith.constant 0 : i32
      %dma_start3A_102 = tpu.memref_slice %arg12[%add3A_14, %dma_start3A] : memref<10240x128xf32, #tpu.memory_space<vmem_shared>> -> memref<128x128xf32, #tpu.memory_space<vmem_shared>>
      %dma_start3A_103 = arith.constant 0 : i32
      %dma_start3A_104 = tpu.memref_slice %arg12[%add3A_14, %dma_start3A_103] : memref<10240x128xf32, #tpu.memory_space<vmem_shared>> -> memref<128x128xf32, #tpu.memory_space<vmem_shared>>
      tpu.enqueue_dma source(%arg11 : memref<128x128xf32, #tpu.memory_space<vmem>>) target(%dma_start3A_104 : memref<128x128xf32, #tpu.memory_space<vmem_shared>>) target_semaphore(%run_scoped3A : memref<!tpu.dma_semaphore, #tpu.memory_space<semaphore_mem>>)
      %dma_wait3A = arith.constant 0 : i32
      %dma_wait3A_105 = tpu.memref_slice %arg12[%add3A_14, %dma_wait3A] : memref<10240x128xf32, #tpu.memory_space<vmem_shared>> -> memref<128x128xf32, #tpu.memory_space<vmem_shared>>
      %dma_wait3A_106 = arith.constant 0 : i32
      %dma_wait3A_107 = tpu.memref_slice %arg12[%add3A_14, %dma_wait3A_106] : memref<10240x128xf32, #tpu.memory_space<vmem_shared>> -> memref<128x128xf32, #tpu.memory_space<vmem_shared>>
      tpu.wait_dma2 semaphore(%run_scoped3A : memref<!tpu.dma_semaphore, #tpu.memory_space<semaphore_mem>>) src(%arg11 : memref<128x128xf32, #tpu.memory_space<vmem>>) dst(%dma_wait3A_107 : memref<128x128xf32, #tpu.memory_space<vmem_shared>>)
      tpu.yield
    }) : () -> ()
    %mul3A_15 = arith.constant 640 : i32
    %mul3A_16 = arith.muli %arg1, %mul3A_15 : i32
    %add3A_17 = arith.constant 384 : i32
    %add3A_18 = arith.addi %mul3A_16, %add3A_17 : i32
    "tpu.region"() ({
      %run_scoped3A = tpu.sem_alloc : memref<!tpu.dma_semaphore, #tpu.memory_space<semaphore_mem>>
      %dma_start3A = arith.constant 0 : i32
      %dma_start3A_102 = tpu.memref_slice %arg12[%add3A_18, %dma_start3A] : memref<10240x128xf32, #tpu.memory_space<vmem_shared>> -> memref<128x128xf32, #tpu.memory_space<vmem_shared>>
      %dma_start3A_103 = arith.constant 0 : i32
      %dma_start3A_104 = tpu.memref_slice %arg12[%add3A_18, %dma_start3A_103] : memref<10240x128xf32, #tpu.memory_space<vmem_shared>> -> memref<128x128xf32, #tpu.memory_space<vmem_shared>>
      tpu.enqueue_dma source(%arg11 : memref<128x128xf32, #tpu.memory_space<vmem>>) target(%dma_start3A_104 : memref<128x128xf32, #tpu.memory_space<vmem_shared>>) target_semaphore(%run_scoped3A : memref<!tpu.dma_semaphore, #tpu.memory_space<semaphore_mem>>)
      %dma_wait3A = arith.constant 0 : i32
      %dma_wait3A_105 = tpu.memref_slice %arg12[%add3A_18, %dma_wait3A] : memref<10240x128xf32, #tpu.memory_space<vmem_shared>> -> memref<128x128xf32, #tpu.memory_space<vmem_shared>>
      %dma_wait3A_106 = arith.constant 0 : i32
      %dma_wait3A_107 = tpu.memref_slice %arg12[%add3A_18, %dma_wait3A_106] : memref<10240x128xf32, #tpu.memory_space<vmem_shared>> -> memref<128x128xf32, #tpu.memory_space<vmem_shared>>
      tpu.wait_dma2 semaphore(%run_scoped3A : memref<!tpu.dma_semaphore, #tpu.memory_space<semaphore_mem>>) src(%arg11 : memref<128x128xf32, #tpu.memory_space<vmem>>) dst(%dma_wait3A_107 : memref<128x128xf32, #tpu.memory_space<vmem_shared>>)
      tpu.yield
    }) : () -> ()
    %mul3A_19 = arith.constant 640 : i32
    %mul3A_20 = arith.muli %arg1, %mul3A_19 : i32
    %add3A_21 = arith.constant 512 : i32
    %add3A_22 = arith.addi %mul3A_20, %add3A_21 : i32
    "tpu.region"() ({
      %run_scoped3A = tpu.sem_alloc : memref<!tpu.dma_semaphore, #tpu.memory_space<semaphore_mem>>
      %dma_start3A = arith.constant 0 : i32
      %dma_start3A_102 = tpu.memref_slice %arg12[%add3A_22, %dma_start3A] : memref<10240x128xf32, #tpu.memory_space<vmem_shared>> -> memref<128x128xf32, #tpu.memory_space<vmem_shared>>
      %dma_start3A_103 = arith.constant 0 : i32
      %dma_start3A_104 = tpu.memref_slice %arg12[%add3A_22, %dma_start3A_103] : memref<10240x128xf32, #tpu.memory_space<vmem_shared>> -> memref<128x128xf32, #tpu.memory_space<vmem_shared>>
      tpu.enqueue_dma source(%arg11 : memref<128x128xf32, #tpu.memory_space<vmem>>) target(%dma_start3A_104 : memref<128x128xf32, #tpu.memory_space<vmem_shared>>) target_semaphore(%run_scoped3A : memref<!tpu.dma_semaphore, #tpu.memory_space<semaphore_mem>>)
      %dma_wait3A = arith.constant 0 : i32
      %dma_wait3A_105 = tpu.memref_slice %arg12[%add3A_22, %dma_wait3A] : memref<10240x128xf32, #tpu.memory_space<vmem_shared>> -> memref<128x128xf32, #tpu.memory_space<vmem_shared>>
      %dma_wait3A_106 = arith.constant 0 : i32
      %dma_wait3A_107 = tpu.memref_slice %arg12[%add3A_22, %dma_wait3A_106] : memref<10240x128xf32, #tpu.memory_space<vmem_shared>> -> memref<128x128xf32, #tpu.memory_space<vmem_shared>>
      tpu.wait_dma2 semaphore(%run_scoped3A : memref<!tpu.dma_semaphore, #tpu.memory_space<semaphore_mem>>) src(%arg11 : memref<128x128xf32, #tpu.memory_space<vmem>>) dst(%dma_wait3A_107 : memref<128x128xf32, #tpu.memory_space<vmem_shared>>)
      tpu.yield
    }) : () -> ()
    %barrier3A = arith.constant 0 : index
    tpu.barrier barrier_id(%barrier3A)
    %mul3A_23 = arith.constant 16 : i32
    %mul3A_24 = arith.muli %arg0, %mul3A_23 : i32
    %add3A_25 = arith.addi %mul3A_24, %arg1 : i32
    %mul3A_26 = arith.constant 10000 : i32
    %mul3A_27 = arith.muli %add3A_25, %mul3A_26 : i32
    %scan3A_28 = arith.constant 0 : i32
    %scan3A_29 = arith.constant 0 : i32
    %scan3A_30 = arith.constant 125 : i32
    %scan3A_31 = arith.addi %scan3A_29, %scan3A_30 : i32
    %scan3A_32 = arith.constant 1 : i32
    scf.for %scan3A_102 = %scan3A_29 to %scan3A_31 step %scan3A_32  : i32 {
      %mul3A_103 = arith.constant 80 : i32
      %mul3A_104 = arith.muli %scan3A_102, %mul3A_103 : i32
      %add3A_105 = arith.addi %mul3A_27, %mul3A_104 : i32
      "tpu.region"() ({
        %run_scoped3A = tpu.sem_alloc : memref<!tpu.dma_semaphore, #tpu.memory_space<semaphore_mem>>
        %dma_start3A = tpu.memref_slice %arg4[%add3A_105] : memref<320000xi32, #tpu.memory_space<hbm>> -> memref<80xi32, #tpu.memory_space<hbm>>
        %dma_start3A_116 = tpu.memref_slice %arg4[%add3A_105] : memref<320000xi32, #tpu.memory_space<hbm>> -> memref<80xi32, #tpu.memory_space<hbm>>
        tpu.enqueue_dma source(%dma_start3A_116 : memref<80xi32, #tpu.memory_space<hbm>>) target(%arg8 : memref<80xi32, #tpu.memory_space<vmem>>) target_semaphore(%run_scoped3A : memref<!tpu.dma_semaphore, #tpu.memory_space<semaphore_mem>>)
        %dma_wait3A = tpu.memref_slice %arg4[%add3A_105] : memref<320000xi32, #tpu.memory_space<hbm>> -> memref<80xi32, #tpu.memory_space<hbm>>
        %dma_wait3A_117 = tpu.memref_slice %arg4[%add3A_105] : memref<320000xi32, #tpu.memory_space<hbm>> -> memref<80xi32, #tpu.memory_space<hbm>>
        tpu.wait_dma2 semaphore(%run_scoped3A : memref<!tpu.dma_semaphore, #tpu.memory_space<semaphore_mem>>) src(%dma_wait3A_117 : memref<80xi32, #tpu.memory_space<hbm>>) dst(%arg8 : memref<80xi32, #tpu.memory_space<vmem>>)
        tpu.yield
      }) : () -> ()
      "tpu.region"() ({
        %run_scoped3A = tpu.sem_alloc : memref<!tpu.dma_semaphore, #tpu.memory_space<semaphore_mem>>
        %dma_start3A = tpu.memref_slice %arg5[%add3A_105] : memref<320000xi32, #tpu.memory_space<hbm>> -> memref<80xi32, #tpu.memory_space<hbm>>
        %dma_start3A_116 = tpu.memref_slice %arg5[%add3A_105] : memref<320000xi32, #tpu.memory_space<hbm>> -> memref<80xi32, #tpu.memory_space<hbm>>
        tpu.enqueue_dma source(%dma_start3A_116 : memref<80xi32, #tpu.memory_space<hbm>>) target(%arg9 : memref<80xi32, #tpu.memory_space<vmem>>) target_semaphore(%run_scoped3A : memref<!tpu.dma_semaphore, #tpu.memory_space<semaphore_mem>>)
        %dma_wait3A = tpu.memref_slice %arg5[%add3A_105] : memref<320000xi32, #tpu.memory_space<hbm>> -> memref<80xi32, #tpu.memory_space<hbm>>
        %dma_wait3A_117 = tpu.memref_slice %arg5[%add3A_105] : memref<320000xi32, #tpu.memory_space<hbm>> -> memref<80xi32, #tpu.memory_space<hbm>>
        tpu.wait_dma2 semaphore(%run_scoped3A : memref<!tpu.dma_semaphore, #tpu.memory_space<semaphore_mem>>) src(%dma_wait3A_117 : memref<80xi32, #tpu.memory_space<hbm>>) dst(%arg9 : memref<80xi32, #tpu.memory_space<vmem>>)
        tpu.yield
      }) : () -> ()
      %eq3A_106 = arith.constant 0 : i32
      %eq3A_107 = arith.cmpi eq, %arg0, %eq3A_106 : i32
      %convert_element_type3A_108 = arith.extui %eq3A_107 : i1 to i32
      %cond3A_109 = arith.constant 0 : i32
      %cond3A_110 = arith.cmpi ne, %convert_element_type3A_108, %cond3A_109 : i32
      scf.if %cond3A_110 {
        "tpu.region"() ({
          %run_scoped3A = tpu.sem_alloc : memref<!tpu.dma_semaphore, #tpu.memory_space<semaphore_mem>>
          %dma_start3A = arith.constant 0 : i32
          %dma_start3A_116 = arith.constant 0 : i32
          %dma_start3A_117 = tpu.memref_slice %arg2[%dma_start3A, %dma_start3A_116] : memref<10240x128xf32, #tpu.memory_space<hbm>> -> memref<10240x128xf32, #tpu.memory_space<hbm>>
          tpu.enqueue_indirect_dma source(%dma_start3A_117 : memref<10240x128xf32, #tpu.memory_space<hbm>>) target(%arg10 : memref<80x128xf32, #tpu.memory_space<vmem>>) offsets(%arg8 : memref<80xi32, #tpu.memory_space<vmem>>) semaphore(%run_scoped3A : memref<!tpu.dma_semaphore, #tpu.memory_space<semaphore_mem>>)
          %dma_wait3A = arith.constant 0 : i32
          %dma_wait3A_118 = arith.constant 0 : i32
          %dma_wait3A_119 = tpu.memref_slice %arg2[%dma_wait3A, %dma_wait3A_118] : memref<10240x128xf32, #tpu.memory_space<hbm>> -> memref<10240x128xf32, #tpu.memory_space<hbm>>
          tpu.wait_indirect_dma semaphore(%run_scoped3A : memref<!tpu.dma_semaphore, #tpu.memory_space<semaphore_mem>>) src(%dma_wait3A_119 : memref<10240x128xf32, #tpu.memory_space<hbm>>) dst(%arg10 : memref<80x128xf32, #tpu.memory_space<vmem>>)
          tpu.yield
        }) : () -> ()
      } else {
      }
      %eq3A_111 = arith.constant 1 : i32
      %eq3A_112 = arith.cmpi eq, %arg0, %eq3A_111 : i32
      %convert_element_type3A_113 = arith.extui %eq3A_112 : i1 to i32
      %cond3A_114 = arith.constant 0 : i32
      %cond3A_115 = arith.cmpi ne, %convert_element_type3A_113, %cond3A_114 : i32
      scf.if %cond3A_115 {
        "tpu.region"() ({
          %run_scoped3A = tpu.sem_alloc : memref<!tpu.dma_semaphore, #tpu.memory_space<semaphore_mem>>
          %dma_start3A = arith.constant 0 : i32
          %dma_start3A_116 = arith.constant 0 : i32
          %dma_start3A_117 = tpu.memref_slice %arg3[%dma_start3A, %dma_start3A_116] : memref<10240x128xf32, #tpu.memory_space<hbm>> -> memref<10240x128xf32, #tpu.memory_space<hbm>>
          tpu.enqueue_indirect_dma source(%dma_start3A_117 : memref<10240x128xf32, #tpu.memory_space<hbm>>) target(%arg10 : memref<80x128xf32, #tpu.memory_space<vmem>>) offsets(%arg8 : memref<80xi32, #tpu.memory_space<vmem>>) semaphore(%run_scoped3A : memref<!tpu.dma_semaphore, #tpu.memory_space<semaphore_mem>>)
          %dma_wait3A = arith.constant 0 : i32
          %dma_wait3A_118 = arith.constant 0 : i32
          %dma_wait3A_119 = tpu.memref_slice %arg3[%dma_wait3A, %dma_wait3A_118] : memref<10240x128xf32, #tpu.memory_space<hbm>> -> memref<10240x128xf32, #tpu.memory_space<hbm>>
          tpu.wait_indirect_dma semaphore(%run_scoped3A : memref<!tpu.dma_semaphore, #tpu.memory_space<semaphore_mem>>) src(%dma_wait3A_119 : memref<10240x128xf32, #tpu.memory_space<hbm>>) dst(%arg10 : memref<80x128xf32, #tpu.memory_space<vmem>>)
          tpu.yield
        }) : () -> ()
      } else {
      }
      "tpu.region"() ({
        %run_scoped3A = tpu.sem_alloc : memref<!tpu.dma_semaphore, #tpu.memory_space<semaphore_mem>>
        %dma_start3A = arith.constant 0 : i32
        %dma_start3A_116 = arith.constant 0 : i32
        %dma_start3A_117 = tpu.memref_slice %arg12[%dma_start3A, %dma_start3A_116] : memref<10240x128xf32, #tpu.memory_space<vmem_shared>> -> memref<10240x128xf32, #tpu.memory_space<vmem_shared>>
        tpu.enqueue_indirect_dma source(%arg10 : memref<80x128xf32, #tpu.memory_space<vmem>>) target(%dma_start3A_117 : memref<10240x128xf32, #tpu.memory_space<vmem_shared>>) offsets(%arg9 : memref<80xi32, #tpu.memory_space<vmem>>) semaphore(%run_scoped3A : memref<!tpu.dma_semaphore, #tpu.memory_space<semaphore_mem>>) {add = true}
        %dma_wait3A = arith.constant 0 : i32
        %dma_wait3A_118 = arith.constant 0 : i32
        %dma_wait3A_119 = tpu.memref_slice %arg12[%dma_wait3A, %dma_wait3A_118] : memref<10240x128xf32, #tpu.memory_space<vmem_shared>> -> memref<10240x128xf32, #tpu.memory_space<vmem_shared>>
        tpu.wait_indirect_dma semaphore(%run_scoped3A : memref<!tpu.dma_semaphore, #tpu.memory_space<semaphore_mem>>) src(%arg10 : memref<80x128xf32, #tpu.memory_space<vmem>>) dst(%dma_wait3A_119 : memref<10240x128xf32, #tpu.memory_space<vmem_shared>>)
        tpu.yield
      }) : () -> ()
    }
    %scan3A_33 = arith.constant 125 : i32
    %barrier3A_34 = arith.constant 0 : index
    tpu.barrier barrier_id(%barrier3A_34)
    %mul3A_35 = arith.constant 640 : i32
    %mul3A_36 = arith.muli %arg1, %mul3A_35 : i32
    %add3A_37 = arith.constant 0 : i32
    %add3A_38 = arith.addi %mul3A_36, %add3A_37 : i32
    "tpu.region"() ({
      %run_scoped3A = tpu.sem_alloc : memref<!tpu.dma_semaphore, #tpu.memory_space<semaphore_mem>>
      %dma_start3A = arith.constant 0 : i32
      %dma_start3A_102 = tpu.memref_slice %arg12[%add3A_38, %dma_start3A] : memref<10240x128xf32, #tpu.memory_space<vmem_shared>> -> memref<128x128xf32, #tpu.memory_space<vmem_shared>>
      %dma_start3A_103 = arith.constant 0 : i32
      %dma_start3A_104 = tpu.memref_slice %arg12[%add3A_38, %dma_start3A_103] : memref<10240x128xf32, #tpu.memory_space<vmem_shared>> -> memref<128x128xf32, #tpu.memory_space<vmem_shared>>
      tpu.enqueue_dma source(%dma_start3A_104 : memref<128x128xf32, #tpu.memory_space<vmem_shared>>) target(%arg11 : memref<128x128xf32, #tpu.memory_space<vmem>>) target_semaphore(%run_scoped3A : memref<!tpu.dma_semaphore, #tpu.memory_space<semaphore_mem>>)
      %dma_wait3A = arith.constant 0 : i32
      %dma_wait3A_105 = tpu.memref_slice %arg12[%add3A_38, %dma_wait3A] : memref<10240x128xf32, #tpu.memory_space<vmem_shared>> -> memref<128x128xf32, #tpu.memory_space<vmem_shared>>
      %dma_wait3A_106 = arith.constant 0 : i32
      %dma_wait3A_107 = tpu.memref_slice %arg12[%add3A_38, %dma_wait3A_106] : memref<10240x128xf32, #tpu.memory_space<vmem_shared>> -> memref<128x128xf32, #tpu.memory_space<vmem_shared>>
      tpu.wait_dma2 semaphore(%run_scoped3A : memref<!tpu.dma_semaphore, #tpu.memory_space<semaphore_mem>>) src(%dma_wait3A_107 : memref<128x128xf32, #tpu.memory_space<vmem_shared>>) dst(%arg11 : memref<128x128xf32, #tpu.memory_space<vmem>>)
      tpu.yield
    }) : () -> ()
    %eq3A = arith.constant 0 : i32
    %eq3A_39 = arith.cmpi eq, %arg0, %eq3A : i32
    %convert_element_type3A = arith.extui %eq3A_39 : i1 to i32
    %cond3A = arith.constant 0 : i32
    %cond3A_40 = arith.cmpi ne, %convert_element_type3A, %cond3A : i32
    scf.if %cond3A_40 {
      "tpu.region"() ({
        %run_scoped3A = tpu.sem_alloc : memref<!tpu.dma_semaphore, #tpu.memory_space<semaphore_mem>>
        %dma_start3A = arith.constant 0 : i32
        %dma_start3A_102 = tpu.memref_slice %arg6[%add3A_38, %dma_start3A] : memref<10240x128xf32, #tpu.memory_space<hbm>> -> memref<128x128xf32, #tpu.memory_space<hbm>>
        %dma_start3A_103 = arith.constant 0 : i32
        %dma_start3A_104 = tpu.memref_slice %arg6[%add3A_38, %dma_start3A_103] : memref<10240x128xf32, #tpu.memory_space<hbm>> -> memref<128x128xf32, #tpu.memory_space<hbm>>
        tpu.enqueue_dma source(%arg11 : memref<128x128xf32, #tpu.memory_space<vmem>>) target(%dma_start3A_104 : memref<128x128xf32, #tpu.memory_space<hbm>>) target_semaphore(%run_scoped3A : memref<!tpu.dma_semaphore, #tpu.memory_space<semaphore_mem>>)
        %dma_wait3A = arith.constant 0 : i32
        %dma_wait3A_105 = tpu.memref_slice %arg6[%add3A_38, %dma_wait3A] : memref<10240x128xf32, #tpu.memory_space<hbm>> -> memref<128x128xf32, #tpu.memory_space<hbm>>
        %dma_wait3A_106 = arith.constant 0 : i32
        %dma_wait3A_107 = tpu.memref_slice %arg6[%add3A_38, %dma_wait3A_106] : memref<10240x128xf32, #tpu.memory_space<hbm>> -> memref<128x128xf32, #tpu.memory_space<hbm>>
        tpu.wait_dma2 semaphore(%run_scoped3A : memref<!tpu.dma_semaphore, #tpu.memory_space<semaphore_mem>>) src(%arg11 : memref<128x128xf32, #tpu.memory_space<vmem>>) dst(%dma_wait3A_107 : memref<128x128xf32, #tpu.memory_space<hbm>>)
        tpu.yield
      }) : () -> ()
    } else {
    }
    %eq3A_41 = arith.constant 1 : i32
    %eq3A_42 = arith.cmpi eq, %arg0, %eq3A_41 : i32
    %convert_element_type3A_43 = arith.extui %eq3A_42 : i1 to i32
    %cond3A_44 = arith.constant 0 : i32
    %cond3A_45 = arith.cmpi ne, %convert_element_type3A_43, %cond3A_44 : i32
    scf.if %cond3A_45 {
      "tpu.region"() ({
        %run_scoped3A = tpu.sem_alloc : memref<!tpu.dma_semaphore, #tpu.memory_space<semaphore_mem>>
        %dma_start3A = arith.constant 0 : i32
        %dma_start3A_102 = tpu.memref_slice %arg7[%add3A_38, %dma_start3A] : memref<10240x128xf32, #tpu.memory_space<hbm>> -> memref<128x128xf32, #tpu.memory_space<hbm>>
        %dma_start3A_103 = arith.constant 0 : i32
        %dma_start3A_104 = tpu.memref_slice %arg7[%add3A_38, %dma_start3A_103] : memref<10240x128xf32, #tpu.memory_space<hbm>> -> memref<128x128xf32, #tpu.memory_space<hbm>>
        tpu.enqueue_dma source(%arg11 : memref<128x128xf32, #tpu.memory_space<vmem>>) target(%dma_start3A_104 : memref<128x128xf32, #tpu.memory_space<hbm>>) target_semaphore(%run_scoped3A : memref<!tpu.dma_semaphore, #tpu.memory_space<semaphore_mem>>)
        %dma_wait3A = arith.constant 0 : i32
        %dma_wait3A_105 = tpu.memref_slice %arg7[%add3A_38, %dma_wait3A] : memref<10240x128xf32, #tpu.memory_space<hbm>> -> memref<128x128xf32, #tpu.memory_space<hbm>>
        %dma_wait3A_106 = arith.constant 0 : i32
        %dma_wait3A_107 = tpu.memref_slice %arg7[%add3A_38, %dma_wait3A_106] : memref<10240x128xf32, #tpu.memory_space<hbm>> -> memref<128x128xf32, #tpu.memory_space<hbm>>
        tpu.wait_dma2 semaphore(%run_scoped3A : memref<!tpu.dma_semaphore, #tpu.memory_space<semaphore_mem>>) src(%arg11 : memref<128x128xf32, #tpu.memory_space<vmem>>) dst(%dma_wait3A_107 : memref<128x128xf32, #tpu.memory_space<hbm>>)
        tpu.yield
      }) : () -> ()
    } else {
    }
    %mul3A_46 = arith.constant 640 : i32
    %mul3A_47 = arith.muli %arg1, %mul3A_46 : i32
    %add3A_48 = arith.constant 128 : i32
    %add3A_49 = arith.addi %mul3A_47, %add3A_48 : i32
    "tpu.region"() ({
      %run_scoped3A = tpu.sem_alloc : memref<!tpu.dma_semaphore, #tpu.memory_space<semaphore_mem>>
      %dma_start3A = arith.constant 0 : i32
      %dma_start3A_102 = tpu.memref_slice %arg12[%add3A_49, %dma_start3A] : memref<10240x128xf32, #tpu.memory_space<vmem_shared>> -> memref<128x128xf32, #tpu.memory_space<vmem_shared>>
      %dma_start3A_103 = arith.constant 0 : i32
      %dma_start3A_104 = tpu.memref_slice %arg12[%add3A_49, %dma_start3A_103] : memref<10240x128xf32, #tpu.memory_space<vmem_shared>> -> memref<128x128xf32, #tpu.memory_space<vmem_shared>>
      tpu.enqueue_dma source(%dma_start3A_104 : memref<128x128xf32, #tpu.memory_space<vmem_shared>>) target(%arg11 : memref<128x128xf32, #tpu.memory_space<vmem>>) target_semaphore(%run_scoped3A : memref<!tpu.dma_semaphore, #tpu.memory_space<semaphore_mem>>)
      %dma_wait3A = arith.constant 0 : i32
      %dma_wait3A_105 = tpu.memref_slice %arg12[%add3A_49, %dma_wait3A] : memref<10240x128xf32, #tpu.memory_space<vmem_shared>> -> memref<128x128xf32, #tpu.memory_space<vmem_shared>>
      %dma_wait3A_106 = arith.constant 0 : i32
      %dma_wait3A_107 = tpu.memref_slice %arg12[%add3A_49, %dma_wait3A_106] : memref<10240x128xf32, #tpu.memory_space<vmem_shared>> -> memref<128x128xf32, #tpu.memory_space<vmem_shared>>
      tpu.wait_dma2 semaphore(%run_scoped3A : memref<!tpu.dma_semaphore, #tpu.memory_space<semaphore_mem>>) src(%dma_wait3A_107 : memref<128x128xf32, #tpu.memory_space<vmem_shared>>) dst(%arg11 : memref<128x128xf32, #tpu.memory_space<vmem>>)
      tpu.yield
    }) : () -> ()
    %eq3A_50 = arith.constant 0 : i32
    %eq3A_51 = arith.cmpi eq, %arg0, %eq3A_50 : i32
    %convert_element_type3A_52 = arith.extui %eq3A_51 : i1 to i32
    %cond3A_53 = arith.constant 0 : i32
    %cond3A_54 = arith.cmpi ne, %convert_element_type3A_52, %cond3A_53 : i32
    scf.if %cond3A_54 {
      "tpu.region"() ({
        %run_scoped3A = tpu.sem_alloc : memref<!tpu.dma_semaphore, #tpu.memory_space<semaphore_mem>>
        %dma_start3A = arith.constant 0 : i32
        %dma_start3A_102 = tpu.memref_slice %arg6[%add3A_49, %dma_start3A] : memref<10240x128xf32, #tpu.memory_space<hbm>> -> memref<128x128xf32, #tpu.memory_space<hbm>>
        %dma_start3A_103 = arith.constant 0 : i32
        %dma_start3A_104 = tpu.memref_slice %arg6[%add3A_49, %dma_start3A_103] : memref<10240x128xf32, #tpu.memory_space<hbm>> -> memref<128x128xf32, #tpu.memory_space<hbm>>
        tpu.enqueue_dma source(%arg11 : memref<128x128xf32, #tpu.memory_space<vmem>>) target(%dma_start3A_104 : memref<128x128xf32, #tpu.memory_space<hbm>>) target_semaphore(%run_scoped3A : memref<!tpu.dma_semaphore, #tpu.memory_space<semaphore_mem>>)
        %dma_wait3A = arith.constant 0 : i32
        %dma_wait3A_105 = tpu.memref_slice %arg6[%add3A_49, %dma_wait3A] : memref<10240x128xf32, #tpu.memory_space<hbm>> -> memref<128x128xf32, #tpu.memory_space<hbm>>
        %dma_wait3A_106 = arith.constant 0 : i32
        %dma_wait3A_107 = tpu.memref_slice %arg6[%add3A_49, %dma_wait3A_106] : memref<10240x128xf32, #tpu.memory_space<hbm>> -> memref<128x128xf32, #tpu.memory_space<hbm>>
        tpu.wait_dma2 semaphore(%run_scoped3A : memref<!tpu.dma_semaphore, #tpu.memory_space<semaphore_mem>>) src(%arg11 : memref<128x128xf32, #tpu.memory_space<vmem>>) dst(%dma_wait3A_107 : memref<128x128xf32, #tpu.memory_space<hbm>>)
        tpu.yield
      }) : () -> ()
    } else {
    }
    %eq3A_55 = arith.constant 1 : i32
    %eq3A_56 = arith.cmpi eq, %arg0, %eq3A_55 : i32
    %convert_element_type3A_57 = arith.extui %eq3A_56 : i1 to i32
    %cond3A_58 = arith.constant 0 : i32
    %cond3A_59 = arith.cmpi ne, %convert_element_type3A_57, %cond3A_58 : i32
    scf.if %cond3A_59 {
      "tpu.region"() ({
        %run_scoped3A = tpu.sem_alloc : memref<!tpu.dma_semaphore, #tpu.memory_space<semaphore_mem>>
        %dma_start3A = arith.constant 0 : i32
        %dma_start3A_102 = tpu.memref_slice %arg7[%add3A_49, %dma_start3A] : memref<10240x128xf32, #tpu.memory_space<hbm>> -> memref<128x128xf32, #tpu.memory_space<hbm>>
        %dma_start3A_103 = arith.constant 0 : i32
        %dma_start3A_104 = tpu.memref_slice %arg7[%add3A_49, %dma_start3A_103] : memref<10240x128xf32, #tpu.memory_space<hbm>> -> memref<128x128xf32, #tpu.memory_space<hbm>>
        tpu.enqueue_dma source(%arg11 : memref<128x128xf32, #tpu.memory_space<vmem>>) target(%dma_start3A_104 : memref<128x128xf32, #tpu.memory_space<hbm>>) target_semaphore(%run_scoped3A : memref<!tpu.dma_semaphore, #tpu.memory_space<semaphore_mem>>)
        %dma_wait3A = arith.constant 0 : i32
        %dma_wait3A_105 = tpu.memref_slice %arg7[%add3A_49, %dma_wait3A] : memref<10240x128xf32, #tpu.memory_space<hbm>> -> memref<128x128xf32, #tpu.memory_space<hbm>>
        %dma_wait3A_106 = arith.constant 0 : i32
        %dma_wait3A_107 = tpu.memref_slice %arg7[%add3A_49, %dma_wait3A_106] : memref<10240x128xf32, #tpu.memory_space<hbm>> -> memref<128x128xf32, #tpu.memory_space<hbm>>
        tpu.wait_dma2 semaphore(%run_scoped3A : memref<!tpu.dma_semaphore, #tpu.memory_space<semaphore_mem>>) src(%arg11 : memref<128x128xf32, #tpu.memory_space<vmem>>) dst(%dma_wait3A_107 : memref<128x128xf32, #tpu.memory_space<hbm>>)
        tpu.yield
      }) : () -> ()
    } else {
    }
    %mul3A_60 = arith.constant 640 : i32
    %mul3A_61 = arith.muli %arg1, %mul3A_60 : i32
    %add3A_62 = arith.constant 256 : i32
    %add3A_63 = arith.addi %mul3A_61, %add3A_62 : i32
    "tpu.region"() ({
      %run_scoped3A = tpu.sem_alloc : memref<!tpu.dma_semaphore, #tpu.memory_space<semaphore_mem>>
      %dma_start3A = arith.constant 0 : i32
      %dma_start3A_102 = tpu.memref_slice %arg12[%add3A_63, %dma_start3A] : memref<10240x128xf32, #tpu.memory_space<vmem_shared>> -> memref<128x128xf32, #tpu.memory_space<vmem_shared>>
      %dma_start3A_103 = arith.constant 0 : i32
      %dma_start3A_104 = tpu.memref_slice %arg12[%add3A_63, %dma_start3A_103] : memref<10240x128xf32, #tpu.memory_space<vmem_shared>> -> memref<128x128xf32, #tpu.memory_space<vmem_shared>>
      tpu.enqueue_dma source(%dma_start3A_104 : memref<128x128xf32, #tpu.memory_space<vmem_shared>>) target(%arg11 : memref<128x128xf32, #tpu.memory_space<vmem>>) target_semaphore(%run_scoped3A : memref<!tpu.dma_semaphore, #tpu.memory_space<semaphore_mem>>)
      %dma_wait3A = arith.constant 0 : i32
      %dma_wait3A_105 = tpu.memref_slice %arg12[%add3A_63, %dma_wait3A] : memref<10240x128xf32, #tpu.memory_space<vmem_shared>> -> memref<128x128xf32, #tpu.memory_space<vmem_shared>>
      %dma_wait3A_106 = arith.constant 0 : i32
      %dma_wait3A_107 = tpu.memref_slice %arg12[%add3A_63, %dma_wait3A_106] : memref<10240x128xf32, #tpu.memory_space<vmem_shared>> -> memref<128x128xf32, #tpu.memory_space<vmem_shared>>
      tpu.wait_dma2 semaphore(%run_scoped3A : memref<!tpu.dma_semaphore, #tpu.memory_space<semaphore_mem>>) src(%dma_wait3A_107 : memref<128x128xf32, #tpu.memory_space<vmem_shared>>) dst(%arg11 : memref<128x128xf32, #tpu.memory_space<vmem>>)
      tpu.yield
    }) : () -> ()
    %eq3A_64 = arith.constant 0 : i32
    %eq3A_65 = arith.cmpi eq, %arg0, %eq3A_64 : i32
    %convert_element_type3A_66 = arith.extui %eq3A_65 : i1 to i32
    %cond3A_67 = arith.constant 0 : i32
    %cond3A_68 = arith.cmpi ne, %convert_element_type3A_66, %cond3A_67 : i32
    scf.if %cond3A_68 {
      "tpu.region"() ({
        %run_scoped3A = tpu.sem_alloc : memref<!tpu.dma_semaphore, #tpu.memory_space<semaphore_mem>>
        %dma_start3A = arith.constant 0 : i32
        %dma_start3A_102 = tpu.memref_slice %arg6[%add3A_63, %dma_start3A] : memref<10240x128xf32, #tpu.memory_space<hbm>> -> memref<128x128xf32, #tpu.memory_space<hbm>>
        %dma_start3A_103 = arith.constant 0 : i32
        %dma_start3A_104 = tpu.memref_slice %arg6[%add3A_63, %dma_start3A_103] : memref<10240x128xf32, #tpu.memory_space<hbm>> -> memref<128x128xf32, #tpu.memory_space<hbm>>
        tpu.enqueue_dma source(%arg11 : memref<128x128xf32, #tpu.memory_space<vmem>>) target(%dma_start3A_104 : memref<128x128xf32, #tpu.memory_space<hbm>>) target_semaphore(%run_scoped3A : memref<!tpu.dma_semaphore, #tpu.memory_space<semaphore_mem>>)
        %dma_wait3A = arith.constant 0 : i32
        %dma_wait3A_105 = tpu.memref_slice %arg6[%add3A_63, %dma_wait3A] : memref<10240x128xf32, #tpu.memory_space<hbm>> -> memref<128x128xf32, #tpu.memory_space<hbm>>
        %dma_wait3A_106 = arith.constant 0 : i32
        %dma_wait3A_107 = tpu.memref_slice %arg6[%add3A_63, %dma_wait3A_106] : memref<10240x128xf32, #tpu.memory_space<hbm>> -> memref<128x128xf32, #tpu.memory_space<hbm>>
        tpu.wait_dma2 semaphore(%run_scoped3A : memref<!tpu.dma_semaphore, #tpu.memory_space<semaphore_mem>>) src(%arg11 : memref<128x128xf32, #tpu.memory_space<vmem>>) dst(%dma_wait3A_107 : memref<128x128xf32, #tpu.memory_space<hbm>>)
        tpu.yield
      }) : () -> ()
    } else {
    }
    %eq3A_69 = arith.constant 1 : i32
    %eq3A_70 = arith.cmpi eq, %arg0, %eq3A_69 : i32
    %convert_element_type3A_71 = arith.extui %eq3A_70 : i1 to i32
    %cond3A_72 = arith.constant 0 : i32
    %cond3A_73 = arith.cmpi ne, %convert_element_type3A_71, %cond3A_72 : i32
    scf.if %cond3A_73 {
      "tpu.region"() ({
        %run_scoped3A = tpu.sem_alloc : memref<!tpu.dma_semaphore, #tpu.memory_space<semaphore_mem>>
        %dma_start3A = arith.constant 0 : i32
        %dma_start3A_102 = tpu.memref_slice %arg7[%add3A_63, %dma_start3A] : memref<10240x128xf32, #tpu.memory_space<hbm>> -> memref<128x128xf32, #tpu.memory_space<hbm>>
        %dma_start3A_103 = arith.constant 0 : i32
        %dma_start3A_104 = tpu.memref_slice %arg7[%add3A_63, %dma_start3A_103] : memref<10240x128xf32, #tpu.memory_space<hbm>> -> memref<128x128xf32, #tpu.memory_space<hbm>>
        tpu.enqueue_dma source(%arg11 : memref<128x128xf32, #tpu.memory_space<vmem>>) target(%dma_start3A_104 : memref<128x128xf32, #tpu.memory_space<hbm>>) target_semaphore(%run_scoped3A : memref<!tpu.dma_semaphore, #tpu.memory_space<semaphore_mem>>)
        %dma_wait3A = arith.constant 0 : i32
        %dma_wait3A_105 = tpu.memref_slice %arg7[%add3A_63, %dma_wait3A] : memref<10240x128xf32, #tpu.memory_space<hbm>> -> memref<128x128xf32, #tpu.memory_space<hbm>>
        %dma_wait3A_106 = arith.constant 0 : i32
        %dma_wait3A_107 = tpu.memref_slice %arg7[%add3A_63, %dma_wait3A_106] : memref<10240x128xf32, #tpu.memory_space<hbm>> -> memref<128x128xf32, #tpu.memory_space<hbm>>
        tpu.wait_dma2 semaphore(%run_scoped3A : memref<!tpu.dma_semaphore, #tpu.memory_space<semaphore_mem>>) src(%arg11 : memref<128x128xf32, #tpu.memory_space<vmem>>) dst(%dma_wait3A_107 : memref<128x128xf32, #tpu.memory_space<hbm>>)
        tpu.yield
      }) : () -> ()
    } else {
    }
    %mul3A_74 = arith.constant 640 : i32
    %mul3A_75 = arith.muli %arg1, %mul3A_74 : i32
    %add3A_76 = arith.constant 384 : i32
    %add3A_77 = arith.addi %mul3A_75, %add3A_76 : i32
    "tpu.region"() ({
      %run_scoped3A = tpu.sem_alloc : memref<!tpu.dma_semaphore, #tpu.memory_space<semaphore_mem>>
      %dma_start3A = arith.constant 0 : i32
      %dma_start3A_102 = tpu.memref_slice %arg12[%add3A_77, %dma_start3A] : memref<10240x128xf32, #tpu.memory_space<vmem_shared>> -> memref<128x128xf32, #tpu.memory_space<vmem_shared>>
      %dma_start3A_103 = arith.constant 0 : i32
      %dma_start3A_104 = tpu.memref_slice %arg12[%add3A_77, %dma_start3A_103] : memref<10240x128xf32, #tpu.memory_space<vmem_shared>> -> memref<128x128xf32, #tpu.memory_space<vmem_shared>>
      tpu.enqueue_dma source(%dma_start3A_104 : memref<128x128xf32, #tpu.memory_space<vmem_shared>>) target(%arg11 : memref<128x128xf32, #tpu.memory_space<vmem>>) target_semaphore(%run_scoped3A : memref<!tpu.dma_semaphore, #tpu.memory_space<semaphore_mem>>)
      %dma_wait3A = arith.constant 0 : i32
      %dma_wait3A_105 = tpu.memref_slice %arg12[%add3A_77, %dma_wait3A] : memref<10240x128xf32, #tpu.memory_space<vmem_shared>> -> memref<128x128xf32, #tpu.memory_space<vmem_shared>>
      %dma_wait3A_106 = arith.constant 0 : i32
      %dma_wait3A_107 = tpu.memref_slice %arg12[%add3A_77, %dma_wait3A_106] : memref<10240x128xf32, #tpu.memory_space<vmem_shared>> -> memref<128x128xf32, #tpu.memory_space<vmem_shared>>
      tpu.wait_dma2 semaphore(%run_scoped3A : memref<!tpu.dma_semaphore, #tpu.memory_space<semaphore_mem>>) src(%dma_wait3A_107 : memref<128x128xf32, #tpu.memory_space<vmem_shared>>) dst(%arg11 : memref<128x128xf32, #tpu.memory_space<vmem>>)
      tpu.yield
    }) : () -> ()
    %eq3A_78 = arith.constant 0 : i32
    %eq3A_79 = arith.cmpi eq, %arg0, %eq3A_78 : i32
    %convert_element_type3A_80 = arith.extui %eq3A_79 : i1 to i32
    %cond3A_81 = arith.constant 0 : i32
    %cond3A_82 = arith.cmpi ne, %convert_element_type3A_80, %cond3A_81 : i32
    scf.if %cond3A_82 {
      "tpu.region"() ({
        %run_scoped3A = tpu.sem_alloc : memref<!tpu.dma_semaphore, #tpu.memory_space<semaphore_mem>>
        %dma_start3A = arith.constant 0 : i32
        %dma_start3A_102 = tpu.memref_slice %arg6[%add3A_77, %dma_start3A] : memref<10240x128xf32, #tpu.memory_space<hbm>> -> memref<128x128xf32, #tpu.memory_space<hbm>>
        %dma_start3A_103 = arith.constant 0 : i32
        %dma_start3A_104 = tpu.memref_slice %arg6[%add3A_77, %dma_start3A_103] : memref<10240x128xf32, #tpu.memory_space<hbm>> -> memref<128x128xf32, #tpu.memory_space<hbm>>
        tpu.enqueue_dma source(%arg11 : memref<128x128xf32, #tpu.memory_space<vmem>>) target(%dma_start3A_104 : memref<128x128xf32, #tpu.memory_space<hbm>>) target_semaphore(%run_scoped3A : memref<!tpu.dma_semaphore, #tpu.memory_space<semaphore_mem>>)
        %dma_wait3A = arith.constant 0 : i32
        %dma_wait3A_105 = tpu.memref_slice %arg6[%add3A_77, %dma_wait3A] : memref<10240x128xf32, #tpu.memory_space<hbm>> -> memref<128x128xf32, #tpu.memory_space<hbm>>
        %dma_wait3A_106 = arith.constant 0 : i32
        %dma_wait3A_107 = tpu.memref_slice %arg6[%add3A_77, %dma_wait3A_106] : memref<10240x128xf32, #tpu.memory_space<hbm>> -> memref<128x128xf32, #tpu.memory_space<hbm>>
        tpu.wait_dma2 semaphore(%run_scoped3A : memref<!tpu.dma_semaphore, #tpu.memory_space<semaphore_mem>>) src(%arg11 : memref<128x128xf32, #tpu.memory_space<vmem>>) dst(%dma_wait3A_107 : memref<128x128xf32, #tpu.memory_space<hbm>>)
        tpu.yield
      }) : () -> ()
    } else {
    }
    %eq3A_83 = arith.constant 1 : i32
    %eq3A_84 = arith.cmpi eq, %arg0, %eq3A_83 : i32
    %convert_element_type3A_85 = arith.extui %eq3A_84 : i1 to i32
    %cond3A_86 = arith.constant 0 : i32
    %cond3A_87 = arith.cmpi ne, %convert_element_type3A_85, %cond3A_86 : i32
    scf.if %cond3A_87 {
      "tpu.region"() ({
        %run_scoped3A = tpu.sem_alloc : memref<!tpu.dma_semaphore, #tpu.memory_space<semaphore_mem>>
        %dma_start3A = arith.constant 0 : i32
        %dma_start3A_102 = tpu.memref_slice %arg7[%add3A_77, %dma_start3A] : memref<10240x128xf32, #tpu.memory_space<hbm>> -> memref<128x128xf32, #tpu.memory_space<hbm>>
        %dma_start3A_103 = arith.constant 0 : i32
        %dma_start3A_104 = tpu.memref_slice %arg7[%add3A_77, %dma_start3A_103] : memref<10240x128xf32, #tpu.memory_space<hbm>> -> memref<128x128xf32, #tpu.memory_space<hbm>>
        tpu.enqueue_dma source(%arg11 : memref<128x128xf32, #tpu.memory_space<vmem>>) target(%dma_start3A_104 : memref<128x128xf32, #tpu.memory_space<hbm>>) target_semaphore(%run_scoped3A : memref<!tpu.dma_semaphore, #tpu.memory_space<semaphore_mem>>)
        %dma_wait3A = arith.constant 0 : i32
        %dma_wait3A_105 = tpu.memref_slice %arg7[%add3A_77, %dma_wait3A] : memref<10240x128xf32, #tpu.memory_space<hbm>> -> memref<128x128xf32, #tpu.memory_space<hbm>>
        %dma_wait3A_106 = arith.constant 0 : i32
        %dma_wait3A_107 = tpu.memref_slice %arg7[%add3A_77, %dma_wait3A_106] : memref<10240x128xf32, #tpu.memory_space<hbm>> -> memref<128x128xf32, #tpu.memory_space<hbm>>
        tpu.wait_dma2 semaphore(%run_scoped3A : memref<!tpu.dma_semaphore, #tpu.memory_space<semaphore_mem>>) src(%arg11 : memref<128x128xf32, #tpu.memory_space<vmem>>) dst(%dma_wait3A_107 : memref<128x128xf32, #tpu.memory_space<hbm>>)
        tpu.yield
      }) : () -> ()
    } else {
    }
    %mul3A_88 = arith.constant 640 : i32
    %mul3A_89 = arith.muli %arg1, %mul3A_88 : i32
    %add3A_90 = arith.constant 512 : i32
    %add3A_91 = arith.addi %mul3A_89, %add3A_90 : i32
    "tpu.region"() ({
      %run_scoped3A = tpu.sem_alloc : memref<!tpu.dma_semaphore, #tpu.memory_space<semaphore_mem>>
      %dma_start3A = arith.constant 0 : i32
      %dma_start3A_102 = tpu.memref_slice %arg12[%add3A_91, %dma_start3A] : memref<10240x128xf32, #tpu.memory_space<vmem_shared>> -> memref<128x128xf32, #tpu.memory_space<vmem_shared>>
      %dma_start3A_103 = arith.constant 0 : i32
      %dma_start3A_104 = tpu.memref_slice %arg12[%add3A_91, %dma_start3A_103] : memref<10240x128xf32, #tpu.memory_space<vmem_shared>> -> memref<128x128xf32, #tpu.memory_space<vmem_shared>>
      tpu.enqueue_dma source(%dma_start3A_104 : memref<128x128xf32, #tpu.memory_space<vmem_shared>>) target(%arg11 : memref<128x128xf32, #tpu.memory_space<vmem>>) target_semaphore(%run_scoped3A : memref<!tpu.dma_semaphore, #tpu.memory_space<semaphore_mem>>)
      %dma_wait3A = arith.constant 0 : i32
      %dma_wait3A_105 = tpu.memref_slice %arg12[%add3A_91, %dma_wait3A] : memref<10240x128xf32, #tpu.memory_space<vmem_shared>> -> memref<128x128xf32, #tpu.memory_space<vmem_shared>>
      %dma_wait3A_106 = arith.constant 0 : i32
      %dma_wait3A_107 = tpu.memref_slice %arg12[%add3A_91, %dma_wait3A_106] : memref<10240x128xf32, #tpu.memory_space<vmem_shared>> -> memref<128x128xf32, #tpu.memory_space<vmem_shared>>
      tpu.wait_dma2 semaphore(%run_scoped3A : memref<!tpu.dma_semaphore, #tpu.memory_space<semaphore_mem>>) src(%dma_wait3A_107 : memref<128x128xf32, #tpu.memory_space<vmem_shared>>) dst(%arg11 : memref<128x128xf32, #tpu.memory_space<vmem>>)
      tpu.yield
    }) : () -> ()
    %eq3A_92 = arith.constant 0 : i32
    %eq3A_93 = arith.cmpi eq, %arg0, %eq3A_92 : i32
    %convert_element_type3A_94 = arith.extui %eq3A_93 : i1 to i32
    %cond3A_95 = arith.constant 0 : i32
    %cond3A_96 = arith.cmpi ne, %convert_element_type3A_94, %cond3A_95 : i32
    scf.if %cond3A_96 {
      "tpu.region"() ({
        %run_scoped3A = tpu.sem_alloc : memref<!tpu.dma_semaphore, #tpu.memory_space<semaphore_mem>>
        %dma_start3A = arith.constant 0 : i32
        %dma_start3A_102 = tpu.memref_slice %arg6[%add3A_91, %dma_start3A] : memref<10240x128xf32, #tpu.memory_space<hbm>> -> memref<128x128xf32, #tpu.memory_space<hbm>>
        %dma_start3A_103 = arith.constant 0 : i32
        %dma_start3A_104 = tpu.memref_slice %arg6[%add3A_91, %dma_start3A_103] : memref<10240x128xf32, #tpu.memory_space<hbm>> -> memref<128x128xf32, #tpu.memory_space<hbm>>
        tpu.enqueue_dma source(%arg11 : memref<128x128xf32, #tpu.memory_space<vmem>>) target(%dma_start3A_104 : memref<128x128xf32, #tpu.memory_space<hbm>>) target_semaphore(%run_scoped3A : memref<!tpu.dma_semaphore, #tpu.memory_space<semaphore_mem>>)
        %dma_wait3A = arith.constant 0 : i32
        %dma_wait3A_105 = tpu.memref_slice %arg6[%add3A_91, %dma_wait3A] : memref<10240x128xf32, #tpu.memory_space<hbm>> -> memref<128x128xf32, #tpu.memory_space<hbm>>
        %dma_wait3A_106 = arith.constant 0 : i32
        %dma_wait3A_107 = tpu.memref_slice %arg6[%add3A_91, %dma_wait3A_106] : memref<10240x128xf32, #tpu.memory_space<hbm>> -> memref<128x128xf32, #tpu.memory_space<hbm>>
        tpu.wait_dma2 semaphore(%run_scoped3A : memref<!tpu.dma_semaphore, #tpu.memory_space<semaphore_mem>>) src(%arg11 : memref<128x128xf32, #tpu.memory_space<vmem>>) dst(%dma_wait3A_107 : memref<128x128xf32, #tpu.memory_space<hbm>>)
        tpu.yield
      }) : () -> ()
    } else {
    }
    %eq3A_97 = arith.constant 1 : i32
    %eq3A_98 = arith.cmpi eq, %arg0, %eq3A_97 : i32
    %convert_element_type3A_99 = arith.extui %eq3A_98 : i1 to i32
    %cond3A_100 = arith.constant 0 : i32
    %cond3A_101 = arith.cmpi ne, %convert_element_type3A_99, %cond3A_100 : i32
    scf.if %cond3A_101 {
      "tpu.region"() ({
        %run_scoped3A = tpu.sem_alloc : memref<!tpu.dma_semaphore, #tpu.memory_space<semaphore_mem>>
        %dma_start3A = arith.constant 0 : i32
        %dma_start3A_102 = tpu.memref_slice %arg7[%add3A_91, %dma_start3A] : memref<10240x128xf32, #tpu.memory_space<hbm>> -> memref<128x128xf32, #tpu.memory_space<hbm>>
        %dma_start3A_103 = arith.constant 0 : i32
        %dma_start3A_104 = tpu.memref_slice %arg7[%add3A_91, %dma_start3A_103] : memref<10240x128xf32, #tpu.memory_space<hbm>> -> memref<128x128xf32, #tpu.memory_space<hbm>>
        tpu.enqueue_dma source(%arg11 : memref<128x128xf32, #tpu.memory_space<vmem>>) target(%dma_start3A_104 : memref<128x128xf32, #tpu.memory_space<hbm>>) target_semaphore(%run_scoped3A : memref<!tpu.dma_semaphore, #tpu.memory_space<semaphore_mem>>)
        %dma_wait3A = arith.constant 0 : i32
        %dma_wait3A_105 = tpu.memref_slice %arg7[%add3A_91, %dma_wait3A] : memref<10240x128xf32, #tpu.memory_space<hbm>> -> memref<128x128xf32, #tpu.memory_space<hbm>>
        %dma_wait3A_106 = arith.constant 0 : i32
        %dma_wait3A_107 = tpu.memref_slice %arg7[%add3A_91, %dma_wait3A_106] : memref<10240x128xf32, #tpu.memory_space<hbm>> -> memref<128x128xf32, #tpu.memory_space<hbm>>
        tpu.wait_dma2 semaphore(%run_scoped3A : memref<!tpu.dma_semaphore, #tpu.memory_space<semaphore_mem>>) src(%arg11 : memref<128x128xf32, #tpu.memory_space<vmem>>) dst(%dma_wait3A_107 : memref<128x128xf32, #tpu.memory_space<hbm>>)
        tpu.yield
      }) : () -> ()
    } else {
    }
    return
  }
}

#map = affine_map<(d0, d1) -> (0, 0)>
#map1 = affine_map<(d0, d1) -> (0)>
module attributes {stable_mosaic.version = 14 : i64} {
  func.func @ep(%arg0: i32, %arg1: i32, %arg2: memref<10240x128xf32, #tpu.memory_space<hbm>>, %arg3: memref<10240x128xf32, #tpu.memory_space<hbm>>, %arg4: memref<320000xi32, #tpu.memory_space<hbm>>, %arg5: memref<320000xi32, #tpu.memory_space<hbm>>, %arg6: memref<10240x128xf32, #tpu.memory_space<hbm>>, %arg7: memref<10240x128xf32, #tpu.memory_space<hbm>>, %arg8: memref<80xi32, #tpu.memory_space<vmem>>, %arg9: memref<80xi32, #tpu.memory_space<vmem>>, %arg10: memref<80x128xf32, #tpu.memory_space<vmem>>, %arg11: memref<128x128xf32, #tpu.memory_space<vmem>>, %arg12: memref<10240x128xf32, #tpu.memory_space<vmem_shared>>) attributes {dimension_semantics = [#tpu.dimension_semantics<core_parallel>, #tpu.dimension_semantics<subcore_parallel>], iteration_bounds = array<i64: 2, 16>, scalar_prefetch = 0 : i64, scratch_operands = 5 : i64, tpu.core_type = #tpu.core_type<sc_vector_subcore>, window_params = [{transform_indices = #map}, {transform_indices = #map}, {transform_indices = #map1}, {transform_indices = #map1}, {transform_indices = #map}, {transform_indices = #map}]} {
    %scan3A = arith.constant 0 : i32
    %scan3A_0 = arith.constant 0 : i32
    %scan3A_1 = arith.constant 128 : i32
    %scan3A_2 = arith.addi %scan3A_0, %scan3A_1 : i32
    %scan3A_3 = arith.constant 1 : i32
    scf.for %scan3A_99 = %scan3A_0 to %scan3A_2 step %scan3A_3  : i32 {
      %broadcast_in_dim3A = arith.constant 0.000000e+00 : f32
      %broadcast_in_dim3A_100 = vector.broadcast %broadcast_in_dim3A : f32 to vector<16xf32>
      %swap3A = arith.index_cast %scan3A_99 : i32 to index
      %swap3A_101 = arith.constant 0 : index
      %swap3A_102 = tpu.vector_load %arg11[%swap3A, %swap3A_101] {strides = array<i32>} : memref<128x128xf32, #tpu.memory_space<vmem>>, vector<1x16xf32>,
      %swap3A_103 = vector.shape_cast %swap3A_102 : vector<1x16xf32> to vector<16xf32>
      %swap3A_104 = vector.shape_cast %broadcast_in_dim3A_100 : vector<16xf32> to vector<1x16xf32>
      tpu.vector_store %arg11[%swap3A, %swap3A_101], %swap3A_104 {strides = array<i32>} : memref<128x128xf32, #tpu.memory_space<vmem>>, vector<1x16xf32>,
      %broadcast_in_dim3A_105 = arith.constant 0.000000e+00 : f32
      %broadcast_in_dim3A_106 = vector.broadcast %broadcast_in_dim3A_105 : f32 to vector<16xf32>
      %swap3A_107 = arith.index_cast %scan3A_99 : i32 to index
      %swap3A_108 = arith.constant 16 : index
      %swap3A_109 = tpu.vector_load %arg11[%swap3A_107, %swap3A_108] {strides = array<i32>} : memref<128x128xf32, #tpu.memory_space<vmem>>, vector<1x16xf32>,
      %swap3A_110 = vector.shape_cast %swap3A_109 : vector<1x16xf32> to vector<16xf32>
      %swap3A_111 = vector.shape_cast %broadcast_in_dim3A_106 : vector<16xf32> to vector<1x16xf32>
      tpu.vector_store %arg11[%swap3A_107, %swap3A_108], %swap3A_111 {strides = array<i32>} : memref<128x128xf32, #tpu.memory_space<vmem>>, vector<1x16xf32>,
      %broadcast_in_dim3A_112 = arith.constant 0.000000e+00 : f32
      %broadcast_in_dim3A_113 = vector.broadcast %broadcast_in_dim3A_112 : f32 to vector<16xf32>
      %swap3A_114 = arith.index_cast %scan3A_99 : i32 to index
      %swap3A_115 = arith.constant 32 : index
      %swap3A_116 = tpu.vector_load %arg11[%swap3A_114, %swap3A_115] {strides = array<i32>} : memref<128x128xf32, #tpu.memory_space<vmem>>, vector<1x16xf32>,
      %swap3A_117 = vector.shape_cast %swap3A_116 : vector<1x16xf32> to vector<16xf32>
      %swap3A_118 = vector.shape_cast %broadcast_in_dim3A_113 : vector<16xf32> to vector<1x16xf32>
      tpu.vector_store %arg11[%swap3A_114, %swap3A_115], %swap3A_118 {strides = array<i32>} : memref<128x128xf32, #tpu.memory_space<vmem>>, vector<1x16xf32>,
      %broadcast_in_dim3A_119 = arith.constant 0.000000e+00 : f32
      %broadcast_in_dim3A_120 = vector.broadcast %broadcast_in_dim3A_119 : f32 to vector<16xf32>
      %swap3A_121 = arith.index_cast %scan3A_99 : i32 to index
      %swap3A_122 = arith.constant 48 : index
      %swap3A_123 = tpu.vector_load %arg11[%swap3A_121, %swap3A_122] {strides = array<i32>} : memref<128x128xf32, #tpu.memory_space<vmem>>, vector<1x16xf32>,
      %swap3A_124 = vector.shape_cast %swap3A_123 : vector<1x16xf32> to vector<16xf32>
      %swap3A_125 = vector.shape_cast %broadcast_in_dim3A_120 : vector<16xf32> to vector<1x16xf32>
      tpu.vector_store %arg11[%swap3A_121, %swap3A_122], %swap3A_125 {strides = array<i32>} : memref<128x128xf32, #tpu.memory_space<vmem>>, vector<1x16xf32>,
      %broadcast_in_dim3A_126 = arith.constant 0.000000e+00 : f32
      %broadcast_in_dim3A_127 = vector.broadcast %broadcast_in_dim3A_126 : f32 to vector<16xf32>
      %swap3A_128 = arith.index_cast %scan3A_99 : i32 to index
      %swap3A_129 = arith.constant 64 : index
      %swap3A_130 = tpu.vector_load %arg11[%swap3A_128, %swap3A_129] {strides = array<i32>} : memref<128x128xf32, #tpu.memory_space<vmem>>, vector<1x16xf32>,
      %swap3A_131 = vector.shape_cast %swap3A_130 : vector<1x16xf32> to vector<16xf32>
      %swap3A_132 = vector.shape_cast %broadcast_in_dim3A_127 : vector<16xf32> to vector<1x16xf32>
      tpu.vector_store %arg11[%swap3A_128, %swap3A_129], %swap3A_132 {strides = array<i32>} : memref<128x128xf32, #tpu.memory_space<vmem>>, vector<1x16xf32>,
      %broadcast_in_dim3A_133 = arith.constant 0.000000e+00 : f32
      %broadcast_in_dim3A_134 = vector.broadcast %broadcast_in_dim3A_133 : f32 to vector<16xf32>
      %swap3A_135 = arith.index_cast %scan3A_99 : i32 to index
      %swap3A_136 = arith.constant 80 : index
      %swap3A_137 = tpu.vector_load %arg11[%swap3A_135, %swap3A_136] {strides = array<i32>} : memref<128x128xf32, #tpu.memory_space<vmem>>, vector<1x16xf32>,
      %swap3A_138 = vector.shape_cast %swap3A_137 : vector<1x16xf32> to vector<16xf32>
      %swap3A_139 = vector.shape_cast %broadcast_in_dim3A_134 : vector<16xf32> to vector<1x16xf32>
      tpu.vector_store %arg11[%swap3A_135, %swap3A_136], %swap3A_139 {strides = array<i32>} : memref<128x128xf32, #tpu.memory_space<vmem>>, vector<1x16xf32>,
      %broadcast_in_dim3A_140 = arith.constant 0.000000e+00 : f32
      %broadcast_in_dim3A_141 = vector.broadcast %broadcast_in_dim3A_140 : f32 to vector<16xf32>
      %swap3A_142 = arith.index_cast %scan3A_99 : i32 to index
      %swap3A_143 = arith.constant 96 : index
      %swap3A_144 = tpu.vector_load %arg11[%swap3A_142, %swap3A_143] {strides = array<i32>} : memref<128x128xf32, #tpu.memory_space<vmem>>, vector<1x16xf32>,
      %swap3A_145 = vector.shape_cast %swap3A_144 : vector<1x16xf32> to vector<16xf32>
      %swap3A_146 = vector.shape_cast %broadcast_in_dim3A_141 : vector<16xf32> to vector<1x16xf32>
      tpu.vector_store %arg11[%swap3A_142, %swap3A_143], %swap3A_146 {strides = array<i32>} : memref<128x128xf32, #tpu.memory_space<vmem>>, vector<1x16xf32>,
      %broadcast_in_dim3A_147 = arith.constant 0.000000e+00 : f32
      %broadcast_in_dim3A_148 = vector.broadcast %broadcast_in_dim3A_147 : f32 to vector<16xf32>
      %swap3A_149 = arith.index_cast %scan3A_99 : i32 to index
      %swap3A_150 = arith.constant 112 : index
      %swap3A_151 = tpu.vector_load %arg11[%swap3A_149, %swap3A_150] {strides = array<i32>} : memref<128x128xf32, #tpu.memory_space<vmem>>, vector<1x16xf32>,
      %swap3A_152 = vector.shape_cast %swap3A_151 : vector<1x16xf32> to vector<16xf32>
      %swap3A_153 = vector.shape_cast %broadcast_in_dim3A_148 : vector<16xf32> to vector<1x16xf32>
      tpu.vector_store %arg11[%swap3A_149, %swap3A_150], %swap3A_153 {strides = array<i32>} : memref<128x128xf32, #tpu.memory_space<vmem>>, vector<1x16xf32>,
    }
    %scan3A_4 = arith.constant 128 : i32
    %mul3A = arith.constant 640 : i32
    %mul3A_5 = arith.muli %arg1, %mul3A : i32
    %add3A = arith.constant 0 : i32
    %add3A_6 = arith.addi %mul3A_5, %add3A : i32
    "tpu.region"() ({
      %run_scoped3A = tpu.sem_alloc : memref<!tpu.dma_semaphore, #tpu.memory_space<semaphore_mem>>
      %dma_start3A = arith.constant 0 : i32
      %dma_start3A_99 = tpu.memref_slice %arg12[%add3A_6, %dma_start3A] : memref<10240x128xf32, #tpu.memory_space<vmem_shared>> -> memref<128x128xf32, #tpu.memory_space<vmem_shared>>
      %dma_start3A_100 = arith.constant 0 : i32
      %dma_start3A_101 = tpu.memref_slice %arg12[%add3A_6, %dma_start3A_100] : memref<10240x128xf32, #tpu.memory_space<vmem_shared>> -> memref<128x128xf32, #tpu.memory_space<vmem_shared>>
      tpu.enqueue_dma source(%arg11 : memref<128x128xf32, #tpu.memory_space<vmem>>) target(%dma_start3A_101 : memref<128x128xf32, #tpu.memory_space<vmem_shared>>) target_semaphore(%run_scoped3A : memref<!tpu.dma_semaphore, #tpu.memory_space<semaphore_mem>>)
      %dma_wait3A = arith.constant 0 : i32
      %dma_wait3A_102 = tpu.memref_slice %arg12[%add3A_6, %dma_wait3A] : memref<10240x128xf32, #tpu.memory_space<vmem_shared>> -> memref<128x128xf32, #tpu.memory_space<vmem_shared>>
      %dma_wait3A_103 = arith.constant 0 : i32
      %dma_wait3A_104 = tpu.memref_slice %arg12[%add3A_6, %dma_wait3A_103] : memref<10240x128xf32, #tpu.memory_space<vmem_shared>> -> memref<128x128xf32, #tpu.memory_space<vmem_shared>>
      tpu.wait_dma2 semaphore(%run_scoped3A : memref<!tpu.dma_semaphore, #tpu.memory_space<semaphore_mem>>) src(%arg11 : memref<128x128xf32, #tpu.memory_space<vmem>>) dst(%dma_wait3A_104 : memref<128x128xf32, #tpu.memory_space<vmem_shared>>)
      tpu.yield
    }) : () -> ()
    %mul3A_7 = arith.constant 640 : i32
    %mul3A_8 = arith.muli %arg1, %mul3A_7 : i32
    %add3A_9 = arith.constant 128 : i32
    %add3A_10 = arith.addi %mul3A_8, %add3A_9 : i32
    "tpu.region"() ({
      %run_scoped3A = tpu.sem_alloc : memref<!tpu.dma_semaphore, #tpu.memory_space<semaphore_mem>>
      %dma_start3A = arith.constant 0 : i32
      %dma_start3A_99 = tpu.memref_slice %arg12[%add3A_10, %dma_start3A] : memref<10240x128xf32, #tpu.memory_space<vmem_shared>> -> memref<128x128xf32, #tpu.memory_space<vmem_shared>>
      %dma_start3A_100 = arith.constant 0 : i32
      %dma_start3A_101 = tpu.memref_slice %arg12[%add3A_10, %dma_start3A_100] : memref<10240x128xf32, #tpu.memory_space<vmem_shared>> -> memref<128x128xf32, #tpu.memory_space<vmem_shared>>
      tpu.enqueue_dma source(%arg11 : memref<128x128xf32, #tpu.memory_space<vmem>>) target(%dma_start3A_101 : memref<128x128xf32, #tpu.memory_space<vmem_shared>>) target_semaphore(%run_scoped3A : memref<!tpu.dma_semaphore, #tpu.memory_space<semaphore_mem>>)
      %dma_wait3A = arith.constant 0 : i32
      %dma_wait3A_102 = tpu.memref_slice %arg12[%add3A_10, %dma_wait3A] : memref<10240x128xf32, #tpu.memory_space<vmem_shared>> -> memref<128x128xf32, #tpu.memory_space<vmem_shared>>
      %dma_wait3A_103 = arith.constant 0 : i32
      %dma_wait3A_104 = tpu.memref_slice %arg12[%add3A_10, %dma_wait3A_103] : memref<10240x128xf32, #tpu.memory_space<vmem_shared>> -> memref<128x128xf32, #tpu.memory_space<vmem_shared>>
      tpu.wait_dma2 semaphore(%run_scoped3A : memref<!tpu.dma_semaphore, #tpu.memory_space<semaphore_mem>>) src(%arg11 : memref<128x128xf32, #tpu.memory_space<vmem>>) dst(%dma_wait3A_104 : memref<128x128xf32, #tpu.memory_space<vmem_shared>>)
      tpu.yield
    }) : () -> ()
    %mul3A_11 = arith.constant 640 : i32
    %mul3A_12 = arith.muli %arg1, %mul3A_11 : i32
    %add3A_13 = arith.constant 256 : i32
    %add3A_14 = arith.addi %mul3A_12, %add3A_13 : i32
    "tpu.region"() ({
      %run_scoped3A = tpu.sem_alloc : memref<!tpu.dma_semaphore, #tpu.memory_space<semaphore_mem>>
      %dma_start3A = arith.constant 0 : i32
      %dma_start3A_99 = tpu.memref_slice %arg12[%add3A_14, %dma_start3A] : memref<10240x128xf32, #tpu.memory_space<vmem_shared>> -> memref<128x128xf32, #tpu.memory_space<vmem_shared>>
      %dma_start3A_100 = arith.constant 0 : i32
      %dma_start3A_101 = tpu.memref_slice %arg12[%add3A_14, %dma_start3A_100] : memref<10240x128xf32, #tpu.memory_space<vmem_shared>> -> memref<128x128xf32, #tpu.memory_space<vmem_shared>>
      tpu.enqueue_dma source(%arg11 : memref<128x128xf32, #tpu.memory_space<vmem>>) target(%dma_start3A_101 : memref<128x128xf32, #tpu.memory_space<vmem_shared>>) target_semaphore(%run_scoped3A : memref<!tpu.dma_semaphore, #tpu.memory_space<semaphore_mem>>)
      %dma_wait3A = arith.constant 0 : i32
      %dma_wait3A_102 = tpu.memref_slice %arg12[%add3A_14, %dma_wait3A] : memref<10240x128xf32, #tpu.memory_space<vmem_shared>> -> memref<128x128xf32, #tpu.memory_space<vmem_shared>>
      %dma_wait3A_103 = arith.constant 0 : i32
      %dma_wait3A_104 = tpu.memref_slice %arg12[%add3A_14, %dma_wait3A_103] : memref<10240x128xf32, #tpu.memory_space<vmem_shared>> -> memref<128x128xf32, #tpu.memory_space<vmem_shared>>
      tpu.wait_dma2 semaphore(%run_scoped3A : memref<!tpu.dma_semaphore, #tpu.memory_space<semaphore_mem>>) src(%arg11 : memref<128x128xf32, #tpu.memory_space<vmem>>) dst(%dma_wait3A_104 : memref<128x128xf32, #tpu.memory_space<vmem_shared>>)
      tpu.yield
    }) : () -> ()
    %mul3A_15 = arith.constant 640 : i32
    %mul3A_16 = arith.muli %arg1, %mul3A_15 : i32
    %add3A_17 = arith.constant 384 : i32
    %add3A_18 = arith.addi %mul3A_16, %add3A_17 : i32
    "tpu.region"() ({
      %run_scoped3A = tpu.sem_alloc : memref<!tpu.dma_semaphore, #tpu.memory_space<semaphore_mem>>
      %dma_start3A = arith.constant 0 : i32
      %dma_start3A_99 = tpu.memref_slice %arg12[%add3A_18, %dma_start3A] : memref<10240x128xf32, #tpu.memory_space<vmem_shared>> -> memref<128x128xf32, #tpu.memory_space<vmem_shared>>
      %dma_start3A_100 = arith.constant 0 : i32
      %dma_start3A_101 = tpu.memref_slice %arg12[%add3A_18, %dma_start3A_100] : memref<10240x128xf32, #tpu.memory_space<vmem_shared>> -> memref<128x128xf32, #tpu.memory_space<vmem_shared>>
      tpu.enqueue_dma source(%arg11 : memref<128x128xf32, #tpu.memory_space<vmem>>) target(%dma_start3A_101 : memref<128x128xf32, #tpu.memory_space<vmem_shared>>) target_semaphore(%run_scoped3A : memref<!tpu.dma_semaphore, #tpu.memory_space<semaphore_mem>>)
      %dma_wait3A = arith.constant 0 : i32
      %dma_wait3A_102 = tpu.memref_slice %arg12[%add3A_18, %dma_wait3A] : memref<10240x128xf32, #tpu.memory_space<vmem_shared>> -> memref<128x128xf32, #tpu.memory_space<vmem_shared>>
      %dma_wait3A_103 = arith.constant 0 : i32
      %dma_wait3A_104 = tpu.memref_slice %arg12[%add3A_18, %dma_wait3A_103] : memref<10240x128xf32, #tpu.memory_space<vmem_shared>> -> memref<128x128xf32, #tpu.memory_space<vmem_shared>>
      tpu.wait_dma2 semaphore(%run_scoped3A : memref<!tpu.dma_semaphore, #tpu.memory_space<semaphore_mem>>) src(%arg11 : memref<128x128xf32, #tpu.memory_space<vmem>>) dst(%dma_wait3A_104 : memref<128x128xf32, #tpu.memory_space<vmem_shared>>)
      tpu.yield
    }) : () -> ()
    %mul3A_19 = arith.constant 640 : i32
    %mul3A_20 = arith.muli %arg1, %mul3A_19 : i32
    %add3A_21 = arith.constant 512 : i32
    %add3A_22 = arith.addi %mul3A_20, %add3A_21 : i32
    "tpu.region"() ({
      %run_scoped3A = tpu.sem_alloc : memref<!tpu.dma_semaphore, #tpu.memory_space<semaphore_mem>>
      %dma_start3A = arith.constant 0 : i32
      %dma_start3A_99 = tpu.memref_slice %arg12[%add3A_22, %dma_start3A] : memref<10240x128xf32, #tpu.memory_space<vmem_shared>> -> memref<128x128xf32, #tpu.memory_space<vmem_shared>>
      %dma_start3A_100 = arith.constant 0 : i32
      %dma_start3A_101 = tpu.memref_slice %arg12[%add3A_22, %dma_start3A_100] : memref<10240x128xf32, #tpu.memory_space<vmem_shared>> -> memref<128x128xf32, #tpu.memory_space<vmem_shared>>
      tpu.enqueue_dma source(%arg11 : memref<128x128xf32, #tpu.memory_space<vmem>>) target(%dma_start3A_101 : memref<128x128xf32, #tpu.memory_space<vmem_shared>>) target_semaphore(%run_scoped3A : memref<!tpu.dma_semaphore, #tpu.memory_space<semaphore_mem>>)
      %dma_wait3A = arith.constant 0 : i32
      %dma_wait3A_102 = tpu.memref_slice %arg12[%add3A_22, %dma_wait3A] : memref<10240x128xf32, #tpu.memory_space<vmem_shared>> -> memref<128x128xf32, #tpu.memory_space<vmem_shared>>
      %dma_wait3A_103 = arith.constant 0 : i32
      %dma_wait3A_104 = tpu.memref_slice %arg12[%add3A_22, %dma_wait3A_103] : memref<10240x128xf32, #tpu.memory_space<vmem_shared>> -> memref<128x128xf32, #tpu.memory_space<vmem_shared>>
      tpu.wait_dma2 semaphore(%run_scoped3A : memref<!tpu.dma_semaphore, #tpu.memory_space<semaphore_mem>>) src(%arg11 : memref<128x128xf32, #tpu.memory_space<vmem>>) dst(%dma_wait3A_104 : memref<128x128xf32, #tpu.memory_space<vmem_shared>>)
      tpu.yield
    }) : () -> ()
    %barrier3A = arith.constant 0 : index
    tpu.barrier barrier_id(%barrier3A)
    %mul3A_23 = arith.constant 20000 : i32
    %mul3A_24 = arith.muli %arg1, %mul3A_23 : i32
    %scan3A_25 = arith.constant 0 : i32
    %scan3A_26 = arith.constant 0 : i32
    %scan3A_27 = arith.constant 250 : i32
    %scan3A_28 = arith.addi %scan3A_26, %scan3A_27 : i32
    %scan3A_29 = arith.constant 1 : i32
    scf.for %scan3A_99 = %scan3A_26 to %scan3A_28 step %scan3A_29  : i32 {
      %mul3A_100 = arith.constant 80 : i32
      %mul3A_101 = arith.muli %scan3A_99, %mul3A_100 : i32
      %add3A_102 = arith.addi %mul3A_24, %mul3A_101 : i32
      "tpu.region"() ({
        %run_scoped3A = tpu.sem_alloc : memref<!tpu.dma_semaphore, #tpu.memory_space<semaphore_mem>>
        %dma_start3A = tpu.memref_slice %arg4[%add3A_102] : memref<320000xi32, #tpu.memory_space<hbm>> -> memref<80xi32, #tpu.memory_space<hbm>>
        %dma_start3A_113 = tpu.memref_slice %arg4[%add3A_102] : memref<320000xi32, #tpu.memory_space<hbm>> -> memref<80xi32, #tpu.memory_space<hbm>>
        tpu.enqueue_dma source(%dma_start3A_113 : memref<80xi32, #tpu.memory_space<hbm>>) target(%arg8 : memref<80xi32, #tpu.memory_space<vmem>>) target_semaphore(%run_scoped3A : memref<!tpu.dma_semaphore, #tpu.memory_space<semaphore_mem>>)
        %dma_wait3A = tpu.memref_slice %arg4[%add3A_102] : memref<320000xi32, #tpu.memory_space<hbm>> -> memref<80xi32, #tpu.memory_space<hbm>>
        %dma_wait3A_114 = tpu.memref_slice %arg4[%add3A_102] : memref<320000xi32, #tpu.memory_space<hbm>> -> memref<80xi32, #tpu.memory_space<hbm>>
        tpu.wait_dma2 semaphore(%run_scoped3A : memref<!tpu.dma_semaphore, #tpu.memory_space<semaphore_mem>>) src(%dma_wait3A_114 : memref<80xi32, #tpu.memory_space<hbm>>) dst(%arg8 : memref<80xi32, #tpu.memory_space<vmem>>)
        tpu.yield
      }) : () -> ()
      "tpu.region"() ({
        %run_scoped3A = tpu.sem_alloc : memref<!tpu.dma_semaphore, #tpu.memory_space<semaphore_mem>>
        %dma_start3A = tpu.memref_slice %arg5[%add3A_102] : memref<320000xi32, #tpu.memory_space<hbm>> -> memref<80xi32, #tpu.memory_space<hbm>>
        %dma_start3A_113 = tpu.memref_slice %arg5[%add3A_102] : memref<320000xi32, #tpu.memory_space<hbm>> -> memref<80xi32, #tpu.memory_space<hbm>>
        tpu.enqueue_dma source(%dma_start3A_113 : memref<80xi32, #tpu.memory_space<hbm>>) target(%arg9 : memref<80xi32, #tpu.memory_space<vmem>>) target_semaphore(%run_scoped3A : memref<!tpu.dma_semaphore, #tpu.memory_space<semaphore_mem>>)
        %dma_wait3A = tpu.memref_slice %arg5[%add3A_102] : memref<320000xi32, #tpu.memory_space<hbm>> -> memref<80xi32, #tpu.memory_space<hbm>>
        %dma_wait3A_114 = tpu.memref_slice %arg5[%add3A_102] : memref<320000xi32, #tpu.memory_space<hbm>> -> memref<80xi32, #tpu.memory_space<hbm>>
        tpu.wait_dma2 semaphore(%run_scoped3A : memref<!tpu.dma_semaphore, #tpu.memory_space<semaphore_mem>>) src(%dma_wait3A_114 : memref<80xi32, #tpu.memory_space<hbm>>) dst(%arg9 : memref<80xi32, #tpu.memory_space<vmem>>)
        tpu.yield
      }) : () -> ()
      %eq3A_103 = arith.constant 0 : i32
      %eq3A_104 = arith.cmpi eq, %arg0, %eq3A_103 : i32
      %convert_element_type3A_105 = arith.extui %eq3A_104 : i1 to i32
      %cond3A_106 = arith.constant 0 : i32
      %cond3A_107 = arith.cmpi ne, %convert_element_type3A_105, %cond3A_106 : i32
      scf.if %cond3A_107 {
        "tpu.region"() ({
          %run_scoped3A = tpu.sem_alloc : memref<!tpu.dma_semaphore, #tpu.memory_space<semaphore_mem>>
          %dma_start3A = arith.constant 0 : i32
          %dma_start3A_113 = arith.constant 0 : i32
          %dma_start3A_114 = tpu.memref_slice %arg2[%dma_start3A, %dma_start3A_113] : memref<10240x128xf32, #tpu.memory_space<hbm>> -> memref<10240x128xf32, #tpu.memory_space<hbm>>
          tpu.enqueue_indirect_dma source(%dma_start3A_114 : memref<10240x128xf32, #tpu.memory_space<hbm>>) target(%arg10 : memref<80x128xf32, #tpu.memory_space<vmem>>) offsets(%arg8 : memref<80xi32, #tpu.memory_space<vmem>>) semaphore(%run_scoped3A : memref<!tpu.dma_semaphore, #tpu.memory_space<semaphore_mem>>)
          %dma_wait3A = arith.constant 0 : i32
          %dma_wait3A_115 = arith.constant 0 : i32
          %dma_wait3A_116 = tpu.memref_slice %arg2[%dma_wait3A, %dma_wait3A_115] : memref<10240x128xf32, #tpu.memory_space<hbm>> -> memref<10240x128xf32, #tpu.memory_space<hbm>>
          tpu.wait_indirect_dma semaphore(%run_scoped3A : memref<!tpu.dma_semaphore, #tpu.memory_space<semaphore_mem>>) src(%dma_wait3A_116 : memref<10240x128xf32, #tpu.memory_space<hbm>>) dst(%arg10 : memref<80x128xf32, #tpu.memory_space<vmem>>)
          tpu.yield
        }) : () -> ()
      } else {
      }
      %eq3A_108 = arith.constant 1 : i32
      %eq3A_109 = arith.cmpi eq, %arg0, %eq3A_108 : i32
      %convert_element_type3A_110 = arith.extui %eq3A_109 : i1 to i32
      %cond3A_111 = arith.constant 0 : i32
      %cond3A_112 = arith.cmpi ne, %convert_element_type3A_110, %cond3A_111 : i32
      scf.if %cond3A_112 {
        "tpu.region"() ({
          %run_scoped3A = tpu.sem_alloc : memref<!tpu.dma_semaphore, #tpu.memory_space<semaphore_mem>>
          %dma_start3A = arith.constant 0 : i32
          %dma_start3A_113 = arith.constant 0 : i32
          %dma_start3A_114 = tpu.memref_slice %arg3[%dma_start3A, %dma_start3A_113] : memref<10240x128xf32, #tpu.memory_space<hbm>> -> memref<10240x128xf32, #tpu.memory_space<hbm>>
          tpu.enqueue_indirect_dma source(%dma_start3A_114 : memref<10240x128xf32, #tpu.memory_space<hbm>>) target(%arg10 : memref<80x128xf32, #tpu.memory_space<vmem>>) offsets(%arg8 : memref<80xi32, #tpu.memory_space<vmem>>) semaphore(%run_scoped3A : memref<!tpu.dma_semaphore, #tpu.memory_space<semaphore_mem>>)
          %dma_wait3A = arith.constant 0 : i32
          %dma_wait3A_115 = arith.constant 0 : i32
          %dma_wait3A_116 = tpu.memref_slice %arg3[%dma_wait3A, %dma_wait3A_115] : memref<10240x128xf32, #tpu.memory_space<hbm>> -> memref<10240x128xf32, #tpu.memory_space<hbm>>
          tpu.wait_indirect_dma semaphore(%run_scoped3A : memref<!tpu.dma_semaphore, #tpu.memory_space<semaphore_mem>>) src(%dma_wait3A_116 : memref<10240x128xf32, #tpu.memory_space<hbm>>) dst(%arg10 : memref<80x128xf32, #tpu.memory_space<vmem>>)
          tpu.yield
        }) : () -> ()
      } else {
      }
      "tpu.region"() ({
        %run_scoped3A = tpu.sem_alloc : memref<!tpu.dma_semaphore, #tpu.memory_space<semaphore_mem>>
        %dma_start3A = arith.constant 0 : i32
        %dma_start3A_113 = arith.constant 0 : i32
        %dma_start3A_114 = tpu.memref_slice %arg12[%dma_start3A, %dma_start3A_113] : memref<10240x128xf32, #tpu.memory_space<vmem_shared>> -> memref<10240x128xf32, #tpu.memory_space<vmem_shared>>
        tpu.enqueue_indirect_dma source(%arg10 : memref<80x128xf32, #tpu.memory_space<vmem>>) target(%dma_start3A_114 : memref<10240x128xf32, #tpu.memory_space<vmem_shared>>) offsets(%arg9 : memref<80xi32, #tpu.memory_space<vmem>>) semaphore(%run_scoped3A : memref<!tpu.dma_semaphore, #tpu.memory_space<semaphore_mem>>) {add = true}
        %dma_wait3A = arith.constant 0 : i32
        %dma_wait3A_115 = arith.constant 0 : i32
        %dma_wait3A_116 = tpu.memref_slice %arg12[%dma_wait3A, %dma_wait3A_115] : memref<10240x128xf32, #tpu.memory_space<vmem_shared>> -> memref<10240x128xf32, #tpu.memory_space<vmem_shared>>
        tpu.wait_indirect_dma semaphore(%run_scoped3A : memref<!tpu.dma_semaphore, #tpu.memory_space<semaphore_mem>>) src(%arg10 : memref<80x128xf32, #tpu.memory_space<vmem>>) dst(%dma_wait3A_116 : memref<10240x128xf32, #tpu.memory_space<vmem_shared>>)
        tpu.yield
      }) : () -> ()
    }
    %scan3A_30 = arith.constant 250 : i32
    %barrier3A_31 = arith.constant 0 : index
    tpu.barrier barrier_id(%barrier3A_31)
    %mul3A_32 = arith.constant 640 : i32
    %mul3A_33 = arith.muli %arg1, %mul3A_32 : i32
    %add3A_34 = arith.constant 0 : i32
    %add3A_35 = arith.addi %mul3A_33, %add3A_34 : i32
    "tpu.region"() ({
      %run_scoped3A = tpu.sem_alloc : memref<!tpu.dma_semaphore, #tpu.memory_space<semaphore_mem>>
      %dma_start3A = arith.constant 0 : i32
      %dma_start3A_99 = tpu.memref_slice %arg12[%add3A_35, %dma_start3A] : memref<10240x128xf32, #tpu.memory_space<vmem_shared>> -> memref<128x128xf32, #tpu.memory_space<vmem_shared>>
      %dma_start3A_100 = arith.constant 0 : i32
      %dma_start3A_101 = tpu.memref_slice %arg12[%add3A_35, %dma_start3A_100] : memref<10240x128xf32, #tpu.memory_space<vmem_shared>> -> memref<128x128xf32, #tpu.memory_space<vmem_shared>>
      tpu.enqueue_dma source(%dma_start3A_101 : memref<128x128xf32, #tpu.memory_space<vmem_shared>>) target(%arg11 : memref<128x128xf32, #tpu.memory_space<vmem>>) target_semaphore(%run_scoped3A : memref<!tpu.dma_semaphore, #tpu.memory_space<semaphore_mem>>)
      %dma_wait3A = arith.constant 0 : i32
      %dma_wait3A_102 = tpu.memref_slice %arg12[%add3A_35, %dma_wait3A] : memref<10240x128xf32, #tpu.memory_space<vmem_shared>> -> memref<128x128xf32, #tpu.memory_space<vmem_shared>>
      %dma_wait3A_103 = arith.constant 0 : i32
      %dma_wait3A_104 = tpu.memref_slice %arg12[%add3A_35, %dma_wait3A_103] : memref<10240x128xf32, #tpu.memory_space<vmem_shared>> -> memref<128x128xf32, #tpu.memory_space<vmem_shared>>
      tpu.wait_dma2 semaphore(%run_scoped3A : memref<!tpu.dma_semaphore, #tpu.memory_space<semaphore_mem>>) src(%dma_wait3A_104 : memref<128x128xf32, #tpu.memory_space<vmem_shared>>) dst(%arg11 : memref<128x128xf32, #tpu.memory_space<vmem>>)
      tpu.yield
    }) : () -> ()
    %eq3A = arith.constant 0 : i32
    %eq3A_36 = arith.cmpi eq, %arg0, %eq3A : i32
    %convert_element_type3A = arith.extui %eq3A_36 : i1 to i32
    %cond3A = arith.constant 0 : i32
    %cond3A_37 = arith.cmpi ne, %convert_element_type3A, %cond3A : i32
    scf.if %cond3A_37 {
      "tpu.region"() ({
        %run_scoped3A = tpu.sem_alloc : memref<!tpu.dma_semaphore, #tpu.memory_space<semaphore_mem>>
        %dma_start3A = arith.constant 0 : i32
        %dma_start3A_99 = tpu.memref_slice %arg6[%add3A_35, %dma_start3A] : memref<10240x128xf32, #tpu.memory_space<hbm>> -> memref<128x128xf32, #tpu.memory_space<hbm>>
        %dma_start3A_100 = arith.constant 0 : i32
        %dma_start3A_101 = tpu.memref_slice %arg6[%add3A_35, %dma_start3A_100] : memref<10240x128xf32, #tpu.memory_space<hbm>> -> memref<128x128xf32, #tpu.memory_space<hbm>>
        tpu.enqueue_dma source(%arg11 : memref<128x128xf32, #tpu.memory_space<vmem>>) target(%dma_start3A_101 : memref<128x128xf32, #tpu.memory_space<hbm>>) target_semaphore(%run_scoped3A : memref<!tpu.dma_semaphore, #tpu.memory_space<semaphore_mem>>)
        %dma_wait3A = arith.constant 0 : i32
        %dma_wait3A_102 = tpu.memref_slice %arg6[%add3A_35, %dma_wait3A] : memref<10240x128xf32, #tpu.memory_space<hbm>> -> memref<128x128xf32, #tpu.memory_space<hbm>>
        %dma_wait3A_103 = arith.constant 0 : i32
        %dma_wait3A_104 = tpu.memref_slice %arg6[%add3A_35, %dma_wait3A_103] : memref<10240x128xf32, #tpu.memory_space<hbm>> -> memref<128x128xf32, #tpu.memory_space<hbm>>
        tpu.wait_dma2 semaphore(%run_scoped3A : memref<!tpu.dma_semaphore, #tpu.memory_space<semaphore_mem>>) src(%arg11 : memref<128x128xf32, #tpu.memory_space<vmem>>) dst(%dma_wait3A_104 : memref<128x128xf32, #tpu.memory_space<hbm>>)
        tpu.yield
      }) : () -> ()
    } else {
    }
    %eq3A_38 = arith.constant 1 : i32
    %eq3A_39 = arith.cmpi eq, %arg0, %eq3A_38 : i32
    %convert_element_type3A_40 = arith.extui %eq3A_39 : i1 to i32
    %cond3A_41 = arith.constant 0 : i32
    %cond3A_42 = arith.cmpi ne, %convert_element_type3A_40, %cond3A_41 : i32
    scf.if %cond3A_42 {
      "tpu.region"() ({
        %run_scoped3A = tpu.sem_alloc : memref<!tpu.dma_semaphore, #tpu.memory_space<semaphore_mem>>
        %dma_start3A = arith.constant 0 : i32
        %dma_start3A_99 = tpu.memref_slice %arg7[%add3A_35, %dma_start3A] : memref<10240x128xf32, #tpu.memory_space<hbm>> -> memref<128x128xf32, #tpu.memory_space<hbm>>
        %dma_start3A_100 = arith.constant 0 : i32
        %dma_start3A_101 = tpu.memref_slice %arg7[%add3A_35, %dma_start3A_100] : memref<10240x128xf32, #tpu.memory_space<hbm>> -> memref<128x128xf32, #tpu.memory_space<hbm>>
        tpu.enqueue_dma source(%arg11 : memref<128x128xf32, #tpu.memory_space<vmem>>) target(%dma_start3A_101 : memref<128x128xf32, #tpu.memory_space<hbm>>) target_semaphore(%run_scoped3A : memref<!tpu.dma_semaphore, #tpu.memory_space<semaphore_mem>>)
        %dma_wait3A = arith.constant 0 : i32
        %dma_wait3A_102 = tpu.memref_slice %arg7[%add3A_35, %dma_wait3A] : memref<10240x128xf32, #tpu.memory_space<hbm>> -> memref<128x128xf32, #tpu.memory_space<hbm>>
        %dma_wait3A_103 = arith.constant 0 : i32
        %dma_wait3A_104 = tpu.memref_slice %arg7[%add3A_35, %dma_wait3A_103] : memref<10240x128xf32, #tpu.memory_space<hbm>> -> memref<128x128xf32, #tpu.memory_space<hbm>>
        tpu.wait_dma2 semaphore(%run_scoped3A : memref<!tpu.dma_semaphore, #tpu.memory_space<semaphore_mem>>) src(%arg11 : memref<128x128xf32, #tpu.memory_space<vmem>>) dst(%dma_wait3A_104 : memref<128x128xf32, #tpu.memory_space<hbm>>)
        tpu.yield
      }) : () -> ()
    } else {
    }
    %mul3A_43 = arith.constant 640 : i32
    %mul3A_44 = arith.muli %arg1, %mul3A_43 : i32
    %add3A_45 = arith.constant 128 : i32
    %add3A_46 = arith.addi %mul3A_44, %add3A_45 : i32
    "tpu.region"() ({
      %run_scoped3A = tpu.sem_alloc : memref<!tpu.dma_semaphore, #tpu.memory_space<semaphore_mem>>
      %dma_start3A = arith.constant 0 : i32
      %dma_start3A_99 = tpu.memref_slice %arg12[%add3A_46, %dma_start3A] : memref<10240x128xf32, #tpu.memory_space<vmem_shared>> -> memref<128x128xf32, #tpu.memory_space<vmem_shared>>
      %dma_start3A_100 = arith.constant 0 : i32
      %dma_start3A_101 = tpu.memref_slice %arg12[%add3A_46, %dma_start3A_100] : memref<10240x128xf32, #tpu.memory_space<vmem_shared>> -> memref<128x128xf32, #tpu.memory_space<vmem_shared>>
      tpu.enqueue_dma source(%dma_start3A_101 : memref<128x128xf32, #tpu.memory_space<vmem_shared>>) target(%arg11 : memref<128x128xf32, #tpu.memory_space<vmem>>) target_semaphore(%run_scoped3A : memref<!tpu.dma_semaphore, #tpu.memory_space<semaphore_mem>>)
      %dma_wait3A = arith.constant 0 : i32
      %dma_wait3A_102 = tpu.memref_slice %arg12[%add3A_46, %dma_wait3A] : memref<10240x128xf32, #tpu.memory_space<vmem_shared>> -> memref<128x128xf32, #tpu.memory_space<vmem_shared>>
      %dma_wait3A_103 = arith.constant 0 : i32
      %dma_wait3A_104 = tpu.memref_slice %arg12[%add3A_46, %dma_wait3A_103] : memref<10240x128xf32, #tpu.memory_space<vmem_shared>> -> memref<128x128xf32, #tpu.memory_space<vmem_shared>>
      tpu.wait_dma2 semaphore(%run_scoped3A : memref<!tpu.dma_semaphore, #tpu.memory_space<semaphore_mem>>) src(%dma_wait3A_104 : memref<128x128xf32, #tpu.memory_space<vmem_shared>>) dst(%arg11 : memref<128x128xf32, #tpu.memory_space<vmem>>)
      tpu.yield
    }) : () -> ()
    %eq3A_47 = arith.constant 0 : i32
    %eq3A_48 = arith.cmpi eq, %arg0, %eq3A_47 : i32
    %convert_element_type3A_49 = arith.extui %eq3A_48 : i1 to i32
    %cond3A_50 = arith.constant 0 : i32
    %cond3A_51 = arith.cmpi ne, %convert_element_type3A_49, %cond3A_50 : i32
    scf.if %cond3A_51 {
      "tpu.region"() ({
        %run_scoped3A = tpu.sem_alloc : memref<!tpu.dma_semaphore, #tpu.memory_space<semaphore_mem>>
        %dma_start3A = arith.constant 0 : i32
        %dma_start3A_99 = tpu.memref_slice %arg6[%add3A_46, %dma_start3A] : memref<10240x128xf32, #tpu.memory_space<hbm>> -> memref<128x128xf32, #tpu.memory_space<hbm>>
        %dma_start3A_100 = arith.constant 0 : i32
        %dma_start3A_101 = tpu.memref_slice %arg6[%add3A_46, %dma_start3A_100] : memref<10240x128xf32, #tpu.memory_space<hbm>> -> memref<128x128xf32, #tpu.memory_space<hbm>>
        tpu.enqueue_dma source(%arg11 : memref<128x128xf32, #tpu.memory_space<vmem>>) target(%dma_start3A_101 : memref<128x128xf32, #tpu.memory_space<hbm>>) target_semaphore(%run_scoped3A : memref<!tpu.dma_semaphore, #tpu.memory_space<semaphore_mem>>)
        %dma_wait3A = arith.constant 0 : i32
        %dma_wait3A_102 = tpu.memref_slice %arg6[%add3A_46, %dma_wait3A] : memref<10240x128xf32, #tpu.memory_space<hbm>> -> memref<128x128xf32, #tpu.memory_space<hbm>>
        %dma_wait3A_103 = arith.constant 0 : i32
        %dma_wait3A_104 = tpu.memref_slice %arg6[%add3A_46, %dma_wait3A_103] : memref<10240x128xf32, #tpu.memory_space<hbm>> -> memref<128x128xf32, #tpu.memory_space<hbm>>
        tpu.wait_dma2 semaphore(%run_scoped3A : memref<!tpu.dma_semaphore, #tpu.memory_space<semaphore_mem>>) src(%arg11 : memref<128x128xf32, #tpu.memory_space<vmem>>) dst(%dma_wait3A_104 : memref<128x128xf32, #tpu.memory_space<hbm>>)
        tpu.yield
      }) : () -> ()
    } else {
    }
    %eq3A_52 = arith.constant 1 : i32
    %eq3A_53 = arith.cmpi eq, %arg0, %eq3A_52 : i32
    %convert_element_type3A_54 = arith.extui %eq3A_53 : i1 to i32
    %cond3A_55 = arith.constant 0 : i32
    %cond3A_56 = arith.cmpi ne, %convert_element_type3A_54, %cond3A_55 : i32
    scf.if %cond3A_56 {
      "tpu.region"() ({
        %run_scoped3A = tpu.sem_alloc : memref<!tpu.dma_semaphore, #tpu.memory_space<semaphore_mem>>
        %dma_start3A = arith.constant 0 : i32
        %dma_start3A_99 = tpu.memref_slice %arg7[%add3A_46, %dma_start3A] : memref<10240x128xf32, #tpu.memory_space<hbm>> -> memref<128x128xf32, #tpu.memory_space<hbm>>
        %dma_start3A_100 = arith.constant 0 : i32
        %dma_start3A_101 = tpu.memref_slice %arg7[%add3A_46, %dma_start3A_100] : memref<10240x128xf32, #tpu.memory_space<hbm>> -> memref<128x128xf32, #tpu.memory_space<hbm>>
        tpu.enqueue_dma source(%arg11 : memref<128x128xf32, #tpu.memory_space<vmem>>) target(%dma_start3A_101 : memref<128x128xf32, #tpu.memory_space<hbm>>) target_semaphore(%run_scoped3A : memref<!tpu.dma_semaphore, #tpu.memory_space<semaphore_mem>>)
        %dma_wait3A = arith.constant 0 : i32
        %dma_wait3A_102 = tpu.memref_slice %arg7[%add3A_46, %dma_wait3A] : memref<10240x128xf32, #tpu.memory_space<hbm>> -> memref<128x128xf32, #tpu.memory_space<hbm>>
        %dma_wait3A_103 = arith.constant 0 : i32
        %dma_wait3A_104 = tpu.memref_slice %arg7[%add3A_46, %dma_wait3A_103] : memref<10240x128xf32, #tpu.memory_space<hbm>> -> memref<128x128xf32, #tpu.memory_space<hbm>>
        tpu.wait_dma2 semaphore(%run_scoped3A : memref<!tpu.dma_semaphore, #tpu.memory_space<semaphore_mem>>) src(%arg11 : memref<128x128xf32, #tpu.memory_space<vmem>>) dst(%dma_wait3A_104 : memref<128x128xf32, #tpu.memory_space<hbm>>)
        tpu.yield
      }) : () -> ()
    } else {
    }
    %mul3A_57 = arith.constant 640 : i32
    %mul3A_58 = arith.muli %arg1, %mul3A_57 : i32
    %add3A_59 = arith.constant 256 : i32
    %add3A_60 = arith.addi %mul3A_58, %add3A_59 : i32
    "tpu.region"() ({
      %run_scoped3A = tpu.sem_alloc : memref<!tpu.dma_semaphore, #tpu.memory_space<semaphore_mem>>
      %dma_start3A = arith.constant 0 : i32
      %dma_start3A_99 = tpu.memref_slice %arg12[%add3A_60, %dma_start3A] : memref<10240x128xf32, #tpu.memory_space<vmem_shared>> -> memref<128x128xf32, #tpu.memory_space<vmem_shared>>
      %dma_start3A_100 = arith.constant 0 : i32
      %dma_start3A_101 = tpu.memref_slice %arg12[%add3A_60, %dma_start3A_100] : memref<10240x128xf32, #tpu.memory_space<vmem_shared>> -> memref<128x128xf32, #tpu.memory_space<vmem_shared>>
      tpu.enqueue_dma source(%dma_start3A_101 : memref<128x128xf32, #tpu.memory_space<vmem_shared>>) target(%arg11 : memref<128x128xf32, #tpu.memory_space<vmem>>) target_semaphore(%run_scoped3A : memref<!tpu.dma_semaphore, #tpu.memory_space<semaphore_mem>>)
      %dma_wait3A = arith.constant 0 : i32
      %dma_wait3A_102 = tpu.memref_slice %arg12[%add3A_60, %dma_wait3A] : memref<10240x128xf32, #tpu.memory_space<vmem_shared>> -> memref<128x128xf32, #tpu.memory_space<vmem_shared>>
      %dma_wait3A_103 = arith.constant 0 : i32
      %dma_wait3A_104 = tpu.memref_slice %arg12[%add3A_60, %dma_wait3A_103] : memref<10240x128xf32, #tpu.memory_space<vmem_shared>> -> memref<128x128xf32, #tpu.memory_space<vmem_shared>>
      tpu.wait_dma2 semaphore(%run_scoped3A : memref<!tpu.dma_semaphore, #tpu.memory_space<semaphore_mem>>) src(%dma_wait3A_104 : memref<128x128xf32, #tpu.memory_space<vmem_shared>>) dst(%arg11 : memref<128x128xf32, #tpu.memory_space<vmem>>)
      tpu.yield
    }) : () -> ()
    %eq3A_61 = arith.constant 0 : i32
    %eq3A_62 = arith.cmpi eq, %arg0, %eq3A_61 : i32
    %convert_element_type3A_63 = arith.extui %eq3A_62 : i1 to i32
    %cond3A_64 = arith.constant 0 : i32
    %cond3A_65 = arith.cmpi ne, %convert_element_type3A_63, %cond3A_64 : i32
    scf.if %cond3A_65 {
      "tpu.region"() ({
        %run_scoped3A = tpu.sem_alloc : memref<!tpu.dma_semaphore, #tpu.memory_space<semaphore_mem>>
        %dma_start3A = arith.constant 0 : i32
        %dma_start3A_99 = tpu.memref_slice %arg6[%add3A_60, %dma_start3A] : memref<10240x128xf32, #tpu.memory_space<hbm>> -> memref<128x128xf32, #tpu.memory_space<hbm>>
        %dma_start3A_100 = arith.constant 0 : i32
        %dma_start3A_101 = tpu.memref_slice %arg6[%add3A_60, %dma_start3A_100] : memref<10240x128xf32, #tpu.memory_space<hbm>> -> memref<128x128xf32, #tpu.memory_space<hbm>>
        tpu.enqueue_dma source(%arg11 : memref<128x128xf32, #tpu.memory_space<vmem>>) target(%dma_start3A_101 : memref<128x128xf32, #tpu.memory_space<hbm>>) target_semaphore(%run_scoped3A : memref<!tpu.dma_semaphore, #tpu.memory_space<semaphore_mem>>)
        %dma_wait3A = arith.constant 0 : i32
        %dma_wait3A_102 = tpu.memref_slice %arg6[%add3A_60, %dma_wait3A] : memref<10240x128xf32, #tpu.memory_space<hbm>> -> memref<128x128xf32, #tpu.memory_space<hbm>>
        %dma_wait3A_103 = arith.constant 0 : i32
        %dma_wait3A_104 = tpu.memref_slice %arg6[%add3A_60, %dma_wait3A_103] : memref<10240x128xf32, #tpu.memory_space<hbm>> -> memref<128x128xf32, #tpu.memory_space<hbm>>
        tpu.wait_dma2 semaphore(%run_scoped3A : memref<!tpu.dma_semaphore, #tpu.memory_space<semaphore_mem>>) src(%arg11 : memref<128x128xf32, #tpu.memory_space<vmem>>) dst(%dma_wait3A_104 : memref<128x128xf32, #tpu.memory_space<hbm>>)
        tpu.yield
      }) : () -> ()
    } else {
    }
    %eq3A_66 = arith.constant 1 : i32
    %eq3A_67 = arith.cmpi eq, %arg0, %eq3A_66 : i32
    %convert_element_type3A_68 = arith.extui %eq3A_67 : i1 to i32
    %cond3A_69 = arith.constant 0 : i32
    %cond3A_70 = arith.cmpi ne, %convert_element_type3A_68, %cond3A_69 : i32
    scf.if %cond3A_70 {
      "tpu.region"() ({
        %run_scoped3A = tpu.sem_alloc : memref<!tpu.dma_semaphore, #tpu.memory_space<semaphore_mem>>
        %dma_start3A = arith.constant 0 : i32
        %dma_start3A_99 = tpu.memref_slice %arg7[%add3A_60, %dma_start3A] : memref<10240x128xf32, #tpu.memory_space<hbm>> -> memref<128x128xf32, #tpu.memory_space<hbm>>
        %dma_start3A_100 = arith.constant 0 : i32
        %dma_start3A_101 = tpu.memref_slice %arg7[%add3A_60, %dma_start3A_100] : memref<10240x128xf32, #tpu.memory_space<hbm>> -> memref<128x128xf32, #tpu.memory_space<hbm>>
        tpu.enqueue_dma source(%arg11 : memref<128x128xf32, #tpu.memory_space<vmem>>) target(%dma_start3A_101 : memref<128x128xf32, #tpu.memory_space<hbm>>) target_semaphore(%run_scoped3A : memref<!tpu.dma_semaphore, #tpu.memory_space<semaphore_mem>>)
        %dma_wait3A = arith.constant 0 : i32
        %dma_wait3A_102 = tpu.memref_slice %arg7[%add3A_60, %dma_wait3A] : memref<10240x128xf32, #tpu.memory_space<hbm>> -> memref<128x128xf32, #tpu.memory_space<hbm>>
        %dma_wait3A_103 = arith.constant 0 : i32
        %dma_wait3A_104 = tpu.memref_slice %arg7[%add3A_60, %dma_wait3A_103] : memref<10240x128xf32, #tpu.memory_space<hbm>> -> memref<128x128xf32, #tpu.memory_space<hbm>>
        tpu.wait_dma2 semaphore(%run_scoped3A : memref<!tpu.dma_semaphore, #tpu.memory_space<semaphore_mem>>) src(%arg11 : memref<128x128xf32, #tpu.memory_space<vmem>>) dst(%dma_wait3A_104 : memref<128x128xf32, #tpu.memory_space<hbm>>)
        tpu.yield
      }) : () -> ()
    } else {
    }
    %mul3A_71 = arith.constant 640 : i32
    %mul3A_72 = arith.muli %arg1, %mul3A_71 : i32
    %add3A_73 = arith.constant 384 : i32
    %add3A_74 = arith.addi %mul3A_72, %add3A_73 : i32
    "tpu.region"() ({
      %run_scoped3A = tpu.sem_alloc : memref<!tpu.dma_semaphore, #tpu.memory_space<semaphore_mem>>
      %dma_start3A = arith.constant 0 : i32
      %dma_start3A_99 = tpu.memref_slice %arg12[%add3A_74, %dma_start3A] : memref<10240x128xf32, #tpu.memory_space<vmem_shared>> -> memref<128x128xf32, #tpu.memory_space<vmem_shared>>
      %dma_start3A_100 = arith.constant 0 : i32
      %dma_start3A_101 = tpu.memref_slice %arg12[%add3A_74, %dma_start3A_100] : memref<10240x128xf32, #tpu.memory_space<vmem_shared>> -> memref<128x128xf32, #tpu.memory_space<vmem_shared>>
      tpu.enqueue_dma source(%dma_start3A_101 : memref<128x128xf32, #tpu.memory_space<vmem_shared>>) target(%arg11 : memref<128x128xf32, #tpu.memory_space<vmem>>) target_semaphore(%run_scoped3A : memref<!tpu.dma_semaphore, #tpu.memory_space<semaphore_mem>>)
      %dma_wait3A = arith.constant 0 : i32
      %dma_wait3A_102 = tpu.memref_slice %arg12[%add3A_74, %dma_wait3A] : memref<10240x128xf32, #tpu.memory_space<vmem_shared>> -> memref<128x128xf32, #tpu.memory_space<vmem_shared>>
      %dma_wait3A_103 = arith.constant 0 : i32
      %dma_wait3A_104 = tpu.memref_slice %arg12[%add3A_74, %dma_wait3A_103] : memref<10240x128xf32, #tpu.memory_space<vmem_shared>> -> memref<128x128xf32, #tpu.memory_space<vmem_shared>>
      tpu.wait_dma2 semaphore(%run_scoped3A : memref<!tpu.dma_semaphore, #tpu.memory_space<semaphore_mem>>) src(%dma_wait3A_104 : memref<128x128xf32, #tpu.memory_space<vmem_shared>>) dst(%arg11 : memref<128x128xf32, #tpu.memory_space<vmem>>)
      tpu.yield
    }) : () -> ()
    %eq3A_75 = arith.constant 0 : i32
    %eq3A_76 = arith.cmpi eq, %arg0, %eq3A_75 : i32
    %convert_element_type3A_77 = arith.extui %eq3A_76 : i1 to i32
    %cond3A_78 = arith.constant 0 : i32
    %cond3A_79 = arith.cmpi ne, %convert_element_type3A_77, %cond3A_78 : i32
    scf.if %cond3A_79 {
      "tpu.region"() ({
        %run_scoped3A = tpu.sem_alloc : memref<!tpu.dma_semaphore, #tpu.memory_space<semaphore_mem>>
        %dma_start3A = arith.constant 0 : i32
        %dma_start3A_99 = tpu.memref_slice %arg6[%add3A_74, %dma_start3A] : memref<10240x128xf32, #tpu.memory_space<hbm>> -> memref<128x128xf32, #tpu.memory_space<hbm>>
        %dma_start3A_100 = arith.constant 0 : i32
        %dma_start3A_101 = tpu.memref_slice %arg6[%add3A_74, %dma_start3A_100] : memref<10240x128xf32, #tpu.memory_space<hbm>> -> memref<128x128xf32, #tpu.memory_space<hbm>>
        tpu.enqueue_dma source(%arg11 : memref<128x128xf32, #tpu.memory_space<vmem>>) target(%dma_start3A_101 : memref<128x128xf32, #tpu.memory_space<hbm>>) target_semaphore(%run_scoped3A : memref<!tpu.dma_semaphore, #tpu.memory_space<semaphore_mem>>)
        %dma_wait3A = arith.constant 0 : i32
        %dma_wait3A_102 = tpu.memref_slice %arg6[%add3A_74, %dma_wait3A] : memref<10240x128xf32, #tpu.memory_space<hbm>> -> memref<128x128xf32, #tpu.memory_space<hbm>>
        %dma_wait3A_103 = arith.constant 0 : i32
        %dma_wait3A_104 = tpu.memref_slice %arg6[%add3A_74, %dma_wait3A_103] : memref<10240x128xf32, #tpu.memory_space<hbm>> -> memref<128x128xf32, #tpu.memory_space<hbm>>
        tpu.wait_dma2 semaphore(%run_scoped3A : memref<!tpu.dma_semaphore, #tpu.memory_space<semaphore_mem>>) src(%arg11 : memref<128x128xf32, #tpu.memory_space<vmem>>) dst(%dma_wait3A_104 : memref<128x128xf32, #tpu.memory_space<hbm>>)
        tpu.yield
      }) : () -> ()
    } else {
    }
    %eq3A_80 = arith.constant 1 : i32
    %eq3A_81 = arith.cmpi eq, %arg0, %eq3A_80 : i32
    %convert_element_type3A_82 = arith.extui %eq3A_81 : i1 to i32
    %cond3A_83 = arith.constant 0 : i32
    %cond3A_84 = arith.cmpi ne, %convert_element_type3A_82, %cond3A_83 : i32
    scf.if %cond3A_84 {
      "tpu.region"() ({
        %run_scoped3A = tpu.sem_alloc : memref<!tpu.dma_semaphore, #tpu.memory_space<semaphore_mem>>
        %dma_start3A = arith.constant 0 : i32
        %dma_start3A_99 = tpu.memref_slice %arg7[%add3A_74, %dma_start3A] : memref<10240x128xf32, #tpu.memory_space<hbm>> -> memref<128x128xf32, #tpu.memory_space<hbm>>
        %dma_start3A_100 = arith.constant 0 : i32
        %dma_start3A_101 = tpu.memref_slice %arg7[%add3A_74, %dma_start3A_100] : memref<10240x128xf32, #tpu.memory_space<hbm>> -> memref<128x128xf32, #tpu.memory_space<hbm>>
        tpu.enqueue_dma source(%arg11 : memref<128x128xf32, #tpu.memory_space<vmem>>) target(%dma_start3A_101 : memref<128x128xf32, #tpu.memory_space<hbm>>) target_semaphore(%run_scoped3A : memref<!tpu.dma_semaphore, #tpu.memory_space<semaphore_mem>>)
        %dma_wait3A = arith.constant 0 : i32
        %dma_wait3A_102 = tpu.memref_slice %arg7[%add3A_74, %dma_wait3A] : memref<10240x128xf32, #tpu.memory_space<hbm>> -> memref<128x128xf32, #tpu.memory_space<hbm>>
        %dma_wait3A_103 = arith.constant 0 : i32
        %dma_wait3A_104 = tpu.memref_slice %arg7[%add3A_74, %dma_wait3A_103] : memref<10240x128xf32, #tpu.memory_space<hbm>> -> memref<128x128xf32, #tpu.memory_space<hbm>>
        tpu.wait_dma2 semaphore(%run_scoped3A : memref<!tpu.dma_semaphore, #tpu.memory_space<semaphore_mem>>) src(%arg11 : memref<128x128xf32, #tpu.memory_space<vmem>>) dst(%dma_wait3A_104 : memref<128x128xf32, #tpu.memory_space<hbm>>)
        tpu.yield
      }) : () -> ()
    } else {
    }
    %mul3A_85 = arith.constant 640 : i32
    %mul3A_86 = arith.muli %arg1, %mul3A_85 : i32
    %add3A_87 = arith.constant 512 : i32
    %add3A_88 = arith.addi %mul3A_86, %add3A_87 : i32
    "tpu.region"() ({
      %run_scoped3A = tpu.sem_alloc : memref<!tpu.dma_semaphore, #tpu.memory_space<semaphore_mem>>
      %dma_start3A = arith.constant 0 : i32
      %dma_start3A_99 = tpu.memref_slice %arg12[%add3A_88, %dma_start3A] : memref<10240x128xf32, #tpu.memory_space<vmem_shared>> -> memref<128x128xf32, #tpu.memory_space<vmem_shared>>
      %dma_start3A_100 = arith.constant 0 : i32
      %dma_start3A_101 = tpu.memref_slice %arg12[%add3A_88, %dma_start3A_100] : memref<10240x128xf32, #tpu.memory_space<vmem_shared>> -> memref<128x128xf32, #tpu.memory_space<vmem_shared>>
      tpu.enqueue_dma source(%dma_start3A_101 : memref<128x128xf32, #tpu.memory_space<vmem_shared>>) target(%arg11 : memref<128x128xf32, #tpu.memory_space<vmem>>) target_semaphore(%run_scoped3A : memref<!tpu.dma_semaphore, #tpu.memory_space<semaphore_mem>>)
      %dma_wait3A = arith.constant 0 : i32
      %dma_wait3A_102 = tpu.memref_slice %arg12[%add3A_88, %dma_wait3A] : memref<10240x128xf32, #tpu.memory_space<vmem_shared>> -> memref<128x128xf32, #tpu.memory_space<vmem_shared>>
      %dma_wait3A_103 = arith.constant 0 : i32
      %dma_wait3A_104 = tpu.memref_slice %arg12[%add3A_88, %dma_wait3A_103] : memref<10240x128xf32, #tpu.memory_space<vmem_shared>> -> memref<128x128xf32, #tpu.memory_space<vmem_shared>>
      tpu.wait_dma2 semaphore(%run_scoped3A : memref<!tpu.dma_semaphore, #tpu.memory_space<semaphore_mem>>) src(%dma_wait3A_104 : memref<128x128xf32, #tpu.memory_space<vmem_shared>>) dst(%arg11 : memref<128x128xf32, #tpu.memory_space<vmem>>)
      tpu.yield
    }) : () -> ()
    %eq3A_89 = arith.constant 0 : i32
    %eq3A_90 = arith.cmpi eq, %arg0, %eq3A_89 : i32
    %convert_element_type3A_91 = arith.extui %eq3A_90 : i1 to i32
    %cond3A_92 = arith.constant 0 : i32
    %cond3A_93 = arith.cmpi ne, %convert_element_type3A_91, %cond3A_92 : i32
    scf.if %cond3A_93 {
      "tpu.region"() ({
        %run_scoped3A = tpu.sem_alloc : memref<!tpu.dma_semaphore, #tpu.memory_space<semaphore_mem>>
        %dma_start3A = arith.constant 0 : i32
        %dma_start3A_99 = tpu.memref_slice %arg6[%add3A_88, %dma_start3A] : memref<10240x128xf32, #tpu.memory_space<hbm>> -> memref<128x128xf32, #tpu.memory_space<hbm>>
        %dma_start3A_100 = arith.constant 0 : i32
        %dma_start3A_101 = tpu.memref_slice %arg6[%add3A_88, %dma_start3A_100] : memref<10240x128xf32, #tpu.memory_space<hbm>> -> memref<128x128xf32, #tpu.memory_space<hbm>>
        tpu.enqueue_dma source(%arg11 : memref<128x128xf32, #tpu.memory_space<vmem>>) target(%dma_start3A_101 : memref<128x128xf32, #tpu.memory_space<hbm>>) target_semaphore(%run_scoped3A : memref<!tpu.dma_semaphore, #tpu.memory_space<semaphore_mem>>)
        %dma_wait3A = arith.constant 0 : i32
        %dma_wait3A_102 = tpu.memref_slice %arg6[%add3A_88, %dma_wait3A] : memref<10240x128xf32, #tpu.memory_space<hbm>> -> memref<128x128xf32, #tpu.memory_space<hbm>>
        %dma_wait3A_103 = arith.constant 0 : i32
        %dma_wait3A_104 = tpu.memref_slice %arg6[%add3A_88, %dma_wait3A_103] : memref<10240x128xf32, #tpu.memory_space<hbm>> -> memref<128x128xf32, #tpu.memory_space<hbm>>
        tpu.wait_dma2 semaphore(%run_scoped3A : memref<!tpu.dma_semaphore, #tpu.memory_space<semaphore_mem>>) src(%arg11 : memref<128x128xf32, #tpu.memory_space<vmem>>) dst(%dma_wait3A_104 : memref<128x128xf32, #tpu.memory_space<hbm>>)
        tpu.yield
      }) : () -> ()
    } else {
    }
    %eq3A_94 = arith.constant 1 : i32
    %eq3A_95 = arith.cmpi eq, %arg0, %eq3A_94 : i32
    %convert_element_type3A_96 = arith.extui %eq3A_95 : i1 to i32
    %cond3A_97 = arith.constant 0 : i32
    %cond3A_98 = arith.cmpi ne, %convert_element_type3A_96, %cond3A_97 : i32
    scf.if %cond3A_98 {
      "tpu.region"() ({
        %run_scoped3A = tpu.sem_alloc : memref<!tpu.dma_semaphore, #tpu.memory_space<semaphore_mem>>
        %dma_start3A = arith.constant 0 : i32
        %dma_start3A_99 = tpu.memref_slice %arg7[%add3A_88, %dma_start3A] : memref<10240x128xf32, #tpu.memory_space<hbm>> -> memref<128x128xf32, #tpu.memory_space<hbm>>
        %dma_start3A_100 = arith.constant 0 : i32
        %dma_start3A_101 = tpu.memref_slice %arg7[%add3A_88, %dma_start3A_100] : memref<10240x128xf32, #tpu.memory_space<hbm>> -> memref<128x128xf32, #tpu.memory_space<hbm>>
        tpu.enqueue_dma source(%arg11 : memref<128x128xf32, #tpu.memory_space<vmem>>) target(%dma_start3A_101 : memref<128x128xf32, #tpu.memory_space<hbm>>) target_semaphore(%run_scoped3A : memref<!tpu.dma_semaphore, #tpu.memory_space<semaphore_mem>>)
        %dma_wait3A = arith.constant 0 : i32
        %dma_wait3A_102 = tpu.memref_slice %arg7[%add3A_88, %dma_wait3A] : memref<10240x128xf32, #tpu.memory_space<hbm>> -> memref<128x128xf32, #tpu.memory_space<hbm>>
        %dma_wait3A_103 = arith.constant 0 : i32
        %dma_wait3A_104 = tpu.memref_slice %arg7[%add3A_88, %dma_wait3A_103] : memref<10240x128xf32, #tpu.memory_space<hbm>> -> memref<128x128xf32, #tpu.memory_space<hbm>>
        tpu.wait_dma2 semaphore(%run_scoped3A : memref<!tpu.dma_semaphore, #tpu.memory_space<semaphore_mem>>) src(%arg11 : memref<128x128xf32, #tpu.memory_space<vmem>>) dst(%dma_wait3A_104 : memref<128x128xf32, #tpu.memory_space<hbm>>)
        tpu.yield
      }) : () -> ()
    } else {
    }
    return
  }
}

module attributes {stable_mosaic.version = 14 : i64} {
  func.func @_encode_body(%arg0: i32, %arg1: memref<2048x128xf32, #tpu.memory_space<vmem>>, %arg2: memref<128x128xf32, #tpu.memory_space<vmem>>, %arg3: memref<1x128xf32, #tpu.memory_space<vmem>>, %arg4: memref<2048x128xf32, #tpu.memory_space<vmem>>) attributes {dimension_semantics = [#tpu.dimension_semantics<arbitrary>], iteration_bounds = array<i64: 5>, scalar_prefetch = 0 : i64, scratch_operands = 0 : i64, tpu.core_type = #tpu.core_type<tc>, window_params = [{transform_indices = @transform_0, window_bounds = array<i64: 2048, 128>}, {pipeline_mode = #tpu.pipeline_mode<synchronous>, transform_indices = @transform_1, window_bounds = array<i64: 128, 128>}, {pipeline_mode = #tpu.pipeline_mode<synchronous>, transform_indices = @transform_2, window_bounds = array<i64: 1, 128>}, {transform_indices = @transform_3, window_bounds = array<i64: 2048, 128>}]} {
    %get3A = arith.constant 0 : index
    %get3A_0 = arith.constant 0 : index
    %get3A_1 = vector.load %arg1[%get3A, %get3A_0] : memref<2048x128xf32, #tpu.memory_space<vmem>>, vector<2048x128xf32>
    %get3A_2 = arith.constant 0 : index
    %get3A_3 = arith.constant 0 : index
    %get3A_4 = vector.load %arg2[%get3A_2, %get3A_3] : memref<128x128xf32, #tpu.memory_space<vmem>>, vector<128x128xf32>
    %dot_general3A = arith.constant dense<0.000000e+00> : vector<2048x128xf32>
    %dot_general3A_5 = tpu.matmul %get3A_1, %get3A_4, %dot_general3A {dimension_numbers = #tpu.dot_dimension_numbers<[1], [0], [0], [1], [0, 0, 1, 1], [], []>, transpose_lhs_hint = false} : vector<2048x128xf32>, vector<128x128xf32>, vector<2048x128xf32> -> vector<2048x128xf32>
    %get3A_6 = arith.constant 0 : index
    %get3A_7 = arith.constant 0 : index
    %get3A_8 = vector.load %arg3[%get3A_6, %get3A_7] : memref<1x128xf32, #tpu.memory_space<vmem>>, vector<1x128xf32>
    %add3A = vector.broadcast %get3A_8 : vector<1x128xf32> to vector<2048x128xf32>
    %add3A_9 = arith.addf %dot_general3A_5, %add3A : vector<2048x128xf32>
    %max3A = arith.constant 0.000000e+00 : f32
    %max3A_10 = vector.broadcast %max3A : f32 to vector<2048x128xf32>
    %max3A_11 = arith.maximumf %add3A_9, %max3A_10 : vector<2048x128xf32>
    %swap3A = arith.constant 0 : index
    %swap3A_12 = arith.constant 0 : index
    %swap3A_13 = vector.load %arg4[%swap3A, %swap3A_12] : memref<2048x128xf32, #tpu.memory_space<vmem>>, vector<2048x128xf32>
    tpu.vector_store %arg4[%swap3A, %swap3A_12], %max3A_11 {strides = array<i32>} : memref<2048x128xf32, #tpu.memory_space<vmem>>, vector<2048x128xf32>,
    return
  }
  func.func @transform_0(%arg0: i32) -> (i32, i32) {
    %c0_i32 = arith.constant 0 : i32
    %c0_i32_0 = arith.constant 0 : i32
    return %arg0, %c0_i32 : i32, i32
  }
  func.func @transform_1(%arg0: i32) -> (i32, i32) {
    %c0_i32 = arith.constant 0 : i32
    %c0_i32_0 = arith.constant 0 : i32
    %c0_i32_1 = arith.constant 0 : i32
    return %c0_i32, %c0_i32_0 : i32, i32
  }
  func.func @transform_2(%arg0: i32) -> (i32, i32) {
    %c0_i32 = arith.constant 0 : i32
    %c0_i32_0 = arith.constant 0 : i32
    %c0_i32_1 = arith.constant 0 : i32
    return %c0_i32, %c0_i32_0 : i32, i32
  }
  func.func @transform_3(%arg0: i32) -> (i32, i32) {
    %c0_i32 = arith.constant 0 : i32
    %c0_i32_0 = arith.constant 0 : i32
    return %arg0, %c0_i32 : i32, i32
  }
}

module attributes {stable_mosaic.version = 14 : i64} {
  func.func @_dense_body(%arg0: i32, %arg1: memref<2048x128xf32, #tpu.memory_space<vmem>>, %arg2: memref<2048x128xf32, #tpu.memory_space<vmem>>, %arg3: memref<2048x1xf32, #tpu.memory_space<vmem>>, %arg4: memref<2048x128xf32, #tpu.memory_space<vmem>>, %arg5: memref<128x128xf32, #tpu.memory_space<vmem>>, %arg6: memref<1x128xf32, #tpu.memory_space<vmem>>, %arg7: memref<128x128xf32, #tpu.memory_space<vmem>>, %arg8: memref<128x128xf32, #tpu.memory_space<vmem>>, %arg9: memref<1x128xf32, #tpu.memory_space<vmem>>, %arg10: memref<128x128xf32, #tpu.memory_space<vmem>>, %arg11: memref<128x128xf32, #tpu.memory_space<vmem>>, %arg12: memref<128x128xf32, #tpu.memory_space<vmem>>, %arg13: memref<1x128xf32, #tpu.memory_space<vmem>>, %arg14: memref<2048x128xf32, #tpu.memory_space<vmem>>, %arg15: memref<2048x128xf32, #tpu.memory_space<vmem>>, %arg16: memref<2048x128xf32, #tpu.memory_space<vmem>>, %arg17: memref<2048x128xf32, #tpu.memory_space<vmem>>) attributes {dimension_semantics = [#tpu.dimension_semantics<arbitrary>], iteration_bounds = array<i64: 5>, scalar_prefetch = 0 : i64, scratch_operands = 0 : i64, tpu.core_type = #tpu.core_type<tc>, window_params = [{transform_indices = @transform_0, window_bounds = array<i64: 2048, 128>}, {transform_indices = @transform_1, window_bounds = array<i64: 2048, 128>}, {transform_indices = @transform_2, window_bounds = array<i64: 2048, 1>}, {transform_indices = @transform_3, window_bounds = array<i64: 2048, 128>}, {pipeline_mode = #tpu.pipeline_mode<synchronous>, transform_indices = @transform_4, window_bounds = array<i64: 128, 128>}, {pipeline_mode = #tpu.pipeline_mode<synchronous>, transform_indices = @transform_5, window_bounds = array<i64: 1, 128>}, {pipeline_mode = #tpu.pipeline_mode<synchronous>, transform_indices = @transform_6, window_bounds = array<i64: 128, 128>}, {pipeline_mode = #tpu.pipeline_mode<synchronous>, transform_indices = @transform_7, window_bounds = array<i64: 128, 128>}, {pipeline_mode = #tpu.pipeline_mode<synchronous>, transform_indices = @transform_8, window_bounds = array<i64: 1, 128>}, {pipeline_mode = #tpu.pipeline_mode<synchronous>, transform_indices = @transform_9, window_bounds = array<i64: 128, 128>}, {pipeline_mode = #tpu.pipeline_mode<synchronous>, transform_indices = @transform_10, window_bounds = array<i64: 128, 128>}, {pipeline_mode = #tpu.pipeline_mode<synchronous>, transform_indices = @transform_11, window_bounds = array<i64: 128, 128>}, {pipeline_mode = #tpu.pipeline_mode<synchronous>, transform_indices = @transform_12, window_bounds = array<i64: 1, 128>}, {transform_indices = @transform_13, window_bounds = array<i64: 2048, 128>}, {transform_indices = @transform_14, window_bounds = array<i64: 2048, 128>}, {transform_indices = @transform_15, window_bounds = array<i64: 2048, 128>}, {transform_indices = @transform_16, window_bounds = array<i64: 2048, 128>}]} {
    %get3A = arith.constant 0 : index
    %get3A_0 = arith.constant 0 : index
    %get3A_1 = vector.load %arg3[%get3A, %get3A_0] : memref<2048x1xf32, #tpu.memory_space<vmem>>, vector<2048x1xf32>
    %max3A = arith.constant 1.000000e+00 : f32
    %max3A_2 = vector.broadcast %max3A : f32 to vector<2048x1xf32>
    %max3A_3 = arith.maximumf %get3A_1, %max3A_2 : vector<2048x1xf32>
    %div3A = arith.constant 1.000000e+00 : f32
    %div3A_4 = vector.broadcast %div3A : f32 to vector<2048x1xf32>
    %div3A_5 = arith.divf %div3A_4, %max3A_3 : vector<2048x1xf32>
    %get3A_6 = arith.constant 0 : index
    %get3A_7 = arith.constant 0 : index
    %get3A_8 = vector.load %arg1[%get3A_6, %get3A_7] : memref<2048x128xf32, #tpu.memory_space<vmem>>, vector<2048x128xf32>
    %get3A_9 = arith.constant 0 : index
    %get3A_10 = arith.constant 0 : index
    %get3A_11 = vector.load %arg2[%get3A_9, %get3A_10] : memref<2048x128xf32, #tpu.memory_space<vmem>>, vector<2048x128xf32>
    %add3A = arith.addf %get3A_8, %get3A_11 : vector<2048x128xf32>
    %mul3A = vector.broadcast %div3A_5 : vector<2048x1xf32> to vector<2048x128xf32>
    %mul3A_12 = arith.mulf %add3A, %mul3A : vector<2048x128xf32>
    %get3A_13 = arith.constant 0 : index
    %get3A_14 = arith.constant 0 : index
    %get3A_15 = vector.load %arg4[%get3A_13, %get3A_14] : memref<2048x128xf32, #tpu.memory_space<vmem>>, vector<2048x128xf32>
    %get3A_16 = arith.constant 0 : index
    %get3A_17 = arith.constant 0 : index
    %get3A_18 = vector.load %arg5[%get3A_16, %get3A_17] : memref<128x128xf32, #tpu.memory_space<vmem>>, vector<128x128xf32>
    %dot_general3A = arith.constant dense<0.000000e+00> : vector<2048x128xf32>
    %dot_general3A_19 = tpu.matmul %mul3A_12, %get3A_18, %dot_general3A {dimension_numbers = #tpu.dot_dimension_numbers<[1], [0], [0], [1], [0, 0, 1, 1], [], []>, transpose_lhs_hint = false} : vector<2048x128xf32>, vector<128x128xf32>, vector<2048x128xf32> -> vector<2048x128xf32>
    %get3A_20 = arith.constant 0 : index
    %get3A_21 = arith.constant 0 : index
    %get3A_22 = vector.load %arg6[%get3A_20, %get3A_21] : memref<1x128xf32, #tpu.memory_space<vmem>>, vector<1x128xf32>
    %add3A_23 = vector.broadcast %get3A_22 : vector<1x128xf32> to vector<2048x128xf32>
    %add3A_24 = arith.addf %dot_general3A_19, %add3A_23 : vector<2048x128xf32>
    %get3A_25 = arith.constant 0 : index
    %get3A_26 = arith.constant 0 : index
    %get3A_27 = vector.load %arg7[%get3A_25, %get3A_26] : memref<128x128xf32, #tpu.memory_space<vmem>>, vector<128x128xf32>
    %dot_general3A_28 = arith.constant dense<0.000000e+00> : vector<2048x128xf32>
    %dot_general3A_29 = tpu.matmul %get3A_15, %get3A_27, %dot_general3A_28 {dimension_numbers = #tpu.dot_dimension_numbers<[1], [0], [0], [1], [0, 0, 1, 1], [], []>, transpose_lhs_hint = false} : vector<2048x128xf32>, vector<128x128xf32>, vector<2048x128xf32> -> vector<2048x128xf32>
    %add3A_30 = arith.addf %add3A_24, %dot_general3A_29 : vector<2048x128xf32>
    %max3A_31 = arith.constant 0.000000e+00 : f32
    %max3A_32 = vector.broadcast %max3A_31 : f32 to vector<2048x128xf32>
    %max3A_33 = arith.maximumf %add3A_30, %max3A_32 : vector<2048x128xf32>
    %swap3A = arith.constant 0 : index
    %swap3A_34 = arith.constant 0 : index
    %swap3A_35 = vector.load %arg14[%swap3A, %swap3A_34] : memref<2048x128xf32, #tpu.memory_space<vmem>>, vector<2048x128xf32>
    tpu.vector_store %arg14[%swap3A, %swap3A_34], %max3A_33 {strides = array<i32>} : memref<2048x128xf32, #tpu.memory_space<vmem>>, vector<2048x128xf32>,
    %get3A_36 = arith.constant 0 : index
    %get3A_37 = arith.constant 0 : index
    %get3A_38 = vector.load %arg8[%get3A_36, %get3A_37] : memref<128x128xf32, #tpu.memory_space<vmem>>, vector<128x128xf32>
    %dot_general3A_39 = arith.constant dense<0.000000e+00> : vector<2048x128xf32>
    %dot_general3A_40 = tpu.matmul %mul3A_12, %get3A_38, %dot_general3A_39 {dimension_numbers = #tpu.dot_dimension_numbers<[1], [0], [0], [1], [0, 0, 1, 1], [], []>, transpose_lhs_hint = false} : vector<2048x128xf32>, vector<128x128xf32>, vector<2048x128xf32> -> vector<2048x128xf32>
    %get3A_41 = arith.constant 0 : index
    %get3A_42 = arith.constant 0 : index
    %get3A_43 = vector.load %arg9[%get3A_41, %get3A_42] : memref<1x128xf32, #tpu.memory_space<vmem>>, vector<1x128xf32>
    %add3A_44 = vector.broadcast %get3A_43 : vector<1x128xf32> to vector<2048x128xf32>
    %add3A_45 = arith.addf %dot_general3A_40, %add3A_44 : vector<2048x128xf32>
    %get3A_46 = arith.constant 0 : index
    %get3A_47 = arith.constant 0 : index
    %get3A_48 = vector.load %arg10[%get3A_46, %get3A_47] : memref<128x128xf32, #tpu.memory_space<vmem>>, vector<128x128xf32>
    %dot_general3A_49 = arith.constant dense<0.000000e+00> : vector<2048x128xf32>
    %dot_general3A_50 = tpu.matmul %get3A_15, %get3A_48, %dot_general3A_49 {dimension_numbers = #tpu.dot_dimension_numbers<[1], [0], [0], [1], [0, 0, 1, 1], [], []>, transpose_lhs_hint = false} : vector<2048x128xf32>, vector<128x128xf32>, vector<2048x128xf32> -> vector<2048x128xf32>
    %add3A_51 = arith.addf %add3A_45, %dot_general3A_50 : vector<2048x128xf32>
    %max3A_52 = arith.constant 0.000000e+00 : f32
    %max3A_53 = vector.broadcast %max3A_52 : f32 to vector<2048x128xf32>
    %max3A_54 = arith.maximumf %add3A_51, %max3A_53 : vector<2048x128xf32>
    %get3A_55 = arith.constant 0 : index
    %get3A_56 = arith.constant 0 : index
    %get3A_57 = vector.load %arg11[%get3A_55, %get3A_56] : memref<128x128xf32, #tpu.memory_space<vmem>>, vector<128x128xf32>
    %dot_general3A_58 = arith.constant dense<0.000000e+00> : vector<2048x128xf32>
    %dot_general3A_59 = tpu.matmul %max3A_54, %get3A_57, %dot_general3A_58 {dimension_numbers = #tpu.dot_dimension_numbers<[1], [0], [0], [1], [0, 0, 1, 1], [], []>, transpose_lhs_hint = false} : vector<2048x128xf32>, vector<128x128xf32>, vector<2048x128xf32> -> vector<2048x128xf32>
    %get3A_60 = arith.constant 0 : index
    %get3A_61 = arith.constant 0 : index
    %get3A_62 = vector.load %arg13[%get3A_60, %get3A_61] : memref<1x128xf32, #tpu.memory_space<vmem>>, vector<1x128xf32>
    %add3A_63 = vector.broadcast %get3A_62 : vector<1x128xf32> to vector<2048x128xf32>
    %add3A_64 = arith.addf %dot_general3A_59, %add3A_63 : vector<2048x128xf32>
    %swap3A_65 = arith.constant 0 : index
    %swap3A_66 = arith.constant 0 : index
    %swap3A_67 = vector.load %arg15[%swap3A_65, %swap3A_66] : memref<2048x128xf32, #tpu.memory_space<vmem>>, vector<2048x128xf32>
    tpu.vector_store %arg15[%swap3A_65, %swap3A_66], %add3A_64 {strides = array<i32>} : memref<2048x128xf32, #tpu.memory_space<vmem>>, vector<2048x128xf32>,
    %get3A_68 = arith.constant 0 : index
    %get3A_69 = arith.constant 0 : index
    %get3A_70 = vector.load %arg12[%get3A_68, %get3A_69] : memref<128x128xf32, #tpu.memory_space<vmem>>, vector<128x128xf32>
    %dot_general3A_71 = arith.constant dense<0.000000e+00> : vector<2048x128xf32>
    %dot_general3A_72 = tpu.matmul %max3A_54, %get3A_70, %dot_general3A_71 {dimension_numbers = #tpu.dot_dimension_numbers<[1], [0], [0], [1], [0, 0, 1, 1], [], []>, transpose_lhs_hint = false} : vector<2048x128xf32>, vector<128x128xf32>, vector<2048x128xf32> -> vector<2048x128xf32>
    %swap3A_73 = arith.constant 0 : index
    %swap3A_74 = arith.constant 0 : index
    %swap3A_75 = vector.load %arg16[%swap3A_73, %swap3A_74] : memref<2048x128xf32, #tpu.memory_space<vmem>>, vector<2048x128xf32>
    tpu.vector_store %arg16[%swap3A_73, %swap3A_74], %dot_general3A_72 {strides = array<i32>} : memref<2048x128xf32, #tpu.memory_space<vmem>>, vector<2048x128xf32>,
    %mul3A_76 = arith.mulf %dot_general3A_72, %dot_general3A_72 : vector<2048x128xf32>
    %swap3A_77 = arith.constant 0 : index
    %swap3A_78 = arith.constant 0 : index
    %swap3A_79 = vector.load %arg17[%swap3A_77, %swap3A_78] : memref<2048x128xf32, #tpu.memory_space<vmem>>, vector<2048x128xf32>
    tpu.vector_store %arg17[%swap3A_77, %swap3A_78], %mul3A_76 {strides = array<i32>} : memref<2048x128xf32, #tpu.memory_space<vmem>>, vector<2048x128xf32>,
    return
  }
  func.func @transform_0(%arg0: i32) -> (i32, i32) {
    %c0_i32 = arith.constant 0 : i32
    %c0_i32_0 = arith.constant 0 : i32
    return %arg0, %c0_i32 : i32, i32
  }
  func.func @transform_1(%arg0: i32) -> (i32, i32) {
    %c0_i32 = arith.constant 0 : i32
    %c0_i32_0 = arith.constant 0 : i32
    return %arg0, %c0_i32 : i32, i32
  }
  func.func @transform_2(%arg0: i32) -> (i32, i32) {
    %c0_i32 = arith.constant 0 : i32
    %c0_i32_0 = arith.constant 0 : i32
    return %arg0, %c0_i32 : i32, i32
  }
  func.func @transform_3(%arg0: i32) -> (i32, i32) {
    %c0_i32 = arith.constant 0 : i32
    %c0_i32_0 = arith.constant 0 : i32
    return %arg0, %c0_i32 : i32, i32
  }
  func.func @transform_4(%arg0: i32) -> (i32, i32) {
    %c0_i32 = arith.constant 0 : i32
    %c0_i32_0 = arith.constant 0 : i32
    %c0_i32_1 = arith.constant 0 : i32
    return %c0_i32, %c0_i32_0 : i32, i32
  }
  func.func @transform_5(%arg0: i32) -> (i32, i32) {
    %c0_i32 = arith.constant 0 : i32
    %c0_i32_0 = arith.constant 0 : i32
    %c0_i32_1 = arith.constant 0 : i32
    return %c0_i32, %c0_i32_0 : i32, i32
  }
  func.func @transform_6(%arg0: i32) -> (i32, i32) {
    %c0_i32 = arith.constant 0 : i32
    %c0_i32_0 = arith.constant 0 : i32
    %c0_i32_1 = arith.constant 0 : i32
    return %c0_i32, %c0_i32_0 : i32, i32
  }
  func.func @transform_7(%arg0: i32) -> (i32, i32) {
    %c0_i32 = arith.constant 0 : i32
    %c0_i32_0 = arith.constant 0 : i32
    %c0_i32_1 = arith.constant 0 : i32
    return %c0_i32, %c0_i32_0 : i32, i32
  }
  func.func @transform_8(%arg0: i32) -> (i32, i32) {
    %c0_i32 = arith.constant 0 : i32
    %c0_i32_0 = arith.constant 0 : i32
    %c0_i32_1 = arith.constant 0 : i32
    return %c0_i32, %c0_i32_0 : i32, i32
  }
  func.func @transform_9(%arg0: i32) -> (i32, i32) {
    %c0_i32 = arith.constant 0 : i32
    %c0_i32_0 = arith.constant 0 : i32
    %c0_i32_1 = arith.constant 0 : i32
    return %c0_i32, %c0_i32_0 : i32, i32
  }
  func.func @transform_10(%arg0: i32) -> (i32, i32) {
    %c0_i32 = arith.constant 0 : i32
    %c0_i32_0 = arith.constant 0 : i32
    %c0_i32_1 = arith.constant 0 : i32
    return %c0_i32, %c0_i32_0 : i32, i32
  }
  func.func @transform_11(%arg0: i32) -> (i32, i32) {
    %c0_i32 = arith.constant 0 : i32
    %c0_i32_0 = arith.constant 0 : i32
    %c0_i32_1 = arith.constant 0 : i32
    return %c0_i32, %c0_i32_0 : i32, i32
  }
  func.func @transform_12(%arg0: i32) -> (i32, i32) {
    %c0_i32 = arith.constant 0 : i32
    %c0_i32_0 = arith.constant 0 : i32
    %c0_i32_1 = arith.constant 0 : i32
    return %c0_i32, %c0_i32_0 : i32, i32
  }
  func.func @transform_13(%arg0: i32) -> (i32, i32) {
    %c0_i32 = arith.constant 0 : i32
    %c0_i32_0 = arith.constant 0 : i32
    return %arg0, %c0_i32 : i32, i32
  }
  func.func @transform_14(%arg0: i32) -> (i32, i32) {
    %c0_i32 = arith.constant 0 : i32
    %c0_i32_0 = arith.constant 0 : i32
    return %arg0, %c0_i32 : i32, i32
  }
  func.func @transform_15(%arg0: i32) -> (i32, i32) {
    %c0_i32 = arith.constant 0 : i32
    %c0_i32_0 = arith.constant 0 : i32
    return %arg0, %c0_i32 : i32, i32
  }
  func.func @transform_16(%arg0: i32) -> (i32, i32) {
    %c0_i32 = arith.constant 0 : i32
    %c0_i32_0 = arith.constant 0 : i32
    return %arg0, %c0_i32 : i32, i32
  }
}

module attributes {stable_mosaic.version = 14 : i64} {
  func.func @_gate_body(%arg0: i32, %arg1: memref<2048x128xf32, #tpu.memory_space<vmem>>, %arg2: memref<2048x128xf32, #tpu.memory_space<vmem>>, %arg3: memref<2048x128xf32, #tpu.memory_space<vmem>>, %arg4: memref<2048x1xf32, #tpu.memory_space<vmem>>, %arg5: memref<2048x128xf32, #tpu.memory_space<vmem>>, %arg6: memref<2048x128xf32, #tpu.memory_space<vmem>>, %arg7: memref<2048x128xf32, #tpu.memory_space<vmem>>) attributes {dimension_semantics = [#tpu.dimension_semantics<arbitrary>], iteration_bounds = array<i64: 5>, scalar_prefetch = 0 : i64, scratch_operands = 0 : i64, tpu.core_type = #tpu.core_type<tc>, window_params = [{transform_indices = @transform_0, window_bounds = array<i64: 2048, 128>}, {transform_indices = @transform_1, window_bounds = array<i64: 2048, 128>}, {transform_indices = @transform_2, window_bounds = array<i64: 2048, 128>}, {transform_indices = @transform_3, window_bounds = array<i64: 2048, 1>}, {transform_indices = @transform_4, window_bounds = array<i64: 2048, 128>}, {transform_indices = @transform_5, window_bounds = array<i64: 2048, 128>}, {transform_indices = @transform_6, window_bounds = array<i64: 2048, 128>}]} {
    %get3A = arith.constant 0 : index
    %get3A_0 = arith.constant 0 : index
    %get3A_1 = vector.load %arg4[%get3A, %get3A_0] : memref<2048x1xf32, #tpu.memory_space<vmem>>, vector<2048x1xf32>
    %max3A = arith.constant 1.000000e+00 : f32
    %max3A_2 = vector.broadcast %max3A : f32 to vector<2048x1xf32>
    %max3A_3 = arith.maximumf %get3A_1, %max3A_2 : vector<2048x1xf32>
    %div3A = arith.constant 1.000000e+00 : f32
    %div3A_4 = vector.broadcast %div3A : f32 to vector<2048x1xf32>
    %div3A_5 = arith.divf %div3A_4, %max3A_3 : vector<2048x1xf32>
    %get3A_6 = arith.constant 0 : index
    %get3A_7 = arith.constant 0 : index
    %get3A_8 = vector.load %arg1[%get3A_6, %get3A_7] : memref<2048x128xf32, #tpu.memory_space<vmem>>, vector<2048x128xf32>
    %mul3A = vector.broadcast %get3A_1 : vector<2048x1xf32> to vector<2048x128xf32>
    %mul3A_9 = arith.mulf %mul3A, %get3A_8 : vector<2048x128xf32>
    %mul3A_10 = arith.mulf %mul3A_9, %get3A_8 : vector<2048x128xf32>
    %mul3A_11 = arith.constant 2.000000e+00 : f32
    %mul3A_12 = vector.broadcast %mul3A_11 : f32 to vector<2048x128xf32>
    %mul3A_13 = arith.mulf %mul3A_12, %get3A_8 : vector<2048x128xf32>
    %get3A_14 = arith.constant 0 : index
    %get3A_15 = arith.constant 0 : index
    %get3A_16 = vector.load %arg2[%get3A_14, %get3A_15] : memref<2048x128xf32, #tpu.memory_space<vmem>>, vector<2048x128xf32>
    %mul3A_17 = arith.mulf %mul3A_13, %get3A_16 : vector<2048x128xf32>
    %add3A = arith.addf %mul3A_10, %mul3A_17 : vector<2048x128xf32>
    %get3A_18 = arith.constant 0 : index
    %get3A_19 = arith.constant 0 : index
    %get3A_20 = vector.load %arg3[%get3A_18, %get3A_19] : memref<2048x128xf32, #tpu.memory_space<vmem>>, vector<2048x128xf32>
    %add3A_21 = arith.addf %add3A, %get3A_20 : vector<2048x128xf32>
    %mul3A_22 = vector.broadcast %div3A_5 : vector<2048x1xf32> to vector<2048x128xf32>
    %mul3A_23 = arith.mulf %add3A_21, %mul3A_22 : vector<2048x128xf32>
    %tanh3A = math.tanh %mul3A_23 : vector<2048x128xf32>
    %get3A_24 = arith.constant 0 : index
    %get3A_25 = arith.constant 0 : index
    %get3A_26 = vector.load %arg5[%get3A_24, %get3A_25] : memref<2048x128xf32, #tpu.memory_space<vmem>>, vector<2048x128xf32>
    %get3A_27 = arith.constant 0 : index
    %get3A_28 = arith.constant 0 : index
    %get3A_29 = vector.load %arg6[%get3A_27, %get3A_28] : memref<2048x128xf32, #tpu.memory_space<vmem>>, vector<2048x128xf32>
    %get3A_30 = arith.constant 0 : index
    %get3A_31 = arith.constant 0 : index
    %get3A_32 = vector.load %arg5[%get3A_30, %get3A_31] : memref<2048x128xf32, #tpu.memory_space<vmem>>, vector<2048x128xf32>
    %sub3A = arith.subf %get3A_29, %get3A_32 : vector<2048x128xf32>
    %mul3A_33 = arith.mulf %tanh3A, %sub3A : vector<2048x128xf32>
    %add3A_34 = arith.addf %get3A_26, %mul3A_33 : vector<2048x128xf32>
    %swap3A = arith.constant 0 : index
    %swap3A_35 = arith.constant 0 : index
    %swap3A_36 = vector.load %arg7[%swap3A, %swap3A_35] : memref<2048x128xf32, #tpu.memory_space<vmem>>, vector<2048x128xf32>
    tpu.vector_store %arg7[%swap3A, %swap3A_35], %add3A_34 {strides = array<i32>} : memref<2048x128xf32, #tpu.memory_space<vmem>>, vector<2048x128xf32>,
    return
  }
  func.func @transform_0(%arg0: i32) -> (i32, i32) {
    %c0_i32 = arith.constant 0 : i32
    %c0_i32_0 = arith.constant 0 : i32
    return %arg0, %c0_i32 : i32, i32
  }
  func.func @transform_1(%arg0: i32) -> (i32, i32) {
    %c0_i32 = arith.constant 0 : i32
    %c0_i32_0 = arith.constant 0 : i32
    return %arg0, %c0_i32 : i32, i32
  }
  func.func @transform_2(%arg0: i32) -> (i32, i32) {
    %c0_i32 = arith.constant 0 : i32
    %c0_i32_0 = arith.constant 0 : i32
    return %arg0, %c0_i32 : i32, i32
  }
  func.func @transform_3(%arg0: i32) -> (i32, i32) {
    %c0_i32 = arith.constant 0 : i32
    %c0_i32_0 = arith.constant 0 : i32
    return %arg0, %c0_i32 : i32, i32
  }
  func.func @transform_4(%arg0: i32) -> (i32, i32) {
    %c0_i32 = arith.constant 0 : i32
    %c0_i32_0 = arith.constant 0 : i32
    return %arg0, %c0_i32 : i32, i32
  }
  func.func @transform_5(%arg0: i32) -> (i32, i32) {
    %c0_i32 = arith.constant 0 : i32
    %c0_i32_0 = arith.constant 0 : i32
    return %arg0, %c0_i32 : i32, i32
  }
  func.func @transform_6(%arg0: i32) -> (i32, i32) {
    %c0_i32 = arith.constant 0 : i32
    %c0_i32_0 = arith.constant 0 : i32
    return %arg0, %c0_i32 : i32, i32
  }
}

module attributes {stable_mosaic.version = 14 : i64} {
  func.func @_decode_body(%arg0: i32, %arg1: memref<2048x128xf32, #tpu.memory_space<vmem>>, %arg2: memref<128x40xf32, #tpu.memory_space<vmem>>, %arg3: memref<1x40xf32, #tpu.memory_space<vmem>>, %arg4: memref<2048x40xf32, #tpu.memory_space<vmem>>) attributes {dimension_semantics = [#tpu.dimension_semantics<arbitrary>], iteration_bounds = array<i64: 5>, scalar_prefetch = 0 : i64, scratch_operands = 0 : i64, tpu.core_type = #tpu.core_type<tc>, window_params = [{transform_indices = @transform_0, window_bounds = array<i64: 2048, 128>}, {pipeline_mode = #tpu.pipeline_mode<synchronous>, transform_indices = @transform_1, window_bounds = array<i64: 128, 40>}, {pipeline_mode = #tpu.pipeline_mode<synchronous>, transform_indices = @transform_2, window_bounds = array<i64: 1, 40>}, {transform_indices = @transform_3, window_bounds = array<i64: 2048, 40>}]} {
    %get3A = arith.constant 0 : index
    %get3A_0 = arith.constant 0 : index
    %get3A_1 = vector.load %arg1[%get3A, %get3A_0] : memref<2048x128xf32, #tpu.memory_space<vmem>>, vector<2048x128xf32>
    %get3A_2 = arith.constant 0 : index
    %get3A_3 = arith.constant 0 : index
    %get3A_4 = vector.load %arg2[%get3A_2, %get3A_3] : memref<128x40xf32, #tpu.memory_space<vmem>>, vector<128x40xf32>
    %dot_general3A = arith.constant dense<0.000000e+00> : vector<2048x40xf32>
    %dot_general3A_5 = tpu.matmul %get3A_1, %get3A_4, %dot_general3A {dimension_numbers = #tpu.dot_dimension_numbers<[1], [0], [0], [1], [0, 0, 1, 1], [], []>, transpose_lhs_hint = false} : vector<2048x128xf32>, vector<128x40xf32>, vector<2048x40xf32> -> vector<2048x40xf32>
    %get3A_6 = arith.constant 0 : index
    %get3A_7 = arith.constant 0 : index
    %get3A_8 = vector.load %arg3[%get3A_6, %get3A_7] : memref<1x40xf32, #tpu.memory_space<vmem>>, vector<1x40xf32>
    %add3A = vector.broadcast %get3A_8 : vector<1x40xf32> to vector<2048x40xf32>
    %add3A_9 = arith.addf %dot_general3A_5, %add3A : vector<2048x40xf32>
    %swap3A = arith.constant 0 : index
    %swap3A_10 = arith.constant 0 : index
    %swap3A_11 = vector.load %arg4[%swap3A, %swap3A_10] : memref<2048x40xf32, #tpu.memory_space<vmem>>, vector<2048x40xf32>
    tpu.vector_store %arg4[%swap3A, %swap3A_10], %add3A_9 {strides = array<i32>} : memref<2048x40xf32, #tpu.memory_space<vmem>>, vector<2048x40xf32>,
    return
  }
  func.func @transform_0(%arg0: i32) -> (i32, i32) {
    %c0_i32 = arith.constant 0 : i32
    %c0_i32_0 = arith.constant 0 : i32
    return %arg0, %c0_i32 : i32, i32
  }
  func.func @transform_1(%arg0: i32) -> (i32, i32) {
    %c0_i32 = arith.constant 0 : i32
    %c0_i32_0 = arith.constant 0 : i32
    %c0_i32_1 = arith.constant 0 : i32
    return %c0_i32, %c0_i32_0 : i32, i32
  }
  func.func @transform_2(%arg0: i32) -> (i32, i32) {
    %c0_i32 = arith.constant 0 : i32
    %c0_i32_0 = arith.constant 0 : i32
    %c0_i32_1 = arith.constant 0 : i32
    return %c0_i32, %c0_i32_0 : i32, i32
  }
  func.func @transform_3(%arg0: i32) -> (i32, i32) {
    %c0_i32 = arith.constant 0 : i32
    %c0_i32_0 = arith.constant 0 : i32
    return %arg0, %c0_i32 : i32, i32
  }
}

</mosaic_0001>

<sc_bundles>
// kernel: kernel.13.cloned.1.call-start
scs
__scs_entry_jumppad:
0x0: {  	(pc) =	sbr.rel $0x88, $3  }
0x1: {  	(tag) =	ssettag $0x0;
	lr =	simm.s32 $0x1  }
0x2: {  	[smem:$0x3F93] =	sst lr;
	_ =	strace $0xD0000000  }
0x3: {  	_ = 	snop  }
0x4: {  	_ = 	snop  }
0x5: {  	_ = 	snop  }
0x6: {  	_ = 	snop  }
0x7: {  	_ = 	snop  }
__scs_overlays_trampoline_lowered:
0x8: {  	[smem:$0x3FA2] =	sst s0  }
0x9: {  	[smem:$0x3FA3] =	sst s1  }
0xa: {  	[smem:$0x3FA4] =	sst s2  }
0xb: {  	[smem:$0x3FA5] =	sst s3  }
0xc: {  	[smem:$0x3FA6] =	sst s4  }
0xd: {  	[smem:$0x3FA7] =	sst s5  }
0xe: {  	[smem:$0x3FA8] =	sst s6  }
0xf: {  	[smem:$0x3FA9] =	sst s7  }
0x10: {  	[smem:$0x3FAA] =	sst s8  }
0x11: {  	[smem:$0x3FAB] =	sst s9;
	s0 =	simm.s32 @!p0 $0x0  }
0x12: {  	s1 =	sld [smem:$0x3F91];
	s0 =	simm.s32 @p0 $0x1  }
0x13: {  	[smem:$0x3FAC] =	sst s0;
	s0 =	simm.s32 @!p1 $0x0  }
0x14: {  	s2 =	sld [smem:$0x3F90];
	s0 =	simm.s32 @p1 $0x1  }
0x15: {  	[smem:$0x3FAD] =	sst s0;
	s0 =	simm.s32 @!p2 $0x0  }
0x16: {  	s3 =	sld [smem:$0x3FDB];
	s0 =	simm.s32 @p2 $0x1  }
0x17: {  	s4 =	simm.s32 $0x1BF5;
	[smem:$0x3FAF] =	sst s0  }
0x18: {  	s0 =	sld [smem:$0x3F92];
	_ =	swait.ge [sflag:s4], $0x0  }
0x19: {  	s7 =	sld [smem:$0x3F93]  }
0x1a: {  	s8 =	sadd.s32 $0xFFFFE003, lr  }
0x1b: {  	s9 =	sadd.s32 $0xFFFFFEF7, lr;
	s5 =	simm.s32 $0xFFFFFFFF;
	p2 =	slt.u32 s8, $0xFFFFF086  }
0x1c: {  	p1 =	slt.u32 s9, $0xF7A;
	s5 =	simm.s32 @!p2 $0x0  }
0x1d: {  	s5 =	simm.s32 @p1 $0x1;
	p0 =	seq.s32 s7, s2  }
0x1e: {  	s7 =	smul.u32 @!p0 $0xF7A, s2;
	p2 =	seq.s32 @!p0 s5, $0x0  }
0x1f: {  	s9 =	smul.u32 $0xF7A, s1;
	s8 =	simm.s32 @!p0 $0x1BF5;
	p2 =	por !p2, p0  }
0x20: {  	[sflag:s8] =	ssyncset.s32 @!p0 $0xFFFFF086;
	s6 =	sadd.s32 @!p0 s3, s7;
	s7 =	simm.s32 @!p0 $0x108  }
0x21: {  	s3 =	sadd.s32 s3, s9;
	s6 =	sadd.s32 @!p0 $0x88, s6;
	s7 =	simm.s32 @p2 $0x1082  }
0x22: {  	[simem:s7], [sflag:s8] =	dma.local @!p0 [hbm:s6], $0xF7A  }
0x23: {  	s9 =	sor.u32 $0xD0000000, s2;
	s6 =	simm.s32 $0x108;
	_ =	swait.ge @!p0 [sflag:s8], $0x0  }
0x24: {  	s3 =	sadd.s32 $0x88, s3;
	s6 =	simm.s32 @!p1 $0x1082;
	[sflag:s4] =	ssyncset.s32 $0xFFFFF086  }
0x25: {  	[simem:s6], [sflag:s4] =	dma.local [hbm:s3], $0xF7A  }
0x26: {  	[smem:$0x3F93] =	sst s1;
	(tag) =	ssettag s2;
	_ =	strace s9  }
0x27: {  	s1 =	sld [smem:$0x3FA3]  }
0x28: {  	s2 =	sld [smem:$0x3FA4]  }
0x29: {  	s4 =	sld [smem:$0x3FA6]  }
0x2a: {  	p0 =	seq.s32 s5, $0x0;
	s5 =	sld [smem:$0x3FA7]  }
0x2b: {  	s6 =	sld [smem:$0x3FA8]  }
0x2c: {  	s7 =	sld [smem:$0x3FA9]  }
0x2d: {  	s3 =	simm.s32 $0x108;
	s8 =	sld [smem:$0x3FAA]  }
0x2e: {  	s3 =	simm.s32 @!p0 $0x1082;
	s9 =	sld [smem:$0x3FAB]  }
0x2f: {  	lr =	sadd.s32 s0, s3;
	s0 =	sld [smem:$0x3FA2]  }
0x30: {  	s3 =	sld [smem:$0x3FA5]  }
0x31: {  	[smem:$0x3FAE] =	sst s10  }
0x32: {  	s10 =	sld [smem:$0x3FAC];
	_ =	sdelay $0x3  }
0x33: {  	p0 =	seq.s32 s10, $0x1;
	s10 =	sld [smem:$0x3FAE];
	_ =	sdelay $0x3  }
0x34: {  	[smem:$0x3FAE] =	sst s10  }
0x35: {  	s10 =	sld [smem:$0x3FAD];
	_ =	sdelay $0x3  }
0x36: {  	p1 =	seq.s32 s10, $0x1;
	s10 =	sld [smem:$0x3FAE];
	_ =	sdelay $0x3  }
0x37: {  	[smem:$0x3FAE] =	sst s10  }
0x38: {  	s10 =	sld [smem:$0x3FAF]  }
0x39: {  	_ = 	snop;
	(pc) =	sbr.ind lr, $3  }
0x3a: {  	_ = 	snop  }
0x3b: {  	_ = 	snop  }
0x3c: {  	p2 =	seq.s32 s10, $0x1;
	s10 =	sld [smem:$0x3FAE]  }
0x3d: {  	_ =	shalt  }
0x3e: {  	_ =	shalt  }
0x3f: {  	_ =	shalt  }
0x40: {  	_ =	shalt  }
0x41: {  	_ =	shalt  }
0x42: {  	_ =	shalt  }
0x43: {  	_ =	shalt  }
0x44: {  	_ =	shalt  }
0x45: {  	_ =	shalt  }
0x46: {  	_ =	shalt  }
0x47: {  	_ =	shalt  }
0x48: {  	_ =	shalt  }
0x49: {  	_ =	shalt  }
0x4a: {  	_ =	shalt  }
0x4b: {  	_ =	shalt  }
0x4c: {  	_ =	shalt  }
0x4d: {  	_ =	shalt  }
0x4e: {  	_ =	shalt  }
0x4f: {  	_ =	shalt  }
0x50: {  	_ =	shalt  }
0x51: {  	_ =	shalt  }
0x52: {  	_ =	shalt  }
0x53: {  	_ =	shalt  }
0x54: {  	_ =	shalt  }
0x55: {  	_ =	shalt  }
0x56: {  	_ =	shalt  }
0x57: {  	_ =	shalt  }
0x58: {  	_ =	shalt  }
0x59: {  	_ =	shalt  }
0x5a: {  	_ =	shalt  }
0x5b: {  	_ =	shalt  }
0x5c: {  	_ =	shalt  }
0x5d: {  	_ =	shalt  }
0x5e: {  	_ =	shalt  }
0x5f: {  	_ =	shalt  }
0x60: {  	_ =	shalt  }
0x61: {  	_ =	shalt  }
0x62: {  	_ =	shalt  }
0x63: {  	_ =	shalt  }
0x64: {  	_ =	shalt  }
0x65: {  	_ =	shalt  }
0x66: {  	_ =	shalt  }
0x67: {  	_ =	shalt  }
0x68: {  	_ =	shalt  }
0x69: {  	_ =	shalt  }
0x6a: {  	_ =	shalt  }
0x6b: {  	_ =	shalt  }
0x6c: {  	_ =	shalt  }
0x6d: {  	_ =	shalt  }
0x6e: {  	_ =	shalt  }
0x6f: {  	_ =	shalt  }
0x70: {  	_ =	shalt  }
0x71: {  	_ =	shalt  }
0x72: {  	_ =	shalt  }
0x73: {  	_ =	shalt  }
0x74: {  	_ =	shalt  }
0x75: {  	_ =	shalt  }
0x76: {  	_ =	shalt  }
0x77: {  	_ =	shalt  }
0x78: {  	_ =	shalt  }
0x79: {  	_ =	shalt  }
0x7a: {  	_ =	shalt  }
0x7b: {  	_ =	shalt  }
0x7c: {  	_ =	shalt  }
0x7d: {  	_ =	shalt  }
0x7e: {  	_ =	shalt  }
0x7f: {  	_ =	shalt  }
0x80: {  	_ =	shalt  }
0x81: {  	_ =	shalt  }
0x82: {  	_ =	shalt  }
0x83: {  	_ =	shalt  }
0x84: {  	_ =	shalt  }
0x85: {  	_ =	shalt  }
0x86: {  	_ =	shalt  }
0x87: {  	_ =	shalt  }
.Lfunc_end0:
.L_simem_size_0:
called_computation_lowered:
.L_overlay_start_0:
0x88: {  	s2 =	sld [smem:$0x3FD9]  }
0x89: {  	s3 =	sld [smem:$0x3FFE];
	_ =	sdelay $0x1  }
0x8a: {  	s1 =	srdreg.scid  }
0x8b: {  	s0 =	sand.u32 $0x1, s1  }
0x8c: {  	s17 =	sshll.u32 s0, $0xA;
	s2 =	sadd.s32 s3, s2  }
0x8d: {  	s2 =	sadd.s32 s2, s17  }
0x8e: {  	[smem:$0x3FBA] =	sst s2  }
0x8f: {  	_ = 	snop  }
0x90: {  	s2 =	sld [smem:$0x3FD0];
	(tm) =	ssettm $0x1  }
0x91: {  	s18 =	sld [smem:$0x3FFB];
	_ =	sdelay $0x3  }
0x92: {  	_ =	strace s18  }
0x93: {  	s3 =	sld [smem:$0x3FFC];
	_ =	sdelay $0x3  }
0x94: {  	_ =	strace s3  }
0x95: {  	s3 =	sld [smem:$0x3FFD];
	_ =	sdelay $0x3  }
0x96: {  	_ =	strace s3  }
0x97: {  	_ =	strace $0x8FFFFFFF  }
0x98: {  	s19 =	sld [smem:$0x3FDB];
	_ =	sdelay $0x1  }
0x99: {  	s4 =	simm.s32 $_scs_section_size  }
0x9a: {  	s5 =	simm.s32 $_size__tile_overlayer_lowered;
	s6 =	simm.s32 $_tile_overlayer_lowered  }
0x9b: {  	s22 =	simm.s32 $0x1BFF;
	s21 =	sshll.u32 s6, $0x1;
	s3 =	sadd.s32 s4, s19  }
0x9c: {  	s7 =	simm.s32 $0x0;
	s20 =	sshll.u32 s5, $0x1;
	s5 =	sadd.s32 s21, s3  }
0x9d: {  	[timem:s7], [sflag:s22] =	dma.local [hbm:s5], s20  }
0x9e: {  	_ =	swait.ge [sflag:s22], s20  }
0x9f: {  	s4 =	ssub.s32 $0x0, s20;
	[sflag:s22] =	ssyncset.done $0x0  }
0xa0: {  	[sflag:s22] =	ssyncadd.s32 s4;
	_ =	sdelay $0x1  }
0xa1: {  	s23 =	simm.s32 $0x1B8B  }
0xa2: {  	_ =	swait.ge [sflag:s23], $0x1  }
0xa3: {  	[sflag:s23] =	ssyncset.done $0x0  }
0xa4: {  	s25 =	simm.s32 $0x1B8E;
	s24 =	sld [smem:$0x3FFE];
	[sflag:s23] =	ssyncadd.s32 $0xFFFFFFFF  }
0xa5: {  	s26 =	simm.s32 $execute0_lowered;
	[smem:$0x3FD2] =	sst s25  }
0xa6: {  	s5 =	sshll.u32 s26, $0x1;
	_ =	strace $0x80000046;
	[dreg:$0x1] =	wrdreg $0xFFFFFFFF  }
0xa7: {  	s28 =	simm.s32 $_size_execute0_lowered;
	s3 =	sadd.s32 s3, s5;
	[dreg:$0x0] =	wrdreg $0x0  }
0xa8: {  	s5 =	sshll.u32 s28, $0x1;
	[dreg:$0x2] =	wrdreg s3  }
0xa9: {  	[dreg:$0x3] =	wrdreg s5  }
0xaa: {  	[dreg:$0x4] =	wrdreg $0xC0  }
0xab: {  	_ =	task [dreg:s7], $0x5FFFF  }
0xac: {  	[dreg:$0x1] =	wrdreg $0xFFFFFFFF  }
0xad: {  	[dreg:$0x0] =	wrdreg $0x60  }
0xae: {  	[dreg:$0x2] =	wrdreg s24  }
0xaf: {  	[dreg:$0x3] =	wrdreg s2  }
0xb0: {  	[dreg:$0x4] =	wrdreg $0x3800  }
0xb1: {  	[dreg:$0x5] =	wrdreg $0x9  }
0xb2: {  	_ =	task.clear_ibuf [dreg:s7], $0x6FFFF;
	_ =	strace $0x90000046  }
0xb3: {  	s29 =	simm.s32 $0x9;
	_ =	strace $0x80000048  }
0xb4: {  	_ =	swait.ge [sflag:s29], $0x1  }
0xb5: {  	[sflag:s29] =	ssyncadd.s32 $0xFFFFFFFF  }
0xb6: {  	_ =	strace $0x90000048  }
0xb7: {  	_ =	sfence  }
0xb8: {  	s30 =	sld [smem:$0x0];
	_ =	sdelay $0x2  }
0xb9: {  	s31 =	sshll.u32 s1, $0xD;
	s1 =	sshrl.u32 s1, $0x2  }
0xba: {  	s3 =	sand.u32 $0x4000, s31;
	s1 =	sadd.s32 s1, s30  }
0xbb: {  	s0 =	sor.u32 s3, s0;
	s1 =	sshll.u32 s1, $0x11  }
0xbc: {  	s0 =	sor.u32 s1, s0  }
0xbd: {  	s0 =	sadd.s32 $0x8F2B, s0  }
0xbe: {  	[sflag:s0] =	ssyncadd.remote.s32 $0x1  }
0xbf: {  	_ =	sfence.sel $0xFFFF  }
0xc0: {  	[dreg:$0x0] =	wrdreg $0xFFFFFFFF;
	(pc) =	sbr.abs _section_cstart, $3  }
0xc1: {  	[dreg:$0x1] =	wrdreg $0xFFFFFFFF  }
0xc2: {  	_ =	task.clear_ibuf [dreg:s7], $0x2FFFF;
	_ =	strace $0x9FFFFFFF  }
0xc3: {  	(tm) =	ssettm $0x7FFFFFFF  }
tec
execute0_lowered:
.L_overlay_start_1:
0x0: {  	(tag) =	ssettag $0x1  }
0x1: {  	s4 =	rddreg [dreg:$0x0]  }
0x2: {  	s6 =	rddreg [dreg:$0x1]  }
0x3: {  	s1 =	rddreg [dreg:$0x2]  }
0x4: {  	s0 =	rddreg [dreg:$0x3]  }
0x5: {  	s3 =	simm.s32 $0x0;
	s5 =	srdreg.scid;
	s2 =	stileid.u32  }
0x6: {  	s12 =	simm.s32 $0x0;
	[smem:$0x7FF] =	sst s3;
	s5 =	sand.u32 $0x1, s5  }
0x7: {  	s7 =	sadd.s32 $0x6000, s4;
	s9 =	smul.u32 $0x280, s2;
	s10 =	sadd.s32 $0x10400, s4  }
0x8: {  	s11 =	sadd.s32 $0xFE00, s4;
	s31 =	smul.u32 $0x9C4, s2;
	s8 =	ssub.s32 $0x2, s5  }
0x9: {  	_ =	strace $0x80000047;
	p0 =	seq.s32 s5, $0x1;
	s30 =	sshrl.u32 s8, $0x1  }
0xa: {  	s4 =	sadd.s32 s9, s1;
	s9 =	sshrl.u32 s9, $0x3;
	s10 =	smov.u32 @p0 s11  }
0xb: {  	s7 =	smov.u32 @p0 s6;
	s11 =	simm.s32 $0x80;
	s8 =	ssub.s32 s8, s30  }
0xc: {  	s6 =	sadd.s32 s10, s9;
	s7 =	sadd.s32 s31, s7;
	s9 =	simm.s32 $0x1  }
0xd: {  	v0 =	vimm.f32 $1.000000000e+00;
	v1 =	vimm.f32 $0.0e+00;
	s10 =	simm.s32 $0x50;
	s5 =	smax.u32 s8, $0x1;
	s8 =	simm.s32 $0x100  }
.LBB2_1:
0xe: {  	[tilespmem:$0x80] =	vst v0  }
0xf: {  	[tilespmem:$0x90] =	vst v0  }
0x10: {  	[tilespmem:$0xA0] =	vst v0  }
0x11: {  	[tilespmem:$0xB0] =	vst v0  }
0x12: {  	[tilespmem:$0xC0] =	vst v0  }
0x13: {  	[tilespmem:$0x100] =	vst v1  }
0x14: {  	[tilespmem:$0x110] =	vst v1  }
0x15: {  	[tilespmem:$0x120] =	vst v1  }
0x16: {  	[tilespmem:$0x130] =	vst v1  }
0x17: {  	[tilespmem:$0x140] =	vst v1  }
0x18: {  	[tilespmem:$0x150] =	vst v1  }
0x19: {  	[tilespmem:$0x160] =	vst v1  }
0x1a: {  	[tilespmem:$0x170] =	vst v1  }
0x1b: {  	[tilespmem:$0x180] =	vst v1  }
0x1c: {  	[tilespmem:$0x190] =	vst v1  }
0x1d: {  	[tilespmem:$0x1A0] =	vst v1  }
0x1e: {  	[tilespmem:$0x1B0] =	vst v1  }
0x1f: {  	[tilespmem:$0x1C0] =	vst v1  }
0x20: {  	[tilespmem:$0x1D0] =	vst v1  }
0x21: {  	[tilespmem:$0x1E0] =	vst v1  }
0x22: {  	[tilespmem:$0x1F0] =	vst v1  }
0x23: {  	[tilespmem:$0x200] =	vst v1  }
0x24: {  	[tilespmem:$0x210] =	vst v1  }
0x25: {  	[tilespmem:$0x220] =	vst v1  }
0x26: {  	[tilespmem:$0x230] =	vst v1  }
0x27: {  	[tilespmem:$0x240] =	vst v1  }
0x28: {  	[tilespmem:$0x250] =	vst v1  }
0x29: {  	[tilespmem:$0x260] =	vst v1  }
0x2a: {  	[tilespmem:$0x270] =	vst v1  }
0x2b: {  	[tilespmem:$0x280] =	vst v1  }
0x2c: {  	[tilespmem:$0x290] =	vst v1  }
0x2d: {  	[tilespmem:$0x2A0] =	vst v1  }
0x2e: {  	[tilespmem:$0x2B0] =	vst v1  }
0x2f: {  	[tilespmem:$0x2C0] =	vst v1  }
0x30: {  	[tilespmem:$0x2D0] =	vst v1  }
0x31: {  	[tilespmem:$0x2E0] =	vst v1  }
0x32: {  	[tilespmem:$0x2F0] =	vst v1  }
0x33: {  	[tilespmem:$0x300] =	vst v1  }
0x34: {  	[tilespmem:$0x310] =	vst v1  }
0x35: {  	[tilespmem:$0x320] =	vst v1  }
0x36: {  	[tilespmem:$0x330] =	vst v1  }
0x37: {  	[tilespmem:$0x340] =	vst v1  }
0x38: {  	[tilespmem:$0x350] =	vst v1  }
0x39: {  	[tilespmem:$0x360] =	vst v1  }
0x3a: {  	[tilespmem:$0x370] =	vst v1  }
0x3b: {  	[spmem:s4] =	stream.linear.scatter [tilespmem:s8], [sflag:$0x1], $0x280, $0x38;
	[tilespmem:$0x600] =	vst v63  }
0x3c: {  	_ =	swait.ge [sflag:s9], $0x280  }
0x3d: {  	[sflag:s9] =	ssyncset.done $0x0  }
0x3e: {  	[sflag:s9] =	ssyncadd.s32 $0xFFFFFD80  }
0x3f: {  	s13 =	sadd.s32 $0x0, s7;
	[bflag:$0x0] =	sbarrier.arrive $0xFFFF  }
0x40: {  	[tilespmem:s3], [sflag:$0x1] =	stream.linear.gather [hbm4b:s13+s3], $0x50, $0x38;
	[tilespmem:$0x600] =	vst v63  }
0x41: {  	_ =	swait.ge [sflag:s9], $0x50  }
0x42: {  	[sflag:s9] =	ssyncset.done $0x0  }
0x43: {  	[sflag:s9] =	ssyncadd.s32 $0xFFFFFFB0  }
0x44: {  	[spmem:s1] =	stream.indirect.scatter.add.f32 [tilespmem:s11], [sflag:$0x1], $0x1, s3, s10, $0xb8;
	[tilespmem:$0x600] =	vst v63  }
0x45: {  	_ =	swait.ge [sflag:s9], $0x50  }
0x46: {  	s14 =	simm.s32 $0x14;
	s13 =	simm.s32 $0xA;
	[sflag:s9] =	ssyncset.done $0x0  }
.LBB2_2:
0x47: {  	s15 =	sadd.s32 s13, s7  }
0x48: {  	[sflag:s9] =	ssyncadd.s32 $0xFFFFFFB0;
	s13 =	smov.u32 s14;
	s16 =	sadd.s32 $0xA, s14  }
0x49: {  	[tilespmem:s3], [sflag:$0x1] =	stream.linear.gather [hbm4b:s15+s3], $0x50, $0x38;
	[tilespmem:$0x600] =	vst v63  }
0x4a: {  	p0 =	sne.s32 s14, $0x9BA;
	_ =	swait.ge [sflag:s9], $0x50  }
.Ltmp0:
0x4b: {  	[sflag:s9] =	ssyncset.done $0x0;
	(pc) =	sbr.rel @p0 .LBB2_2-.Ltmp0, $4  }
0x4c: {  	[sflag:s9] =	ssyncadd.s32 $0xFFFFFFB0  }
0x4d: {  	[spmem:s1] =	stream.indirect.scatter.add.f32 [tilespmem:s11], [sflag:$0x1], $0x1, s3, s10, $0xb8;
	[tilespmem:$0x600] =	vst v63  }
0x4e: {  	_ =	swait.ge [sflag:s9], $0x50  }
0x4f: {  	s14 =	smov.u32 s16;
	[sflag:s9] =	ssyncset.done $0x0  }
0x50: {  	s13 =	sadd.s32 s13, s7;
	[sflag:s9] =	ssyncadd.s32 $0xFFFFFFB0  }
0x51: {  	[tilespmem:s3], [sflag:$0x1] =	stream.linear.gather [hbm4b:s13+s3], $0x50, $0x38;
	[tilespmem:$0x600] =	vst v63  }
0x52: {  	_ =	swait.ge [sflag:s9], $0x50  }
0x53: {  	[sflag:s9] =	ssyncset.done $0x0  }
0x54: {  	[sflag:s9] =	ssyncadd.s32 $0xFFFFFFB0  }
0x55: {  	[spmem:s1] =	stream.indirect.scatter.add.f32 [tilespmem:s11], [sflag:$0x1], $0x1, s3, s10, $0xb8;
	[tilespmem:$0x600] =	vst v63  }
0x56: {  	_ =	swait.ge [sflag:s9], $0x50  }
0x57: {  	[sflag:s9] =	ssyncset.done $0x0  }
0x58: {  	[sflag:s9] =	ssyncadd.s32 $0xFFFFFFB0  }
0x59: {  	[bflag:$0x0] =	sbarrier.arrive $0xFFFF  }
0x5a: {  	[tilespmem:s8], [sflag:$0x1] =	stream.linear.gather [spmem:s4], $0x280, $0x38;
	[tilespmem:$0x600] =	vst v63  }
0x5b: {  	s12 =	sadd.s32 $0x1, s12;
	_ =	swait.ge [sflag:s9], $0x280  }
0x5c: {  	p0 =	sne.s32 s12, s5;
	[sflag:s9] =	ssyncset.done $0x0  }
.Ltmp1:
0x5d: {  	[sflag:s9] =	ssyncadd.s32 $0xFFFFFD80;
	(pc) =	sbr.rel @p0 .LBB2_1-.Ltmp1, $4  }
0x5e: {  	[hbm4b:s6+s3] =	stream.linear.scatter [tilespmem:s8], [sflag:$0x1], $0x280, $0x38;
	[tilespmem:$0x600] =	vst v63  }
0x5f: {  	_ =	swait.ge [sflag:s9], $0x280  }
0x60: {  	[sflag:s9] =	ssyncset.done $0x0  }
0x61: {  	[sflag:s9] =	ssyncadd.s32 $0xFFFFFD80  }
0x62: {  	_ =	sfence.sel $0x180000  }
0x63: {  	[bflag:$0x0] =	sbarrier.arrive $0xFFFF  }
0x64: {  	p0 =	sne.s32 s2, $0x0;
	_ =	strace $0x90000047  }
0x65: {  	s0 =	sadd.s32 @!p0 $0x100000, s0;
	[bflag:$0x2] =	sbarrier.arrive $0xFFFF  }
0x66: {  	[sflag:s0] =	ssyncadd.tile.s32 @!p0 $0x1;
	_ =	shalt  }
.Lfunc_end2:
_tile_overlayer_lowered:
.L_overlay_start_2:
0x67: {  	(tag) =	ssettag $0x2  }
0x68: {  	s0 =	rddreg [dreg:$0x0];
	s2 =	stileid.u32  }
0x69: {  	s1 =	rddreg [dreg:$0x1];
	p0 =	sne.s32 s2, $0x0  }
0x6a: {  	s3 =	rddreg [dreg:$0x2];
	[bflag:$0x3] =	sbarrier.arrive $0xFFFF;
	s2 =	simm.s32 @!p0 $0x1C01  }
0x6b: {  	[timem:s3], [sflag:s2] =	dma.local @!p0 [hbm:s0], s1  }
0x6c: {  	s0 =	simm.s32 @!p0 $0x1  }
0x6d: {  	_ =	swait.ge @!p0 [sflag:s0], s1  }
0x6e: {  	s1 =	ssub.s32 @!p0 $0x0, s1;
	[sflag:s0] =	ssyncset.done @!p0 $0x0  }
0x6f: {  	[sflag:s0] =	ssyncadd.s32 @!p0 s1  }
0x70: {  	[bflag:$0x3] =	sbarrier.arrive $0xFFFF  }
0x71: {  	_ =	shalt  }

// kernel: kernel.16.cloned.1.call-start
scs
__scs_entry_jumppad:
0x0: {  	(pc) =	sbr.rel $0x88, $3  }
0x1: {  	(tag) =	ssettag $0x0;
	lr =	simm.s32 $0x1  }
0x2: {  	[smem:$0x3F93] =	sst lr;
	_ =	strace $0xD0000000  }
0x3: {  	_ = 	snop  }
0x4: {  	_ = 	snop  }
0x5: {  	_ = 	snop  }
0x6: {  	_ = 	snop  }
0x7: {  	_ = 	snop  }
__scs_overlays_trampoline_lowered:
0x8: {  	[smem:$0x3FA2] =	sst s0  }
0x9: {  	[smem:$0x3FA3] =	sst s1  }
0xa: {  	[smem:$0x3FA4] =	sst s2  }
0xb: {  	[smem:$0x3FA5] =	sst s3  }
0xc: {  	[smem:$0x3FA6] =	sst s4  }
0xd: {  	[smem:$0x3FA7] =	sst s5  }
0xe: {  	[smem:$0x3FA8] =	sst s6  }
0xf: {  	[smem:$0x3FA9] =	sst s7  }
0x10: {  	[smem:$0x3FAA] =	sst s8  }
0x11: {  	[smem:$0x3FAB] =	sst s9;
	s0 =	simm.s32 @!p0 $0x0  }
0x12: {  	s1 =	sld [smem:$0x3F91];
	s0 =	simm.s32 @p0 $0x1  }
0x13: {  	[smem:$0x3FAC] =	sst s0;
	s0 =	simm.s32 @!p1 $0x0  }
0x14: {  	s2 =	sld [smem:$0x3F90];
	s0 =	simm.s32 @p1 $0x1  }
0x15: {  	[smem:$0x3FAD] =	sst s0;
	s0 =	simm.s32 @!p2 $0x0  }
0x16: {  	s3 =	sld [smem:$0x3FDB];
	s0 =	simm.s32 @p2 $0x1  }
0x17: {  	s4 =	simm.s32 $0x1BF5;
	[smem:$0x3FAF] =	sst s0  }
0x18: {  	s0 =	sld [smem:$0x3F92];
	_ =	swait.ge [sflag:s4], $0x0  }
0x19: {  	s7 =	sld [smem:$0x3F93]  }
0x1a: {  	s8 =	sadd.s32 $0xFFFFE003, lr  }
0x1b: {  	s9 =	sadd.s32 $0xFFFFFEF7, lr;
	s5 =	simm.s32 $0xFFFFFFFF;
	p2 =	slt.u32 s8, $0xFFFFF086  }
0x1c: {  	p1 =	slt.u32 s9, $0xF7A;
	s5 =	simm.s32 @!p2 $0x0  }
0x1d: {  	s5 =	simm.s32 @p1 $0x1;
	p0 =	seq.s32 s7, s2  }
0x1e: {  	s7 =	smul.u32 @!p0 $0xF7A, s2;
	p2 =	seq.s32 @!p0 s5, $0x0  }
0x1f: {  	s9 =	smul.u32 $0xF7A, s1;
	s8 =	simm.s32 @!p0 $0x1BF5;
	p2 =	por !p2, p0  }
0x20: {  	[sflag:s8] =	ssyncset.s32 @!p0 $0xFFFFF086;
	s6 =	sadd.s32 @!p0 s3, s7;
	s7 =	simm.s32 @!p0 $0x108  }
0x21: {  	s3 =	sadd.s32 s3, s9;
	s6 =	sadd.s32 @!p0 $0x88, s6;
	s7 =	simm.s32 @p2 $0x1082  }
0x22: {  	[simem:s7], [sflag:s8] =	dma.local @!p0 [hbm:s6], $0xF7A  }
0x23: {  	s9 =	sor.u32 $0xD0000000, s2;
	s6 =	simm.s32 $0x108;
	_ =	swait.ge @!p0 [sflag:s8], $0x0  }
0x24: {  	s3 =	sadd.s32 $0x88, s3;
	s6 =	simm.s32 @!p1 $0x1082;
	[sflag:s4] =	ssyncset.s32 $0xFFFFF086  }
0x25: {  	[simem:s6], [sflag:s4] =	dma.local [hbm:s3], $0xF7A  }
0x26: {  	[smem:$0x3F93] =	sst s1;
	(tag) =	ssettag s2;
	_ =	strace s9  }
0x27: {  	s1 =	sld [smem:$0x3FA3]  }
0x28: {  	s2 =	sld [smem:$0x3FA4]  }
0x29: {  	s4 =	sld [smem:$0x3FA6]  }
0x2a: {  	p0 =	seq.s32 s5, $0x0;
	s5 =	sld [smem:$0x3FA7]  }
0x2b: {  	s6 =	sld [smem:$0x3FA8]  }
0x2c: {  	s7 =	sld [smem:$0x3FA9]  }
0x2d: {  	s3 =	simm.s32 $0x108;
	s8 =	sld [smem:$0x3FAA]  }
0x2e: {  	s3 =	simm.s32 @!p0 $0x1082;
	s9 =	sld [smem:$0x3FAB]  }
0x2f: {  	lr =	sadd.s32 s0, s3;
	s0 =	sld [smem:$0x3FA2]  }
0x30: {  	s3 =	sld [smem:$0x3FA5]  }
0x31: {  	[smem:$0x3FAE] =	sst s10  }
0x32: {  	s10 =	sld [smem:$0x3FAC];
	_ =	sdelay $0x3  }
0x33: {  	p0 =	seq.s32 s10, $0x1;
	s10 =	sld [smem:$0x3FAE];
	_ =	sdelay $0x3  }
0x34: {  	[smem:$0x3FAE] =	sst s10  }
0x35: {  	s10 =	sld [smem:$0x3FAD];
	_ =	sdelay $0x3  }
0x36: {  	p1 =	seq.s32 s10, $0x1;
	s10 =	sld [smem:$0x3FAE];
	_ =	sdelay $0x3  }
0x37: {  	[smem:$0x3FAE] =	sst s10  }
0x38: {  	s10 =	sld [smem:$0x3FAF]  }
0x39: {  	_ = 	snop;
	(pc) =	sbr.ind lr, $3  }
0x3a: {  	_ = 	snop  }
0x3b: {  	_ = 	snop  }
0x3c: {  	p2 =	seq.s32 s10, $0x1;
	s10 =	sld [smem:$0x3FAE]  }
0x3d: {  	_ =	shalt  }
0x3e: {  	_ =	shalt  }
0x3f: {  	_ =	shalt  }
0x40: {  	_ =	shalt  }
0x41: {  	_ =	shalt  }
0x42: {  	_ =	shalt  }
0x43: {  	_ =	shalt  }
0x44: {  	_ =	shalt  }
0x45: {  	_ =	shalt  }
0x46: {  	_ =	shalt  }
0x47: {  	_ =	shalt  }
0x48: {  	_ =	shalt  }
0x49: {  	_ =	shalt  }
0x4a: {  	_ =	shalt  }
0x4b: {  	_ =	shalt  }
0x4c: {  	_ =	shalt  }
0x4d: {  	_ =	shalt  }
0x4e: {  	_ =	shalt  }
0x4f: {  	_ =	shalt  }
0x50: {  	_ =	shalt  }
0x51: {  	_ =	shalt  }
0x52: {  	_ =	shalt  }
0x53: {  	_ =	shalt  }
0x54: {  	_ =	shalt  }
0x55: {  	_ =	shalt  }
0x56: {  	_ =	shalt  }
0x57: {  	_ =	shalt  }
0x58: {  	_ =	shalt  }
0x59: {  	_ =	shalt  }
0x5a: {  	_ =	shalt  }
0x5b: {  	_ =	shalt  }
0x5c: {  	_ =	shalt  }
0x5d: {  	_ =	shalt  }
0x5e: {  	_ =	shalt  }
0x5f: {  	_ =	shalt  }
0x60: {  	_ =	shalt  }
0x61: {  	_ =	shalt  }
0x62: {  	_ =	shalt  }
0x63: {  	_ =	shalt  }
0x64: {  	_ =	shalt  }
0x65: {  	_ =	shalt  }
0x66: {  	_ =	shalt  }
0x67: {  	_ =	shalt  }
0x68: {  	_ =	shalt  }
0x69: {  	_ =	shalt  }
0x6a: {  	_ =	shalt  }
0x6b: {  	_ =	shalt  }
0x6c: {  	_ =	shalt  }
0x6d: {  	_ =	shalt  }
0x6e: {  	_ =	shalt  }
0x6f: {  	_ =	shalt  }
0x70: {  	_ =	shalt  }
0x71: {  	_ =	shalt  }
0x72: {  	_ =	shalt  }
0x73: {  	_ =	shalt  }
0x74: {  	_ =	shalt  }
0x75: {  	_ =	shalt  }
0x76: {  	_ =	shalt  }
0x77: {  	_ =	shalt  }
0x78: {  	_ =	shalt  }
0x79: {  	_ =	shalt  }
0x7a: {  	_ =	shalt  }
0x7b: {  	_ =	shalt  }
0x7c: {  	_ =	shalt  }
0x7d: {  	_ =	shalt  }
0x7e: {  	_ =	shalt  }
0x7f: {  	_ =	shalt  }
0x80: {  	_ =	shalt  }
0x81: {  	_ =	shalt  }
0x82: {  	_ =	shalt  }
0x83: {  	_ =	shalt  }
0x84: {  	_ =	shalt  }
0x85: {  	_ =	shalt  }
0x86: {  	_ =	shalt  }
0x87: {  	_ =	shalt  }
.Lfunc_end0:
.L_simem_size_0:
called_computation.1_lowered:
.L_overlay_start_0:
0x88: {  	s2 =	sld [smem:$0x3FD9]  }
0x89: {  	s3 =	sld [smem:$0x3FFE];
	_ =	sdelay $0x1  }
0x8a: {  	s1 =	srdreg.scid  }
0x8b: {  	s0 =	sand.u32 $0x1, s1  }
0x8c: {  	s17 =	sshll.u32 s0, $0xA;
	s2 =	sadd.s32 s3, s2  }
0x8d: {  	s2 =	sadd.s32 s2, s17  }
0x8e: {  	[smem:$0x3FBA] =	sst s2  }
0x8f: {  	_ = 	snop  }
0x90: {  	s18 =	sld [smem:$0x3FD0];
	(tm) =	ssettm $0x1  }
0x91: {  	s19 =	sld [smem:$0x3FFB];
	_ =	sdelay $0x3  }
0x92: {  	_ =	strace s19  }
0x93: {  	s2 =	sld [smem:$0x3FFC];
	_ =	sdelay $0x3  }
0x94: {  	_ =	strace s2  }
0x95: {  	s2 =	sld [smem:$0x3FFD];
	_ =	sdelay $0x3  }
0x96: {  	_ =	strace s2  }
0x97: {  	_ =	strace $0x8FFFFFFF  }
0x98: {  	s20 =	sld [smem:$0x3FDB];
	_ =	sdelay $0x1  }
0x99: {  	s4 =	simm.s32 $_scs_section_size  }
0x9a: {  	s5 =	simm.s32 $_size__tile_overlayer_lowered;
	s6 =	simm.s32 $_tile_overlayer_lowered  }
0x9b: {  	s7 =	simm.s32 $0x1BFF;
	s21 =	sshll.u32 s6, $0x1;
	s4 =	sadd.s32 s4, s20  }
0x9c: {  	s22 =	simm.s32 $0x0;
	s5 =	sshll.u32 s5, $0x1;
	s6 =	sadd.s32 s21, s4  }
0x9d: {  	[timem:s22], [sflag:s7] =	dma.local [hbm:s6], s5  }
0x9e: {  	_ =	swait.ge [sflag:s7], s5  }
0x9f: {  	s5 =	ssub.s32 $0x0, s5;
	[sflag:s7] =	ssyncset.done $0x0  }
0xa0: {  	[sflag:s7] =	ssyncadd.s32 s5;
	_ =	sdelay $0x1  }
0xa1: {  	s23 =	simm.s32 $0x1B8B  }
0xa2: {  	_ =	swait.ge [sflag:s23], $0x1  }
0xa3: {  	[sflag:s23] =	ssyncset.done $0x0  }
0xa4: {  	[sflag:s23] =	ssyncadd.s32 $0xFFFFFFFF  }
0xa5: {  	s5 =	sld [smem:$0x0]  }
0xa6: {  	s6 =	sand.u32 $0xFFFFFFFE, s1  }
0xa7: {  	p0 =	sne.s32 s1, s6  }
0xa8: {  	s6 =	sshll.u32 @p0 s6, $0xE  }
0xa9: {  	s6 =	sadd.s32 @p0 $0x11B8D, s6;
	s7 =	sshll.u32 @p0 s5, $0x11  }
0xaa: {  	s6 =	sor.u32 @p0 s7, s6  }
0xab: {  	[sflag:s6] =	ssyncadd.remote.s32 @p0 $0x1;
	_ =	sdelay $0x1  }
0xac: {  	s6 =	simm.s32 @p0 $0x1B8D  }
0xad: {  	_ =	swait.eq @p0 [sflag:s6], $0x1  }
0xae: {  	[sflag:s6] =	ssyncadd.s32 @p0 $0xFFFFFFFF  }
0xaf: {  	s7 =	sshll.u32 @!p0 s1, $0xE  }
0xb0: {  	s7 =	sor.u32 @!p0 $0x4000, s7;
	s6 =	simm.s32 @!p0 $0x1B8D  }
0xb1: {  	s5 =	sshll.u32 @!p0 s5, $0x11;
	s7 =	sadd.s32 @!p0 $0x11B8D, s7;
	_ =	swait.eq @!p0 [sflag:s6], $0x1  }
0xb2: {  	s5 =	sor.u32 @!p0 s5, s7;
	[sflag:s6] =	ssyncadd.s32 @!p0 $0xFFFFFFFF  }
0xb3: {  	s25 =	simm.s32 $0x1B8E;
	s24 =	sld [smem:$0x3FFE];
	[sflag:s5] =	ssyncadd.remote.s32 @!p0 $0x1  }
0xb4: {  	s26 =	simm.s32 $execute0_lowered;
	[smem:$0x3FD2] =	sst s25  }
0xb5: {  	s6 =	sshll.u32 s26, $0x1;
	_ =	strace $0x80000049;
	[dreg:$0x1] =	wrdreg $0xFFFFFFFF  }
0xb6: {  	s28 =	simm.s32 $_size_execute0_lowered;
	s4 =	sadd.s32 s4, s6;
	[dreg:$0x0] =	wrdreg $0x0  }
0xb7: {  	s6 =	sshll.u32 s28, $0x1;
	[dreg:$0x2] =	wrdreg s4  }
0xb8: {  	[dreg:$0x3] =	wrdreg s6  }
0xb9: {  	[dreg:$0x4] =	wrdreg $0xC0  }
0xba: {  	_ =	task [dreg:s22], $0x5FFFF  }
0xbb: {  	[dreg:$0x1] =	wrdreg $0xFFFFFFFF  }
0xbc: {  	[dreg:$0x0] =	wrdreg $0x60  }
0xbd: {  	[dreg:$0x2] =	wrdreg s24  }
0xbe: {  	[dreg:$0x3] =	wrdreg s18  }
0xbf: {  	[dreg:$0x4] =	wrdreg $0x69000  }
0xc0: {  	[dreg:$0x5] =	wrdreg $0xA  }
0xc1: {  	_ =	task.clear_ibuf [dreg:s22], $0x6FFFF;
	_ =	strace $0x90000049  }
0xc2: {  	s29 =	simm.s32 $0xA;
	_ =	strace $0x8000004B  }
0xc3: {  	_ =	swait.ge [sflag:s29], $0x1  }
0xc4: {  	[sflag:s29] =	ssyncadd.s32 $0xFFFFFFFF  }
0xc5: {  	_ =	strace $0x9000004B  }
0xc6: {  	_ =	sfence  }
0xc7: {  	s30 =	sld [smem:$0x0];
	_ =	sdelay $0x2  }
0xc8: {  	s31 =	sshll.u32 s1, $0xD;
	s1 =	sshrl.u32 s1, $0x2  }
0xc9: {  	s4 =	sand.u32 $0x4000, s31;
	s1 =	sadd.s32 s1, s30  }
0xca: {  	s0 =	sor.u32 s4, s0;
	s1 =	sshll.u32 s1, $0x11  }
0xcb: {  	s0 =	sor.u32 s1, s0  }
0xcc: {  	s0 =	sadd.s32 $0x8F2B, s0  }
0xcd: {  	[sflag:s0] =	ssyncadd.remote.s32 $0x1  }
0xce: {  	_ =	sfence.sel $0xFFFF  }
0xcf: {  	[dreg:$0x0] =	wrdreg $0xFFFFFFFF;
	(pc) =	sbr.abs _section_cstart, $3  }
0xd0: {  	[dreg:$0x1] =	wrdreg $0xFFFFFFFF  }
0xd1: {  	_ =	task.clear_ibuf [dreg:s22], $0x2FFFF;
	_ =	strace $0x9FFFFFFF  }
0xd2: {  	(tm) =	ssettm $0x7FFFFFFF  }
0xd3: {  	_ =	shalt  }
tec
execute0_lowered:
.L_overlay_start_1:
0x0: {  	(tag) =	ssettag $0x1  }
0x1: {  	s10 =	rddreg [dreg:$0x0]  }
0x2: {  	s0 =	srdreg.scid;
	s16 =	rddreg [dreg:$0x1]  }
0x3: {  	s2 =	rddreg [dreg:$0x2];
	s11 =	sand.u32 $0x1, s0  }
0x4: {  	s0 =	stileid.u32;
	s4 =	smul.u32 $0x27100, s11  }
0x5: {  	s1 =	rddreg [dreg:$0x3];
	s3 =	simm.s32 $0x0;
	s5 =	smul.u32 $0x2710, s0  }
0x6: {  	s22 =	simm.s32 $0x100;
	[smem:$0x7FF] =	sst s3;
	s7 =	smul.u32 $0x280, s0  }
0x7: {  	s23 =	simm.s32 $0x0;
	_ =	strace $0x8000004A;
	s28 =	smul.u32 $0x50000, s0  }
0x8: {  	s6 =	ssub.s32 $0x2, s11;
	p0 =	seq.s32 s11, $0x0;
	s11 =	simm.s32 $0x38A00  }
0x9: {  	s20 =	smul.u32 $0x2800, s0;
	s8 =	sshrl.u32 s6, $0x1;
	s11 =	simm.s32 @!p0 $0x60A00  }
0xa: {  	s4 =	sadd.s32 s5, s4;
	s5 =	sshrl.u32 s28, $0x2;
	s12 =	sadd.s32 $0x80, s7  }
0xb: {  	s13 =	ssub.s32 s6, s8;
	s14 =	sadd.s32 $0x100, s7;
	s15 =	sadd.s32 $0x180, s7  }
0xc: {  	s19 =	sadd.s32 $0x200, s7;
	s21 =	sadd.s32 s11, s10;
	s17 =	sshrl.u32 s4, $0x3  }
0xd: {  	s4 =	sadd.s32 $0x10A00, s10;
	s5 =	sadd.s32 s5, s2;
	s29 =	sshll.u32 s12, $0x7  }
0xe: {  	s30 =	sshll.u32 s14, $0x7;
	s9 =	sshll.u32 s15, $0x7;
	s31 =	sshll.u32 s19, $0x7  }
0xf: {  	s12 =	sshll.u32 s12, $0x4;
	s14 =	sshll.u32 s14, $0x4;
	s15 =	sshll.u32 s15, $0x4  }
0x10: {  	s19 =	sshll.u32 s19, $0x4;
	s11 =	sadd.s32 s21, s20;
	s20 =	simm.s32 $0x80  }
0x11: {  	s18 =	sadd.s32 s17, s10;
	s6 =	sadd.s32 s29, s2;
	s7 =	sadd.s32 s30, s2  }
0x12: {  	s8 =	sadd.s32 s9, s2;
	s9 =	sadd.s32 s31, s2;
	s10 =	smax.u32 s13, $0x1  }
0x13: {  	s12 =	sadd.s32 s21, s12;
	s13 =	sadd.s32 s21, s14;
	s14 =	sadd.s32 s21, s15  }
0x14: {  	s15 =	sadd.s32 s21, s19;
	s16 =	sadd.s32 s17, s16;
	s19 =	simm.s32 $0x1  }
0x15: {  	v0 =	vimm.f32 $0.0e+00;
	s21 =	simm.s32 $0x50;
	s17 =	sadd.s32 $0x6000, s18;
	s18 =	simm.s32 $0x2900  }
.LBB2_1:
0x16: {  	s24 =	simm.s32 $0x0;
	s25 =	simm.s32 $0x200  }
.LBB2_2:
0x17: {  	p0 =	sne.s32 s25, $0xFE00;
	[tilespmem:s24+$0x2970] =	vst v0  }
0x18: {  	[tilespmem:s24+$0x2900] =	vst v0  }
0x19: {  	[tilespmem:s24+$0x2910] =	vst v0  }
.Ltmp0:
0x1a: {  	[tilespmem:s24+$0x2920] =	vst v0;
	(pc) =	sbr.rel @p0 .LBB2_2-.Ltmp0, $4  }
0x1b: {  	[tilespmem:s24+$0x2930] =	vst v0  }
0x1c: {  	[tilespmem:s24+$0x2940] =	vst v0  }
0x1d: {  	[tilespmem:s24+$0x2950] =	vst v0  }
0x1e: {  	[tilespmem:s24+$0x2960] =	vst v0;
	s24 =	sshra.s32 s25, $0x2;
	s25 =	sadd.s32 $0x200, s25  }
0x1f: {  	[tilespmem:s24+$0x2970] =	vst v0  }
0x20: {  	[tilespmem:s24+$0x2900] =	vst v0  }
0x21: {  	[tilespmem:s24+$0x2910] =	vst v0  }
0x22: {  	[tilespmem:s24+$0x2920] =	vst v0  }
0x23: {  	[tilespmem:s24+$0x2930] =	vst v0  }
0x24: {  	[tilespmem:s24+$0x2940] =	vst v0  }
0x25: {  	[tilespmem:s24+$0x2950] =	vst v0  }
0x26: {  	[tilespmem:s24+$0x2960] =	vst v0  }
0x27: {  	[spmem:s5] =	stream.linear.scatter [tilespmem:s18], [sflag:$0x1], $0x4000, $0x38;
	[tilespmem:$0x1A900] =	vst v63  }
0x28: {  	_ =	swait.ge [sflag:s19], $0x4000  }
0x29: {  	[sflag:s19] =	ssyncset.done $0x0  }
0x2a: {  	[sflag:s19] =	ssyncadd.s32 $0xFFFFC000  }
0x2b: {  	[spmem:s6] =	stream.linear.scatter [tilespmem:s18], [sflag:$0x1], $0x4000, $0x38;
	[tilespmem:$0x1A900] =	vst v63  }
0x2c: {  	_ =	swait.ge [sflag:s19], $0x4000  }
0x2d: {  	[sflag:s19] =	ssyncset.done $0x0  }
0x2e: {  	[sflag:s19] =	ssyncadd.s32 $0xFFFFC000  }
0x2f: {  	[spmem:s7] =	stream.linear.scatter [tilespmem:s18], [sflag:$0x1], $0x4000, $0x38;
	[tilespmem:$0x1A900] =	vst v63  }
0x30: {  	_ =	swait.ge [sflag:s19], $0x4000  }
0x31: {  	[sflag:s19] =	ssyncset.done $0x0  }
0x32: {  	[sflag:s19] =	ssyncadd.s32 $0xFFFFC000  }
0x33: {  	[spmem:s8] =	stream.linear.scatter [tilespmem:s18], [sflag:$0x1], $0x4000, $0x38;
	[tilespmem:$0x1A900] =	vst v63  }
0x34: {  	_ =	swait.ge [sflag:s19], $0x4000  }
0x35: {  	[sflag:s19] =	ssyncset.done $0x0  }
0x36: {  	[sflag:s19] =	ssyncadd.s32 $0xFFFFC000  }
0x37: {  	[spmem:s9] =	stream.linear.scatter [tilespmem:s18], [sflag:$0x1], $0x4000, $0x38;
	[tilespmem:$0x1A900] =	vst v63  }
0x38: {  	_ =	swait.ge [sflag:s19], $0x4000  }
0x39: {  	[sflag:s19] =	ssyncset.done $0x0  }
0x3a: {  	[sflag:s19] =	ssyncadd.s32 $0xFFFFC000  }
0x3b: {  	s30 =	sadd.s32 $0x0, s17;
	[bflag:$0x0] =	sbarrier.arrive $0xFFFF  }
0x3c: {  	[tilespmem:s3], [sflag:$0x1] =	stream.linear.gather [hbm4b:s30+s3], $0x50, $0x38;
	[tilespmem:$0x1A900] =	vst v63  }
0x3d: {  	_ =	swait.ge [sflag:s19], $0x50  }
0x3e: {  	[sflag:s19] =	ssyncset.done $0x0  }
0x3f: {  	s31 =	sadd.s32 $0x0, s16;
	[sflag:s19] =	ssyncadd.s32 $0xFFFFFFB0  }
0x40: {  	[tilespmem:s20], [sflag:$0x1] =	stream.linear.gather [hbm4b:s31+s3], $0x50, $0x38;
	[tilespmem:$0x1A900] =	vst v63  }
0x41: {  	_ =	swait.ge [sflag:s19], $0x50  }
0x42: {  	[sflag:s19] =	ssyncset.done $0x0  }
0x43: {  	[sflag:s19] =	ssyncadd.s32 $0xFFFFFFB0  }
0x44: {  	[tilespmem:s22], [sflag:$0x1] =	stream.indirect.gather [hbm4b:s4+s21], $0x80, s3, s21, $0xb8;
	[tilespmem:$0x1A900] =	vst v63  }
0x45: {  	_ =	swait.ge [sflag:s19], $0x2800  }
0x46: {  	[sflag:s19] =	ssyncset.done $0x0  }
0x47: {  	[sflag:s19] =	ssyncadd.s32 $0xFFFFD800  }
0x48: {  	[spmem:s2] =	stream.indirect.scatter.add.f32 [tilespmem:s22], [sflag:$0x1], $0x80, s20, s21, $0xb8;
	[tilespmem:$0x1A900] =	vst v63  }
0x49: {  	_ =	swait.ge [sflag:s19], $0x2800  }
0x4a: {  	s24 =	simm.s32 $0xA;
	s25 =	simm.s32 $0x14;
	[sflag:s19] =	ssyncset.done $0x0  }
.LBB2_4:
0x4b: {  	s26 =	sadd.s32 s24, s17  }
0x4c: {  	[sflag:s19] =	ssyncadd.s32 $0xFFFFD800;
	s28 =	smov.u32 s25;
	s29 =	sadd.s32 $0xA, s25  }
0x4d: {  	[tilespmem:s3], [sflag:$0x1] =	stream.linear.gather [hbm4b:s26+s3], $0x50, $0x38;
	[tilespmem:$0x1A900] =	vst v63  }
0x4e: {  	p0 =	sne.s32 s25, $0x4D8;
	_ =	swait.ge [sflag:s19], $0x50  }
0x4f: {  	[sflag:s19] =	ssyncset.done $0x0  }
0x50: {  	s25 =	sadd.s32 s24, s16;
	s24 =	smov.u32 s28;
	[sflag:s19] =	ssyncadd.s32 $0xFFFFFFB0  }
0x51: {  	[tilespmem:s20], [sflag:$0x1] =	stream.linear.gather [hbm4b:s25+s3], $0x50, $0x38;
	[tilespmem:$0x1A900] =	vst v63  }
0x52: {  	_ =	swait.ge [sflag:s19], $0x50  }
0x53: {  	[sflag:s19] =	ssyncset.done $0x0  }
0x54: {  	[sflag:s19] =	ssyncadd.s32 $0xFFFFFFB0  }
0x55: {  	[tilespmem:s22], [sflag:$0x1] =	stream.indirect.gather [hbm4b:s4+s21], $0x80, s3, s21, $0xb8;
	[tilespmem:$0x1A900] =	vst v63  }
0x56: {  	_ =	swait.ge [sflag:s19], $0x2800  }
.Ltmp1:
0x57: {  	[sflag:s19] =	ssyncset.done $0x0;
	(pc) =	sbr.rel @p0 .LBB2_4-.Ltmp1, $4  }
0x58: {  	[sflag:s19] =	ssyncadd.s32 $0xFFFFD800  }
0x59: {  	[spmem:s2] =	stream.indirect.scatter.add.f32 [tilespmem:s22], [sflag:$0x1], $0x80, s20, s21, $0xb8;
	[tilespmem:$0x1A900] =	vst v63  }
0x5a: {  	_ =	swait.ge [sflag:s19], $0x2800  }
0x5b: {  	s25 =	smov.u32 s29;
	[sflag:s19] =	ssyncset.done $0x0  }
0x5c: {  	s25 =	sadd.s32 s24, s17;
	[sflag:s19] =	ssyncadd.s32 $0xFFFFD800  }
0x5d: {  	[tilespmem:s3], [sflag:$0x1] =	stream.linear.gather [hbm4b:s25+s3], $0x50, $0x38;
	[tilespmem:$0x1A900] =	vst v63  }
0x5e: {  	_ =	swait.ge [sflag:s19], $0x50  }
0x5f: {  	[sflag:s19] =	ssyncset.done $0x0  }
0x60: {  	s31 =	sadd.s32 s24, s16;
	[sflag:s19] =	ssyncadd.s32 $0xFFFFFFB0  }
0x61: {  	[tilespmem:s20], [sflag:$0x1] =	stream.linear.gather [hbm4b:s31+s3], $0x50, $0x38;
	[tilespmem:$0x1A900] =	vst v63  }
0x62: {  	_ =	swait.ge [sflag:s19], $0x50  }
0x63: {  	[sflag:s19] =	ssyncset.done $0x0  }
0x64: {  	[sflag:s19] =	ssyncadd.s32 $0xFFFFFFB0  }
0x65: {  	[tilespmem:s22], [sflag:$0x1] =	stream.indirect.gather [hbm4b:s4+s21], $0x80, s3, s21, $0xb8;
	[tilespmem:$0x1A900] =	vst v63  }
0x66: {  	_ =	swait.ge [sflag:s19], $0x2800  }
0x67: {  	[sflag:s19] =	ssyncset.done $0x0  }
0x68: {  	[sflag:s19] =	ssyncadd.s32 $0xFFFFD800  }
0x69: {  	[spmem:s2] =	stream.indirect.scatter.add.f32 [tilespmem:s22], [sflag:$0x1], $0x80, s20, s21, $0xb8;
	[tilespmem:$0x1A900] =	vst v63  }
0x6a: {  	_ =	swait.ge [sflag:s19], $0x2800  }
0x6b: {  	[sflag:s19] =	ssyncset.done $0x0  }
0x6c: {  	[sflag:s19] =	ssyncadd.s32 $0xFFFFD800  }
0x6d: {  	[bflag:$0x0] =	sbarrier.arrive $0xFFFF  }
0x6e: {  	[tilespmem:s18], [sflag:$0x1] =	stream.linear.gather [spmem:s5], $0x4000, $0x38;
	[tilespmem:$0x1A900] =	vst v63  }
0x6f: {  	_ =	swait.ge [sflag:s19], $0x4000  }
0x70: {  	[sflag:s19] =	ssyncset.done $0x0  }
0x71: {  	[sflag:s19] =	ssyncadd.s32 $0xFFFFC000  }
0x72: {  	[hbm4b:s11+s3] =	stream.linear.scatter [tilespmem:s18], [sflag:$0x1], $0x4000, $0x38;
	[tilespmem:$0x1A900] =	vst v63  }
0x73: {  	_ =	swait.ge [sflag:s19], $0x4000  }
0x74: {  	[sflag:s19] =	ssyncset.done $0x0  }
0x75: {  	[sflag:s19] =	ssyncadd.s32 $0xFFFFC000  }
0x76: {  	[tilespmem:s18], [sflag:$0x1] =	stream.linear.gather [spmem:s6], $0x4000, $0x38;
	[tilespmem:$0x1A900] =	vst v63  }
0x77: {  	_ =	swait.ge [sflag:s19], $0x4000  }
0x78: {  	[sflag:s19] =	ssyncset.done $0x0  }
0x79: {  	[sflag:s19] =	ssyncadd.s32 $0xFFFFC000  }
0x7a: {  	[hbm4b:s12+s3] =	stream.linear.scatter [tilespmem:s18], [sflag:$0x1], $0x4000, $0x38;
	[tilespmem:$0x1A900] =	vst v63  }
0x7b: {  	_ =	swait.ge [sflag:s19], $0x4000  }
0x7c: {  	[sflag:s19] =	ssyncset.done $0x0  }
0x7d: {  	[sflag:s19] =	ssyncadd.s32 $0xFFFFC000  }
0x7e: {  	[tilespmem:s18], [sflag:$0x1] =	stream.linear.gather [spmem:s7], $0x4000, $0x38;
	[tilespmem:$0x1A900] =	vst v63  }
0x7f: {  	_ =	swait.ge [sflag:s19], $0x4000  }
0x80: {  	[sflag:s19] =	ssyncset.done $0x0  }
0x81: {  	[sflag:s19] =	ssyncadd.s32 $0xFFFFC000  }
0x82: {  	[hbm4b:s13+s3] =	stream.linear.scatter [tilespmem:s18], [sflag:$0x1], $0x4000, $0x38;
	[tilespmem:$0x1A900] =	vst v63  }
0x83: {  	_ =	swait.ge [sflag:s19], $0x4000  }
0x84: {  	[sflag:s19] =	ssyncset.done $0x0  }
0x85: {  	[sflag:s19] =	ssyncadd.s32 $0xFFFFC000  }
0x86: {  	[tilespmem:s18], [sflag:$0x1] =	stream.linear.gather [spmem:s8], $0x4000, $0x38;
	[tilespmem:$0x1A900] =	vst v63  }
0x87: {  	_ =	swait.ge [sflag:s19], $0x4000  }
0x88: {  	[sflag:s19] =	ssyncset.done $0x0  }
0x89: {  	[sflag:s19] =	ssyncadd.s32 $0xFFFFC000  }
0x8a: {  	[hbm4b:s14+s3] =	stream.linear.scatter [tilespmem:s18], [sflag:$0x1], $0x4000, $0x38;
	[tilespmem:$0x1A900] =	vst v63  }
0x8b: {  	_ =	swait.ge [sflag:s19], $0x4000  }
0x8c: {  	[sflag:s19] =	ssyncset.done $0x0  }
0x8d: {  	[sflag:s19] =	ssyncadd.s32 $0xFFFFC000  }
0x8e: {  	[tilespmem:s18], [sflag:$0x1] =	stream.linear.gather [spmem:s9], $0x4000, $0x38;
	[tilespmem:$0x1A900] =	vst v63  }
0x8f: {  	s23 =	sadd.s32 $0x1, s23;
	_ =	swait.ge [sflag:s19], $0x4000  }
0x90: {  	p0 =	sne.s32 s23, s10;
	[sflag:s19] =	ssyncset.done $0x0  }
.Ltmp2:
0x91: {  	[sflag:s19] =	ssyncadd.s32 $0xFFFFC000;
	(pc) =	sbr.rel @p0 .LBB2_1-.Ltmp2, $4  }
0x92: {  	[hbm4b:s15+s3] =	stream.linear.scatter [tilespmem:s18], [sflag:$0x1], $0x4000, $0x38;
	[tilespmem:$0x1A900] =	vst v63  }
0x93: {  	_ =	swait.ge [sflag:s19], $0x4000  }
0x94: {  	[sflag:s19] =	ssyncset.done $0x0  }
0x95: {  	[sflag:s19] =	ssyncadd.s32 $0xFFFFC000  }
0x96: {  	_ =	sfence.sel $0x180000  }
0x97: {  	[bflag:$0x0] =	sbarrier.arrive $0xFFFF  }
0x98: {  	p0 =	sne.s32 s0, $0x0;
	_ =	strace $0x9000004A  }
0x99: {  	s0 =	sadd.s32 @!p0 $0x100000, s1;
	[bflag:$0x2] =	sbarrier.arrive $0xFFFF  }
0x9a: {  	[sflag:s0] =	ssyncadd.tile.s32 @!p0 $0x1;
	_ =	shalt  }
.Lfunc_end2:
_tile_overlayer_lowered:
.L_overlay_start_2:
0x9b: {  	(tag) =	ssettag $0x2  }
0x9c: {  	s0 =	rddreg [dreg:$0x0];
	s2 =	stileid.u32  }
0x9d: {  	s1 =	rddreg [dreg:$0x1];
	p0 =	sne.s32 s2, $0x0  }
0x9e: {  	s3 =	rddreg [dreg:$0x2];
	[bflag:$0x3] =	sbarrier.arrive $0xFFFF;
	s2 =	simm.s32 @!p0 $0x1C01  }
0x9f: {  	[timem:s3], [sflag:s2] =	dma.local @!p0 [hbm:s0], s1  }
0xa0: {  	s0 =	simm.s32 @!p0 $0x1  }
0xa1: {  	_ =	swait.ge @!p0 [sflag:s0], s1  }
0xa2: {  	s1 =	ssub.s32 @!p0 $0x0, s1;
	[sflag:s0] =	ssyncset.done @!p0 $0x0  }
0xa3: {  	[sflag:s0] =	ssyncadd.s32 @!p0 s1  }
0xa4: {  	[bflag:$0x3] =	sbarrier.arrive $0xFFFF  }
0xa5: {  	_ =	shalt  }

// kernel: kernel.19.cloned.1.call-start
scs
__scs_entry_jumppad:
0x0: {  	(pc) =	sbr.rel $0x88, $3  }
0x1: {  	(tag) =	ssettag $0x0;
	lr =	simm.s32 $0x1  }
0x2: {  	[smem:$0x3F93] =	sst lr;
	_ =	strace $0xD0000000  }
0x3: {  	_ = 	snop  }
0x4: {  	_ = 	snop  }
0x5: {  	_ = 	snop  }
0x6: {  	_ = 	snop  }
0x7: {  	_ = 	snop  }
__scs_overlays_trampoline_lowered:
0x8: {  	[smem:$0x3FA2] =	sst s0  }
0x9: {  	[smem:$0x3FA3] =	sst s1  }
0xa: {  	[smem:$0x3FA4] =	sst s2  }
0xb: {  	[smem:$0x3FA5] =	sst s3  }
0xc: {  	[smem:$0x3FA6] =	sst s4  }
0xd: {  	[smem:$0x3FA7] =	sst s5  }
0xe: {  	[smem:$0x3FA8] =	sst s6  }
0xf: {  	[smem:$0x3FA9] =	sst s7  }
0x10: {  	[smem:$0x3FAA] =	sst s8  }
0x11: {  	[smem:$0x3FAB] =	sst s9;
	s0 =	simm.s32 @!p0 $0x0  }
0x12: {  	s1 =	sld [smem:$0x3F91];
	s0 =	simm.s32 @p0 $0x1  }
0x13: {  	[smem:$0x3FAC] =	sst s0;
	s0 =	simm.s32 @!p1 $0x0  }
0x14: {  	s2 =	sld [smem:$0x3F90];
	s0 =	simm.s32 @p1 $0x1  }
0x15: {  	[smem:$0x3FAD] =	sst s0;
	s0 =	simm.s32 @!p2 $0x0  }
0x16: {  	s3 =	sld [smem:$0x3FDB];
	s0 =	simm.s32 @p2 $0x1  }
0x17: {  	s4 =	simm.s32 $0x1BF5;
	[smem:$0x3FAF] =	sst s0  }
0x18: {  	s0 =	sld [smem:$0x3F92];
	_ =	swait.ge [sflag:s4], $0x0  }
0x19: {  	s7 =	sld [smem:$0x3F93]  }
0x1a: {  	s8 =	sadd.s32 $0xFFFFE003, lr  }
0x1b: {  	s9 =	sadd.s32 $0xFFFFFEF7, lr;
	s5 =	simm.s32 $0xFFFFFFFF;
	p2 =	slt.u32 s8, $0xFFFFF086  }
0x1c: {  	p1 =	slt.u32 s9, $0xF7A;
	s5 =	simm.s32 @!p2 $0x0  }
0x1d: {  	s5 =	simm.s32 @p1 $0x1;
	p0 =	seq.s32 s7, s2  }
0x1e: {  	s7 =	smul.u32 @!p0 $0xF7A, s2;
	p2 =	seq.s32 @!p0 s5, $0x0  }
0x1f: {  	s9 =	smul.u32 $0xF7A, s1;
	s8 =	simm.s32 @!p0 $0x1BF5;
	p2 =	por !p2, p0  }
0x20: {  	[sflag:s8] =	ssyncset.s32 @!p0 $0xFFFFF086;
	s6 =	sadd.s32 @!p0 s3, s7;
	s7 =	simm.s32 @!p0 $0x108  }
0x21: {  	s3 =	sadd.s32 s3, s9;
	s6 =	sadd.s32 @!p0 $0x88, s6;
	s7 =	simm.s32 @p2 $0x1082  }
0x22: {  	[simem:s7], [sflag:s8] =	dma.local @!p0 [hbm:s6], $0xF7A  }
0x23: {  	s9 =	sor.u32 $0xD0000000, s2;
	s6 =	simm.s32 $0x108;
	_ =	swait.ge @!p0 [sflag:s8], $0x0  }
0x24: {  	s3 =	sadd.s32 $0x88, s3;
	s6 =	simm.s32 @!p1 $0x1082;
	[sflag:s4] =	ssyncset.s32 $0xFFFFF086  }
0x25: {  	[simem:s6], [sflag:s4] =	dma.local [hbm:s3], $0xF7A  }
0x26: {  	[smem:$0x3F93] =	sst s1;
	(tag) =	ssettag s2;
	_ =	strace s9  }
0x27: {  	s1 =	sld [smem:$0x3FA3]  }
0x28: {  	s2 =	sld [smem:$0x3FA4]  }
0x29: {  	s4 =	sld [smem:$0x3FA6]  }
0x2a: {  	p0 =	seq.s32 s5, $0x0;
	s5 =	sld [smem:$0x3FA7]  }
0x2b: {  	s6 =	sld [smem:$0x3FA8]  }
0x2c: {  	s7 =	sld [smem:$0x3FA9]  }
0x2d: {  	s3 =	simm.s32 $0x108;
	s8 =	sld [smem:$0x3FAA]  }
0x2e: {  	s3 =	simm.s32 @!p0 $0x1082;
	s9 =	sld [smem:$0x3FAB]  }
0x2f: {  	lr =	sadd.s32 s0, s3;
	s0 =	sld [smem:$0x3FA2]  }
0x30: {  	s3 =	sld [smem:$0x3FA5]  }
0x31: {  	[smem:$0x3FAE] =	sst s10  }
0x32: {  	s10 =	sld [smem:$0x3FAC];
	_ =	sdelay $0x3  }
0x33: {  	p0 =	seq.s32 s10, $0x1;
	s10 =	sld [smem:$0x3FAE];
	_ =	sdelay $0x3  }
0x34: {  	[smem:$0x3FAE] =	sst s10  }
0x35: {  	s10 =	sld [smem:$0x3FAD];
	_ =	sdelay $0x3  }
0x36: {  	p1 =	seq.s32 s10, $0x1;
	s10 =	sld [smem:$0x3FAE];
	_ =	sdelay $0x3  }
0x37: {  	[smem:$0x3FAE] =	sst s10  }
0x38: {  	s10 =	sld [smem:$0x3FAF]  }
0x39: {  	_ = 	snop;
	(pc) =	sbr.ind lr, $3  }
0x3a: {  	_ = 	snop  }
0x3b: {  	_ = 	snop  }
0x3c: {  	p2 =	seq.s32 s10, $0x1;
	s10 =	sld [smem:$0x3FAE]  }
0x3d: {  	_ =	shalt  }
0x3e: {  	_ =	shalt  }
0x3f: {  	_ =	shalt  }
0x40: {  	_ =	shalt  }
0x41: {  	_ =	shalt  }
0x42: {  	_ =	shalt  }
0x43: {  	_ =	shalt  }
0x44: {  	_ =	shalt  }
0x45: {  	_ =	shalt  }
0x46: {  	_ =	shalt  }
0x47: {  	_ =	shalt  }
0x48: {  	_ =	shalt  }
0x49: {  	_ =	shalt  }
0x4a: {  	_ =	shalt  }
0x4b: {  	_ =	shalt  }
0x4c: {  	_ =	shalt  }
0x4d: {  	_ =	shalt  }
0x4e: {  	_ =	shalt  }
0x4f: {  	_ =	shalt  }
0x50: {  	_ =	shalt  }
0x51: {  	_ =	shalt  }
0x52: {  	_ =	shalt  }
0x53: {  	_ =	shalt  }
0x54: {  	_ =	shalt  }
0x55: {  	_ =	shalt  }
0x56: {  	_ =	shalt  }
0x57: {  	_ =	shalt  }
0x58: {  	_ =	shalt  }
0x59: {  	_ =	shalt  }
0x5a: {  	_ =	shalt  }
0x5b: {  	_ =	shalt  }
0x5c: {  	_ =	shalt  }
0x5d: {  	_ =	shalt  }
0x5e: {  	_ =	shalt  }
0x5f: {  	_ =	shalt  }
0x60: {  	_ =	shalt  }
0x61: {  	_ =	shalt  }
0x62: {  	_ =	shalt  }
0x63: {  	_ =	shalt  }
0x64: {  	_ =	shalt  }
0x65: {  	_ =	shalt  }
0x66: {  	_ =	shalt  }
0x67: {  	_ =	shalt  }
0x68: {  	_ =	shalt  }
0x69: {  	_ =	shalt  }
0x6a: {  	_ =	shalt  }
0x6b: {  	_ =	shalt  }
0x6c: {  	_ =	shalt  }
0x6d: {  	_ =	shalt  }
0x6e: {  	_ =	shalt  }
0x6f: {  	_ =	shalt  }
0x70: {  	_ =	shalt  }
0x71: {  	_ =	shalt  }
0x72: {  	_ =	shalt  }
0x73: {  	_ =	shalt  }
0x74: {  	_ =	shalt  }
0x75: {  	_ =	shalt  }
0x76: {  	_ =	shalt  }
0x77: {  	_ =	shalt  }
0x78: {  	_ =	shalt  }
0x79: {  	_ =	shalt  }
0x7a: {  	_ =	shalt  }
0x7b: {  	_ =	shalt  }
0x7c: {  	_ =	shalt  }
0x7d: {  	_ =	shalt  }
0x7e: {  	_ =	shalt  }
0x7f: {  	_ =	shalt  }
0x80: {  	_ =	shalt  }
0x81: {  	_ =	shalt  }
0x82: {  	_ =	shalt  }
0x83: {  	_ =	shalt  }
0x84: {  	_ =	shalt  }
0x85: {  	_ =	shalt  }
0x86: {  	_ =	shalt  }
0x87: {  	_ =	shalt  }
.Lfunc_end0:
.L_simem_size_0:
called_computation.2_lowered:
.L_overlay_start_0:
0x88: {  	s2 =	sld [smem:$0x3FD9]  }
0x89: {  	s3 =	sld [smem:$0x3FFE];
	_ =	sdelay $0x1  }
0x8a: {  	s1 =	srdreg.scid  }
0x8b: {  	s0 =	sand.u32 $0x1, s1  }
0x8c: {  	s17 =	sshll.u32 s0, $0xA;
	s2 =	sadd.s32 s3, s2  }
0x8d: {  	s2 =	sadd.s32 s2, s17  }
0x8e: {  	[smem:$0x3FBA] =	sst s2  }
0x8f: {  	_ = 	snop  }
0x90: {  	s2 =	sld [smem:$0x3FD0];
	(tm) =	ssettm $0x1  }
0x91: {  	s18 =	sld [smem:$0x3FFB];
	_ =	sdelay $0x3  }
0x92: {  	_ =	strace s18  }
0x93: {  	s3 =	sld [smem:$0x3FFC];
	_ =	sdelay $0x3  }
0x94: {  	_ =	strace s3  }
0x95: {  	s3 =	sld [smem:$0x3FFD];
	_ =	sdelay $0x3  }
0x96: {  	_ =	strace s3  }
0x97: {  	_ =	strace $0x8FFFFFFF  }
0x98: {  	s19 =	sld [smem:$0x3FDB];
	_ =	sdelay $0x1  }
0x99: {  	s4 =	simm.s32 $_scs_section_size  }
0x9a: {  	s5 =	simm.s32 $_size__tile_overlayer_lowered;
	s6 =	simm.s32 $_tile_overlayer_lowered  }
0x9b: {  	s22 =	simm.s32 $0x1BFF;
	s21 =	sshll.u32 s6, $0x1;
	s3 =	sadd.s32 s4, s19  }
0x9c: {  	s7 =	simm.s32 $0x0;
	s20 =	sshll.u32 s5, $0x1;
	s5 =	sadd.s32 s21, s3  }
0x9d: {  	[timem:s7], [sflag:s22] =	dma.local [hbm:s5], s20  }
0x9e: {  	_ =	swait.ge [sflag:s22], s20  }
0x9f: {  	s4 =	ssub.s32 $0x0, s20;
	[sflag:s22] =	ssyncset.done $0x0  }
0xa0: {  	[sflag:s22] =	ssyncadd.s32 s4;
	_ =	sdelay $0x1  }
0xa1: {  	s23 =	simm.s32 $0x1B8B  }
0xa2: {  	_ =	swait.ge [sflag:s23], $0x1  }
0xa3: {  	[sflag:s23] =	ssyncset.done $0x0  }
0xa4: {  	s25 =	simm.s32 $0x1B8E;
	s24 =	sld [smem:$0x3FFE];
	[sflag:s23] =	ssyncadd.s32 $0xFFFFFFFF  }
0xa5: {  	s26 =	simm.s32 $execute0_lowered;
	[smem:$0x3FD2] =	sst s25  }
0xa6: {  	s5 =	sshll.u32 s26, $0x1;
	_ =	strace $0x8000004C;
	[dreg:$0x1] =	wrdreg $0xFFFFFFFF  }
0xa7: {  	s28 =	simm.s32 $_size_execute0_lowered;
	s3 =	sadd.s32 s3, s5;
	[dreg:$0x0] =	wrdreg $0x0  }
0xa8: {  	s5 =	sshll.u32 s28, $0x1;
	[dreg:$0x2] =	wrdreg s3  }
0xa9: {  	[dreg:$0x3] =	wrdreg s5  }
0xaa: {  	[dreg:$0x4] =	wrdreg $0xC0  }
0xab: {  	_ =	task [dreg:s7], $0x5FFFF  }
0xac: {  	[dreg:$0x1] =	wrdreg $0xFFFFFFFF  }
0xad: {  	[dreg:$0x0] =	wrdreg $0x60  }
0xae: {  	[dreg:$0x2] =	wrdreg s24  }
0xaf: {  	[dreg:$0x3] =	wrdreg s2  }
0xb0: {  	[dreg:$0x4] =	wrdreg $0x69000  }
0xb1: {  	[dreg:$0x5] =	wrdreg $0x9  }
0xb2: {  	_ =	task.clear_ibuf [dreg:s7], $0x6FFFF;
	_ =	strace $0x9000004C  }
0xb3: {  	s29 =	simm.s32 $0x9;
	_ =	strace $0x8000004E  }
0xb4: {  	_ =	swait.ge [sflag:s29], $0x1  }
0xb5: {  	[sflag:s29] =	ssyncadd.s32 $0xFFFFFFFF  }
0xb6: {  	_ =	strace $0x9000004E  }
0xb7: {  	_ =	sfence  }
0xb8: {  	s30 =	sld [smem:$0x0];
	_ =	sdelay $0x2  }
0xb9: {  	s31 =	sshll.u32 s1, $0xD;
	s1 =	sshrl.u32 s1, $0x2  }
0xba: {  	s3 =	sand.u32 $0x4000, s31;
	s1 =	sadd.s32 s1, s30  }
0xbb: {  	s0 =	sor.u32 s3, s0;
	s1 =	sshll.u32 s1, $0x11  }
0xbc: {  	s0 =	sor.u32 s1, s0  }
0xbd: {  	s0 =	sadd.s32 $0x8F2B, s0  }
0xbe: {  	[sflag:s0] =	ssyncadd.remote.s32 $0x1  }
0xbf: {  	_ =	sfence.sel $0xFFFF  }
0xc0: {  	[dreg:$0x0] =	wrdreg $0xFFFFFFFF;
	(pc) =	sbr.abs _section_cstart, $3  }
0xc1: {  	[dreg:$0x1] =	wrdreg $0xFFFFFFFF  }
0xc2: {  	_ =	task.clear_ibuf [dreg:s7], $0x2FFFF;
	_ =	strace $0x9FFFFFFF  }
0xc3: {  	(tm) =	ssettm $0x7FFFFFFF  }
tec
execute0_lowered:
.L_overlay_start_1:
0x0: {  	(tag) =	ssettag $0x1  }
0x1: {  	s10 =	rddreg [dreg:$0x0]  }
0x2: {  	s17 =	rddreg [dreg:$0x1]  }
0x3: {  	s2 =	rddreg [dreg:$0x2];
	s1 =	stileid.u32  }
0x4: {  	s0 =	rddreg [dreg:$0x3];
	s3 =	simm.s32 $0x0;
	s18 =	smul.u32 $0x9C4, s1  }
0x5: {  	s4 =	srdreg.scid;
	s22 =	simm.s32 $0x100;
	s6 =	smul.u32 $0x280, s1  }
0x6: {  	s23 =	simm.s32 $0x0;
	[smem:$0x7FF] =	sst s3;
	s28 =	smul.u32 $0x50000, s1  }
0x7: {  	s9 =	sand.u32 $0x1, s4;
	s19 =	smul.u32 $0x2800, s1;
	_ =	strace $0x8000004D  }
0x8: {  	s5 =	ssub.s32 $0x2, s9;
	p0 =	seq.s32 s9, $0x1;
	p1 =	seq.s32 s9, $0x0  }
0x9: {  	s9 =	simm.s32 $0xD8A00;
	s16 =	sadd.s32 s18, s10;
	s11 =	sadd.s32 $0x80, s6  }
0xa: {  	s7 =	sshrl.u32 s5, $0x1;
	s4 =	sshrl.u32 s28, $0x2;
	s13 =	sadd.s32 $0x100, s6  }
0xb: {  	s14 =	sadd.s32 $0x180, s6;
	s15 =	sadd.s32 $0x200, s6;
	s9 =	simm.s32 @!p1 $0x100A00  }
0xc: {  	s17 =	sadd.s32 s18, s17;
	s18 =	simm.s32 $0x2900;
	s8 =	sshll.u32 s11, $0x7  }
0xd: {  	s12 =	ssub.s32 s5, s7;
	s4 =	sadd.s32 s4, s2;
	s29 =	sshll.u32 s13, $0x7  }
0xe: {  	s30 =	sshll.u32 s14, $0x7;
	s31 =	sshll.u32 s15, $0x7;
	s20 =	sshll.u32 s11, $0x4  }
0xf: {  	s13 =	sshll.u32 s13, $0x4;
	s14 =	sshll.u32 s14, $0x4;
	s11 =	simm.s32 $0x60A00  }
0x10: {  	s15 =	sshll.u32 s15, $0x4;
	s21 =	sadd.s32 s9, s10;
	s16 =	sadd.s32 $0x6000, s16  }
0x11: {  	s5 =	sadd.s32 s8, s2;
	s6 =	sadd.s32 s29, s2;
	s7 =	sadd.s32 s30, s2  }
0x12: {  	s8 =	sadd.s32 s31, s2;
	s11 =	simm.s32 @!p0 $0x38A00;
	s9 =	smax.u32 s12, $0x1  }
0x13: {  	s12 =	sadd.s32 s21, s20;
	s13 =	sadd.s32 s21, s13;
	s14 =	sadd.s32 s21, s14  }
0x14: {  	s15 =	sadd.s32 s21, s15;
	s20 =	simm.s32 $0x80;
	s10 =	sadd.s32 s11, s10  }
0x15: {  	v0 =	vimm.f32 $0.0e+00;
	s11 =	sadd.s32 s21, s19;
	s19 =	simm.s32 $0x1;
	s21 =	simm.s32 $0x50  }
.LBB2_1:
0x16: {  	s24 =	simm.s32 $0x0;
	s25 =	simm.s32 $0x200  }
.LBB2_2:
0x17: {  	p0 =	sne.s32 s25, $0xFE00;
	[tilespmem:s24+$0x2970] =	vst v0  }
0x18: {  	[tilespmem:s24+$0x2900] =	vst v0  }
0x19: {  	[tilespmem:s24+$0x2910] =	vst v0  }
.Ltmp0:
0x1a: {  	[tilespmem:s24+$0x2920] =	vst v0;
	(pc) =	sbr.rel @p0 .LBB2_2-.Ltmp0, $4  }
0x1b: {  	[tilespmem:s24+$0x2930] =	vst v0  }
0x1c: {  	[tilespmem:s24+$0x2940] =	vst v0  }
0x1d: {  	[tilespmem:s24+$0x2950] =	vst v0  }
0x1e: {  	[tilespmem:s24+$0x2960] =	vst v0;
	s24 =	sshra.s32 s25, $0x2;
	s25 =	sadd.s32 $0x200, s25  }
0x1f: {  	[tilespmem:s24+$0x2970] =	vst v0  }
0x20: {  	[tilespmem:s24+$0x2900] =	vst v0  }
0x21: {  	[tilespmem:s24+$0x2910] =	vst v0  }
0x22: {  	[tilespmem:s24+$0x2920] =	vst v0  }
0x23: {  	[tilespmem:s24+$0x2930] =	vst v0  }
0x24: {  	[tilespmem:s24+$0x2940] =	vst v0  }
0x25: {  	[tilespmem:s24+$0x2950] =	vst v0  }
0x26: {  	[tilespmem:s24+$0x2960] =	vst v0  }
0x27: {  	[spmem:s4] =	stream.linear.scatter [tilespmem:s18], [sflag:$0x1], $0x4000, $0x38;
	[tilespmem:$0x1A900] =	vst v63  }
0x28: {  	_ =	swait.ge [sflag:s19], $0x4000  }
0x29: {  	[sflag:s19] =	ssyncset.done $0x0  }
0x2a: {  	[sflag:s19] =	ssyncadd.s32 $0xFFFFC000  }
0x2b: {  	[spmem:s5] =	stream.linear.scatter [tilespmem:s18], [sflag:$0x1], $0x4000, $0x38;
	[tilespmem:$0x1A900] =	vst v63  }
0x2c: {  	_ =	swait.ge [sflag:s19], $0x4000  }
0x2d: {  	[sflag:s19] =	ssyncset.done $0x0  }
0x2e: {  	[sflag:s19] =	ssyncadd.s32 $0xFFFFC000  }
0x2f: {  	[spmem:s6] =	stream.linear.scatter [tilespmem:s18], [sflag:$0x1], $0x4000, $0x38;
	[tilespmem:$0x1A900] =	vst v63  }
0x30: {  	_ =	swait.ge [sflag:s19], $0x4000  }
0x31: {  	[sflag:s19] =	ssyncset.done $0x0  }
0x32: {  	[sflag:s19] =	ssyncadd.s32 $0xFFFFC000  }
0x33: {  	[spmem:s7] =	stream.linear.scatter [tilespmem:s18], [sflag:$0x1], $0x4000, $0x38;
	[tilespmem:$0x1A900] =	vst v63  }
0x34: {  	_ =	swait.ge [sflag:s19], $0x4000  }
0x35: {  	[sflag:s19] =	ssyncset.done $0x0  }
0x36: {  	[sflag:s19] =	ssyncadd.s32 $0xFFFFC000  }
0x37: {  	[spmem:s8] =	stream.linear.scatter [tilespmem:s18], [sflag:$0x1], $0x4000, $0x38;
	[tilespmem:$0x1A900] =	vst v63  }
0x38: {  	_ =	swait.ge [sflag:s19], $0x4000  }
0x39: {  	[sflag:s19] =	ssyncset.done $0x0  }
0x3a: {  	[sflag:s19] =	ssyncadd.s32 $0xFFFFC000  }
0x3b: {  	s30 =	sadd.s32 $0x0, s17;
	[bflag:$0x0] =	sbarrier.arrive $0xFFFF  }
0x3c: {  	[tilespmem:s3], [sflag:$0x1] =	stream.linear.gather [hbm4b:s30+s3], $0x50, $0x38;
	[tilespmem:$0x1A900] =	vst v63  }
0x3d: {  	_ =	swait.ge [sflag:s19], $0x50  }
0x3e: {  	[sflag:s19] =	ssyncset.done $0x0  }
0x3f: {  	s31 =	sadd.s32 $0x0, s16;
	[sflag:s19] =	ssyncadd.s32 $0xFFFFFFB0  }
0x40: {  	[tilespmem:s20], [sflag:$0x1] =	stream.linear.gather [hbm4b:s31+s3], $0x50, $0x38;
	[tilespmem:$0x1A900] =	vst v63  }
0x41: {  	_ =	swait.ge [sflag:s19], $0x50  }
0x42: {  	[sflag:s19] =	ssyncset.done $0x0  }
0x43: {  	[sflag:s19] =	ssyncadd.s32 $0xFFFFFFB0  }
0x44: {  	[tilespmem:s22], [sflag:$0x1] =	stream.indirect.gather [hbm4b:s10+s21], $0x80, s3, s21, $0xb8;
	[tilespmem:$0x1A900] =	vst v63  }
0x45: {  	_ =	swait.ge [sflag:s19], $0x2800  }
0x46: {  	[sflag:s19] =	ssyncset.done $0x0  }
0x47: {  	[sflag:s19] =	ssyncadd.s32 $0xFFFFD800  }
0x48: {  	[spmem:s2] =	stream.indirect.scatter.add.f32 [tilespmem:s22], [sflag:$0x1], $0x80, s20, s21, $0xb8;
	[tilespmem:$0x1A900] =	vst v63  }
0x49: {  	_ =	swait.ge [sflag:s19], $0x2800  }
0x4a: {  	s24 =	simm.s32 $0xA;
	s25 =	simm.s32 $0x14;
	[sflag:s19] =	ssyncset.done $0x0  }
.LBB2_4:
0x4b: {  	s26 =	sadd.s32 s24, s17  }
0x4c: {  	[sflag:s19] =	ssyncadd.s32 $0xFFFFD800;
	s28 =	smov.u32 s25;
	s29 =	sadd.s32 $0xA, s25  }
0x4d: {  	[tilespmem:s3], [sflag:$0x1] =	stream.linear.gather [hbm4b:s26+s3], $0x50, $0x38;
	[tilespmem:$0x1A900] =	vst v63  }
0x4e: {  	p0 =	sne.s32 s25, $0x9BA;
	_ =	swait.ge [sflag:s19], $0x50  }
0x4f: {  	[sflag:s19] =	ssyncset.done $0x0  }
0x50: {  	s25 =	sadd.s32 s24, s16;
	s24 =	smov.u32 s28;
	[sflag:s19] =	ssyncadd.s32 $0xFFFFFFB0  }
0x51: {  	[tilespmem:s20], [sflag:$0x1] =	stream.linear.gather [hbm4b:s25+s3], $0x50, $0x38;
	[tilespmem:$0x1A900] =	vst v63  }
0x52: {  	_ =	swait.ge [sflag:s19], $0x50  }
0x53: {  	[sflag:s19] =	ssyncset.done $0x0  }
0x54: {  	[sflag:s19] =	ssyncadd.s32 $0xFFFFFFB0  }
0x55: {  	[tilespmem:s22], [sflag:$0x1] =	stream.indirect.gather [hbm4b:s10+s21], $0x80, s3, s21, $0xb8;
	[tilespmem:$0x1A900] =	vst v63  }
0x56: {  	_ =	swait.ge [sflag:s19], $0x2800  }
.Ltmp1:
0x57: {  	[sflag:s19] =	ssyncset.done $0x0;
	(pc) =	sbr.rel @p0 .LBB2_4-.Ltmp1, $4  }
0x58: {  	[sflag:s19] =	ssyncadd.s32 $0xFFFFD800  }
0x59: {  	[spmem:s2] =	stream.indirect.scatter.add.f32 [tilespmem:s22], [sflag:$0x1], $0x80, s20, s21, $0xb8;
	[tilespmem:$0x1A900] =	vst v63  }
0x5a: {  	_ =	swait.ge [sflag:s19], $0x2800  }
0x5b: {  	s25 =	smov.u32 s29;
	[sflag:s19] =	ssyncset.done $0x0  }
0x5c: {  	s25 =	sadd.s32 s24, s17;
	[sflag:s19] =	ssyncadd.s32 $0xFFFFD800  }
0x5d: {  	[tilespmem:s3], [sflag:$0x1] =	stream.linear.gather [hbm4b:s25+s3], $0x50, $0x38;
	[tilespmem:$0x1A900] =	vst v63  }
0x5e: {  	_ =	swait.ge [sflag:s19], $0x50  }
0x5f: {  	[sflag:s19] =	ssyncset.done $0x0  }
0x60: {  	s31 =	sadd.s32 s24, s16;
	[sflag:s19] =	ssyncadd.s32 $0xFFFFFFB0  }
0x61: {  	[tilespmem:s20], [sflag:$0x1] =	stream.linear.gather [hbm4b:s31+s3], $0x50, $0x38;
	[tilespmem:$0x1A900] =	vst v63  }
0x62: {  	_ =	swait.ge [sflag:s19], $0x50  }
0x63: {  	[sflag:s19] =	ssyncset.done $0x0  }
0x64: {  	[sflag:s19] =	ssyncadd.s32 $0xFFFFFFB0  }
0x65: {  	[tilespmem:s22], [sflag:$0x1] =	stream.indirect.gather [hbm4b:s10+s21], $0x80, s3, s21, $0xb8;
	[tilespmem:$0x1A900] =	vst v63  }
0x66: {  	_ =	swait.ge [sflag:s19], $0x2800  }
0x67: {  	[sflag:s19] =	ssyncset.done $0x0  }
0x68: {  	[sflag:s19] =	ssyncadd.s32 $0xFFFFD800  }
0x69: {  	[spmem:s2] =	stream.indirect.scatter.add.f32 [tilespmem:s22], [sflag:$0x1], $0x80, s20, s21, $0xb8;
	[tilespmem:$0x1A900] =	vst v63  }
0x6a: {  	_ =	swait.ge [sflag:s19], $0x2800  }
0x6b: {  	[sflag:s19] =	ssyncset.done $0x0  }
0x6c: {  	[sflag:s19] =	ssyncadd.s32 $0xFFFFD800  }
0x6d: {  	[bflag:$0x0] =	sbarrier.arrive $0xFFFF  }
0x6e: {  	[tilespmem:s18], [sflag:$0x1] =	stream.linear.gather [spmem:s4], $0x4000, $0x38;
	[tilespmem:$0x1A900] =	vst v63  }
0x6f: {  	_ =	swait.ge [sflag:s19], $0x4000  }
0x70: {  	[sflag:s19] =	ssyncset.done $0x0  }
0x71: {  	[sflag:s19] =	ssyncadd.s32 $0xFFFFC000  }
0x72: {  	[hbm4b:s11+s3] =	stream.linear.scatter [tilespmem:s18], [sflag:$0x1], $0x4000, $0x38;
	[tilespmem:$0x1A900] =	vst v63  }
0x73: {  	_ =	swait.ge [sflag:s19], $0x4000  }
0x74: {  	[sflag:s19] =	ssyncset.done $0x0  }
0x75: {  	[sflag:s19] =	ssyncadd.s32 $0xFFFFC000  }
0x76: {  	[tilespmem:s18], [sflag:$0x1] =	stream.linear.gather [spmem:s5], $0x4000, $0x38;
	[tilespmem:$0x1A900] =	vst v63  }
0x77: {  	_ =	swait.ge [sflag:s19], $0x4000  }
0x78: {  	[sflag:s19] =	ssyncset.done $0x0  }
0x79: {  	[sflag:s19] =	ssyncadd.s32 $0xFFFFC000  }
0x7a: {  	[hbm4b:s12+s3] =	stream.linear.scatter [tilespmem:s18], [sflag:$0x1], $0x4000, $0x38;
	[tilespmem:$0x1A900] =	vst v63  }
0x7b: {  	_ =	swait.ge [sflag:s19], $0x4000  }
0x7c: {  	[sflag:s19] =	ssyncset.done $0x0  }
0x7d: {  	[sflag:s19] =	ssyncadd.s32 $0xFFFFC000  }
0x7e: {  	[tilespmem:s18], [sflag:$0x1] =	stream.linear.gather [spmem:s6], $0x4000, $0x38;
	[tilespmem:$0x1A900] =	vst v63  }
0x7f: {  	_ =	swait.ge [sflag:s19], $0x4000  }
0x80: {  	[sflag:s19] =	ssyncset.done $0x0  }
0x81: {  	[sflag:s19] =	ssyncadd.s32 $0xFFFFC000  }
0x82: {  	[hbm4b:s13+s3] =	stream.linear.scatter [tilespmem:s18], [sflag:$0x1], $0x4000, $0x38;
	[tilespmem:$0x1A900] =	vst v63  }
0x83: {  	_ =	swait.ge [sflag:s19], $0x4000  }
0x84: {  	[sflag:s19] =	ssyncset.done $0x0  }
0x85: {  	[sflag:s19] =	ssyncadd.s32 $0xFFFFC000  }
0x86: {  	[tilespmem:s18], [sflag:$0x1] =	stream.linear.gather [spmem:s7], $0x4000, $0x38;
	[tilespmem:$0x1A900] =	vst v63  }
0x87: {  	_ =	swait.ge [sflag:s19], $0x4000  }
0x88: {  	[sflag:s19] =	ssyncset.done $0x0  }
0x89: {  	[sflag:s19] =	ssyncadd.s32 $0xFFFFC000  }
0x8a: {  	[hbm4b:s14+s3] =	stream.linear.scatter [tilespmem:s18], [sflag:$0x1], $0x4000, $0x38;
	[tilespmem:$0x1A900] =	vst v63  }
0x8b: {  	_ =	swait.ge [sflag:s19], $0x4000  }
0x8c: {  	[sflag:s19] =	ssyncset.done $0x0  }
0x8d: {  	[sflag:s19] =	ssyncadd.s32 $0xFFFFC000  }
0x8e: {  	[tilespmem:s18], [sflag:$0x1] =	stream.linear.gather [spmem:s8], $0x4000, $0x38;
	[tilespmem:$0x1A900] =	vst v63  }
0x8f: {  	s23 =	sadd.s32 $0x1, s23;
	_ =	swait.ge [sflag:s19], $0x4000  }
0x90: {  	p0 =	sne.s32 s23, s9;
	[sflag:s19] =	ssyncset.done $0x0  }
.Ltmp2:
0x91: {  	[sflag:s19] =	ssyncadd.s32 $0xFFFFC000;
	(pc) =	sbr.rel @p0 .LBB2_1-.Ltmp2, $4  }
0x92: {  	[hbm4b:s15+s3] =	stream.linear.scatter [tilespmem:s18], [sflag:$0x1], $0x4000, $0x38;
	[tilespmem:$0x1A900] =	vst v63  }
0x93: {  	_ =	swait.ge [sflag:s19], $0x4000  }
0x94: {  	[sflag:s19] =	ssyncset.done $0x0  }
0x95: {  	[sflag:s19] =	ssyncadd.s32 $0xFFFFC000  }
0x96: {  	_ =	sfence.sel $0x180000  }
0x97: {  	[bflag:$0x0] =	sbarrier.arrive $0xFFFF  }
0x98: {  	p0 =	sne.s32 s1, $0x0;
	_ =	strace $0x9000004D  }
0x99: {  	s0 =	sadd.s32 @!p0 $0x100000, s0;
	[bflag:$0x2] =	sbarrier.arrive $0xFFFF  }
0x9a: {  	[sflag:s0] =	ssyncadd.tile.s32 @!p0 $0x1;
	_ =	shalt  }
.Lfunc_end2:
_tile_overlayer_lowered:
.L_overlay_start_2:
0x9b: {  	(tag) =	ssettag $0x2  }
0x9c: {  	s0 =	rddreg [dreg:$0x0];
	s2 =	stileid.u32  }
0x9d: {  	s1 =	rddreg [dreg:$0x1];
	p0 =	sne.s32 s2, $0x0  }
0x9e: {  	s3 =	rddreg [dreg:$0x2];
	[bflag:$0x3] =	sbarrier.arrive $0xFFFF;
	s2 =	simm.s32 @!p0 $0x1C01  }
0x9f: {  	[timem:s3], [sflag:s2] =	dma.local @!p0 [hbm:s0], s1  }
0xa0: {  	s0 =	simm.s32 @!p0 $0x1  }
0xa1: {  	_ =	swait.ge @!p0 [sflag:s0], s1  }
0xa2: {  	s1 =	ssub.s32 @!p0 $0x0, s1;
	[sflag:s0] =	ssyncset.done @!p0 $0x0  }
0xa3: {  	[sflag:s0] =	ssyncadd.s32 @!p0 s1  }
0xa4: {  	[bflag:$0x3] =	sbarrier.arrive $0xFFFF  }
0xa5: {  	_ =	shalt  }

// kernel: kernel.22.cloned.1.call-start
scs
__scs_entry_jumppad:
0x0: {  	(pc) =	sbr.rel $0x88, $3  }
0x1: {  	(tag) =	ssettag $0x0;
	lr =	simm.s32 $0x1  }
0x2: {  	[smem:$0x3F93] =	sst lr;
	_ =	strace $0xD0000000  }
0x3: {  	_ = 	snop  }
0x4: {  	_ = 	snop  }
0x5: {  	_ = 	snop  }
0x6: {  	_ = 	snop  }
0x7: {  	_ = 	snop  }
__scs_overlays_trampoline_lowered:
0x8: {  	[smem:$0x3FA2] =	sst s0  }
0x9: {  	[smem:$0x3FA3] =	sst s1  }
0xa: {  	[smem:$0x3FA4] =	sst s2  }
0xb: {  	[smem:$0x3FA5] =	sst s3  }
0xc: {  	[smem:$0x3FA6] =	sst s4  }
0xd: {  	[smem:$0x3FA7] =	sst s5  }
0xe: {  	[smem:$0x3FA8] =	sst s6  }
0xf: {  	[smem:$0x3FA9] =	sst s7  }
0x10: {  	[smem:$0x3FAA] =	sst s8  }
0x11: {  	[smem:$0x3FAB] =	sst s9;
	s0 =	simm.s32 @!p0 $0x0  }
0x12: {  	s1 =	sld [smem:$0x3F91];
	s0 =	simm.s32 @p0 $0x1  }
0x13: {  	[smem:$0x3FAC] =	sst s0;
	s0 =	simm.s32 @!p1 $0x0  }
0x14: {  	s2 =	sld [smem:$0x3F90];
	s0 =	simm.s32 @p1 $0x1  }
0x15: {  	[smem:$0x3FAD] =	sst s0;
	s0 =	simm.s32 @!p2 $0x0  }
0x16: {  	s3 =	sld [smem:$0x3FDB];
	s0 =	simm.s32 @p2 $0x1  }
0x17: {  	s4 =	simm.s32 $0x1BF5;
	[smem:$0x3FAF] =	sst s0  }
0x18: {  	s0 =	sld [smem:$0x3F92];
	_ =	swait.ge [sflag:s4], $0x0  }
0x19: {  	s7 =	sld [smem:$0x3F93]  }
0x1a: {  	s8 =	sadd.s32 $0xFFFFE003, lr  }
0x1b: {  	s9 =	sadd.s32 $0xFFFFFEF7, lr;
	s5 =	simm.s32 $0xFFFFFFFF;
	p2 =	slt.u32 s8, $0xFFFFF086  }
0x1c: {  	p1 =	slt.u32 s9, $0xF7A;
	s5 =	simm.s32 @!p2 $0x0  }
0x1d: {  	s5 =	simm.s32 @p1 $0x1;
	p0 =	seq.s32 s7, s2  }
0x1e: {  	s7 =	smul.u32 @!p0 $0xF7A, s2;
	p2 =	seq.s32 @!p0 s5, $0x0  }
0x1f: {  	s9 =	smul.u32 $0xF7A, s1;
	s8 =	simm.s32 @!p0 $0x1BF5;
	p2 =	por !p2, p0  }
0x20: {  	[sflag:s8] =	ssyncset.s32 @!p0 $0xFFFFF086;
	s6 =	sadd.s32 @!p0 s3, s7;
	s7 =	simm.s32 @!p0 $0x108  }
0x21: {  	s3 =	sadd.s32 s3, s9;
	s6 =	sadd.s32 @!p0 $0x88, s6;
	s7 =	simm.s32 @p2 $0x1082  }
0x22: {  	[simem:s7], [sflag:s8] =	dma.local @!p0 [hbm:s6], $0xF7A  }
0x23: {  	s9 =	sor.u32 $0xD0000000, s2;
	s6 =	simm.s32 $0x108;
	_ =	swait.ge @!p0 [sflag:s8], $0x0  }
0x24: {  	s3 =	sadd.s32 $0x88, s3;
	s6 =	simm.s32 @!p1 $0x1082;
	[sflag:s4] =	ssyncset.s32 $0xFFFFF086  }
0x25: {  	[simem:s6], [sflag:s4] =	dma.local [hbm:s3], $0xF7A  }
0x26: {  	[smem:$0x3F93] =	sst s1;
	(tag) =	ssettag s2;
	_ =	strace s9  }
0x27: {  	s1 =	sld [smem:$0x3FA3]  }
0x28: {  	s2 =	sld [smem:$0x3FA4]  }
0x29: {  	s4 =	sld [smem:$0x3FA6]  }
0x2a: {  	p0 =	seq.s32 s5, $0x0;
	s5 =	sld [smem:$0x3FA7]  }
0x2b: {  	s6 =	sld [smem:$0x3FA8]  }
0x2c: {  	s7 =	sld [smem:$0x3FA9]  }
0x2d: {  	s3 =	simm.s32 $0x108;
	s8 =	sld [smem:$0x3FAA]  }
0x2e: {  	s3 =	simm.s32 @!p0 $0x1082;
	s9 =	sld [smem:$0x3FAB]  }
0x2f: {  	lr =	sadd.s32 s0, s3;
	s0 =	sld [smem:$0x3FA2]  }
0x30: {  	s3 =	sld [smem:$0x3FA5]  }
0x31: {  	[smem:$0x3FAE] =	sst s10  }
0x32: {  	s10 =	sld [smem:$0x3FAC];
	_ =	sdelay $0x3  }
0x33: {  	p0 =	seq.s32 s10, $0x1;
	s10 =	sld [smem:$0x3FAE];
	_ =	sdelay $0x3  }
0x34: {  	[smem:$0x3FAE] =	sst s10  }
0x35: {  	s10 =	sld [smem:$0x3FAD];
	_ =	sdelay $0x3  }
0x36: {  	p1 =	seq.s32 s10, $0x1;
	s10 =	sld [smem:$0x3FAE];
	_ =	sdelay $0x3  }
0x37: {  	[smem:$0x3FAE] =	sst s10  }
0x38: {  	s10 =	sld [smem:$0x3FAF]  }
0x39: {  	_ = 	snop;
	(pc) =	sbr.ind lr, $3  }
0x3a: {  	_ = 	snop  }
0x3b: {  	_ = 	snop  }
0x3c: {  	p2 =	seq.s32 s10, $0x1;
	s10 =	sld [smem:$0x3FAE]  }
0x3d: {  	_ =	shalt  }
0x3e: {  	_ =	shalt  }
0x3f: {  	_ =	shalt  }
0x40: {  	_ =	shalt  }
0x41: {  	_ =	shalt  }
0x42: {  	_ =	shalt  }
0x43: {  	_ =	shalt  }
0x44: {  	_ =	shalt  }
0x45: {  	_ =	shalt  }
0x46: {  	_ =	shalt  }
0x47: {  	_ =	shalt  }
0x48: {  	_ =	shalt  }
0x49: {  	_ =	shalt  }
0x4a: {  	_ =	shalt  }
0x4b: {  	_ =	shalt  }
0x4c: {  	_ =	shalt  }
0x4d: {  	_ =	shalt  }
0x4e: {  	_ =	shalt  }
0x4f: {  	_ =	shalt  }
0x50: {  	_ =	shalt  }
0x51: {  	_ =	shalt  }
0x52: {  	_ =	shalt  }
0x53: {  	_ =	shalt  }
0x54: {  	_ =	shalt  }
0x55: {  	_ =	shalt  }
0x56: {  	_ =	shalt  }
0x57: {  	_ =	shalt  }
0x58: {  	_ =	shalt  }
0x59: {  	_ =	shalt  }
0x5a: {  	_ =	shalt  }
0x5b: {  	_ =	shalt  }
0x5c: {  	_ =	shalt  }
0x5d: {  	_ =	shalt  }
0x5e: {  	_ =	shalt  }
0x5f: {  	_ =	shalt  }
0x60: {  	_ =	shalt  }
0x61: {  	_ =	shalt  }
0x62: {  	_ =	shalt  }
0x63: {  	_ =	shalt  }
0x64: {  	_ =	shalt  }
0x65: {  	_ =	shalt  }
0x66: {  	_ =	shalt  }
0x67: {  	_ =	shalt  }
0x68: {  	_ =	shalt  }
0x69: {  	_ =	shalt  }
0x6a: {  	_ =	shalt  }
0x6b: {  	_ =	shalt  }
0x6c: {  	_ =	shalt  }
0x6d: {  	_ =	shalt  }
0x6e: {  	_ =	shalt  }
0x6f: {  	_ =	shalt  }
0x70: {  	_ =	shalt  }
0x71: {  	_ =	shalt  }
0x72: {  	_ =	shalt  }
0x73: {  	_ =	shalt  }
0x74: {  	_ =	shalt  }
0x75: {  	_ =	shalt  }
0x76: {  	_ =	shalt  }
0x77: {  	_ =	shalt  }
0x78: {  	_ =	shalt  }
0x79: {  	_ =	shalt  }
0x7a: {  	_ =	shalt  }
0x7b: {  	_ =	shalt  }
0x7c: {  	_ =	shalt  }
0x7d: {  	_ =	shalt  }
0x7e: {  	_ =	shalt  }
0x7f: {  	_ =	shalt  }
0x80: {  	_ =	shalt  }
0x81: {  	_ =	shalt  }
0x82: {  	_ =	shalt  }
0x83: {  	_ =	shalt  }
0x84: {  	_ =	shalt  }
0x85: {  	_ =	shalt  }
0x86: {  	_ =	shalt  }
0x87: {  	_ =	shalt  }
.Lfunc_end0:
.L_simem_size_0:
called_computation.3_lowered:
.L_overlay_start_0:
0x88: {  	s2 =	sld [smem:$0x3FD9]  }
0x89: {  	s3 =	sld [smem:$0x3FFE];
	_ =	sdelay $0x1  }
0x8a: {  	s1 =	srdreg.scid  }
0x8b: {  	s0 =	sand.u32 $0x1, s1  }
0x8c: {  	s17 =	sshll.u32 s0, $0xA;
	s2 =	sadd.s32 s3, s2  }
0x8d: {  	s2 =	sadd.s32 s2, s17  }
0x8e: {  	[smem:$0x3FBA] =	sst s2  }
0x8f: {  	_ = 	snop  }
0x90: {  	s2 =	sld [smem:$0x3FD0];
	(tm) =	ssettm $0x1  }
0x91: {  	s18 =	sld [smem:$0x3FFB];
	_ =	sdelay $0x3  }
0x92: {  	_ =	strace s18  }
0x93: {  	s3 =	sld [smem:$0x3FFC];
	_ =	sdelay $0x3  }
0x94: {  	_ =	strace s3  }
0x95: {  	s3 =	sld [smem:$0x3FFD];
	_ =	sdelay $0x3  }
0x96: {  	_ =	strace s3  }
0x97: {  	_ =	strace $0x8FFFFFFF  }
0x98: {  	s19 =	sld [smem:$0x3FDB];
	_ =	sdelay $0x1  }
0x99: {  	s4 =	simm.s32 $_scs_section_size  }
0x9a: {  	s5 =	simm.s32 $_size__tile_overlayer_lowered;
	s6 =	simm.s32 $_tile_overlayer_lowered  }
0x9b: {  	s22 =	simm.s32 $0x1BFF;
	s21 =	sshll.u32 s6, $0x1;
	s3 =	sadd.s32 s4, s19  }
0x9c: {  	s7 =	simm.s32 $0x0;
	s20 =	sshll.u32 s5, $0x1;
	s5 =	sadd.s32 s21, s3  }
0x9d: {  	[timem:s7], [sflag:s22] =	dma.local [hbm:s5], s20  }
0x9e: {  	_ =	swait.ge [sflag:s22], s20  }
0x9f: {  	s4 =	ssub.s32 $0x0, s20;
	[sflag:s22] =	ssyncset.done $0x0  }
0xa0: {  	[sflag:s22] =	ssyncadd.s32 s4;
	_ =	sdelay $0x1  }
0xa1: {  	s23 =	simm.s32 $0x1B8B  }
0xa2: {  	_ =	swait.ge [sflag:s23], $0x1  }
0xa3: {  	[sflag:s23] =	ssyncset.done $0x0  }
0xa4: {  	s25 =	simm.s32 $0x1B8E;
	s24 =	sld [smem:$0x3FFE];
	[sflag:s23] =	ssyncadd.s32 $0xFFFFFFFF  }
0xa5: {  	s26 =	simm.s32 $execute0_lowered;
	[smem:$0x3FD2] =	sst s25  }
0xa6: {  	s5 =	sshll.u32 s26, $0x1;
	_ =	strace $0x8000004F;
	[dreg:$0x1] =	wrdreg $0xFFFFFFFF  }
0xa7: {  	s28 =	simm.s32 $_size_execute0_lowered;
	s3 =	sadd.s32 s3, s5;
	[dreg:$0x0] =	wrdreg $0x0  }
0xa8: {  	s5 =	sshll.u32 s28, $0x1;
	[dreg:$0x2] =	wrdreg s3  }
0xa9: {  	[dreg:$0x3] =	wrdreg s5  }
0xaa: {  	[dreg:$0x4] =	wrdreg $0xC0  }
0xab: {  	_ =	task [dreg:s7], $0x5FFFF  }
0xac: {  	[dreg:$0x1] =	wrdreg $0xFFFFFFFF  }
0xad: {  	[dreg:$0x0] =	wrdreg $0x60  }
0xae: {  	[dreg:$0x2] =	wrdreg s24  }
0xaf: {  	[dreg:$0x3] =	wrdreg s2  }
0xb0: {  	[dreg:$0x4] =	wrdreg $0x69000  }
0xb1: {  	[dreg:$0x5] =	wrdreg $0x9  }
0xb2: {  	_ =	task.clear_ibuf [dreg:s7], $0x6FFFF;
	_ =	strace $0x9000004F  }
0xb3: {  	s29 =	simm.s32 $0x9;
	_ =	strace $0x80000051  }
0xb4: {  	_ =	swait.ge [sflag:s29], $0x1  }
0xb5: {  	[sflag:s29] =	ssyncadd.s32 $0xFFFFFFFF  }
0xb6: {  	_ =	strace $0x90000051  }
0xb7: {  	_ =	sfence  }
0xb8: {  	s30 =	sld [smem:$0x0];
	_ =	sdelay $0x2  }
0xb9: {  	s31 =	sshll.u32 s1, $0xD;
	s1 =	sshrl.u32 s1, $0x2  }
0xba: {  	s3 =	sand.u32 $0x4000, s31;
	s1 =	sadd.s32 s1, s30  }
0xbb: {  	s0 =	sor.u32 s3, s0;
	s1 =	sshll.u32 s1, $0x11  }
0xbc: {  	s0 =	sor.u32 s1, s0  }
0xbd: {  	s0 =	sadd.s32 $0x8F2B, s0  }
0xbe: {  	[sflag:s0] =	ssyncadd.remote.s32 $0x1  }
0xbf: {  	_ =	sfence.sel $0xFFFF  }
0xc0: {  	[dreg:$0x0] =	wrdreg $0xFFFFFFFF;
	(pc) =	sbr.abs _section_cstart, $3  }
0xc1: {  	[dreg:$0x1] =	wrdreg $0xFFFFFFFF  }
0xc2: {  	_ =	task.clear_ibuf [dreg:s7], $0x2FFFF;
	_ =	strace $0x9FFFFFFF  }
0xc3: {  	(tm) =	ssettm $0x7FFFFFFF  }
tec
execute0_lowered:
.L_overlay_start_1:
0x0: {  	(tag) =	ssettag $0x1  }
0x1: {  	s10 =	rddreg [dreg:$0x0]  }
0x2: {  	s0 =	srdreg.scid;
	s16 =	rddreg [dreg:$0x1]  }
0x3: {  	s2 =	rddreg [dreg:$0x2];
	s11 =	sand.u32 $0x1, s0  }
0x4: {  	s0 =	stileid.u32;
	s4 =	smul.u32 $0x27100, s11  }
0x5: {  	s1 =	rddreg [dreg:$0x3];
	s3 =	simm.s32 $0x0;
	s5 =	smul.u32 $0x2710, s0  }
0x6: {  	s22 =	simm.s32 $0x100;
	[smem:$0x7FF] =	sst s3;
	s7 =	smul.u32 $0x280, s0  }
0x7: {  	s23 =	simm.s32 $0x0;
	_ =	strace $0x80000050;
	s28 =	smul.u32 $0x50000, s0  }
0x8: {  	s6 =	ssub.s32 $0x2, s11;
	p0 =	seq.s32 s11, $0x0;
	s11 =	simm.s32 $0xD8A00  }
0x9: {  	s20 =	smul.u32 $0x2800, s0;
	s8 =	sshrl.u32 s6, $0x1;
	s11 =	simm.s32 @!p0 $0x100A00  }
0xa: {  	s4 =	sadd.s32 s5, s4;
	s5 =	sshrl.u32 s28, $0x2;
	s12 =	sadd.s32 $0x80, s7  }
0xb: {  	s13 =	ssub.s32 s6, s8;
	s14 =	sadd.s32 $0x100, s7;
	s15 =	sadd.s32 $0x180, s7  }
0xc: {  	s19 =	sadd.s32 $0x200, s7;
	s21 =	sadd.s32 s11, s10;
	s17 =	sshrl.u32 s4, $0x3  }
0xd: {  	s4 =	sadd.s32 $0xB0A00, s10;
	s5 =	sadd.s32 s5, s2;
	s29 =	sshll.u32 s12, $0x7  }
0xe: {  	s30 =	sshll.u32 s14, $0x7;
	s9 =	sshll.u32 s15, $0x7;
	s31 =	sshll.u32 s19, $0x7  }
0xf: {  	s12 =	sshll.u32 s12, $0x4;
	s14 =	sshll.u32 s14, $0x4;
	s15 =	sshll.u32 s15, $0x4  }
0x10: {  	s19 =	sshll.u32 s19, $0x4;
	s11 =	sadd.s32 s21, s20;
	s20 =	simm.s32 $0x80  }
0x11: {  	s18 =	sadd.s32 s17, s10;
	s6 =	sadd.s32 s29, s2;
	s7 =	sadd.s32 s30, s2  }
0x12: {  	s8 =	sadd.s32 s9, s2;
	s9 =	sadd.s32 s31, s2;
	s10 =	smax.u32 s13, $0x1  }
0x13: {  	s12 =	sadd.s32 s21, s12;
	s13 =	sadd.s32 s21, s14;
	s14 =	sadd.s32 s21, s15  }
0x14: {  	s15 =	sadd.s32 s21, s19;
	s16 =	sadd.s32 s17, s16;
	s19 =	simm.s32 $0x1  }
0x15: {  	v0 =	vimm.f32 $0.0e+00;
	s21 =	simm.s32 $0x50;
	s17 =	sadd.s32 $0x6000, s18;
	s18 =	simm.s32 $0x2900  }
.LBB2_1:
0x16: {  	s24 =	simm.s32 $0x0;
	s25 =	simm.s32 $0x200  }
.LBB2_2:
0x17: {  	p0 =	sne.s32 s25, $0xFE00;
	[tilespmem:s24+$0x2970] =	vst v0  }
0x18: {  	[tilespmem:s24+$0x2900] =	vst v0  }
0x19: {  	[tilespmem:s24+$0x2910] =	vst v0  }
.Ltmp0:
0x1a: {  	[tilespmem:s24+$0x2920] =	vst v0;
	(pc) =	sbr.rel @p0 .LBB2_2-.Ltmp0, $4  }
0x1b: {  	[tilespmem:s24+$0x2930] =	vst v0  }
0x1c: {  	[tilespmem:s24+$0x2940] =	vst v0  }
0x1d: {  	[tilespmem:s24+$0x2950] =	vst v0  }
0x1e: {  	[tilespmem:s24+$0x2960] =	vst v0;
	s24 =	sshra.s32 s25, $0x2;
	s25 =	sadd.s32 $0x200, s25  }
0x1f: {  	[tilespmem:s24+$0x2970] =	vst v0  }
0x20: {  	[tilespmem:s24+$0x2900] =	vst v0  }
0x21: {  	[tilespmem:s24+$0x2910] =	vst v0  }
0x22: {  	[tilespmem:s24+$0x2920] =	vst v0  }
0x23: {  	[tilespmem:s24+$0x2930] =	vst v0  }
0x24: {  	[tilespmem:s24+$0x2940] =	vst v0  }
0x25: {  	[tilespmem:s24+$0x2950] =	vst v0  }
0x26: {  	[tilespmem:s24+$0x2960] =	vst v0  }
0x27: {  	[spmem:s5] =	stream.linear.scatter [tilespmem:s18], [sflag:$0x1], $0x4000, $0x38;
	[tilespmem:$0x1A900] =	vst v63  }
0x28: {  	_ =	swait.ge [sflag:s19], $0x4000  }
0x29: {  	[sflag:s19] =	ssyncset.done $0x0  }
0x2a: {  	[sflag:s19] =	ssyncadd.s32 $0xFFFFC000  }
0x2b: {  	[spmem:s6] =	stream.linear.scatter [tilespmem:s18], [sflag:$0x1], $0x4000, $0x38;
	[tilespmem:$0x1A900] =	vst v63  }
0x2c: {  	_ =	swait.ge [sflag:s19], $0x4000  }
0x2d: {  	[sflag:s19] =	ssyncset.done $0x0  }
0x2e: {  	[sflag:s19] =	ssyncadd.s32 $0xFFFFC000  }
0x2f: {  	[spmem:s7] =	stream.linear.scatter [tilespmem:s18], [sflag:$0x1], $0x4000, $0x38;
	[tilespmem:$0x1A900] =	vst v63  }
0x30: {  	_ =	swait.ge [sflag:s19], $0x4000  }
0x31: {  	[sflag:s19] =	ssyncset.done $0x0  }
0x32: {  	[sflag:s19] =	ssyncadd.s32 $0xFFFFC000  }
0x33: {  	[spmem:s8] =	stream.linear.scatter [tilespmem:s18], [sflag:$0x1], $0x4000, $0x38;
	[tilespmem:$0x1A900] =	vst v63  }
0x34: {  	_ =	swait.ge [sflag:s19], $0x4000  }
0x35: {  	[sflag:s19] =	ssyncset.done $0x0  }
0x36: {  	[sflag:s19] =	ssyncadd.s32 $0xFFFFC000  }
0x37: {  	[spmem:s9] =	stream.linear.scatter [tilespmem:s18], [sflag:$0x1], $0x4000, $0x38;
	[tilespmem:$0x1A900] =	vst v63  }
0x38: {  	_ =	swait.ge [sflag:s19], $0x4000  }
0x39: {  	[sflag:s19] =	ssyncset.done $0x0  }
0x3a: {  	[sflag:s19] =	ssyncadd.s32 $0xFFFFC000  }
0x3b: {  	s30 =	sadd.s32 $0x0, s17;
	[bflag:$0x0] =	sbarrier.arrive $0xFFFF  }
0x3c: {  	[tilespmem:s3], [sflag:$0x1] =	stream.linear.gather [hbm4b:s30+s3], $0x50, $0x38;
	[tilespmem:$0x1A900] =	vst v63  }
0x3d: {  	_ =	swait.ge [sflag:s19], $0x50  }
0x3e: {  	[sflag:s19] =	ssyncset.done $0x0  }
0x3f: {  	s31 =	sadd.s32 $0x0, s16;
	[sflag:s19] =	ssyncadd.s32 $0xFFFFFFB0  }
0x40: {  	[tilespmem:s20], [sflag:$0x1] =	stream.linear.gather [hbm4b:s31+s3], $0x50, $0x38;
	[tilespmem:$0x1A900] =	vst v63  }
0x41: {  	_ =	swait.ge [sflag:s19], $0x50  }
0x42: {  	[sflag:s19] =	ssyncset.done $0x0  }
0x43: {  	[sflag:s19] =	ssyncadd.s32 $0xFFFFFFB0  }
0x44: {  	[tilespmem:s22], [sflag:$0x1] =	stream.indirect.gather [hbm4b:s4+s21], $0x80, s3, s21, $0xb8;
	[tilespmem:$0x1A900] =	vst v63  }
0x45: {  	_ =	swait.ge [sflag:s19], $0x2800  }
0x46: {  	[sflag:s19] =	ssyncset.done $0x0  }
0x47: {  	[sflag:s19] =	ssyncadd.s32 $0xFFFFD800  }
0x48: {  	[spmem:s2] =	stream.indirect.scatter.add.f32 [tilespmem:s22], [sflag:$0x1], $0x80, s20, s21, $0xb8;
	[tilespmem:$0x1A900] =	vst v63  }
0x49: {  	_ =	swait.ge [sflag:s19], $0x2800  }
0x4a: {  	s24 =	simm.s32 $0xA;
	s25 =	simm.s32 $0x14;
	[sflag:s19] =	ssyncset.done $0x0  }
.LBB2_4:
0x4b: {  	s26 =	sadd.s32 s24, s17  }
0x4c: {  	[sflag:s19] =	ssyncadd.s32 $0xFFFFD800;
	s28 =	smov.u32 s25;
	s29 =	sadd.s32 $0xA, s25  }
0x4d: {  	[tilespmem:s3], [sflag:$0x1] =	stream.linear.gather [hbm4b:s26+s3], $0x50, $0x38;
	[tilespmem:$0x1A900] =	vst v63  }
0x4e: {  	p0 =	sne.s32 s25, $0x4D8;
	_ =	swait.ge [sflag:s19], $0x50  }
0x4f: {  	[sflag:s19] =	ssyncset.done $0x0  }
0x50: {  	s25 =	sadd.s32 s24, s16;
	s24 =	smov.u32 s28;
	[sflag:s19] =	ssyncadd.s32 $0xFFFFFFB0  }
0x51: {  	[tilespmem:s20], [sflag:$0x1] =	stream.linear.gather [hbm4b:s25+s3], $0x50, $0x38;
	[tilespmem:$0x1A900] =	vst v63  }
0x52: {  	_ =	swait.ge [sflag:s19], $0x50  }
0x53: {  	[sflag:s19] =	ssyncset.done $0x0  }
0x54: {  	[sflag:s19] =	ssyncadd.s32 $0xFFFFFFB0  }
0x55: {  	[tilespmem:s22], [sflag:$0x1] =	stream.indirect.gather [hbm4b:s4+s21], $0x80, s3, s21, $0xb8;
	[tilespmem:$0x1A900] =	vst v63  }
0x56: {  	_ =	swait.ge [sflag:s19], $0x2800  }
.Ltmp1:
0x57: {  	[sflag:s19] =	ssyncset.done $0x0;
	(pc) =	sbr.rel @p0 .LBB2_4-.Ltmp1, $4  }
0x58: {  	[sflag:s19] =	ssyncadd.s32 $0xFFFFD800  }
0x59: {  	[spmem:s2] =	stream.indirect.scatter.add.f32 [tilespmem:s22], [sflag:$0x1], $0x80, s20, s21, $0xb8;
	[tilespmem:$0x1A900] =	vst v63  }
0x5a: {  	_ =	swait.ge [sflag:s19], $0x2800  }
0x5b: {  	s25 =	smov.u32 s29;
	[sflag:s19] =	ssyncset.done $0x0  }
0x5c: {  	s25 =	sadd.s32 s24, s17;
	[sflag:s19] =	ssyncadd.s32 $0xFFFFD800  }
0x5d: {  	[tilespmem:s3], [sflag:$0x1] =	stream.linear.gather [hbm4b:s25+s3], $0x50, $0x38;
	[tilespmem:$0x1A900] =	vst v63  }
0x5e: {  	_ =	swait.ge [sflag:s19], $0x50  }
0x5f: {  	[sflag:s19] =	ssyncset.done $0x0  }
0x60: {  	s31 =	sadd.s32 s24, s16;
	[sflag:s19] =	ssyncadd.s32 $0xFFFFFFB0  }
0x61: {  	[tilespmem:s20], [sflag:$0x1] =	stream.linear.gather [hbm4b:s31+s3], $0x50, $0x38;
	[tilespmem:$0x1A900] =	vst v63  }
0x62: {  	_ =	swait.ge [sflag:s19], $0x50  }
0x63: {  	[sflag:s19] =	ssyncset.done $0x0  }
0x64: {  	[sflag:s19] =	ssyncadd.s32 $0xFFFFFFB0  }
0x65: {  	[tilespmem:s22], [sflag:$0x1] =	stream.indirect.gather [hbm4b:s4+s21], $0x80, s3, s21, $0xb8;
	[tilespmem:$0x1A900] =	vst v63  }
0x66: {  	_ =	swait.ge [sflag:s19], $0x2800  }
0x67: {  	[sflag:s19] =	ssyncset.done $0x0  }
0x68: {  	[sflag:s19] =	ssyncadd.s32 $0xFFFFD800  }
0x69: {  	[spmem:s2] =	stream.indirect.scatter.add.f32 [tilespmem:s22], [sflag:$0x1], $0x80, s20, s21, $0xb8;
	[tilespmem:$0x1A900] =	vst v63  }
0x6a: {  	_ =	swait.ge [sflag:s19], $0x2800  }
0x6b: {  	[sflag:s19] =	ssyncset.done $0x0  }
0x6c: {  	[sflag:s19] =	ssyncadd.s32 $0xFFFFD800  }
0x6d: {  	[bflag:$0x0] =	sbarrier.arrive $0xFFFF  }
0x6e: {  	[tilespmem:s18], [sflag:$0x1] =	stream.linear.gather [spmem:s5], $0x4000, $0x38;
	[tilespmem:$0x1A900] =	vst v63  }
0x6f: {  	_ =	swait.ge [sflag:s19], $0x4000  }
0x70: {  	[sflag:s19] =	ssyncset.done $0x0  }
0x71: {  	[sflag:s19] =	ssyncadd.s32 $0xFFFFC000  }
0x72: {  	[hbm4b:s11+s3] =	stream.linear.scatter [tilespmem:s18], [sflag:$0x1], $0x4000, $0x38;
	[tilespmem:$0x1A900] =	vst v63  }
0x73: {  	_ =	swait.ge [sflag:s19], $0x4000  }
0x74: {  	[sflag:s19] =	ssyncset.done $0x0  }
0x75: {  	[sflag:s19] =	ssyncadd.s32 $0xFFFFC000  }
0x76: {  	[tilespmem:s18], [sflag:$0x1] =	stream.linear.gather [spmem:s6], $0x4000, $0x38;
	[tilespmem:$0x1A900] =	vst v63  }
0x77: {  	_ =	swait.ge [sflag:s19], $0x4000  }
0x78: {  	[sflag:s19] =	ssyncset.done $0x0  }
0x79: {  	[sflag:s19] =	ssyncadd.s32 $0xFFFFC000  }
0x7a: {  	[hbm4b:s12+s3] =	stream.linear.scatter [tilespmem:s18], [sflag:$0x1], $0x4000, $0x38;
	[tilespmem:$0x1A900] =	vst v63  }
0x7b: {  	_ =	swait.ge [sflag:s19], $0x4000  }
0x7c: {  	[sflag:s19] =	ssyncset.done $0x0  }
0x7d: {  	[sflag:s19] =	ssyncadd.s32 $0xFFFFC000  }
0x7e: {  	[tilespmem:s18], [sflag:$0x1] =	stream.linear.gather [spmem:s7], $0x4000, $0x38;
	[tilespmem:$0x1A900] =	vst v63  }
0x7f: {  	_ =	swait.ge [sflag:s19], $0x4000  }
0x80: {  	[sflag:s19] =	ssyncset.done $0x0  }
0x81: {  	[sflag:s19] =	ssyncadd.s32 $0xFFFFC000  }
0x82: {  	[hbm4b:s13+s3] =	stream.linear.scatter [tilespmem:s18], [sflag:$0x1], $0x4000, $0x38;
	[tilespmem:$0x1A900] =	vst v63  }
0x83: {  	_ =	swait.ge [sflag:s19], $0x4000  }
0x84: {  	[sflag:s19] =	ssyncset.done $0x0  }
0x85: {  	[sflag:s19] =	ssyncadd.s32 $0xFFFFC000  }
0x86: {  	[tilespmem:s18], [sflag:$0x1] =	stream.linear.gather [spmem:s8], $0x4000, $0x38;
	[tilespmem:$0x1A900] =	vst v63  }
0x87: {  	_ =	swait.ge [sflag:s19], $0x4000  }
0x88: {  	[sflag:s19] =	ssyncset.done $0x0  }
0x89: {  	[sflag:s19] =	ssyncadd.s32 $0xFFFFC000  }
0x8a: {  	[hbm4b:s14+s3] =	stream.linear.scatter [tilespmem:s18], [sflag:$0x1], $0x4000, $0x38;
	[tilespmem:$0x1A900] =	vst v63  }
0x8b: {  	_ =	swait.ge [sflag:s19], $0x4000  }
0x8c: {  	[sflag:s19] =	ssyncset.done $0x0  }
0x8d: {  	[sflag:s19] =	ssyncadd.s32 $0xFFFFC000  }
0x8e: {  	[tilespmem:s18], [sflag:$0x1] =	stream.linear.gather [spmem:s9], $0x4000, $0x38;
	[tilespmem:$0x1A900] =	vst v63  }
0x8f: {  	s23 =	sadd.s32 $0x1, s23;
	_ =	swait.ge [sflag:s19], $0x4000  }
0x90: {  	p0 =	sne.s32 s23, s10;
	[sflag:s19] =	ssyncset.done $0x0  }
.Ltmp2:
0x91: {  	[sflag:s19] =	ssyncadd.s32 $0xFFFFC000;
	(pc) =	sbr.rel @p0 .LBB2_1-.Ltmp2, $4  }
0x92: {  	[hbm4b:s15+s3] =	stream.linear.scatter [tilespmem:s18], [sflag:$0x1], $0x4000, $0x38;
	[tilespmem:$0x1A900] =	vst v63  }
0x93: {  	_ =	swait.ge [sflag:s19], $0x4000  }
0x94: {  	[sflag:s19] =	ssyncset.done $0x0  }
0x95: {  	[sflag:s19] =	ssyncadd.s32 $0xFFFFC000  }
0x96: {  	_ =	sfence.sel $0x180000  }
0x97: {  	[bflag:$0x0] =	sbarrier.arrive $0xFFFF  }
0x98: {  	p0 =	sne.s32 s0, $0x0;
	_ =	strace $0x90000050  }
0x99: {  	s0 =	sadd.s32 @!p0 $0x100000, s1;
	[bflag:$0x2] =	sbarrier.arrive $0xFFFF  }
0x9a: {  	[sflag:s0] =	ssyncadd.tile.s32 @!p0 $0x1;
	_ =	shalt  }
.Lfunc_end2:
_tile_overlayer_lowered:
.L_overlay_start_2:
0x9b: {  	(tag) =	ssettag $0x2  }
0x9c: {  	s0 =	rddreg [dreg:$0x0];
	s2 =	stileid.u32  }
0x9d: {  	s1 =	rddreg [dreg:$0x1];
	p0 =	sne.s32 s2, $0x0  }
0x9e: {  	s3 =	rddreg [dreg:$0x2];
	[bflag:$0x3] =	sbarrier.arrive $0xFFFF;
	s2 =	simm.s32 @!p0 $0x1C01  }
0x9f: {  	[timem:s3], [sflag:s2] =	dma.local @!p0 [hbm:s0], s1  }
0xa0: {  	s0 =	simm.s32 @!p0 $0x1  }
0xa1: {  	_ =	swait.ge @!p0 [sflag:s0], s1  }
0xa2: {  	s1 =	ssub.s32 @!p0 $0x0, s1;
	[sflag:s0] =	ssyncset.done @!p0 $0x0  }
0xa3: {  	[sflag:s0] =	ssyncadd.s32 @!p0 s1  }
0xa4: {  	[bflag:$0x3] =	sbarrier.arrive $0xFFFF  }
0xa5: {  	_ =	shalt  }

// kernel: kernel.25.cloned.1.call-start
scs
__scs_entry_jumppad:
0x0: {  	(pc) =	sbr.rel $0x88, $3  }
0x1: {  	(tag) =	ssettag $0x0;
	lr =	simm.s32 $0x1  }
0x2: {  	[smem:$0x3F93] =	sst lr;
	_ =	strace $0xD0000000  }
0x3: {  	_ = 	snop  }
0x4: {  	_ = 	snop  }
0x5: {  	_ = 	snop  }
0x6: {  	_ = 	snop  }
0x7: {  	_ = 	snop  }
__scs_overlays_trampoline_lowered:
0x8: {  	[smem:$0x3FA2] =	sst s0  }
0x9: {  	[smem:$0x3FA3] =	sst s1  }
0xa: {  	[smem:$0x3FA4] =	sst s2  }
0xb: {  	[smem:$0x3FA5] =	sst s3  }
0xc: {  	[smem:$0x3FA6] =	sst s4  }
0xd: {  	[smem:$0x3FA7] =	sst s5  }
0xe: {  	[smem:$0x3FA8] =	sst s6  }
0xf: {  	[smem:$0x3FA9] =	sst s7  }
0x10: {  	[smem:$0x3FAA] =	sst s8  }
0x11: {  	[smem:$0x3FAB] =	sst s9;
	s0 =	simm.s32 @!p0 $0x0  }
0x12: {  	s1 =	sld [smem:$0x3F91];
	s0 =	simm.s32 @p0 $0x1  }
0x13: {  	[smem:$0x3FAC] =	sst s0;
	s0 =	simm.s32 @!p1 $0x0  }
0x14: {  	s2 =	sld [smem:$0x3F90];
	s0 =	simm.s32 @p1 $0x1  }
0x15: {  	[smem:$0x3FAD] =	sst s0;
	s0 =	simm.s32 @!p2 $0x0  }
0x16: {  	s3 =	sld [smem:$0x3FDB];
	s0 =	simm.s32 @p2 $0x1  }
0x17: {  	s4 =	simm.s32 $0x1BF5;
	[smem:$0x3FAF] =	sst s0  }
0x18: {  	s0 =	sld [smem:$0x3F92];
	_ =	swait.ge [sflag:s4], $0x0  }
0x19: {  	s7 =	sld [smem:$0x3F93]  }
0x1a: {  	s8 =	sadd.s32 $0xFFFFE003, lr  }
0x1b: {  	s9 =	sadd.s32 $0xFFFFFEF7, lr;
	s5 =	simm.s32 $0xFFFFFFFF;
	p2 =	slt.u32 s8, $0xFFFFF086  }
0x1c: {  	p1 =	slt.u32 s9, $0xF7A;
	s5 =	simm.s32 @!p2 $0x0  }
0x1d: {  	s5 =	simm.s32 @p1 $0x1;
	p0 =	seq.s32 s7, s2  }
0x1e: {  	s7 =	smul.u32 @!p0 $0xF7A, s2;
	p2 =	seq.s32 @!p0 s5, $0x0  }
0x1f: {  	s9 =	smul.u32 $0xF7A, s1;
	s8 =	simm.s32 @!p0 $0x1BF5;
	p2 =	por !p2, p0  }
0x20: {  	[sflag:s8] =	ssyncset.s32 @!p0 $0xFFFFF086;
	s6 =	sadd.s32 @!p0 s3, s7;
	s7 =	simm.s32 @!p0 $0x108  }
0x21: {  	s3 =	sadd.s32 s3, s9;
	s6 =	sadd.s32 @!p0 $0x88, s6;
	s7 =	simm.s32 @p2 $0x1082  }
0x22: {  	[simem:s7], [sflag:s8] =	dma.local @!p0 [hbm:s6], $0xF7A  }
0x23: {  	s9 =	sor.u32 $0xD0000000, s2;
	s6 =	simm.s32 $0x108;
	_ =	swait.ge @!p0 [sflag:s8], $0x0  }
0x24: {  	s3 =	sadd.s32 $0x88, s3;
	s6 =	simm.s32 @!p1 $0x1082;
	[sflag:s4] =	ssyncset.s32 $0xFFFFF086  }
0x25: {  	[simem:s6], [sflag:s4] =	dma.local [hbm:s3], $0xF7A  }
0x26: {  	[smem:$0x3F93] =	sst s1;
	(tag) =	ssettag s2;
	_ =	strace s9  }
0x27: {  	s1 =	sld [smem:$0x3FA3]  }
0x28: {  	s2 =	sld [smem:$0x3FA4]  }
0x29: {  	s4 =	sld [smem:$0x3FA6]  }
0x2a: {  	p0 =	seq.s32 s5, $0x0;
	s5 =	sld [smem:$0x3FA7]  }
0x2b: {  	s6 =	sld [smem:$0x3FA8]  }
0x2c: {  	s7 =	sld [smem:$0x3FA9]  }
0x2d: {  	s3 =	simm.s32 $0x108;
	s8 =	sld [smem:$0x3FAA]  }
0x2e: {  	s3 =	simm.s32 @!p0 $0x1082;
	s9 =	sld [smem:$0x3FAB]  }
0x2f: {  	lr =	sadd.s32 s0, s3;
	s0 =	sld [smem:$0x3FA2]  }
0x30: {  	s3 =	sld [smem:$0x3FA5]  }
0x31: {  	[smem:$0x3FAE] =	sst s10  }
0x32: {  	s10 =	sld [smem:$0x3FAC];
	_ =	sdelay $0x3  }
0x33: {  	p0 =	seq.s32 s10, $0x1;
	s10 =	sld [smem:$0x3FAE];
	_ =	sdelay $0x3  }
0x34: {  	[smem:$0x3FAE] =	sst s10  }
0x35: {  	s10 =	sld [smem:$0x3FAD];
	_ =	sdelay $0x3  }
0x36: {  	p1 =	seq.s32 s10, $0x1;
	s10 =	sld [smem:$0x3FAE];
	_ =	sdelay $0x3  }
0x37: {  	[smem:$0x3FAE] =	sst s10  }
0x38: {  	s10 =	sld [smem:$0x3FAF]  }
0x39: {  	_ = 	snop;
	(pc) =	sbr.ind lr, $3  }
0x3a: {  	_ = 	snop  }
0x3b: {  	_ = 	snop  }
0x3c: {  	p2 =	seq.s32 s10, $0x1;
	s10 =	sld [smem:$0x3FAE]  }
0x3d: {  	_ =	shalt  }
0x3e: {  	_ =	shalt  }
0x3f: {  	_ =	shalt  }
0x40: {  	_ =	shalt  }
0x41: {  	_ =	shalt  }
0x42: {  	_ =	shalt  }
0x43: {  	_ =	shalt  }
0x44: {  	_ =	shalt  }
0x45: {  	_ =	shalt  }
0x46: {  	_ =	shalt  }
0x47: {  	_ =	shalt  }
0x48: {  	_ =	shalt  }
0x49: {  	_ =	shalt  }
0x4a: {  	_ =	shalt  }
0x4b: {  	_ =	shalt  }
0x4c: {  	_ =	shalt  }
0x4d: {  	_ =	shalt  }
0x4e: {  	_ =	shalt  }
0x4f: {  	_ =	shalt  }
0x50: {  	_ =	shalt  }
0x51: {  	_ =	shalt  }
0x52: {  	_ =	shalt  }
0x53: {  	_ =	shalt  }
0x54: {  	_ =	shalt  }
0x55: {  	_ =	shalt  }
0x56: {  	_ =	shalt  }
0x57: {  	_ =	shalt  }
0x58: {  	_ =	shalt  }
0x59: {  	_ =	shalt  }
0x5a: {  	_ =	shalt  }
0x5b: {  	_ =	shalt  }
0x5c: {  	_ =	shalt  }
0x5d: {  	_ =	shalt  }
0x5e: {  	_ =	shalt  }
0x5f: {  	_ =	shalt  }
0x60: {  	_ =	shalt  }
0x61: {  	_ =	shalt  }
0x62: {  	_ =	shalt  }
0x63: {  	_ =	shalt  }
0x64: {  	_ =	shalt  }
0x65: {  	_ =	shalt  }
0x66: {  	_ =	shalt  }
0x67: {  	_ =	shalt  }
0x68: {  	_ =	shalt  }
0x69: {  	_ =	shalt  }
0x6a: {  	_ =	shalt  }
0x6b: {  	_ =	shalt  }
0x6c: {  	_ =	shalt  }
0x6d: {  	_ =	shalt  }
0x6e: {  	_ =	shalt  }
0x6f: {  	_ =	shalt  }
0x70: {  	_ =	shalt  }
0x71: {  	_ =	shalt  }
0x72: {  	_ =	shalt  }
0x73: {  	_ =	shalt  }
0x74: {  	_ =	shalt  }
0x75: {  	_ =	shalt  }
0x76: {  	_ =	shalt  }
0x77: {  	_ =	shalt  }
0x78: {  	_ =	shalt  }
0x79: {  	_ =	shalt  }
0x7a: {  	_ =	shalt  }
0x7b: {  	_ =	shalt  }
0x7c: {  	_ =	shalt  }
0x7d: {  	_ =	shalt  }
0x7e: {  	_ =	shalt  }
0x7f: {  	_ =	shalt  }
0x80: {  	_ =	shalt  }
0x81: {  	_ =	shalt  }
0x82: {  	_ =	shalt  }
0x83: {  	_ =	shalt  }
0x84: {  	_ =	shalt  }
0x85: {  	_ =	shalt  }
0x86: {  	_ =	shalt  }
0x87: {  	_ =	shalt  }
.Lfunc_end0:
.L_simem_size_0:
called_computation.4_lowered:
.L_overlay_start_0:
0x88: {  	s2 =	sld [smem:$0x3FD9]  }
0x89: {  	s3 =	sld [smem:$0x3FFE];
	_ =	sdelay $0x1  }
0x8a: {  	s1 =	srdreg.scid  }
0x8b: {  	s0 =	sand.u32 $0x1, s1  }
0x8c: {  	s17 =	sshll.u32 s0, $0xA;
	s2 =	sadd.s32 s3, s2  }
0x8d: {  	s2 =	sadd.s32 s2, s17  }
0x8e: {  	[smem:$0x3FBA] =	sst s2  }
0x8f: {  	_ = 	snop  }
0x90: {  	s2 =	sld [smem:$0x3FD0];
	(tm) =	ssettm $0x1  }
0x91: {  	s18 =	sld [smem:$0x3FFB];
	_ =	sdelay $0x3  }
0x92: {  	_ =	strace s18  }
0x93: {  	s3 =	sld [smem:$0x3FFC];
	_ =	sdelay $0x3  }
0x94: {  	_ =	strace s3  }
0x95: {  	s3 =	sld [smem:$0x3FFD];
	_ =	sdelay $0x3  }
0x96: {  	_ =	strace s3  }
0x97: {  	_ =	strace $0x8FFFFFFF  }
0x98: {  	s19 =	sld [smem:$0x3FDB];
	_ =	sdelay $0x1  }
0x99: {  	s4 =	simm.s32 $_scs_section_size  }
0x9a: {  	s5 =	simm.s32 $_size__tile_overlayer_lowered;
	s6 =	simm.s32 $_tile_overlayer_lowered  }
0x9b: {  	s22 =	simm.s32 $0x1BFF;
	s21 =	sshll.u32 s6, $0x1;
	s3 =	sadd.s32 s4, s19  }
0x9c: {  	s7 =	simm.s32 $0x0;
	s20 =	sshll.u32 s5, $0x1;
	s5 =	sadd.s32 s21, s3  }
0x9d: {  	[timem:s7], [sflag:s22] =	dma.local [hbm:s5], s20  }
0x9e: {  	_ =	swait.ge [sflag:s22], s20  }
0x9f: {  	s4 =	ssub.s32 $0x0, s20;
	[sflag:s22] =	ssyncset.done $0x0  }
0xa0: {  	[sflag:s22] =	ssyncadd.s32 s4;
	_ =	sdelay $0x1  }
0xa1: {  	s23 =	simm.s32 $0x1B8B  }
0xa2: {  	_ =	swait.ge [sflag:s23], $0x1  }
0xa3: {  	[sflag:s23] =	ssyncset.done $0x0  }
0xa4: {  	s25 =	simm.s32 $0x1B8E;
	s24 =	sld [smem:$0x3FFE];
	[sflag:s23] =	ssyncadd.s32 $0xFFFFFFFF  }
0xa5: {  	s26 =	simm.s32 $execute0_lowered;
	[smem:$0x3FD2] =	sst s25  }
0xa6: {  	s5 =	sshll.u32 s26, $0x1;
	_ =	strace $0x80000052;
	[dreg:$0x1] =	wrdreg $0xFFFFFFFF  }
0xa7: {  	s28 =	simm.s32 $_size_execute0_lowered;
	s3 =	sadd.s32 s3, s5;
	[dreg:$0x0] =	wrdreg $0x0  }
0xa8: {  	s5 =	sshll.u32 s28, $0x1;
	[dreg:$0x2] =	wrdreg s3  }
0xa9: {  	[dreg:$0x3] =	wrdreg s5  }
0xaa: {  	[dreg:$0x4] =	wrdreg $0xC0  }
0xab: {  	_ =	task [dreg:s7], $0x5FFFF  }
0xac: {  	[dreg:$0x1] =	wrdreg $0xFFFFFFFF  }
0xad: {  	[dreg:$0x0] =	wrdreg $0x60  }
0xae: {  	[dreg:$0x2] =	wrdreg s24  }
0xaf: {  	[dreg:$0x3] =	wrdreg s2  }
0xb0: {  	[dreg:$0x4] =	wrdreg $0x69000  }
0xb1: {  	[dreg:$0x5] =	wrdreg $0x9  }
0xb2: {  	_ =	task.clear_ibuf [dreg:s7], $0x6FFFF;
	_ =	strace $0x90000052  }
0xb3: {  	s29 =	simm.s32 $0x9;
	_ =	strace $0x80000054  }
0xb4: {  	_ =	swait.ge [sflag:s29], $0x1  }
0xb5: {  	[sflag:s29] =	ssyncadd.s32 $0xFFFFFFFF  }
0xb6: {  	_ =	strace $0x90000054  }
0xb7: {  	_ =	sfence  }
0xb8: {  	s30 =	sld [smem:$0x0];
	_ =	sdelay $0x2  }
0xb9: {  	s31 =	sshll.u32 s1, $0xD;
	s1 =	sshrl.u32 s1, $0x2  }
0xba: {  	s3 =	sand.u32 $0x4000, s31;
	s1 =	sadd.s32 s1, s30  }
0xbb: {  	s0 =	sor.u32 s3, s0;
	s1 =	sshll.u32 s1, $0x11  }
0xbc: {  	s0 =	sor.u32 s1, s0  }
0xbd: {  	s0 =	sadd.s32 $0x8F2B, s0  }
0xbe: {  	[sflag:s0] =	ssyncadd.remote.s32 $0x1  }
0xbf: {  	_ =	sfence.sel $0xFFFF  }
0xc0: {  	[dreg:$0x0] =	wrdreg $0xFFFFFFFF;
	(pc) =	sbr.abs _section_cstart, $3  }
0xc1: {  	[dreg:$0x1] =	wrdreg $0xFFFFFFFF  }
0xc2: {  	_ =	task.clear_ibuf [dreg:s7], $0x2FFFF;
	_ =	strace $0x9FFFFFFF  }
0xc3: {  	(tm) =	ssettm $0x7FFFFFFF  }
tec
execute0_lowered:
.L_overlay_start_1:
0x0: {  	(tag) =	ssettag $0x1  }
0x1: {  	s10 =	rddreg [dreg:$0x0]  }
0x2: {  	s17 =	rddreg [dreg:$0x1]  }
0x3: {  	s2 =	rddreg [dreg:$0x2];
	s1 =	stileid.u32  }
0x4: {  	s0 =	rddreg [dreg:$0x3];
	s3 =	simm.s32 $0x0;
	s18 =	smul.u32 $0x9C4, s1  }
0x5: {  	s4 =	srdreg.scid;
	s22 =	simm.s32 $0x100;
	s6 =	smul.u32 $0x280, s1  }
0x6: {  	s23 =	simm.s32 $0x0;
	[smem:$0x7FF] =	sst s3;
	s28 =	smul.u32 $0x50000, s1  }
0x7: {  	s9 =	sand.u32 $0x1, s4;
	s19 =	smul.u32 $0x2800, s1;
	_ =	strace $0x80000053  }
0x8: {  	s5 =	ssub.s32 $0x2, s9;
	p0 =	seq.s32 s9, $0x1;
	p1 =	seq.s32 s9, $0x0  }
0x9: {  	s9 =	simm.s32 $0x37E00;
	s16 =	sadd.s32 s18, s10;
	s11 =	sadd.s32 $0x80, s6  }
0xa: {  	s7 =	sshrl.u32 s5, $0x1;
	s4 =	sshrl.u32 s28, $0x2;
	s13 =	sadd.s32 $0x100, s6  }
0xb: {  	s14 =	sadd.s32 $0x180, s6;
	s15 =	sadd.s32 $0x200, s6;
	s9 =	simm.s32 @!p1 $0x5FE00  }
0xc: {  	s17 =	sadd.s32 s18, s17;
	s18 =	simm.s32 $0x2900;
	s8 =	sshll.u32 s11, $0x7  }
0xd: {  	s12 =	ssub.s32 s5, s7;
	s4 =	sadd.s32 s4, s2;
	s29 =	sshll.u32 s13, $0x7  }
0xe: {  	s30 =	sshll.u32 s14, $0x7;
	s31 =	sshll.u32 s15, $0x7;
	s20 =	sshll.u32 s11, $0x4  }
0xf: {  	s13 =	sshll.u32 s13, $0x4;
	s14 =	sshll.u32 s14, $0x4;
	s11 =	simm.s32 $0x100A00  }
0x10: {  	s15 =	sshll.u32 s15, $0x4;
	s21 =	sadd.s32 s9, s10;
	s16 =	sadd.s32 $0x6000, s16  }
0x11: {  	s5 =	sadd.s32 s8, s2;
	s6 =	sadd.s32 s29, s2;
	s7 =	sadd.s32 s30, s2  }
0x12: {  	s8 =	sadd.s32 s31, s2;
	s11 =	simm.s32 @!p0 $0xD8A00;
	s9 =	smax.u32 s12, $0x1  }
0x13: {  	s12 =	sadd.s32 s21, s20;
	s13 =	sadd.s32 s21, s13;
	s14 =	sadd.s32 s21, s14  }
0x14: {  	s15 =	sadd.s32 s21, s15;
	s20 =	simm.s32 $0x80;
	s10 =	sadd.s32 s11, s10  }
0x15: {  	v0 =	vimm.f32 $0.0e+00;
	s11 =	sadd.s32 s21, s19;
	s19 =	simm.s32 $0x1;
	s21 =	simm.s32 $0x50  }
.LBB2_1:
0x16: {  	s24 =	simm.s32 $0x0;
	s25 =	simm.s32 $0x200  }
.LBB2_2:
0x17: {  	p0 =	sne.s32 s25, $0xFE00;
	[tilespmem:s24+$0x2970] =	vst v0  }
0x18: {  	[tilespmem:s24+$0x2900] =	vst v0  }
0x19: {  	[tilespmem:s24+$0x2910] =	vst v0  }
.Ltmp0:
0x1a: {  	[tilespmem:s24+$0x2920] =	vst v0;
	(pc) =	sbr.rel @p0 .LBB2_2-.Ltmp0, $4  }
0x1b: {  	[tilespmem:s24+$0x2930] =	vst v0  }
0x1c: {  	[tilespmem:s24+$0x2940] =	vst v0  }
0x1d: {  	[tilespmem:s24+$0x2950] =	vst v0  }
0x1e: {  	[tilespmem:s24+$0x2960] =	vst v0;
	s24 =	sshra.s32 s25, $0x2;
	s25 =	sadd.s32 $0x200, s25  }
0x1f: {  	[tilespmem:s24+$0x2970] =	vst v0  }
0x20: {  	[tilespmem:s24+$0x2900] =	vst v0  }
0x21: {  	[tilespmem:s24+$0x2910] =	vst v0  }
0x22: {  	[tilespmem:s24+$0x2920] =	vst v0  }
0x23: {  	[tilespmem:s24+$0x2930] =	vst v0  }
0x24: {  	[tilespmem:s24+$0x2940] =	vst v0  }
0x25: {  	[tilespmem:s24+$0x2950] =	vst v0  }
0x26: {  	[tilespmem:s24+$0x2960] =	vst v0  }
0x27: {  	[spmem:s4] =	stream.linear.scatter [tilespmem:s18], [sflag:$0x1], $0x4000, $0x38;
	[tilespmem:$0x1A900] =	vst v63  }
0x28: {  	_ =	swait.ge [sflag:s19], $0x4000  }
0x29: {  	[sflag:s19] =	ssyncset.done $0x0  }
0x2a: {  	[sflag:s19] =	ssyncadd.s32 $0xFFFFC000  }
0x2b: {  	[spmem:s5] =	stream.linear.scatter [tilespmem:s18], [sflag:$0x1], $0x4000, $0x38;
	[tilespmem:$0x1A900] =	vst v63  }
0x2c: {  	_ =	swait.ge [sflag:s19], $0x4000  }
0x2d: {  	[sflag:s19] =	ssyncset.done $0x0  }
0x2e: {  	[sflag:s19] =	ssyncadd.s32 $0xFFFFC000  }
0x2f: {  	[spmem:s6] =	stream.linear.scatter [tilespmem:s18], [sflag:$0x1], $0x4000, $0x38;
	[tilespmem:$0x1A900] =	vst v63  }
0x30: {  	_ =	swait.ge [sflag:s19], $0x4000  }
0x31: {  	[sflag:s19] =	ssyncset.done $0x0  }
0x32: {  	[sflag:s19] =	ssyncadd.s32 $0xFFFFC000  }
0x33: {  	[spmem:s7] =	stream.linear.scatter [tilespmem:s18], [sflag:$0x1], $0x4000, $0x38;
	[tilespmem:$0x1A900] =	vst v63  }
0x34: {  	_ =	swait.ge [sflag:s19], $0x4000  }
0x35: {  	[sflag:s19] =	ssyncset.done $0x0  }
0x36: {  	[sflag:s19] =	ssyncadd.s32 $0xFFFFC000  }
0x37: {  	[spmem:s8] =	stream.linear.scatter [tilespmem:s18], [sflag:$0x1], $0x4000, $0x38;
	[tilespmem:$0x1A900] =	vst v63  }
0x38: {  	_ =	swait.ge [sflag:s19], $0x4000  }
0x39: {  	[sflag:s19] =	ssyncset.done $0x0  }
0x3a: {  	[sflag:s19] =	ssyncadd.s32 $0xFFFFC000  }
0x3b: {  	s30 =	sadd.s32 $0x0, s17;
	[bflag:$0x0] =	sbarrier.arrive $0xFFFF  }
0x3c: {  	[tilespmem:s3], [sflag:$0x1] =	stream.linear.gather [hbm4b:s30+s3], $0x50, $0x38;
	[tilespmem:$0x1A900] =	vst v63  }
0x3d: {  	_ =	swait.ge [sflag:s19], $0x50  }
0x3e: {  	[sflag:s19] =	ssyncset.done $0x0  }
0x3f: {  	s31 =	sadd.s32 $0x0, s16;
	[sflag:s19] =	ssyncadd.s32 $0xFFFFFFB0  }
0x40: {  	[tilespmem:s20], [sflag:$0x1] =	stream.linear.gather [hbm4b:s31+s3], $0x50, $0x38;
	[tilespmem:$0x1A900] =	vst v63  }
0x41: {  	_ =	swait.ge [sflag:s19], $0x50  }
0x42: {  	[sflag:s19] =	ssyncset.done $0x0  }
0x43: {  	[sflag:s19] =	ssyncadd.s32 $0xFFFFFFB0  }
0x44: {  	[tilespmem:s22], [sflag:$0x1] =	stream.indirect.gather [hbm4b:s10+s21], $0x80, s3, s21, $0xb8;
	[tilespmem:$0x1A900] =	vst v63  }
0x45: {  	_ =	swait.ge [sflag:s19], $0x2800  }
0x46: {  	[sflag:s19] =	ssyncset.done $0x0  }
0x47: {  	[sflag:s19] =	ssyncadd.s32 $0xFFFFD800  }
0x48: {  	[spmem:s2] =	stream.indirect.scatter.add.f32 [tilespmem:s22], [sflag:$0x1], $0x80, s20, s21, $0xb8;
	[tilespmem:$0x1A900] =	vst v63  }
0x49: {  	_ =	swait.ge [sflag:s19], $0x2800  }
0x4a: {  	s24 =	simm.s32 $0xA;
	s25 =	simm.s32 $0x14;
	[sflag:s19] =	ssyncset.done $0x0  }
.LBB2_4:
0x4b: {  	s26 =	sadd.s32 s24, s17  }
0x4c: {  	[sflag:s19] =	ssyncadd.s32 $0xFFFFD800;
	s28 =	smov.u32 s25;
	s29 =	sadd.s32 $0xA, s25  }
0x4d: {  	[tilespmem:s3], [sflag:$0x1] =	stream.linear.gather [hbm4b:s26+s3], $0x50, $0x38;
	[tilespmem:$0x1A900] =	vst v63  }
0x4e: {  	p0 =	sne.s32 s25, $0x9BA;
	_ =	swait.ge [sflag:s19], $0x50  }
0x4f: {  	[sflag:s19] =	ssyncset.done $0x0  }
0x50: {  	s25 =	sadd.s32 s24, s16;
	s24 =	smov.u32 s28;
	[sflag:s19] =	ssyncadd.s32 $0xFFFFFFB0  }
0x51: {  	[tilespmem:s20], [sflag:$0x1] =	stream.linear.gather [hbm4b:s25+s3], $0x50, $0x38;
	[tilespmem:$0x1A900] =	vst v63  }
0x52: {  	_ =	swait.ge [sflag:s19], $0x50  }
0x53: {  	[sflag:s19] =	ssyncset.done $0x0  }
0x54: {  	[sflag:s19] =	ssyncadd.s32 $0xFFFFFFB0  }
0x55: {  	[tilespmem:s22], [sflag:$0x1] =	stream.indirect.gather [hbm4b:s10+s21], $0x80, s3, s21, $0xb8;
	[tilespmem:$0x1A900] =	vst v63  }
0x56: {  	_ =	swait.ge [sflag:s19], $0x2800  }
.Ltmp1:
0x57: {  	[sflag:s19] =	ssyncset.done $0x0;
	(pc) =	sbr.rel @p0 .LBB2_4-.Ltmp1, $4  }
0x58: {  	[sflag:s19] =	ssyncadd.s32 $0xFFFFD800  }
0x59: {  	[spmem:s2] =	stream.indirect.scatter.add.f32 [tilespmem:s22], [sflag:$0x1], $0x80, s20, s21, $0xb8;
	[tilespmem:$0x1A900] =	vst v63  }
0x5a: {  	_ =	swait.ge [sflag:s19], $0x2800  }
0x5b: {  	s25 =	smov.u32 s29;
	[sflag:s19] =	ssyncset.done $0x0  }
0x5c: {  	s25 =	sadd.s32 s24, s17;
	[sflag:s19] =	ssyncadd.s32 $0xFFFFD800  }
0x5d: {  	[tilespmem:s3], [sflag:$0x1] =	stream.linear.gather [hbm4b:s25+s3], $0x50, $0x38;
	[tilespmem:$0x1A900] =	vst v63  }
0x5e: {  	_ =	swait.ge [sflag:s19], $0x50  }
0x5f: {  	[sflag:s19] =	ssyncset.done $0x0  }
0x60: {  	s31 =	sadd.s32 s24, s16;
	[sflag:s19] =	ssyncadd.s32 $0xFFFFFFB0  }
0x61: {  	[tilespmem:s20], [sflag:$0x1] =	stream.linear.gather [hbm4b:s31+s3], $0x50, $0x38;
	[tilespmem:$0x1A900] =	vst v63  }
0x62: {  	_ =	swait.ge [sflag:s19], $0x50  }
0x63: {  	[sflag:s19] =	ssyncset.done $0x0  }
0x64: {  	[sflag:s19] =	ssyncadd.s32 $0xFFFFFFB0  }
0x65: {  	[tilespmem:s22], [sflag:$0x1] =	stream.indirect.gather [hbm4b:s10+s21], $0x80, s3, s21, $0xb8;
	[tilespmem:$0x1A900] =	vst v63  }
0x66: {  	_ =	swait.ge [sflag:s19], $0x2800  }
0x67: {  	[sflag:s19] =	ssyncset.done $0x0  }
0x68: {  	[sflag:s19] =	ssyncadd.s32 $0xFFFFD800  }
0x69: {  	[spmem:s2] =	stream.indirect.scatter.add.f32 [tilespmem:s22], [sflag:$0x1], $0x80, s20, s21, $0xb8;
	[tilespmem:$0x1A900] =	vst v63  }
0x6a: {  	_ =	swait.ge [sflag:s19], $0x2800  }
0x6b: {  	[sflag:s19] =	ssyncset.done $0x0  }
0x6c: {  	[sflag:s19] =	ssyncadd.s32 $0xFFFFD800  }
0x6d: {  	[bflag:$0x0] =	sbarrier.arrive $0xFFFF  }
0x6e: {  	[tilespmem:s18], [sflag:$0x1] =	stream.linear.gather [spmem:s4], $0x4000, $0x38;
	[tilespmem:$0x1A900] =	vst v63  }
0x6f: {  	_ =	swait.ge [sflag:s19], $0x4000  }
0x70: {  	[sflag:s19] =	ssyncset.done $0x0  }
0x71: {  	[sflag:s19] =	ssyncadd.s32 $0xFFFFC000  }
0x72: {  	[hbm4b:s11+s3] =	stream.linear.scatter [tilespmem:s18], [sflag:$0x1], $0x4000, $0x38;
	[tilespmem:$0x1A900] =	vst v63  }
0x73: {  	_ =	swait.ge [sflag:s19], $0x4000  }
0x74: {  	[sflag:s19] =	ssyncset.done $0x0  }
0x75: {  	[sflag:s19] =	ssyncadd.s32 $0xFFFFC000  }
0x76: {  	[tilespmem:s18], [sflag:$0x1] =	stream.linear.gather [spmem:s5], $0x4000, $0x38;
	[tilespmem:$0x1A900] =	vst v63  }
0x77: {  	_ =	swait.ge [sflag:s19], $0x4000  }
0x78: {  	[sflag:s19] =	ssyncset.done $0x0  }
0x79: {  	[sflag:s19] =	ssyncadd.s32 $0xFFFFC000  }
0x7a: {  	[hbm4b:s12+s3] =	stream.linear.scatter [tilespmem:s18], [sflag:$0x1], $0x4000, $0x38;
	[tilespmem:$0x1A900] =	vst v63  }
0x7b: {  	_ =	swait.ge [sflag:s19], $0x4000  }
0x7c: {  	[sflag:s19] =	ssyncset.done $0x0  }
0x7d: {  	[sflag:s19] =	ssyncadd.s32 $0xFFFFC000  }
0x7e: {  	[tilespmem:s18], [sflag:$0x1] =	stream.linear.gather [spmem:s6], $0x4000, $0x38;
	[tilespmem:$0x1A900] =	vst v63  }
0x7f: {  	_ =	swait.ge [sflag:s19], $0x4000  }
0x80: {  	[sflag:s19] =	ssyncset.done $0x0  }
0x81: {  	[sflag:s19] =	ssyncadd.s32 $0xFFFFC000  }
0x82: {  	[hbm4b:s13+s3] =	stream.linear.scatter [tilespmem:s18], [sflag:$0x1], $0x4000, $0x38;
	[tilespmem:$0x1A900] =	vst v63  }
0x83: {  	_ =	swait.ge [sflag:s19], $0x4000  }
0x84: {  	[sflag:s19] =	ssyncset.done $0x0  }
0x85: {  	[sflag:s19] =	ssyncadd.s32 $0xFFFFC000  }
0x86: {  	[tilespmem:s18], [sflag:$0x1] =	stream.linear.gather [spmem:s7], $0x4000, $0x38;
	[tilespmem:$0x1A900] =	vst v63  }
0x87: {  	_ =	swait.ge [sflag:s19], $0x4000  }
0x88: {  	[sflag:s19] =	ssyncset.done $0x0  }
0x89: {  	[sflag:s19] =	ssyncadd.s32 $0xFFFFC000  }
0x8a: {  	[hbm4b:s14+s3] =	stream.linear.scatter [tilespmem:s18], [sflag:$0x1], $0x4000, $0x38;
	[tilespmem:$0x1A900] =	vst v63  }
0x8b: {  	_ =	swait.ge [sflag:s19], $0x4000  }
0x8c: {  	[sflag:s19] =	ssyncset.done $0x0  }
0x8d: {  	[sflag:s19] =	ssyncadd.s32 $0xFFFFC000  }
0x8e: {  	[tilespmem:s18], [sflag:$0x1] =	stream.linear.gather [spmem:s8], $0x4000, $0x38;
	[tilespmem:$0x1A900] =	vst v63  }
0x8f: {  	s23 =	sadd.s32 $0x1, s23;
	_ =	swait.ge [sflag:s19], $0x4000  }
0x90: {  	p0 =	sne.s32 s23, s9;
	[sflag:s19] =	ssyncset.done $0x0  }
.Ltmp2:
0x91: {  	[sflag:s19] =	ssyncadd.s32 $0xFFFFC000;
	(pc) =	sbr.rel @p0 .LBB2_1-.Ltmp2, $4  }
0x92: {  	[hbm4b:s15+s3] =	stream.linear.scatter [tilespmem:s18], [sflag:$0x1], $0x4000, $0x38;
	[tilespmem:$0x1A900] =	vst v63  }
0x93: {  	_ =	swait.ge [sflag:s19], $0x4000  }
0x94: {  	[sflag:s19] =	ssyncset.done $0x0  }
0x95: {  	[sflag:s19] =	ssyncadd.s32 $0xFFFFC000  }
0x96: {  	_ =	sfence.sel $0x180000  }
0x97: {  	[bflag:$0x0] =	sbarrier.arrive $0xFFFF  }
0x98: {  	p0 =	sne.s32 s1, $0x0;
	_ =	strace $0x90000053  }
0x99: {  	s0 =	sadd.s32 @!p0 $0x100000, s0;
	[bflag:$0x2] =	sbarrier.arrive $0xFFFF  }
0x9a: {  	[sflag:s0] =	ssyncadd.tile.s32 @!p0 $0x1;
	_ =	shalt  }
.Lfunc_end2:
_tile_overlayer_lowered:
.L_overlay_start_2:
0x9b: {  	(tag) =	ssettag $0x2  }
0x9c: {  	s0 =	rddreg [dreg:$0x0];
	s2 =	stileid.u32  }
0x9d: {  	s1 =	rddreg [dreg:$0x1];
	p0 =	sne.s32 s2, $0x0  }
0x9e: {  	s3 =	rddreg [dreg:$0x2];
	[bflag:$0x3] =	sbarrier.arrive $0xFFFF;
	s2 =	simm.s32 @!p0 $0x1C01  }
0x9f: {  	[timem:s3], [sflag:s2] =	dma.local @!p0 [hbm:s0], s1  }
0xa0: {  	s0 =	simm.s32 @!p0 $0x1  }
0xa1: {  	_ =	swait.ge @!p0 [sflag:s0], s1  }
0xa2: {  	s1 =	ssub.s32 @!p0 $0x0, s1;
	[sflag:s0] =	ssyncset.done @!p0 $0x0  }
0xa3: {  	[sflag:s0] =	ssyncadd.s32 @!p0 s1  }
0xa4: {  	[bflag:$0x3] =	sbarrier.arrive $0xFFFF  }
0xa5: {  	_ =	shalt  }

</sc_bundles>
